<compile_context>
chip_gen: v7x
topology: tpu7x:2x2x1
jax: 0.10.2.dev20260603
libtpu: 0.0.44.dev20260713+nightly
codegen_flags: <defaults>
</compile_context>

<pallas_src>
import functools

import jax
import jax.numpy as jnp
from jax import lax
from jax.experimental import pallas as pl
from jax.experimental.pallas import tpu as pltpu
from jax.experimental.pallas import tpu_sc as plsc

N = 2048
D = 768
L = 16384
K = 32

TL = 512
CW = 128
NCH = L // CW
GCAP = 48
SCAP = 4096
NC = 2
NS = 16
NW = NC * NS
RPW = N // NW
LANES = 16
NEG = -3.0e38



def _encode_body(resid_ref, mlp_ref, wr_ref, wm_ref, pbr_ref, pbm_ref,
                 lbr_ref, lbm_ref, logits_r_ref, agg_ref, cm_ref):
    xr = resid_ref[...] - pbr_ref[...]
    xm = mlp_ref[...] - pbm_ref[...]
    dn = (((1,), (1,)), ((), ()))
    lr = lax.dot_general(xr, wr_ref[...], dn,
                         preferred_element_type=jnp.float32) + lbr_ref[...]
    lm = lax.dot_general(xm, wm_ref[...], dn,
                         preferred_element_type=jnp.float32) + lbm_ref[...]
    agg = lr + lm
    logits_r_ref[...] = lr
    agg_ref[...] = agg
    cm_ref[...] = jnp.max(agg.reshape(N, TL // CW, CW), axis=2).reshape(
        1, N, TL // CW)


def _encode(resid, mlp, W_enc_resid, W_enc_mlp, pre_b_resid, pre_b_mlp,
            lat_b_resid, lat_b_mlp):
    return pl.pallas_call(
        _encode_body,
        grid=(L // TL,),
        in_specs=[
            pl.BlockSpec((N, D), lambda i: (0, 0)),
            pl.BlockSpec((N, D), lambda i: (0, 0)),
            pl.BlockSpec((TL, D), lambda i: (i, 0)),
            pl.BlockSpec((TL, D), lambda i: (i, 0)),
            pl.BlockSpec((1, D), lambda i: (0, 0)),
            pl.BlockSpec((1, D), lambda i: (0, 0)),
            pl.BlockSpec((1, TL), lambda i: (0, i)),
            pl.BlockSpec((1, TL), lambda i: (0, i)),
        ],
        out_specs=[
            pl.BlockSpec((N, TL), lambda i: (0, i)),
            pl.BlockSpec((N, TL), lambda i: (0, i)),
            pl.BlockSpec((1, N, TL // CW), lambda i: (i, 0, 0)),
        ],
        out_shape=[
            jax.ShapeDtypeStruct((N, L), jnp.float32),
            jax.ShapeDtypeStruct((N, L), jnp.float32),
            jax.ShapeDtypeStruct((L // TL, N, TL // CW), jnp.float32),
        ],
    )(resid, mlp, W_enc_resid, W_enc_mlp,
      pre_b_resid.reshape(1, D), pre_b_mlp.reshape(1, D),
      lat_b_resid.reshape(1, L), lat_b_mlp.reshape(1, L))



def _iota16():
    return lax.iota(jnp.int32, LANES)


_GDN = lax.GatherDimensionNumbers(
    offset_dims=(), collapsed_slice_dims=(0,), start_index_map=(0,))


def _perm(x, perm):
    return lax.gather(x, perm[:, None], _GDN, slice_sizes=(1,),
                      mode=lax.GatherScatterMode.PROMISE_IN_BOUNDS)


def _rev(x):
    return x[::-1]


def _clean16(k, v):
    io = _iota16()
    for d in (8, 4, 2, 1):
        perm = io ^ d
        pk = _perm(k, perm)
        pv = _perm(v, perm)
        keepmax = (io & d) == 0
        m = k >= pk
        k = jnp.where(keepmax, jnp.where(m, k, pk), jnp.where(m, pk, k))
        v = jnp.where(keepmax, jnp.where(m, v, pv), jnp.where(m, pv, v))
    return k, v


def _sorted32(k0, i0, k1, i1):
    na, ai = lax.sort((-k0, i0), dimension=0, num_keys=1)
    nb, bi = lax.sort((-k1, i1), dimension=0, num_keys=1)
    a, b = -na, -nb
    rb, rbi = _rev(b), _rev(bi)
    m = a >= rb
    lk = jnp.where(m, a, rb)
    lv = jnp.where(m, ai, rbi)
    hk = jnp.where(m, rb, a)
    hv = jnp.where(m, rbi, ai)
    lk, lv = _clean16(lk, lv)
    hk, hv = _clean16(hk, hv)
    return (lk, hk), (lv, hv)


def _merge32(R, Ri, S, Si):
    r0, r1 = R
    ri0, ri1 = Ri
    s0, s1 = S
    si0, si1 = Si
    rs1, rsi1 = _rev(s1), _rev(si1)
    rs0, rsi0 = _rev(s0), _rev(si0)
    m0 = r0 >= rs1
    c0 = jnp.where(m0, r0, rs1)
    ci0 = jnp.where(m0, ri0, rsi1)
    m1 = r1 >= rs0
    c1 = jnp.where(m1, r1, rs0)
    ci1 = jnp.where(m1, ri1, rsi0)
    m = c0 >= c1
    lk = jnp.where(m, c0, c1)
    lv = jnp.where(m, ci0, ci1)
    hk = jnp.where(m, c1, c0)
    hv = jnp.where(m, ci1, ci0)
    lk, lv = _clean16(lk, lv)
    hk, hv = _clean16(hk, hv)
    return (lk, hk), (lv, hv)


def _splat_i32(ref, i):
    return plsc.load_gather(ref, [jnp.full((LANES,), i, jnp.int32)])



def _sc_body(agg64, cmh, aggc_src, idx_out, topv_out, valsr_out,
             cmv, idb, gidx, cand, candr, sval, sidx, tvb, tib,
             semg, semr):
    wid = lax.axis_index("s") * NC + lax.axis_index("c")
    row0 = wid * RPW
    io = _iota16()

    for j in range(GCAP // LANES):
        idb[pl.ds(j * LANES, LANES)] = jnp.zeros((LANES,), jnp.int32)

    def row_body(r, carry):
        row = row0 + r
        pltpu.sync_copy(cmh.at[row], cmv)

        c = [cmv[pl.ds(16 * j, LANES)] for j in range(NCH // LANES)]
        R, _ = _sorted32(c[0], io, c[1], io)
        for b in range(1, NCH // (2 * LANES)):
            S, Si = _sorted32(c[2 * b], io, c[2 * b + 1], io)
            R, _ = _merge32(R, Si, S, Si)
        t0 = jnp.minimum(jnp.min(R[0]), jnp.min(R[1]))
        t0v = jnp.full((LANES,), t0, jnp.float32)

        ptr = jnp.int32(0)
        for j in range(NCH // LANES):
            m = c[j] >= t0v
            plsc.store_compressed(idb.at[pl.ds(ptr, LANES)], io + 16 * j,
                                  mask=m)
            cnt = jnp.max(plsc.all_reduce_population_count(m))
            ptr = jnp.minimum(ptr + cnt, GCAP)
        nch = ptr

        base = jnp.full((LANES,), row * NCH, jnp.int32)
        for j in range(GCAP // LANES):
            gidx[pl.ds(j * LANES, LANES)] = (
                idb[pl.ds(j * LANES, LANES)] + base)
        cpg = pltpu.async_copy(agg64.at[gidx], cand, semg)
        cpr = pltpu.async_copy(aggc_src.at[gidx], candr, semr)
        cpg.wait()

        def filt(j, p):
            q = j >> 3
            cidv = _splat_i32(idb, q)
            v = cand[q, pl.ds((j & 7) * LANES, LANES)]
            gbase = cidv * CW + (j & 7) * LANES + io
            packed = gbase + lax.shift_left(
                jnp.full((LANES,), j * LANES, jnp.int32) + io, 14)
            m = v >= t0v
            plsc.store_compressed(sval.at[pl.ds(p, LANES)], v, mask=m)
            plsc.store_compressed(sidx.at[pl.ds(p, LANES)], packed, mask=m)
            cnt = jnp.max(plsc.all_reduce_population_count(m))
            return jnp.minimum(p + cnt, SCAP)

        nsurv = lax.fori_loop(0, nch * 8, filt, jnp.int32(0))

        neg = jnp.full((LANES,), NEG, jnp.float32)
        sval[pl.ds(nsurv, LANES)] = neg
        sval[pl.ds(nsurv + LANES, LANES)] = neg

        def mrg(b, RRi):
            RR, RRi_ = RRi
            v0 = sval[pl.ds(32 * b, LANES)]
            v1 = sval[pl.ds(32 * b + LANES, LANES)]
            i0 = sidx[pl.ds(32 * b, LANES)]
            i1 = sidx[pl.ds(32 * b + LANES, LANES)]
            S, Si = _sorted32(v0, i0, v1, i1)
            return _merge32(RR, RRi_, S, Si)

        zero = jnp.zeros((LANES,), jnp.int32)
        Rinit = ((neg, neg), (zero, zero))
        nb = (nsurv + 31) >> 5
        Rv, Ri = lax.fori_loop(0, nb, mrg, Rinit)

        ti0 = Ri[0] & 0x3FFF
        ti1 = Ri[1] & 0x3FFF
        cp0 = lax.shift_right_logical(Ri[0], 14)
        cp1 = lax.shift_right_logical(Ri[1], 14)
        cpr.wait()
        vr0 = plsc.load_gather(candr, [lax.shift_right_logical(cp0, 7),
                                       cp0 & (CW - 1)])
        vr1 = plsc.load_gather(candr, [lax.shift_right_logical(cp1, 7),
                                       cp1 & (CW - 1)])

        tvb[pl.ds(0, LANES)] = Rv[0]
        tvb[pl.ds(LANES, LANES)] = Rv[1]
        tib[pl.ds(0, LANES)] = ti0
        tib[pl.ds(LANES, LANES)] = ti1
        pltpu.sync_copy(tvb, topv_out.at[row])
        pltpu.sync_copy(tib, idx_out.at[row])
        tvb[pl.ds(0, LANES)] = vr0
        tvb[pl.ds(LANES, LANES)] = vr1
        pltpu.sync_copy(tvb, valsr_out.at[row])
        return carry

    lax.fori_loop(0, RPW, row_body, jnp.int32(0))


def _sc_topk(agg, cm, logits_r):
    agg64 = agg.reshape(N * NCH, CW)
    lr64 = logits_r.reshape(N * NCH, CW)
    mesh = plsc.VectorSubcoreMesh(core_axis_name="c", subcore_axis_name="s")
    f = functools.partial(
        pl.kernel,
        out_type=[
            jax.ShapeDtypeStruct((N, K), jnp.int32),
            jax.ShapeDtypeStruct((N, K), jnp.float32),
            jax.ShapeDtypeStruct((N, K), jnp.float32),
        ],
        mesh=mesh,
        compiler_params=pltpu.CompilerParams(needs_layout_passes=False),
        scratch_types=[
            pltpu.VMEM((NCH,), jnp.float32),
            pltpu.VMEM((GCAP + LANES,), jnp.int32),
            pltpu.VMEM((GCAP,), jnp.int32),
            pltpu.VMEM((GCAP, CW), jnp.float32),
            pltpu.VMEM((GCAP, CW), jnp.float32),
            pltpu.VMEM((SCAP + 64,), jnp.float32),
            pltpu.VMEM((SCAP + 64,), jnp.int32),
            pltpu.VMEM((K,), jnp.float32),
            pltpu.VMEM((K,), jnp.int32),
            pltpu.SemaphoreType.DMA,
            pltpu.SemaphoreType.DMA,
        ],
    )
    return f(_sc_body)(agg64, cm, lr64)



def kernel(resid, mlp, W_enc_resid, W_enc_mlp, W_dec_resid, W_dec_mlp,
           pre_b_resid, pre_b_mlp, lat_b_resid, lat_b_mlp):
    logits_r, agg, cm3 = _encode(resid, mlp, W_enc_resid, W_enc_mlp,
                                 pre_b_resid, pre_b_mlp,
                                 lat_b_resid, lat_b_mlp)
    cm = cm3.transpose(1, 0, 2).reshape(N, NCH)

    idx, top_vals, vals_r = _sc_topk(agg, cm, logits_r)

    rows = jnp.arange(N)[:, None]
    vals_m = top_vals - vals_r
    act_r = jax.nn.relu(vals_r)
    act_m = jax.nn.relu(vals_m)

    sparse_r = jnp.zeros((N, L), jnp.float32).at[rows, idx].set(act_r)
    sparse_m = jnp.zeros((N, L), jnp.float32).at[rows, idx].set(act_m)
    mask = jnp.zeros((N, L), bool).at[rows, idx].set(True)

    dec_rows_r = jnp.take(W_dec_resid.T, idx.reshape(-1), axis=0).reshape(N, K, D)
    dec_rows_m = jnp.take(W_dec_mlp.T, idx.reshape(-1), axis=0).reshape(N, K, D)
    recon_r = jnp.einsum('nk,nkd->nd', act_r, dec_rows_r) + pre_b_resid
    recon_m = jnp.einsum('nk,nkd->nd', act_m, dec_rows_m) + pre_b_mlp

    avg_num_active = mask.astype(jnp.float32).sum(-1).mean() * 2.0

    return (recon_r, recon_m, sparse_r, sparse_m, mask, idx, avg_num_active)

# --- scband reference (transcript-rebuilt; emitter-appended) ---
"""Pipeline reference for scband-multi-stream-sparse-autoencoder-83940840833381 (READ-ONLY COPY).

The authoritative reference and input builder live on the scoring server;
editing this copy changes nothing except your own understanding.
"""

import jax, jax.numpy as jnp
import numpy as np

N = 2048
D = 768
L = 16384
K = 32


def setup_inputs(seed: int = 0) -> dict:
    key = jax.random.key(seed)
    ks = jax.random.split(key, 8)
    resid = jax.random.normal(ks[0], (N, D), dtype=jnp.float32)
    mlp = jax.random.normal(ks[1], (N, D), dtype=jnp.float32)
    # Encoder weights (Linear(d_in, n_latents, bias=False) -> weight [L, D])
    W_enc_resid = jax.random.normal(ks[2], (L, D), dtype=jnp.float32) * (1.0 / np.sqrt(D))
    W_enc_mlp = jax.random.normal(ks[3], (L, D), dtype=jnp.float32) * (1.0 / np.sqrt(D))
    # Decoder weights initialized as enc.T then unit-norm columns (unit_norm_decoder_)
    W_dec_resid = W_enc_resid.T
    W_dec_resid = W_dec_resid / (jnp.linalg.norm(W_dec_resid, axis=0, keepdims=True) + 1e-8)
    W_dec_mlp = W_enc_mlp.T
    W_dec_mlp = W_dec_mlp / (jnp.linalg.norm(W_dec_mlp, axis=0, keepdims=True) + 1e-8)
    pre_b_resid = jnp.zeros((D,), dtype=jnp.float32)
    pre_b_mlp = jnp.zeros((D,), dtype=jnp.float32)
    lat_b_resid = jnp.zeros((L,), dtype=jnp.float32)
    lat_b_mlp = jnp.zeros((L,), dtype=jnp.float32)
    return {
        'resid': resid, 'mlp': mlp,
        'W_enc_resid': W_enc_resid, 'W_enc_mlp': W_enc_mlp,
        'W_dec_resid': W_dec_resid, 'W_dec_mlp': W_dec_mlp,
        'pre_b_resid': pre_b_resid, 'pre_b_mlp': pre_b_mlp,
        'lat_b_resid': lat_b_resid, 'lat_b_mlp': lat_b_mlp,
    }


def reference(resid, mlp, W_enc_resid, W_enc_mlp, W_dec_resid, W_dec_mlp,
              pre_b_resid, pre_b_mlp, lat_b_resid, lat_b_mlp):
    def encode(x, W_enc, pre_b, lat_b):
        # F.linear(x - pre_b, enc.weight, lat_b)
        return (x - pre_b) @ W_enc.T + lat_b

    logits_resid = encode(resid, W_enc_resid, pre_b_resid, lat_b_resid)
    logits_mlp = encode(mlp, W_enc_mlp, pre_b_mlp, lat_b_mlp)

    # Aggregated logits across streams, global TopK gate
    aggregated = logits_resid + logits_mlp
    top_vals, shared_indices = jax.lax.top_k(aggregated, K)
    rows = jnp.arange(aggregated.shape[0])[:, None]
    shared_mask = jnp.zeros(aggregated.shape, dtype=bool).at[rows, shared_indices].set(True)

    def stream_codes(logits):
        vals = jnp.take_along_axis(logits, shared_indices, axis=-1)
        act = jax.nn.relu(vals)
        return jnp.zeros_like(logits).at[rows, shared_indices].set(act)

    sparse_resid = stream_codes(logits_resid)
    sparse_mlp = stream_codes(logits_mlp)

    recon_resid = sparse_resid @ W_dec_resid.T + pre_b_resid
    recon_mlp = sparse_mlp @ W_dec_mlp.T + pre_b_mlp

    avg_num_active = shared_mask.astype(jnp.float32).sum(-1).mean() * 2.0  # two streams share the mask

    return (recon_resid, recon_mlp, sparse_resid, sparse_mlp,
            shared_mask, shared_indices, avg_num_active)

if __name__ == "__main__":
    import jax
    _d = setup_inputs()
    print(jax.jit(kernel)(*tuple(_d.values())))

</pallas_src>

<mosaic_0001>
#map = affine_map<(d0, d1) -> (0, 0)>
module attributes {stable_mosaic.version = 14 : i64} {
  func.func @_sc_body(%arg0: i32, %arg1: i32, %arg2: memref<262144x128xf32, #tpu.memory_space<hbm>>, %arg3: memref<2048x128xf32, #tpu.memory_space<hbm>>, %arg4: memref<262144x128xf32, #tpu.memory_space<hbm>>, %arg5: memref<2048x32xi32, #tpu.memory_space<hbm>>, %arg6: memref<2048x32xf32, #tpu.memory_space<hbm>>, %arg7: memref<2048x32xf32, #tpu.memory_space<hbm>>, %arg8: memref<128xf32, #tpu.memory_space<vmem>>, %arg9: memref<64xi32, #tpu.memory_space<vmem>>, %arg10: memref<48xi32, #tpu.memory_space<vmem>>, %arg11: memref<48x128xf32, #tpu.memory_space<vmem>>, %arg12: memref<48x128xf32, #tpu.memory_space<vmem>>, %arg13: memref<4160xf32, #tpu.memory_space<vmem>>, %arg14: memref<4160xi32, #tpu.memory_space<vmem>>, %arg15: memref<32xf32, #tpu.memory_space<vmem>>, %arg16: memref<32xi32, #tpu.memory_space<vmem>>, %arg17: memref<!tpu.dma_semaphore, #tpu.memory_space<semaphore_mem>>, %arg18: memref<!tpu.dma_semaphore, #tpu.memory_space<semaphore_mem>>) attributes {dimension_semantics = [#tpu.dimension_semantics<core_parallel>, #tpu.dimension_semantics<subcore_parallel>], iteration_bounds = array<i64: 2, 16>, scalar_prefetch = 0 : i64, scratch_operands = 11 : i64, tpu.core_type = #tpu.core_type<sc_vector_subcore>, window_params = [{transform_indices = #map}, {transform_indices = #map}, {transform_indices = #map}, {transform_indices = #map}, {transform_indices = #map}, {transform_indices = #map}]} {
    %mul3A = arith.constant 2 : i32
    %mul3A_0 = arith.muli %arg1, %mul3A : i32
    %add3A = arith.addi %mul3A_0, %arg0 : i32
    %mul3A_1 = arith.constant 64 : i32
    %mul3A_2 = arith.muli %add3A, %mul3A_1 : i32
    %iota3A = tpu.iota {dimensions = array<i32: 0>} : vector<16xi32>
    %broadcast_in_dim3A = arith.constant 0 : i32
    %broadcast_in_dim3A_3 = vector.broadcast %broadcast_in_dim3A : i32 to vector<16xi32>
    %swap3A = arith.constant 0 : index
    %swap3A_4 = tpu.vector_load %arg9[%swap3A] {strides = array<i32>} : memref<64xi32, #tpu.memory_space<vmem>>, vector<16xi32>,
    tpu.vector_store %arg9[%swap3A], %broadcast_in_dim3A_3 {strides = array<i32>} : memref<64xi32, #tpu.memory_space<vmem>>, vector<16xi32>,
    %broadcast_in_dim3A_5 = arith.constant 0 : i32
    %broadcast_in_dim3A_6 = vector.broadcast %broadcast_in_dim3A_5 : i32 to vector<16xi32>
    %swap3A_7 = arith.constant 16 : index
    %swap3A_8 = tpu.vector_load %arg9[%swap3A_7] {strides = array<i32>} : memref<64xi32, #tpu.memory_space<vmem>>, vector<16xi32>,
    tpu.vector_store %arg9[%swap3A_7], %broadcast_in_dim3A_6 {strides = array<i32>} : memref<64xi32, #tpu.memory_space<vmem>>, vector<16xi32>,
    %broadcast_in_dim3A_9 = arith.constant 0 : i32
    %broadcast_in_dim3A_10 = vector.broadcast %broadcast_in_dim3A_9 : i32 to vector<16xi32>
    %swap3A_11 = arith.constant 32 : index
    %swap3A_12 = tpu.vector_load %arg9[%swap3A_11] {strides = array<i32>} : memref<64xi32, #tpu.memory_space<vmem>>, vector<16xi32>,
    tpu.vector_store %arg9[%swap3A_11], %broadcast_in_dim3A_10 {strides = array<i32>} : memref<64xi32, #tpu.memory_space<vmem>>, vector<16xi32>,
    %scan3A = arith.constant 0 : i32
    %scan3A_13 = arith.constant 0 : i32
    %scan3A_14 = arith.constant 64 : i32
    %scan3A_15 = arith.addi %scan3A_13, %scan3A_14 : i32
    %scan3A_16 = arith.constant 1 : i32
    scf.for %scan3A_18 = %scan3A_13 to %scan3A_15 step %scan3A_16  : i32 {
      %add3A_19 = arith.addi %mul3A_2, %scan3A_18 : i32
      "tpu.region"() ({
        %run_scoped3A = tpu.sem_alloc : memref<!tpu.dma_semaphore, #tpu.memory_space<semaphore_mem>>
        %dma_start3A_1759 = arith.constant 0 : i32
        %dma_start3A_1760 = tpu.memref_slice %arg3[%add3A_19, %dma_start3A_1759] : memref<2048x128xf32, #tpu.memory_space<hbm>> -> memref<1x128xf32, #tpu.memory_space<hbm>>
        %dma_start3A_1761 = tpu.memref_squeeze %dma_start3A_1760 : memref<1x128xf32, #tpu.memory_space<hbm>> -> memref<128xf32, #tpu.memory_space<hbm>>
        %dma_start3A_1762 = arith.constant 0 : i32
        %dma_start3A_1763 = tpu.memref_slice %arg3[%add3A_19, %dma_start3A_1762] : memref<2048x128xf32, #tpu.memory_space<hbm>> -> memref<1x128xf32, #tpu.memory_space<hbm>>
        %dma_start3A_1764 = tpu.memref_squeeze %dma_start3A_1763 : memref<1x128xf32, #tpu.memory_space<hbm>> -> memref<128xf32, #tpu.memory_space<hbm>>
        tpu.enqueue_dma source(%dma_start3A_1764 : memref<128xf32, #tpu.memory_space<hbm>>) target(%arg8 : memref<128xf32, #tpu.memory_space<vmem>>) target_semaphore(%run_scoped3A : memref<!tpu.dma_semaphore, #tpu.memory_space<semaphore_mem>>)
        %dma_wait3A_1765 = arith.constant 0 : i32
        %dma_wait3A_1766 = tpu.memref_slice %arg3[%add3A_19, %dma_wait3A_1765] : memref<2048x128xf32, #tpu.memory_space<hbm>> -> memref<1x128xf32, #tpu.memory_space<hbm>>
        %dma_wait3A_1767 = tpu.memref_squeeze %dma_wait3A_1766 : memref<1x128xf32, #tpu.memory_space<hbm>> -> memref<128xf32, #tpu.memory_space<hbm>>
        %dma_wait3A_1768 = arith.constant 0 : i32
        %dma_wait3A_1769 = tpu.memref_slice %arg3[%add3A_19, %dma_wait3A_1768] : memref<2048x128xf32, #tpu.memory_space<hbm>> -> memref<1x128xf32, #tpu.memory_space<hbm>>
        %dma_wait3A_1770 = tpu.memref_squeeze %dma_wait3A_1769 : memref<1x128xf32, #tpu.memory_space<hbm>> -> memref<128xf32, #tpu.memory_space<hbm>>
        tpu.wait_dma2 semaphore(%run_scoped3A : memref<!tpu.dma_semaphore, #tpu.memory_space<semaphore_mem>>) src(%dma_wait3A_1770 : memref<128xf32, #tpu.memory_space<hbm>>) dst(%arg8 : memref<128xf32, #tpu.memory_space<vmem>>)
        tpu.yield
      }) : () -> ()
      %get3A = arith.constant 0 : index
      %get3A_20 = tpu.vector_load %arg8[%get3A] {strides = array<i32>} : memref<128xf32, #tpu.memory_space<vmem>>, vector<16xf32>,
      %get3A_21 = arith.constant 16 : index
      %get3A_22 = tpu.vector_load %arg8[%get3A_21] {strides = array<i32>} : memref<128xf32, #tpu.memory_space<vmem>>, vector<16xf32>,
      %get3A_23 = arith.constant 32 : index
      %get3A_24 = tpu.vector_load %arg8[%get3A_23] {strides = array<i32>} : memref<128xf32, #tpu.memory_space<vmem>>, vector<16xf32>,
      %get3A_25 = arith.constant 48 : index
      %get3A_26 = tpu.vector_load %arg8[%get3A_25] {strides = array<i32>} : memref<128xf32, #tpu.memory_space<vmem>>, vector<16xf32>,
      %get3A_27 = arith.constant 64 : index
      %get3A_28 = tpu.vector_load %arg8[%get3A_27] {strides = array<i32>} : memref<128xf32, #tpu.memory_space<vmem>>, vector<16xf32>,
      %get3A_29 = arith.constant 80 : index
      %get3A_30 = tpu.vector_load %arg8[%get3A_29] {strides = array<i32>} : memref<128xf32, #tpu.memory_space<vmem>>, vector<16xf32>,
      %get3A_31 = arith.constant 96 : index
      %get3A_32 = tpu.vector_load %arg8[%get3A_31] {strides = array<i32>} : memref<128xf32, #tpu.memory_space<vmem>>, vector<16xf32>,
      %get3A_33 = arith.constant 112 : index
      %get3A_34 = tpu.vector_load %arg8[%get3A_33] {strides = array<i32>} : memref<128xf32, #tpu.memory_space<vmem>>, vector<16xf32>,
      %neg3A = arith.constant 0.000000e+00 : f32
      %neg3A_35 = vector.broadcast %neg3A : f32 to vector<16xf32>
      %neg3A_36 = arith.subf %neg3A_35, %get3A_20 : vector<16xf32>
      %sort3A = arith.constant dense<true> : vector<16xi1>
      %sort3A_37, %sort3A_38, %sort3A_39 = tpu.sort %neg3A_36, %iota3A masked %sort3A : (vector<16xf32>, vector<16xi32>, vector<16xi1>) -> (vector<16xi1>, vector<16xf32>, vector<16xi32>)
      %neg3A_40 = arith.constant 0.000000e+00 : f32
      %neg3A_41 = vector.broadcast %neg3A_40 : f32 to vector<16xf32>
      %neg3A_42 = arith.subf %neg3A_41, %get3A_22 : vector<16xf32>
      %sort3A_43 = arith.constant dense<true> : vector<16xi1>
      %sort3A_44, %sort3A_45, %sort3A_46 = tpu.sort %neg3A_42, %iota3A masked %sort3A_43 : (vector<16xf32>, vector<16xi32>, vector<16xi1>) -> (vector<16xi1>, vector<16xf32>, vector<16xi32>)
      %neg3A_47 = arith.constant 0.000000e+00 : f32
      %neg3A_48 = vector.broadcast %neg3A_47 : f32 to vector<16xf32>
      %neg3A_49 = arith.subf %neg3A_48, %sort3A_38 : vector<16xf32>
      %neg3A_50 = arith.constant 0.000000e+00 : f32
      %neg3A_51 = vector.broadcast %neg3A_50 : f32 to vector<16xf32>
      %neg3A_52 = arith.subf %neg3A_51, %sort3A_45 : vector<16xf32>
      %rev3A = arith.constant 15 : i32
      %rev3A_53 = vector.broadcast %rev3A : i32 to vector<16xi32>
      %rev3A_54 = tpu.iota {dimensions = array<i32: 0>} : vector<16xi32>
      %rev3A_55 = arith.subi %rev3A_53, %rev3A_54 : vector<16xi32>
      %rev3A_56 = tpu.dynamic_gather %neg3A_52[%rev3A_55] in [0] : vector<16xf32>, vector<16xi32> -> vector<16xf32>
      %rev3A_57 = arith.constant 15 : i32
      %rev3A_58 = vector.broadcast %rev3A_57 : i32 to vector<16xi32>
      %rev3A_59 = tpu.iota {dimensions = array<i32: 0>} : vector<16xi32>
      %rev3A_60 = arith.subi %rev3A_58, %rev3A_59 : vector<16xi32>
      %rev3A_61 = tpu.dynamic_gather %sort3A_46[%rev3A_60] in [0] : vector<16xi32>, vector<16xi32> -> vector<16xi32>
      %ge3A = arith.cmpf oge, %neg3A_49, %rev3A_56 : vector<16xf32>
      %select_n3A = arith.select %ge3A, %neg3A_49, %rev3A_56 : vector<16xi1>, vector<16xf32>
      %select_n3A_62 = arith.select %ge3A, %sort3A_39, %rev3A_61 : vector<16xi1>, vector<16xi32>
      %select_n3A_63 = arith.select %ge3A, %rev3A_56, %neg3A_49 : vector<16xi1>, vector<16xf32>
      %select_n3A_64 = arith.select %ge3A, %rev3A_61, %sort3A_39 : vector<16xi1>, vector<16xi32>
      %iota3A_65 = tpu.iota {dimensions = array<i32: 0>} : vector<16xi32>
      %xor3A = arith.constant 8 : i32
      %xor3A_66 = vector.broadcast %xor3A : i32 to vector<16xi32>
      %xor3A_67 = arith.xori %iota3A_65, %xor3A_66 : vector<16xi32>
      %broadcast_in_dim3A_68 = vector.shape_cast %xor3A_67 : vector<16xi32> to vector<16x1xi32>
      %gather3A = vector.shape_cast %broadcast_in_dim3A_68 : vector<16x1xi32> to vector<16xi32>
      %gather3A_69 = tpu.dynamic_gather %select_n3A[%gather3A] in [0] : vector<16xf32>, vector<16xi32> -> vector<16xf32>
      %broadcast_in_dim3A_70 = vector.shape_cast %xor3A_67 : vector<16xi32> to vector<16x1xi32>
      %gather3A_71 = vector.shape_cast %broadcast_in_dim3A_70 : vector<16x1xi32> to vector<16xi32>
      %gather3A_72 = tpu.dynamic_gather %select_n3A_62[%gather3A_71] in [0] : vector<16xi32>, vector<16xi32> -> vector<16xi32>
      %and3A = arith.constant 8 : i32
      %and3A_73 = vector.broadcast %and3A : i32 to vector<16xi32>
      %and3A_74 = arith.andi %iota3A_65, %and3A_73 : vector<16xi32>
      %eq3A = arith.constant 0 : i32
      %eq3A_75 = vector.broadcast %eq3A : i32 to vector<16xi32>
      %eq3A_76 = arith.cmpi eq, %and3A_74, %eq3A_75 : vector<16xi32>
      %ge3A_77 = arith.cmpf oge, %select_n3A, %gather3A_69 : vector<16xf32>
      %select_n3A_78 = arith.select %ge3A_77, %select_n3A, %gather3A_69 : vector<16xi1>, vector<16xf32>
      %select_n3A_79 = arith.select %ge3A_77, %gather3A_69, %select_n3A : vector<16xi1>, vector<16xf32>
      %select_n3A_80 = arith.select %eq3A_76, %select_n3A_78, %select_n3A_79 : vector<16xi1>, vector<16xf32>
      %select_n3A_81 = arith.select %ge3A_77, %select_n3A_62, %gather3A_72 : vector<16xi1>, vector<16xi32>
      %select_n3A_82 = arith.select %ge3A_77, %gather3A_72, %select_n3A_62 : vector<16xi1>, vector<16xi32>
      %select_n3A_83 = arith.select %eq3A_76, %select_n3A_81, %select_n3A_82 : vector<16xi1>, vector<16xi32>
      %xor3A_84 = arith.constant 4 : i32
      %xor3A_85 = vector.broadcast %xor3A_84 : i32 to vector<16xi32>
      %xor3A_86 = arith.xori %iota3A_65, %xor3A_85 : vector<16xi32>
      %broadcast_in_dim3A_87 = vector.shape_cast %xor3A_86 : vector<16xi32> to vector<16x1xi32>
      %gather3A_88 = vector.shape_cast %broadcast_in_dim3A_87 : vector<16x1xi32> to vector<16xi32>
      %gather3A_89 = tpu.dynamic_gather %select_n3A_80[%gather3A_88] in [0] : vector<16xf32>, vector<16xi32> -> vector<16xf32>
      %broadcast_in_dim3A_90 = vector.shape_cast %xor3A_86 : vector<16xi32> to vector<16x1xi32>
      %gather3A_91 = vector.shape_cast %broadcast_in_dim3A_90 : vector<16x1xi32> to vector<16xi32>
      %gather3A_92 = tpu.dynamic_gather %select_n3A_83[%gather3A_91] in [0] : vector<16xi32>, vector<16xi32> -> vector<16xi32>
      %and3A_93 = arith.constant 4 : i32
      %and3A_94 = vector.broadcast %and3A_93 : i32 to vector<16xi32>
      %and3A_95 = arith.andi %iota3A_65, %and3A_94 : vector<16xi32>
      %eq3A_96 = arith.constant 0 : i32
      %eq3A_97 = vector.broadcast %eq3A_96 : i32 to vector<16xi32>
      %eq3A_98 = arith.cmpi eq, %and3A_95, %eq3A_97 : vector<16xi32>
      %ge3A_99 = arith.cmpf oge, %select_n3A_80, %gather3A_89 : vector<16xf32>
      %select_n3A_100 = arith.select %ge3A_99, %select_n3A_80, %gather3A_89 : vector<16xi1>, vector<16xf32>
      %select_n3A_101 = arith.select %ge3A_99, %gather3A_89, %select_n3A_80 : vector<16xi1>, vector<16xf32>
      %select_n3A_102 = arith.select %eq3A_98, %select_n3A_100, %select_n3A_101 : vector<16xi1>, vector<16xf32>
      %select_n3A_103 = arith.select %ge3A_99, %select_n3A_83, %gather3A_92 : vector<16xi1>, vector<16xi32>
      %select_n3A_104 = arith.select %ge3A_99, %gather3A_92, %select_n3A_83 : vector<16xi1>, vector<16xi32>
      %select_n3A_105 = arith.select %eq3A_98, %select_n3A_103, %select_n3A_104 : vector<16xi1>, vector<16xi32>
      %xor3A_106 = arith.constant 2 : i32
      %xor3A_107 = vector.broadcast %xor3A_106 : i32 to vector<16xi32>
      %xor3A_108 = arith.xori %iota3A_65, %xor3A_107 : vector<16xi32>
      %broadcast_in_dim3A_109 = vector.shape_cast %xor3A_108 : vector<16xi32> to vector<16x1xi32>
      %gather3A_110 = vector.shape_cast %broadcast_in_dim3A_109 : vector<16x1xi32> to vector<16xi32>
      %gather3A_111 = tpu.dynamic_gather %select_n3A_102[%gather3A_110] in [0] : vector<16xf32>, vector<16xi32> -> vector<16xf32>
      %broadcast_in_dim3A_112 = vector.shape_cast %xor3A_108 : vector<16xi32> to vector<16x1xi32>
      %gather3A_113 = vector.shape_cast %broadcast_in_dim3A_112 : vector<16x1xi32> to vector<16xi32>
      %gather3A_114 = tpu.dynamic_gather %select_n3A_105[%gather3A_113] in [0] : vector<16xi32>, vector<16xi32> -> vector<16xi32>
      %and3A_115 = arith.constant 2 : i32
      %and3A_116 = vector.broadcast %and3A_115 : i32 to vector<16xi32>
      %and3A_117 = arith.andi %iota3A_65, %and3A_116 : vector<16xi32>
      %eq3A_118 = arith.constant 0 : i32
      %eq3A_119 = vector.broadcast %eq3A_118 : i32 to vector<16xi32>
      %eq3A_120 = arith.cmpi eq, %and3A_117, %eq3A_119 : vector<16xi32>
      %ge3A_121 = arith.cmpf oge, %select_n3A_102, %gather3A_111 : vector<16xf32>
      %select_n3A_122 = arith.select %ge3A_121, %select_n3A_102, %gather3A_111 : vector<16xi1>, vector<16xf32>
      %select_n3A_123 = arith.select %ge3A_121, %gather3A_111, %select_n3A_102 : vector<16xi1>, vector<16xf32>
      %select_n3A_124 = arith.select %eq3A_120, %select_n3A_122, %select_n3A_123 : vector<16xi1>, vector<16xf32>
      %select_n3A_125 = arith.select %ge3A_121, %select_n3A_105, %gather3A_114 : vector<16xi1>, vector<16xi32>
      %select_n3A_126 = arith.select %ge3A_121, %gather3A_114, %select_n3A_105 : vector<16xi1>, vector<16xi32>
      %select_n3A_127 = arith.select %eq3A_120, %select_n3A_125, %select_n3A_126 : vector<16xi1>, vector<16xi32>
      %xor3A_128 = arith.constant 1 : i32
      %xor3A_129 = vector.broadcast %xor3A_128 : i32 to vector<16xi32>
      %xor3A_130 = arith.xori %iota3A_65, %xor3A_129 : vector<16xi32>
      %broadcast_in_dim3A_131 = vector.shape_cast %xor3A_130 : vector<16xi32> to vector<16x1xi32>
      %gather3A_132 = vector.shape_cast %broadcast_in_dim3A_131 : vector<16x1xi32> to vector<16xi32>
      %gather3A_133 = tpu.dynamic_gather %select_n3A_124[%gather3A_132] in [0] : vector<16xf32>, vector<16xi32> -> vector<16xf32>
      %broadcast_in_dim3A_134 = vector.shape_cast %xor3A_130 : vector<16xi32> to vector<16x1xi32>
      %gather3A_135 = vector.shape_cast %broadcast_in_dim3A_134 : vector<16x1xi32> to vector<16xi32>
      %gather3A_136 = tpu.dynamic_gather %select_n3A_127[%gather3A_135] in [0] : vector<16xi32>, vector<16xi32> -> vector<16xi32>
      %and3A_137 = arith.constant 1 : i32
      %and3A_138 = vector.broadcast %and3A_137 : i32 to vector<16xi32>
      %and3A_139 = arith.andi %iota3A_65, %and3A_138 : vector<16xi32>
      %eq3A_140 = arith.constant 0 : i32
      %eq3A_141 = vector.broadcast %eq3A_140 : i32 to vector<16xi32>
      %eq3A_142 = arith.cmpi eq, %and3A_139, %eq3A_141 : vector<16xi32>
      %ge3A_143 = arith.cmpf oge, %select_n3A_124, %gather3A_133 : vector<16xf32>
      %select_n3A_144 = arith.select %ge3A_143, %select_n3A_124, %gather3A_133 : vector<16xi1>, vector<16xf32>
      %select_n3A_145 = arith.select %ge3A_143, %gather3A_133, %select_n3A_124 : vector<16xi1>, vector<16xf32>
      %select_n3A_146 = arith.select %eq3A_142, %select_n3A_144, %select_n3A_145 : vector<16xi1>, vector<16xf32>
      %select_n3A_147 = arith.select %ge3A_143, %select_n3A_127, %gather3A_136 : vector<16xi1>, vector<16xi32>
      %select_n3A_148 = arith.select %ge3A_143, %gather3A_136, %select_n3A_127 : vector<16xi1>, vector<16xi32>
      %select_n3A_149 = arith.select %eq3A_142, %select_n3A_147, %select_n3A_148 : vector<16xi1>, vector<16xi32>
      %iota3A_150 = tpu.iota {dimensions = array<i32: 0>} : vector<16xi32>
      %xor3A_151 = arith.constant 8 : i32
      %xor3A_152 = vector.broadcast %xor3A_151 : i32 to vector<16xi32>
      %xor3A_153 = arith.xori %iota3A_150, %xor3A_152 : vector<16xi32>
      %broadcast_in_dim3A_154 = vector.shape_cast %xor3A_153 : vector<16xi32> to vector<16x1xi32>
      %gather3A_155 = vector.shape_cast %broadcast_in_dim3A_154 : vector<16x1xi32> to vector<16xi32>
      %gather3A_156 = tpu.dynamic_gather %select_n3A_63[%gather3A_155] in [0] : vector<16xf32>, vector<16xi32> -> vector<16xf32>
      %broadcast_in_dim3A_157 = vector.shape_cast %xor3A_153 : vector<16xi32> to vector<16x1xi32>
      %gather3A_158 = vector.shape_cast %broadcast_in_dim3A_157 : vector<16x1xi32> to vector<16xi32>
      %gather3A_159 = tpu.dynamic_gather %select_n3A_64[%gather3A_158] in [0] : vector<16xi32>, vector<16xi32> -> vector<16xi32>
      %and3A_160 = arith.constant 8 : i32
      %and3A_161 = vector.broadcast %and3A_160 : i32 to vector<16xi32>
      %and3A_162 = arith.andi %iota3A_150, %and3A_161 : vector<16xi32>
      %eq3A_163 = arith.constant 0 : i32
      %eq3A_164 = vector.broadcast %eq3A_163 : i32 to vector<16xi32>
      %eq3A_165 = arith.cmpi eq, %and3A_162, %eq3A_164 : vector<16xi32>
      %ge3A_166 = arith.cmpf oge, %select_n3A_63, %gather3A_156 : vector<16xf32>
      %select_n3A_167 = arith.select %ge3A_166, %select_n3A_63, %gather3A_156 : vector<16xi1>, vector<16xf32>
      %select_n3A_168 = arith.select %ge3A_166, %gather3A_156, %select_n3A_63 : vector<16xi1>, vector<16xf32>
      %select_n3A_169 = arith.select %eq3A_165, %select_n3A_167, %select_n3A_168 : vector<16xi1>, vector<16xf32>
      %select_n3A_170 = arith.select %ge3A_166, %select_n3A_64, %gather3A_159 : vector<16xi1>, vector<16xi32>
      %select_n3A_171 = arith.select %ge3A_166, %gather3A_159, %select_n3A_64 : vector<16xi1>, vector<16xi32>
      %select_n3A_172 = arith.select %eq3A_165, %select_n3A_170, %select_n3A_171 : vector<16xi1>, vector<16xi32>
      %xor3A_173 = arith.constant 4 : i32
      %xor3A_174 = vector.broadcast %xor3A_173 : i32 to vector<16xi32>
      %xor3A_175 = arith.xori %iota3A_150, %xor3A_174 : vector<16xi32>
      %broadcast_in_dim3A_176 = vector.shape_cast %xor3A_175 : vector<16xi32> to vector<16x1xi32>
      %gather3A_177 = vector.shape_cast %broadcast_in_dim3A_176 : vector<16x1xi32> to vector<16xi32>
      %gather3A_178 = tpu.dynamic_gather %select_n3A_169[%gather3A_177] in [0] : vector<16xf32>, vector<16xi32> -> vector<16xf32>
      %broadcast_in_dim3A_179 = vector.shape_cast %xor3A_175 : vector<16xi32> to vector<16x1xi32>
      %gather3A_180 = vector.shape_cast %broadcast_in_dim3A_179 : vector<16x1xi32> to vector<16xi32>
      %gather3A_181 = tpu.dynamic_gather %select_n3A_172[%gather3A_180] in [0] : vector<16xi32>, vector<16xi32> -> vector<16xi32>
      %and3A_182 = arith.constant 4 : i32
      %and3A_183 = vector.broadcast %and3A_182 : i32 to vector<16xi32>
      %and3A_184 = arith.andi %iota3A_150, %and3A_183 : vector<16xi32>
      %eq3A_185 = arith.constant 0 : i32
      %eq3A_186 = vector.broadcast %eq3A_185 : i32 to vector<16xi32>
      %eq3A_187 = arith.cmpi eq, %and3A_184, %eq3A_186 : vector<16xi32>
      %ge3A_188 = arith.cmpf oge, %select_n3A_169, %gather3A_178 : vector<16xf32>
      %select_n3A_189 = arith.select %ge3A_188, %select_n3A_169, %gather3A_178 : vector<16xi1>, vector<16xf32>
      %select_n3A_190 = arith.select %ge3A_188, %gather3A_178, %select_n3A_169 : vector<16xi1>, vector<16xf32>
      %select_n3A_191 = arith.select %eq3A_187, %select_n3A_189, %select_n3A_190 : vector<16xi1>, vector<16xf32>
      %select_n3A_192 = arith.select %ge3A_188, %select_n3A_172, %gather3A_181 : vector<16xi1>, vector<16xi32>
      %select_n3A_193 = arith.select %ge3A_188, %gather3A_181, %select_n3A_172 : vector<16xi1>, vector<16xi32>
      %select_n3A_194 = arith.select %eq3A_187, %select_n3A_192, %select_n3A_193 : vector<16xi1>, vector<16xi32>
      %xor3A_195 = arith.constant 2 : i32
      %xor3A_196 = vector.broadcast %xor3A_195 : i32 to vector<16xi32>
      %xor3A_197 = arith.xori %iota3A_150, %xor3A_196 : vector<16xi32>
      %broadcast_in_dim3A_198 = vector.shape_cast %xor3A_197 : vector<16xi32> to vector<16x1xi32>
      %gather3A_199 = vector.shape_cast %broadcast_in_dim3A_198 : vector<16x1xi32> to vector<16xi32>
      %gather3A_200 = tpu.dynamic_gather %select_n3A_191[%gather3A_199] in [0] : vector<16xf32>, vector<16xi32> -> vector<16xf32>
      %broadcast_in_dim3A_201 = vector.shape_cast %xor3A_197 : vector<16xi32> to vector<16x1xi32>
      %gather3A_202 = vector.shape_cast %broadcast_in_dim3A_201 : vector<16x1xi32> to vector<16xi32>
      %gather3A_203 = tpu.dynamic_gather %select_n3A_194[%gather3A_202] in [0] : vector<16xi32>, vector<16xi32> -> vector<16xi32>
      %and3A_204 = arith.constant 2 : i32
      %and3A_205 = vector.broadcast %and3A_204 : i32 to vector<16xi32>
      %and3A_206 = arith.andi %iota3A_150, %and3A_205 : vector<16xi32>
      %eq3A_207 = arith.constant 0 : i32
      %eq3A_208 = vector.broadcast %eq3A_207 : i32 to vector<16xi32>
      %eq3A_209 = arith.cmpi eq, %and3A_206, %eq3A_208 : vector<16xi32>
      %ge3A_210 = arith.cmpf oge, %select_n3A_191, %gather3A_200 : vector<16xf32>
      %select_n3A_211 = arith.select %ge3A_210, %select_n3A_191, %gather3A_200 : vector<16xi1>, vector<16xf32>
      %select_n3A_212 = arith.select %ge3A_210, %gather3A_200, %select_n3A_191 : vector<16xi1>, vector<16xf32>
      %select_n3A_213 = arith.select %eq3A_209, %select_n3A_211, %select_n3A_212 : vector<16xi1>, vector<16xf32>
      %select_n3A_214 = arith.select %ge3A_210, %select_n3A_194, %gather3A_203 : vector<16xi1>, vector<16xi32>
      %select_n3A_215 = arith.select %ge3A_210, %gather3A_203, %select_n3A_194 : vector<16xi1>, vector<16xi32>
      %select_n3A_216 = arith.select %eq3A_209, %select_n3A_214, %select_n3A_215 : vector<16xi1>, vector<16xi32>
      %xor3A_217 = arith.constant 1 : i32
      %xor3A_218 = vector.broadcast %xor3A_217 : i32 to vector<16xi32>
      %xor3A_219 = arith.xori %iota3A_150, %xor3A_218 : vector<16xi32>
      %broadcast_in_dim3A_220 = vector.shape_cast %xor3A_219 : vector<16xi32> to vector<16x1xi32>
      %gather3A_221 = vector.shape_cast %broadcast_in_dim3A_220 : vector<16x1xi32> to vector<16xi32>
      %gather3A_222 = tpu.dynamic_gather %select_n3A_213[%gather3A_221] in [0] : vector<16xf32>, vector<16xi32> -> vector<16xf32>
      %broadcast_in_dim3A_223 = vector.shape_cast %xor3A_219 : vector<16xi32> to vector<16x1xi32>
      %gather3A_224 = vector.shape_cast %broadcast_in_dim3A_223 : vector<16x1xi32> to vector<16xi32>
      %gather3A_225 = tpu.dynamic_gather %select_n3A_216[%gather3A_224] in [0] : vector<16xi32>, vector<16xi32> -> vector<16xi32>
      %and3A_226 = arith.constant 1 : i32
      %and3A_227 = vector.broadcast %and3A_226 : i32 to vector<16xi32>
      %and3A_228 = arith.andi %iota3A_150, %and3A_227 : vector<16xi32>
      %eq3A_229 = arith.constant 0 : i32
      %eq3A_230 = vector.broadcast %eq3A_229 : i32 to vector<16xi32>
      %eq3A_231 = arith.cmpi eq, %and3A_228, %eq3A_230 : vector<16xi32>
      %ge3A_232 = arith.cmpf oge, %select_n3A_213, %gather3A_222 : vector<16xf32>
      %select_n3A_233 = arith.select %ge3A_232, %select_n3A_213, %gather3A_222 : vector<16xi1>, vector<16xf32>
      %select_n3A_234 = arith.select %ge3A_232, %gather3A_222, %select_n3A_213 : vector<16xi1>, vector<16xf32>
      %select_n3A_235 = arith.select %eq3A_231, %select_n3A_233, %select_n3A_234 : vector<16xi1>, vector<16xf32>
      %select_n3A_236 = arith.select %ge3A_232, %select_n3A_216, %gather3A_225 : vector<16xi1>, vector<16xi32>
      %select_n3A_237 = arith.select %ge3A_232, %gather3A_225, %select_n3A_216 : vector<16xi1>, vector<16xi32>
      %select_n3A_238 = arith.select %eq3A_231, %select_n3A_236, %select_n3A_237 : vector<16xi1>, vector<16xi32>
      %neg3A_239 = arith.constant 0.000000e+00 : f32
      %neg3A_240 = vector.broadcast %neg3A_239 : f32 to vector<16xf32>
      %neg3A_241 = arith.subf %neg3A_240, %get3A_24 : vector<16xf32>
      %sort3A_242 = arith.constant dense<true> : vector<16xi1>
      %sort3A_243, %sort3A_244, %sort3A_245 = tpu.sort %neg3A_241, %iota3A masked %sort3A_242 : (vector<16xf32>, vector<16xi32>, vector<16xi1>) -> (vector<16xi1>, vector<16xf32>, vector<16xi32>)
      %neg3A_246 = arith.constant 0.000000e+00 : f32
      %neg3A_247 = vector.broadcast %neg3A_246 : f32 to vector<16xf32>
      %neg3A_248 = arith.subf %neg3A_247, %get3A_26 : vector<16xf32>
      %sort3A_249 = arith.constant dense<true> : vector<16xi1>
      %sort3A_250, %sort3A_251, %sort3A_252 = tpu.sort %neg3A_248, %iota3A masked %sort3A_249 : (vector<16xf32>, vector<16xi32>, vector<16xi1>) -> (vector<16xi1>, vector<16xf32>, vector<16xi32>)
      %neg3A_253 = arith.constant 0.000000e+00 : f32
      %neg3A_254 = vector.broadcast %neg3A_253 : f32 to vector<16xf32>
      %neg3A_255 = arith.subf %neg3A_254, %sort3A_244 : vector<16xf32>
      %neg3A_256 = arith.constant 0.000000e+00 : f32
      %neg3A_257 = vector.broadcast %neg3A_256 : f32 to vector<16xf32>
      %neg3A_258 = arith.subf %neg3A_257, %sort3A_251 : vector<16xf32>
      %rev3A_259 = arith.constant 15 : i32
      %rev3A_260 = vector.broadcast %rev3A_259 : i32 to vector<16xi32>
      %rev3A_261 = tpu.iota {dimensions = array<i32: 0>} : vector<16xi32>
      %rev3A_262 = arith.subi %rev3A_260, %rev3A_261 : vector<16xi32>
      %rev3A_263 = tpu.dynamic_gather %neg3A_258[%rev3A_262] in [0] : vector<16xf32>, vector<16xi32> -> vector<16xf32>
      %rev3A_264 = arith.constant 15 : i32
      %rev3A_265 = vector.broadcast %rev3A_264 : i32 to vector<16xi32>
      %rev3A_266 = tpu.iota {dimensions = array<i32: 0>} : vector<16xi32>
      %rev3A_267 = arith.subi %rev3A_265, %rev3A_266 : vector<16xi32>
      %rev3A_268 = tpu.dynamic_gather %sort3A_252[%rev3A_267] in [0] : vector<16xi32>, vector<16xi32> -> vector<16xi32>
      %ge3A_269 = arith.cmpf oge, %neg3A_255, %rev3A_263 : vector<16xf32>
      %select_n3A_270 = arith.select %ge3A_269, %neg3A_255, %rev3A_263 : vector<16xi1>, vector<16xf32>
      %select_n3A_271 = arith.select %ge3A_269, %sort3A_245, %rev3A_268 : vector<16xi1>, vector<16xi32>
      %select_n3A_272 = arith.select %ge3A_269, %rev3A_263, %neg3A_255 : vector<16xi1>, vector<16xf32>
      %select_n3A_273 = arith.select %ge3A_269, %rev3A_268, %sort3A_245 : vector<16xi1>, vector<16xi32>
      %iota3A_274 = tpu.iota {dimensions = array<i32: 0>} : vector<16xi32>
      %xor3A_275 = arith.constant 8 : i32
      %xor3A_276 = vector.broadcast %xor3A_275 : i32 to vector<16xi32>
      %xor3A_277 = arith.xori %iota3A_274, %xor3A_276 : vector<16xi32>
      %broadcast_in_dim3A_278 = vector.shape_cast %xor3A_277 : vector<16xi32> to vector<16x1xi32>
      %gather3A_279 = vector.shape_cast %broadcast_in_dim3A_278 : vector<16x1xi32> to vector<16xi32>
      %gather3A_280 = tpu.dynamic_gather %select_n3A_270[%gather3A_279] in [0] : vector<16xf32>, vector<16xi32> -> vector<16xf32>
      %broadcast_in_dim3A_281 = vector.shape_cast %xor3A_277 : vector<16xi32> to vector<16x1xi32>
      %gather3A_282 = vector.shape_cast %broadcast_in_dim3A_281 : vector<16x1xi32> to vector<16xi32>
      %gather3A_283 = tpu.dynamic_gather %select_n3A_271[%gather3A_282] in [0] : vector<16xi32>, vector<16xi32> -> vector<16xi32>
      %and3A_284 = arith.constant 8 : i32
      %and3A_285 = vector.broadcast %and3A_284 : i32 to vector<16xi32>
      %and3A_286 = arith.andi %iota3A_274, %and3A_285 : vector<16xi32>
      %eq3A_287 = arith.constant 0 : i32
      %eq3A_288 = vector.broadcast %eq3A_287 : i32 to vector<16xi32>
      %eq3A_289 = arith.cmpi eq, %and3A_286, %eq3A_288 : vector<16xi32>
      %ge3A_290 = arith.cmpf oge, %select_n3A_270, %gather3A_280 : vector<16xf32>
      %select_n3A_291 = arith.select %ge3A_290, %select_n3A_270, %gather3A_280 : vector<16xi1>, vector<16xf32>
      %select_n3A_292 = arith.select %ge3A_290, %gather3A_280, %select_n3A_270 : vector<16xi1>, vector<16xf32>
      %select_n3A_293 = arith.select %eq3A_289, %select_n3A_291, %select_n3A_292 : vector<16xi1>, vector<16xf32>
      %select_n3A_294 = arith.select %ge3A_290, %select_n3A_271, %gather3A_283 : vector<16xi1>, vector<16xi32>
      %select_n3A_295 = arith.select %ge3A_290, %gather3A_283, %select_n3A_271 : vector<16xi1>, vector<16xi32>
      %select_n3A_296 = arith.select %eq3A_289, %select_n3A_294, %select_n3A_295 : vector<16xi1>, vector<16xi32>
      %xor3A_297 = arith.constant 4 : i32
      %xor3A_298 = vector.broadcast %xor3A_297 : i32 to vector<16xi32>
      %xor3A_299 = arith.xori %iota3A_274, %xor3A_298 : vector<16xi32>
      %broadcast_in_dim3A_300 = vector.shape_cast %xor3A_299 : vector<16xi32> to vector<16x1xi32>
      %gather3A_301 = vector.shape_cast %broadcast_in_dim3A_300 : vector<16x1xi32> to vector<16xi32>
      %gather3A_302 = tpu.dynamic_gather %select_n3A_293[%gather3A_301] in [0] : vector<16xf32>, vector<16xi32> -> vector<16xf32>
      %broadcast_in_dim3A_303 = vector.shape_cast %xor3A_299 : vector<16xi32> to vector<16x1xi32>
      %gather3A_304 = vector.shape_cast %broadcast_in_dim3A_303 : vector<16x1xi32> to vector<16xi32>
      %gather3A_305 = tpu.dynamic_gather %select_n3A_296[%gather3A_304] in [0] : vector<16xi32>, vector<16xi32> -> vector<16xi32>
      %and3A_306 = arith.constant 4 : i32
      %and3A_307 = vector.broadcast %and3A_306 : i32 to vector<16xi32>
      %and3A_308 = arith.andi %iota3A_274, %and3A_307 : vector<16xi32>
      %eq3A_309 = arith.constant 0 : i32
      %eq3A_310 = vector.broadcast %eq3A_309 : i32 to vector<16xi32>
      %eq3A_311 = arith.cmpi eq, %and3A_308, %eq3A_310 : vector<16xi32>
      %ge3A_312 = arith.cmpf oge, %select_n3A_293, %gather3A_302 : vector<16xf32>
      %select_n3A_313 = arith.select %ge3A_312, %select_n3A_293, %gather3A_302 : vector<16xi1>, vector<16xf32>
      %select_n3A_314 = arith.select %ge3A_312, %gather3A_302, %select_n3A_293 : vector<16xi1>, vector<16xf32>
      %select_n3A_315 = arith.select %eq3A_311, %select_n3A_313, %select_n3A_314 : vector<16xi1>, vector<16xf32>
      %select_n3A_316 = arith.select %ge3A_312, %select_n3A_296, %gather3A_305 : vector<16xi1>, vector<16xi32>
      %select_n3A_317 = arith.select %ge3A_312, %gather3A_305, %select_n3A_296 : vector<16xi1>, vector<16xi32>
      %select_n3A_318 = arith.select %eq3A_311, %select_n3A_316, %select_n3A_317 : vector<16xi1>, vector<16xi32>
      %xor3A_319 = arith.constant 2 : i32
      %xor3A_320 = vector.broadcast %xor3A_319 : i32 to vector<16xi32>
      %xor3A_321 = arith.xori %iota3A_274, %xor3A_320 : vector<16xi32>
      %broadcast_in_dim3A_322 = vector.shape_cast %xor3A_321 : vector<16xi32> to vector<16x1xi32>
      %gather3A_323 = vector.shape_cast %broadcast_in_dim3A_322 : vector<16x1xi32> to vector<16xi32>
      %gather3A_324 = tpu.dynamic_gather %select_n3A_315[%gather3A_323] in [0] : vector<16xf32>, vector<16xi32> -> vector<16xf32>
      %broadcast_in_dim3A_325 = vector.shape_cast %xor3A_321 : vector<16xi32> to vector<16x1xi32>
      %gather3A_326 = vector.shape_cast %broadcast_in_dim3A_325 : vector<16x1xi32> to vector<16xi32>
      %gather3A_327 = tpu.dynamic_gather %select_n3A_318[%gather3A_326] in [0] : vector<16xi32>, vector<16xi32> -> vector<16xi32>
      %and3A_328 = arith.constant 2 : i32
      %and3A_329 = vector.broadcast %and3A_328 : i32 to vector<16xi32>
      %and3A_330 = arith.andi %iota3A_274, %and3A_329 : vector<16xi32>
      %eq3A_331 = arith.constant 0 : i32
      %eq3A_332 = vector.broadcast %eq3A_331 : i32 to vector<16xi32>
      %eq3A_333 = arith.cmpi eq, %and3A_330, %eq3A_332 : vector<16xi32>
      %ge3A_334 = arith.cmpf oge, %select_n3A_315, %gather3A_324 : vector<16xf32>
      %select_n3A_335 = arith.select %ge3A_334, %select_n3A_315, %gather3A_324 : vector<16xi1>, vector<16xf32>
      %select_n3A_336 = arith.select %ge3A_334, %gather3A_324, %select_n3A_315 : vector<16xi1>, vector<16xf32>
      %select_n3A_337 = arith.select %eq3A_333, %select_n3A_335, %select_n3A_336 : vector<16xi1>, vector<16xf32>
      %select_n3A_338 = arith.select %ge3A_334, %select_n3A_318, %gather3A_327 : vector<16xi1>, vector<16xi32>
      %select_n3A_339 = arith.select %ge3A_334, %gather3A_327, %select_n3A_318 : vector<16xi1>, vector<16xi32>
      %select_n3A_340 = arith.select %eq3A_333, %select_n3A_338, %select_n3A_339 : vector<16xi1>, vector<16xi32>
      %xor3A_341 = arith.constant 1 : i32
      %xor3A_342 = vector.broadcast %xor3A_341 : i32 to vector<16xi32>
      %xor3A_343 = arith.xori %iota3A_274, %xor3A_342 : vector<16xi32>
      %broadcast_in_dim3A_344 = vector.shape_cast %xor3A_343 : vector<16xi32> to vector<16x1xi32>
      %gather3A_345 = vector.shape_cast %broadcast_in_dim3A_344 : vector<16x1xi32> to vector<16xi32>
      %gather3A_346 = tpu.dynamic_gather %select_n3A_337[%gather3A_345] in [0] : vector<16xf32>, vector<16xi32> -> vector<16xf32>
      %broadcast_in_dim3A_347 = vector.shape_cast %xor3A_343 : vector<16xi32> to vector<16x1xi32>
      %gather3A_348 = vector.shape_cast %broadcast_in_dim3A_347 : vector<16x1xi32> to vector<16xi32>
      %gather3A_349 = tpu.dynamic_gather %select_n3A_340[%gather3A_348] in [0] : vector<16xi32>, vector<16xi32> -> vector<16xi32>
      %and3A_350 = arith.constant 1 : i32
      %and3A_351 = vector.broadcast %and3A_350 : i32 to vector<16xi32>
      %and3A_352 = arith.andi %iota3A_274, %and3A_351 : vector<16xi32>
      %eq3A_353 = arith.constant 0 : i32
      %eq3A_354 = vector.broadcast %eq3A_353 : i32 to vector<16xi32>
      %eq3A_355 = arith.cmpi eq, %and3A_352, %eq3A_354 : vector<16xi32>
      %ge3A_356 = arith.cmpf oge, %select_n3A_337, %gather3A_346 : vector<16xf32>
      %select_n3A_357 = arith.select %ge3A_356, %select_n3A_337, %gather3A_346 : vector<16xi1>, vector<16xf32>
      %select_n3A_358 = arith.select %ge3A_356, %gather3A_346, %select_n3A_337 : vector<16xi1>, vector<16xf32>
      %select_n3A_359 = arith.select %eq3A_355, %select_n3A_357, %select_n3A_358 : vector<16xi1>, vector<16xf32>
      %select_n3A_360 = arith.select %ge3A_356, %select_n3A_340, %gather3A_349 : vector<16xi1>, vector<16xi32>
      %select_n3A_361 = arith.select %ge3A_356, %gather3A_349, %select_n3A_340 : vector<16xi1>, vector<16xi32>
      %select_n3A_362 = arith.select %eq3A_355, %select_n3A_360, %select_n3A_361 : vector<16xi1>, vector<16xi32>
      %iota3A_363 = tpu.iota {dimensions = array<i32: 0>} : vector<16xi32>
      %xor3A_364 = arith.constant 8 : i32
      %xor3A_365 = vector.broadcast %xor3A_364 : i32 to vector<16xi32>
      %xor3A_366 = arith.xori %iota3A_363, %xor3A_365 : vector<16xi32>
      %broadcast_in_dim3A_367 = vector.shape_cast %xor3A_366 : vector<16xi32> to vector<16x1xi32>
      %gather3A_368 = vector.shape_cast %broadcast_in_dim3A_367 : vector<16x1xi32> to vector<16xi32>
      %gather3A_369 = tpu.dynamic_gather %select_n3A_272[%gather3A_368] in [0] : vector<16xf32>, vector<16xi32> -> vector<16xf32>
      %broadcast_in_dim3A_370 = vector.shape_cast %xor3A_366 : vector<16xi32> to vector<16x1xi32>
      %gather3A_371 = vector.shape_cast %broadcast_in_dim3A_370 : vector<16x1xi32> to vector<16xi32>
      %gather3A_372 = tpu.dynamic_gather %select_n3A_273[%gather3A_371] in [0] : vector<16xi32>, vector<16xi32> -> vector<16xi32>
      %and3A_373 = arith.constant 8 : i32
      %and3A_374 = vector.broadcast %and3A_373 : i32 to vector<16xi32>
      %and3A_375 = arith.andi %iota3A_363, %and3A_374 : vector<16xi32>
      %eq3A_376 = arith.constant 0 : i32
      %eq3A_377 = vector.broadcast %eq3A_376 : i32 to vector<16xi32>
      %eq3A_378 = arith.cmpi eq, %and3A_375, %eq3A_377 : vector<16xi32>
      %ge3A_379 = arith.cmpf oge, %select_n3A_272, %gather3A_369 : vector<16xf32>
      %select_n3A_380 = arith.select %ge3A_379, %select_n3A_272, %gather3A_369 : vector<16xi1>, vector<16xf32>
      %select_n3A_381 = arith.select %ge3A_379, %gather3A_369, %select_n3A_272 : vector<16xi1>, vector<16xf32>
      %select_n3A_382 = arith.select %eq3A_378, %select_n3A_380, %select_n3A_381 : vector<16xi1>, vector<16xf32>
      %select_n3A_383 = arith.select %ge3A_379, %select_n3A_273, %gather3A_372 : vector<16xi1>, vector<16xi32>
      %select_n3A_384 = arith.select %ge3A_379, %gather3A_372, %select_n3A_273 : vector<16xi1>, vector<16xi32>
      %select_n3A_385 = arith.select %eq3A_378, %select_n3A_383, %select_n3A_384 : vector<16xi1>, vector<16xi32>
      %xor3A_386 = arith.constant 4 : i32
      %xor3A_387 = vector.broadcast %xor3A_386 : i32 to vector<16xi32>
      %xor3A_388 = arith.xori %iota3A_363, %xor3A_387 : vector<16xi32>
      %broadcast_in_dim3A_389 = vector.shape_cast %xor3A_388 : vector<16xi32> to vector<16x1xi32>
      %gather3A_390 = vector.shape_cast %broadcast_in_dim3A_389 : vector<16x1xi32> to vector<16xi32>
      %gather3A_391 = tpu.dynamic_gather %select_n3A_382[%gather3A_390] in [0] : vector<16xf32>, vector<16xi32> -> vector<16xf32>
      %broadcast_in_dim3A_392 = vector.shape_cast %xor3A_388 : vector<16xi32> to vector<16x1xi32>
      %gather3A_393 = vector.shape_cast %broadcast_in_dim3A_392 : vector<16x1xi32> to vector<16xi32>
      %gather3A_394 = tpu.dynamic_gather %select_n3A_385[%gather3A_393] in [0] : vector<16xi32>, vector<16xi32> -> vector<16xi32>
      %and3A_395 = arith.constant 4 : i32
      %and3A_396 = vector.broadcast %and3A_395 : i32 to vector<16xi32>
      %and3A_397 = arith.andi %iota3A_363, %and3A_396 : vector<16xi32>
      %eq3A_398 = arith.constant 0 : i32
      %eq3A_399 = vector.broadcast %eq3A_398 : i32 to vector<16xi32>
      %eq3A_400 = arith.cmpi eq, %and3A_397, %eq3A_399 : vector<16xi32>
      %ge3A_401 = arith.cmpf oge, %select_n3A_382, %gather3A_391 : vector<16xf32>
      %select_n3A_402 = arith.select %ge3A_401, %select_n3A_382, %gather3A_391 : vector<16xi1>, vector<16xf32>
      %select_n3A_403 = arith.select %ge3A_401, %gather3A_391, %select_n3A_382 : vector<16xi1>, vector<16xf32>
      %select_n3A_404 = arith.select %eq3A_400, %select_n3A_402, %select_n3A_403 : vector<16xi1>, vector<16xf32>
      %select_n3A_405 = arith.select %ge3A_401, %select_n3A_385, %gather3A_394 : vector<16xi1>, vector<16xi32>
      %select_n3A_406 = arith.select %ge3A_401, %gather3A_394, %select_n3A_385 : vector<16xi1>, vector<16xi32>
      %select_n3A_407 = arith.select %eq3A_400, %select_n3A_405, %select_n3A_406 : vector<16xi1>, vector<16xi32>
      %xor3A_408 = arith.constant 2 : i32
      %xor3A_409 = vector.broadcast %xor3A_408 : i32 to vector<16xi32>
      %xor3A_410 = arith.xori %iota3A_363, %xor3A_409 : vector<16xi32>
      %broadcast_in_dim3A_411 = vector.shape_cast %xor3A_410 : vector<16xi32> to vector<16x1xi32>
      %gather3A_412 = vector.shape_cast %broadcast_in_dim3A_411 : vector<16x1xi32> to vector<16xi32>
      %gather3A_413 = tpu.dynamic_gather %select_n3A_404[%gather3A_412] in [0] : vector<16xf32>, vector<16xi32> -> vector<16xf32>
      %broadcast_in_dim3A_414 = vector.shape_cast %xor3A_410 : vector<16xi32> to vector<16x1xi32>
      %gather3A_415 = vector.shape_cast %broadcast_in_dim3A_414 : vector<16x1xi32> to vector<16xi32>
      %gather3A_416 = tpu.dynamic_gather %select_n3A_407[%gather3A_415] in [0] : vector<16xi32>, vector<16xi32> -> vector<16xi32>
      %and3A_417 = arith.constant 2 : i32
      %and3A_418 = vector.broadcast %and3A_417 : i32 to vector<16xi32>
      %and3A_419 = arith.andi %iota3A_363, %and3A_418 : vector<16xi32>
      %eq3A_420 = arith.constant 0 : i32
      %eq3A_421 = vector.broadcast %eq3A_420 : i32 to vector<16xi32>
      %eq3A_422 = arith.cmpi eq, %and3A_419, %eq3A_421 : vector<16xi32>
      %ge3A_423 = arith.cmpf oge, %select_n3A_404, %gather3A_413 : vector<16xf32>
      %select_n3A_424 = arith.select %ge3A_423, %select_n3A_404, %gather3A_413 : vector<16xi1>, vector<16xf32>
      %select_n3A_425 = arith.select %ge3A_423, %gather3A_413, %select_n3A_404 : vector<16xi1>, vector<16xf32>
      %select_n3A_426 = arith.select %eq3A_422, %select_n3A_424, %select_n3A_425 : vector<16xi1>, vector<16xf32>
      %select_n3A_427 = arith.select %ge3A_423, %select_n3A_407, %gather3A_416 : vector<16xi1>, vector<16xi32>
      %select_n3A_428 = arith.select %ge3A_423, %gather3A_416, %select_n3A_407 : vector<16xi1>, vector<16xi32>
      %select_n3A_429 = arith.select %eq3A_422, %select_n3A_427, %select_n3A_428 : vector<16xi1>, vector<16xi32>
      %xor3A_430 = arith.constant 1 : i32
      %xor3A_431 = vector.broadcast %xor3A_430 : i32 to vector<16xi32>
      %xor3A_432 = arith.xori %iota3A_363, %xor3A_431 : vector<16xi32>
      %broadcast_in_dim3A_433 = vector.shape_cast %xor3A_432 : vector<16xi32> to vector<16x1xi32>
      %gather3A_434 = vector.shape_cast %broadcast_in_dim3A_433 : vector<16x1xi32> to vector<16xi32>
      %gather3A_435 = tpu.dynamic_gather %select_n3A_426[%gather3A_434] in [0] : vector<16xf32>, vector<16xi32> -> vector<16xf32>
      %broadcast_in_dim3A_436 = vector.shape_cast %xor3A_432 : vector<16xi32> to vector<16x1xi32>
      %gather3A_437 = vector.shape_cast %broadcast_in_dim3A_436 : vector<16x1xi32> to vector<16xi32>
      %gather3A_438 = tpu.dynamic_gather %select_n3A_429[%gather3A_437] in [0] : vector<16xi32>, vector<16xi32> -> vector<16xi32>
      %and3A_439 = arith.constant 1 : i32
      %and3A_440 = vector.broadcast %and3A_439 : i32 to vector<16xi32>
      %and3A_441 = arith.andi %iota3A_363, %and3A_440 : vector<16xi32>
      %eq3A_442 = arith.constant 0 : i32
      %eq3A_443 = vector.broadcast %eq3A_442 : i32 to vector<16xi32>
      %eq3A_444 = arith.cmpi eq, %and3A_441, %eq3A_443 : vector<16xi32>
      %ge3A_445 = arith.cmpf oge, %select_n3A_426, %gather3A_435 : vector<16xf32>
      %select_n3A_446 = arith.select %ge3A_445, %select_n3A_426, %gather3A_435 : vector<16xi1>, vector<16xf32>
      %select_n3A_447 = arith.select %ge3A_445, %gather3A_435, %select_n3A_426 : vector<16xi1>, vector<16xf32>
      %select_n3A_448 = arith.select %eq3A_444, %select_n3A_446, %select_n3A_447 : vector<16xi1>, vector<16xf32>
      %select_n3A_449 = arith.select %ge3A_445, %select_n3A_429, %gather3A_438 : vector<16xi1>, vector<16xi32>
      %select_n3A_450 = arith.select %ge3A_445, %gather3A_438, %select_n3A_429 : vector<16xi1>, vector<16xi32>
      %select_n3A_451 = arith.select %eq3A_444, %select_n3A_449, %select_n3A_450 : vector<16xi1>, vector<16xi32>
      %rev3A_452 = arith.constant 15 : i32
      %rev3A_453 = vector.broadcast %rev3A_452 : i32 to vector<16xi32>
      %rev3A_454 = tpu.iota {dimensions = array<i32: 0>} : vector<16xi32>
      %rev3A_455 = arith.subi %rev3A_453, %rev3A_454 : vector<16xi32>
      %rev3A_456 = tpu.dynamic_gather %select_n3A_448[%rev3A_455] in [0] : vector<16xf32>, vector<16xi32> -> vector<16xf32>
      %rev3A_457 = arith.constant 15 : i32
      %rev3A_458 = vector.broadcast %rev3A_457 : i32 to vector<16xi32>
      %rev3A_459 = tpu.iota {dimensions = array<i32: 0>} : vector<16xi32>
      %rev3A_460 = arith.subi %rev3A_458, %rev3A_459 : vector<16xi32>
      %rev3A_461 = tpu.dynamic_gather %select_n3A_451[%rev3A_460] in [0] : vector<16xi32>, vector<16xi32> -> vector<16xi32>
      %rev3A_462 = arith.constant 15 : i32
      %rev3A_463 = vector.broadcast %rev3A_462 : i32 to vector<16xi32>
      %rev3A_464 = tpu.iota {dimensions = array<i32: 0>} : vector<16xi32>
      %rev3A_465 = arith.subi %rev3A_463, %rev3A_464 : vector<16xi32>
      %rev3A_466 = tpu.dynamic_gather %select_n3A_359[%rev3A_465] in [0] : vector<16xf32>, vector<16xi32> -> vector<16xf32>
      %rev3A_467 = arith.constant 15 : i32
      %rev3A_468 = vector.broadcast %rev3A_467 : i32 to vector<16xi32>
      %rev3A_469 = tpu.iota {dimensions = array<i32: 0>} : vector<16xi32>
      %rev3A_470 = arith.subi %rev3A_468, %rev3A_469 : vector<16xi32>
      %rev3A_471 = tpu.dynamic_gather %select_n3A_362[%rev3A_470] in [0] : vector<16xi32>, vector<16xi32> -> vector<16xi32>
      %ge3A_472 = arith.cmpf oge, %select_n3A_146, %rev3A_456 : vector<16xf32>
      %select_n3A_473 = arith.select %ge3A_472, %select_n3A_146, %rev3A_456 : vector<16xi1>, vector<16xf32>
      %select_n3A_474 = arith.select %ge3A_472, %select_n3A_362, %rev3A_461 : vector<16xi1>, vector<16xi32>
      %ge3A_475 = arith.cmpf oge, %select_n3A_235, %rev3A_466 : vector<16xf32>
      %select_n3A_476 = arith.select %ge3A_475, %select_n3A_235, %rev3A_466 : vector<16xi1>, vector<16xf32>
      %select_n3A_477 = arith.select %ge3A_475, %select_n3A_451, %rev3A_471 : vector<16xi1>, vector<16xi32>
      %ge3A_478 = arith.cmpf oge, %select_n3A_473, %select_n3A_476 : vector<16xf32>
      %select_n3A_479 = arith.select %ge3A_478, %select_n3A_473, %select_n3A_476 : vector<16xi1>, vector<16xf32>
      %select_n3A_480 = arith.select %ge3A_478, %select_n3A_474, %select_n3A_477 : vector<16xi1>, vector<16xi32>
      %select_n3A_481 = arith.select %ge3A_478, %select_n3A_476, %select_n3A_473 : vector<16xi1>, vector<16xf32>
      %select_n3A_482 = arith.select %ge3A_478, %select_n3A_477, %select_n3A_474 : vector<16xi1>, vector<16xi32>
      %iota3A_483 = tpu.iota {dimensions = array<i32: 0>} : vector<16xi32>
      %xor3A_484 = arith.constant 8 : i32
      %xor3A_485 = vector.broadcast %xor3A_484 : i32 to vector<16xi32>
      %xor3A_486 = arith.xori %iota3A_483, %xor3A_485 : vector<16xi32>
      %broadcast_in_dim3A_487 = vector.shape_cast %xor3A_486 : vector<16xi32> to vector<16x1xi32>
      %gather3A_488 = vector.shape_cast %broadcast_in_dim3A_487 : vector<16x1xi32> to vector<16xi32>
      %gather3A_489 = tpu.dynamic_gather %select_n3A_479[%gather3A_488] in [0] : vector<16xf32>, vector<16xi32> -> vector<16xf32>
      %broadcast_in_dim3A_490 = vector.shape_cast %xor3A_486 : vector<16xi32> to vector<16x1xi32>
      %gather3A_491 = vector.shape_cast %broadcast_in_dim3A_490 : vector<16x1xi32> to vector<16xi32>
      %gather3A_492 = tpu.dynamic_gather %select_n3A_480[%gather3A_491] in [0] : vector<16xi32>, vector<16xi32> -> vector<16xi32>
      %and3A_493 = arith.constant 8 : i32
      %and3A_494 = vector.broadcast %and3A_493 : i32 to vector<16xi32>
      %and3A_495 = arith.andi %iota3A_483, %and3A_494 : vector<16xi32>
      %eq3A_496 = arith.constant 0 : i32
      %eq3A_497 = vector.broadcast %eq3A_496 : i32 to vector<16xi32>
      %eq3A_498 = arith.cmpi eq, %and3A_495, %eq3A_497 : vector<16xi32>
      %ge3A_499 = arith.cmpf oge, %select_n3A_479, %gather3A_489 : vector<16xf32>
      %select_n3A_500 = arith.select %ge3A_499, %select_n3A_479, %gather3A_489 : vector<16xi1>, vector<16xf32>
      %select_n3A_501 = arith.select %ge3A_499, %gather3A_489, %select_n3A_479 : vector<16xi1>, vector<16xf32>
      %select_n3A_502 = arith.select %eq3A_498, %select_n3A_500, %select_n3A_501 : vector<16xi1>, vector<16xf32>
      %select_n3A_503 = arith.select %ge3A_499, %select_n3A_480, %gather3A_492 : vector<16xi1>, vector<16xi32>
      %select_n3A_504 = arith.select %ge3A_499, %gather3A_492, %select_n3A_480 : vector<16xi1>, vector<16xi32>
      %select_n3A_505 = arith.select %eq3A_498, %select_n3A_503, %select_n3A_504 : vector<16xi1>, vector<16xi32>
      %xor3A_506 = arith.constant 4 : i32
      %xor3A_507 = vector.broadcast %xor3A_506 : i32 to vector<16xi32>
      %xor3A_508 = arith.xori %iota3A_483, %xor3A_507 : vector<16xi32>
      %broadcast_in_dim3A_509 = vector.shape_cast %xor3A_508 : vector<16xi32> to vector<16x1xi32>
      %gather3A_510 = vector.shape_cast %broadcast_in_dim3A_509 : vector<16x1xi32> to vector<16xi32>
      %gather3A_511 = tpu.dynamic_gather %select_n3A_502[%gather3A_510] in [0] : vector<16xf32>, vector<16xi32> -> vector<16xf32>
      %broadcast_in_dim3A_512 = vector.shape_cast %xor3A_508 : vector<16xi32> to vector<16x1xi32>
      %gather3A_513 = vector.shape_cast %broadcast_in_dim3A_512 : vector<16x1xi32> to vector<16xi32>
      %gather3A_514 = tpu.dynamic_gather %select_n3A_505[%gather3A_513] in [0] : vector<16xi32>, vector<16xi32> -> vector<16xi32>
      %and3A_515 = arith.constant 4 : i32
      %and3A_516 = vector.broadcast %and3A_515 : i32 to vector<16xi32>
      %and3A_517 = arith.andi %iota3A_483, %and3A_516 : vector<16xi32>
      %eq3A_518 = arith.constant 0 : i32
      %eq3A_519 = vector.broadcast %eq3A_518 : i32 to vector<16xi32>
      %eq3A_520 = arith.cmpi eq, %and3A_517, %eq3A_519 : vector<16xi32>
      %ge3A_521 = arith.cmpf oge, %select_n3A_502, %gather3A_511 : vector<16xf32>
      %select_n3A_522 = arith.select %ge3A_521, %select_n3A_502, %gather3A_511 : vector<16xi1>, vector<16xf32>
      %select_n3A_523 = arith.select %ge3A_521, %gather3A_511, %select_n3A_502 : vector<16xi1>, vector<16xf32>
      %select_n3A_524 = arith.select %eq3A_520, %select_n3A_522, %select_n3A_523 : vector<16xi1>, vector<16xf32>
      %select_n3A_525 = arith.select %ge3A_521, %select_n3A_505, %gather3A_514 : vector<16xi1>, vector<16xi32>
      %select_n3A_526 = arith.select %ge3A_521, %gather3A_514, %select_n3A_505 : vector<16xi1>, vector<16xi32>
      %select_n3A_527 = arith.select %eq3A_520, %select_n3A_525, %select_n3A_526 : vector<16xi1>, vector<16xi32>
      %xor3A_528 = arith.constant 2 : i32
      %xor3A_529 = vector.broadcast %xor3A_528 : i32 to vector<16xi32>
      %xor3A_530 = arith.xori %iota3A_483, %xor3A_529 : vector<16xi32>
      %broadcast_in_dim3A_531 = vector.shape_cast %xor3A_530 : vector<16xi32> to vector<16x1xi32>
      %gather3A_532 = vector.shape_cast %broadcast_in_dim3A_531 : vector<16x1xi32> to vector<16xi32>
      %gather3A_533 = tpu.dynamic_gather %select_n3A_524[%gather3A_532] in [0] : vector<16xf32>, vector<16xi32> -> vector<16xf32>
      %broadcast_in_dim3A_534 = vector.shape_cast %xor3A_530 : vector<16xi32> to vector<16x1xi32>
      %gather3A_535 = vector.shape_cast %broadcast_in_dim3A_534 : vector<16x1xi32> to vector<16xi32>
      %gather3A_536 = tpu.dynamic_gather %select_n3A_527[%gather3A_535] in [0] : vector<16xi32>, vector<16xi32> -> vector<16xi32>
      %and3A_537 = arith.constant 2 : i32
      %and3A_538 = vector.broadcast %and3A_537 : i32 to vector<16xi32>
      %and3A_539 = arith.andi %iota3A_483, %and3A_538 : vector<16xi32>
      %eq3A_540 = arith.constant 0 : i32
      %eq3A_541 = vector.broadcast %eq3A_540 : i32 to vector<16xi32>
      %eq3A_542 = arith.cmpi eq, %and3A_539, %eq3A_541 : vector<16xi32>
      %ge3A_543 = arith.cmpf oge, %select_n3A_524, %gather3A_533 : vector<16xf32>
      %select_n3A_544 = arith.select %ge3A_543, %select_n3A_524, %gather3A_533 : vector<16xi1>, vector<16xf32>
      %select_n3A_545 = arith.select %ge3A_543, %gather3A_533, %select_n3A_524 : vector<16xi1>, vector<16xf32>
      %select_n3A_546 = arith.select %eq3A_542, %select_n3A_544, %select_n3A_545 : vector<16xi1>, vector<16xf32>
      %select_n3A_547 = arith.select %ge3A_543, %select_n3A_527, %gather3A_536 : vector<16xi1>, vector<16xi32>
      %select_n3A_548 = arith.select %ge3A_543, %gather3A_536, %select_n3A_527 : vector<16xi1>, vector<16xi32>
      %select_n3A_549 = arith.select %eq3A_542, %select_n3A_547, %select_n3A_548 : vector<16xi1>, vector<16xi32>
      %xor3A_550 = arith.constant 1 : i32
      %xor3A_551 = vector.broadcast %xor3A_550 : i32 to vector<16xi32>
      %xor3A_552 = arith.xori %iota3A_483, %xor3A_551 : vector<16xi32>
      %broadcast_in_dim3A_553 = vector.shape_cast %xor3A_552 : vector<16xi32> to vector<16x1xi32>
      %gather3A_554 = vector.shape_cast %broadcast_in_dim3A_553 : vector<16x1xi32> to vector<16xi32>
      %gather3A_555 = tpu.dynamic_gather %select_n3A_546[%gather3A_554] in [0] : vector<16xf32>, vector<16xi32> -> vector<16xf32>
      %broadcast_in_dim3A_556 = vector.shape_cast %xor3A_552 : vector<16xi32> to vector<16x1xi32>
      %gather3A_557 = vector.shape_cast %broadcast_in_dim3A_556 : vector<16x1xi32> to vector<16xi32>
      %gather3A_558 = tpu.dynamic_gather %select_n3A_549[%gather3A_557] in [0] : vector<16xi32>, vector<16xi32> -> vector<16xi32>
      %and3A_559 = arith.constant 1 : i32
      %and3A_560 = vector.broadcast %and3A_559 : i32 to vector<16xi32>
      %and3A_561 = arith.andi %iota3A_483, %and3A_560 : vector<16xi32>
      %eq3A_562 = arith.constant 0 : i32
      %eq3A_563 = vector.broadcast %eq3A_562 : i32 to vector<16xi32>
      %eq3A_564 = arith.cmpi eq, %and3A_561, %eq3A_563 : vector<16xi32>
      %ge3A_565 = arith.cmpf oge, %select_n3A_546, %gather3A_555 : vector<16xf32>
      %select_n3A_566 = arith.select %ge3A_565, %select_n3A_546, %gather3A_555 : vector<16xi1>, vector<16xf32>
      %select_n3A_567 = arith.select %ge3A_565, %gather3A_555, %select_n3A_546 : vector<16xi1>, vector<16xf32>
      %select_n3A_568 = arith.select %eq3A_564, %select_n3A_566, %select_n3A_567 : vector<16xi1>, vector<16xf32>
      %select_n3A_569 = arith.select %ge3A_565, %select_n3A_549, %gather3A_558 : vector<16xi1>, vector<16xi32>
      %select_n3A_570 = arith.select %ge3A_565, %gather3A_558, %select_n3A_549 : vector<16xi1>, vector<16xi32>
      %select_n3A_571 = arith.select %eq3A_564, %select_n3A_569, %select_n3A_570 : vector<16xi1>, vector<16xi32>
      %iota3A_572 = tpu.iota {dimensions = array<i32: 0>} : vector<16xi32>
      %xor3A_573 = arith.constant 8 : i32
      %xor3A_574 = vector.broadcast %xor3A_573 : i32 to vector<16xi32>
      %xor3A_575 = arith.xori %iota3A_572, %xor3A_574 : vector<16xi32>
      %broadcast_in_dim3A_576 = vector.shape_cast %xor3A_575 : vector<16xi32> to vector<16x1xi32>
      %gather3A_577 = vector.shape_cast %broadcast_in_dim3A_576 : vector<16x1xi32> to vector<16xi32>
      %gather3A_578 = tpu.dynamic_gather %select_n3A_481[%gather3A_577] in [0] : vector<16xf32>, vector<16xi32> -> vector<16xf32>
      %broadcast_in_dim3A_579 = vector.shape_cast %xor3A_575 : vector<16xi32> to vector<16x1xi32>
      %gather3A_580 = vector.shape_cast %broadcast_in_dim3A_579 : vector<16x1xi32> to vector<16xi32>
      %gather3A_581 = tpu.dynamic_gather %select_n3A_482[%gather3A_580] in [0] : vector<16xi32>, vector<16xi32> -> vector<16xi32>
      %and3A_582 = arith.constant 8 : i32
      %and3A_583 = vector.broadcast %and3A_582 : i32 to vector<16xi32>
      %and3A_584 = arith.andi %iota3A_572, %and3A_583 : vector<16xi32>
      %eq3A_585 = arith.constant 0 : i32
      %eq3A_586 = vector.broadcast %eq3A_585 : i32 to vector<16xi32>
      %eq3A_587 = arith.cmpi eq, %and3A_584, %eq3A_586 : vector<16xi32>
      %ge3A_588 = arith.cmpf oge, %select_n3A_481, %gather3A_578 : vector<16xf32>
      %select_n3A_589 = arith.select %ge3A_588, %select_n3A_481, %gather3A_578 : vector<16xi1>, vector<16xf32>
      %select_n3A_590 = arith.select %ge3A_588, %gather3A_578, %select_n3A_481 : vector<16xi1>, vector<16xf32>
      %select_n3A_591 = arith.select %eq3A_587, %select_n3A_589, %select_n3A_590 : vector<16xi1>, vector<16xf32>
      %select_n3A_592 = arith.select %ge3A_588, %select_n3A_482, %gather3A_581 : vector<16xi1>, vector<16xi32>
      %select_n3A_593 = arith.select %ge3A_588, %gather3A_581, %select_n3A_482 : vector<16xi1>, vector<16xi32>
      %select_n3A_594 = arith.select %eq3A_587, %select_n3A_592, %select_n3A_593 : vector<16xi1>, vector<16xi32>
      %xor3A_595 = arith.constant 4 : i32
      %xor3A_596 = vector.broadcast %xor3A_595 : i32 to vector<16xi32>
      %xor3A_597 = arith.xori %iota3A_572, %xor3A_596 : vector<16xi32>
      %broadcast_in_dim3A_598 = vector.shape_cast %xor3A_597 : vector<16xi32> to vector<16x1xi32>
      %gather3A_599 = vector.shape_cast %broadcast_in_dim3A_598 : vector<16x1xi32> to vector<16xi32>
      %gather3A_600 = tpu.dynamic_gather %select_n3A_591[%gather3A_599] in [0] : vector<16xf32>, vector<16xi32> -> vector<16xf32>
      %broadcast_in_dim3A_601 = vector.shape_cast %xor3A_597 : vector<16xi32> to vector<16x1xi32>
      %gather3A_602 = vector.shape_cast %broadcast_in_dim3A_601 : vector<16x1xi32> to vector<16xi32>
      %gather3A_603 = tpu.dynamic_gather %select_n3A_594[%gather3A_602] in [0] : vector<16xi32>, vector<16xi32> -> vector<16xi32>
      %and3A_604 = arith.constant 4 : i32
      %and3A_605 = vector.broadcast %and3A_604 : i32 to vector<16xi32>
      %and3A_606 = arith.andi %iota3A_572, %and3A_605 : vector<16xi32>
      %eq3A_607 = arith.constant 0 : i32
      %eq3A_608 = vector.broadcast %eq3A_607 : i32 to vector<16xi32>
      %eq3A_609 = arith.cmpi eq, %and3A_606, %eq3A_608 : vector<16xi32>
      %ge3A_610 = arith.cmpf oge, %select_n3A_591, %gather3A_600 : vector<16xf32>
      %select_n3A_611 = arith.select %ge3A_610, %select_n3A_591, %gather3A_600 : vector<16xi1>, vector<16xf32>
      %select_n3A_612 = arith.select %ge3A_610, %gather3A_600, %select_n3A_591 : vector<16xi1>, vector<16xf32>
      %select_n3A_613 = arith.select %eq3A_609, %select_n3A_611, %select_n3A_612 : vector<16xi1>, vector<16xf32>
      %select_n3A_614 = arith.select %ge3A_610, %select_n3A_594, %gather3A_603 : vector<16xi1>, vector<16xi32>
      %select_n3A_615 = arith.select %ge3A_610, %gather3A_603, %select_n3A_594 : vector<16xi1>, vector<16xi32>
      %select_n3A_616 = arith.select %eq3A_609, %select_n3A_614, %select_n3A_615 : vector<16xi1>, vector<16xi32>
      %xor3A_617 = arith.constant 2 : i32
      %xor3A_618 = vector.broadcast %xor3A_617 : i32 to vector<16xi32>
      %xor3A_619 = arith.xori %iota3A_572, %xor3A_618 : vector<16xi32>
      %broadcast_in_dim3A_620 = vector.shape_cast %xor3A_619 : vector<16xi32> to vector<16x1xi32>
      %gather3A_621 = vector.shape_cast %broadcast_in_dim3A_620 : vector<16x1xi32> to vector<16xi32>
      %gather3A_622 = tpu.dynamic_gather %select_n3A_613[%gather3A_621] in [0] : vector<16xf32>, vector<16xi32> -> vector<16xf32>
      %broadcast_in_dim3A_623 = vector.shape_cast %xor3A_619 : vector<16xi32> to vector<16x1xi32>
      %gather3A_624 = vector.shape_cast %broadcast_in_dim3A_623 : vector<16x1xi32> to vector<16xi32>
      %gather3A_625 = tpu.dynamic_gather %select_n3A_616[%gather3A_624] in [0] : vector<16xi32>, vector<16xi32> -> vector<16xi32>
      %and3A_626 = arith.constant 2 : i32
      %and3A_627 = vector.broadcast %and3A_626 : i32 to vector<16xi32>
      %and3A_628 = arith.andi %iota3A_572, %and3A_627 : vector<16xi32>
      %eq3A_629 = arith.constant 0 : i32
      %eq3A_630 = vector.broadcast %eq3A_629 : i32 to vector<16xi32>
      %eq3A_631 = arith.cmpi eq, %and3A_628, %eq3A_630 : vector<16xi32>
      %ge3A_632 = arith.cmpf oge, %select_n3A_613, %gather3A_622 : vector<16xf32>
      %select_n3A_633 = arith.select %ge3A_632, %select_n3A_613, %gather3A_622 : vector<16xi1>, vector<16xf32>
      %select_n3A_634 = arith.select %ge3A_632, %gather3A_622, %select_n3A_613 : vector<16xi1>, vector<16xf32>
      %select_n3A_635 = arith.select %eq3A_631, %select_n3A_633, %select_n3A_634 : vector<16xi1>, vector<16xf32>
      %select_n3A_636 = arith.select %ge3A_632, %select_n3A_616, %gather3A_625 : vector<16xi1>, vector<16xi32>
      %select_n3A_637 = arith.select %ge3A_632, %gather3A_625, %select_n3A_616 : vector<16xi1>, vector<16xi32>
      %select_n3A_638 = arith.select %eq3A_631, %select_n3A_636, %select_n3A_637 : vector<16xi1>, vector<16xi32>
      %xor3A_639 = arith.constant 1 : i32
      %xor3A_640 = vector.broadcast %xor3A_639 : i32 to vector<16xi32>
      %xor3A_641 = arith.xori %iota3A_572, %xor3A_640 : vector<16xi32>
      %broadcast_in_dim3A_642 = vector.shape_cast %xor3A_641 : vector<16xi32> to vector<16x1xi32>
      %gather3A_643 = vector.shape_cast %broadcast_in_dim3A_642 : vector<16x1xi32> to vector<16xi32>
      %gather3A_644 = tpu.dynamic_gather %select_n3A_635[%gather3A_643] in [0] : vector<16xf32>, vector<16xi32> -> vector<16xf32>
      %broadcast_in_dim3A_645 = vector.shape_cast %xor3A_641 : vector<16xi32> to vector<16x1xi32>
      %gather3A_646 = vector.shape_cast %broadcast_in_dim3A_645 : vector<16x1xi32> to vector<16xi32>
      %gather3A_647 = tpu.dynamic_gather %select_n3A_638[%gather3A_646] in [0] : vector<16xi32>, vector<16xi32> -> vector<16xi32>
      %and3A_648 = arith.constant 1 : i32
      %and3A_649 = vector.broadcast %and3A_648 : i32 to vector<16xi32>
      %and3A_650 = arith.andi %iota3A_572, %and3A_649 : vector<16xi32>
      %eq3A_651 = arith.constant 0 : i32
      %eq3A_652 = vector.broadcast %eq3A_651 : i32 to vector<16xi32>
      %eq3A_653 = arith.cmpi eq, %and3A_650, %eq3A_652 : vector<16xi32>
      %ge3A_654 = arith.cmpf oge, %select_n3A_635, %gather3A_644 : vector<16xf32>
      %select_n3A_655 = arith.select %ge3A_654, %select_n3A_635, %gather3A_644 : vector<16xi1>, vector<16xf32>
      %select_n3A_656 = arith.select %ge3A_654, %gather3A_644, %select_n3A_635 : vector<16xi1>, vector<16xf32>
      %select_n3A_657 = arith.select %eq3A_653, %select_n3A_655, %select_n3A_656 : vector<16xi1>, vector<16xf32>
      %select_n3A_658 = arith.select %ge3A_654, %select_n3A_638, %gather3A_647 : vector<16xi1>, vector<16xi32>
      %select_n3A_659 = arith.select %ge3A_654, %gather3A_647, %select_n3A_638 : vector<16xi1>, vector<16xi32>
      %select_n3A_660 = arith.select %eq3A_653, %select_n3A_658, %select_n3A_659 : vector<16xi1>, vector<16xi32>
      %neg3A_661 = arith.constant 0.000000e+00 : f32
      %neg3A_662 = vector.broadcast %neg3A_661 : f32 to vector<16xf32>
      %neg3A_663 = arith.subf %neg3A_662, %get3A_28 : vector<16xf32>
      %sort3A_664 = arith.constant dense<true> : vector<16xi1>
      %sort3A_665, %sort3A_666, %sort3A_667 = tpu.sort %neg3A_663, %iota3A masked %sort3A_664 : (vector<16xf32>, vector<16xi32>, vector<16xi1>) -> (vector<16xi1>, vector<16xf32>, vector<16xi32>)
      %neg3A_668 = arith.constant 0.000000e+00 : f32
      %neg3A_669 = vector.broadcast %neg3A_668 : f32 to vector<16xf32>
      %neg3A_670 = arith.subf %neg3A_669, %get3A_30 : vector<16xf32>
      %sort3A_671 = arith.constant dense<true> : vector<16xi1>
      %sort3A_672, %sort3A_673, %sort3A_674 = tpu.sort %neg3A_670, %iota3A masked %sort3A_671 : (vector<16xf32>, vector<16xi32>, vector<16xi1>) -> (vector<16xi1>, vector<16xf32>, vector<16xi32>)
      %neg3A_675 = arith.constant 0.000000e+00 : f32
      %neg3A_676 = vector.broadcast %neg3A_675 : f32 to vector<16xf32>
      %neg3A_677 = arith.subf %neg3A_676, %sort3A_666 : vector<16xf32>
      %neg3A_678 = arith.constant 0.000000e+00 : f32
      %neg3A_679 = vector.broadcast %neg3A_678 : f32 to vector<16xf32>
      %neg3A_680 = arith.subf %neg3A_679, %sort3A_673 : vector<16xf32>
      %rev3A_681 = arith.constant 15 : i32
      %rev3A_682 = vector.broadcast %rev3A_681 : i32 to vector<16xi32>
      %rev3A_683 = tpu.iota {dimensions = array<i32: 0>} : vector<16xi32>
      %rev3A_684 = arith.subi %rev3A_682, %rev3A_683 : vector<16xi32>
      %rev3A_685 = tpu.dynamic_gather %neg3A_680[%rev3A_684] in [0] : vector<16xf32>, vector<16xi32> -> vector<16xf32>
      %rev3A_686 = arith.constant 15 : i32
      %rev3A_687 = vector.broadcast %rev3A_686 : i32 to vector<16xi32>
      %rev3A_688 = tpu.iota {dimensions = array<i32: 0>} : vector<16xi32>
      %rev3A_689 = arith.subi %rev3A_687, %rev3A_688 : vector<16xi32>
      %rev3A_690 = tpu.dynamic_gather %sort3A_674[%rev3A_689] in [0] : vector<16xi32>, vector<16xi32> -> vector<16xi32>
      %ge3A_691 = arith.cmpf oge, %neg3A_677, %rev3A_685 : vector<16xf32>
      %select_n3A_692 = arith.select %ge3A_691, %neg3A_677, %rev3A_685 : vector<16xi1>, vector<16xf32>
      %select_n3A_693 = arith.select %ge3A_691, %sort3A_667, %rev3A_690 : vector<16xi1>, vector<16xi32>
      %select_n3A_694 = arith.select %ge3A_691, %rev3A_685, %neg3A_677 : vector<16xi1>, vector<16xf32>
      %select_n3A_695 = arith.select %ge3A_691, %rev3A_690, %sort3A_667 : vector<16xi1>, vector<16xi32>
      %iota3A_696 = tpu.iota {dimensions = array<i32: 0>} : vector<16xi32>
      %xor3A_697 = arith.constant 8 : i32
      %xor3A_698 = vector.broadcast %xor3A_697 : i32 to vector<16xi32>
      %xor3A_699 = arith.xori %iota3A_696, %xor3A_698 : vector<16xi32>
      %broadcast_in_dim3A_700 = vector.shape_cast %xor3A_699 : vector<16xi32> to vector<16x1xi32>
      %gather3A_701 = vector.shape_cast %broadcast_in_dim3A_700 : vector<16x1xi32> to vector<16xi32>
      %gather3A_702 = tpu.dynamic_gather %select_n3A_692[%gather3A_701] in [0] : vector<16xf32>, vector<16xi32> -> vector<16xf32>
      %broadcast_in_dim3A_703 = vector.shape_cast %xor3A_699 : vector<16xi32> to vector<16x1xi32>
      %gather3A_704 = vector.shape_cast %broadcast_in_dim3A_703 : vector<16x1xi32> to vector<16xi32>
      %gather3A_705 = tpu.dynamic_gather %select_n3A_693[%gather3A_704] in [0] : vector<16xi32>, vector<16xi32> -> vector<16xi32>
      %and3A_706 = arith.constant 8 : i32
      %and3A_707 = vector.broadcast %and3A_706 : i32 to vector<16xi32>
      %and3A_708 = arith.andi %iota3A_696, %and3A_707 : vector<16xi32>
      %eq3A_709 = arith.constant 0 : i32
      %eq3A_710 = vector.broadcast %eq3A_709 : i32 to vector<16xi32>
      %eq3A_711 = arith.cmpi eq, %and3A_708, %eq3A_710 : vector<16xi32>
      %ge3A_712 = arith.cmpf oge, %select_n3A_692, %gather3A_702 : vector<16xf32>
      %select_n3A_713 = arith.select %ge3A_712, %select_n3A_692, %gather3A_702 : vector<16xi1>, vector<16xf32>
      %select_n3A_714 = arith.select %ge3A_712, %gather3A_702, %select_n3A_692 : vector<16xi1>, vector<16xf32>
      %select_n3A_715 = arith.select %eq3A_711, %select_n3A_713, %select_n3A_714 : vector<16xi1>, vector<16xf32>
      %select_n3A_716 = arith.select %ge3A_712, %select_n3A_693, %gather3A_705 : vector<16xi1>, vector<16xi32>
      %select_n3A_717 = arith.select %ge3A_712, %gather3A_705, %select_n3A_693 : vector<16xi1>, vector<16xi32>
      %select_n3A_718 = arith.select %eq3A_711, %select_n3A_716, %select_n3A_717 : vector<16xi1>, vector<16xi32>
      %xor3A_719 = arith.constant 4 : i32
      %xor3A_720 = vector.broadcast %xor3A_719 : i32 to vector<16xi32>
      %xor3A_721 = arith.xori %iota3A_696, %xor3A_720 : vector<16xi32>
      %broadcast_in_dim3A_722 = vector.shape_cast %xor3A_721 : vector<16xi32> to vector<16x1xi32>
      %gather3A_723 = vector.shape_cast %broadcast_in_dim3A_722 : vector<16x1xi32> to vector<16xi32>
      %gather3A_724 = tpu.dynamic_gather %select_n3A_715[%gather3A_723] in [0] : vector<16xf32>, vector<16xi32> -> vector<16xf32>
      %broadcast_in_dim3A_725 = vector.shape_cast %xor3A_721 : vector<16xi32> to vector<16x1xi32>
      %gather3A_726 = vector.shape_cast %broadcast_in_dim3A_725 : vector<16x1xi32> to vector<16xi32>
      %gather3A_727 = tpu.dynamic_gather %select_n3A_718[%gather3A_726] in [0] : vector<16xi32>, vector<16xi32> -> vector<16xi32>
      %and3A_728 = arith.constant 4 : i32
      %and3A_729 = vector.broadcast %and3A_728 : i32 to vector<16xi32>
      %and3A_730 = arith.andi %iota3A_696, %and3A_729 : vector<16xi32>
      %eq3A_731 = arith.constant 0 : i32
      %eq3A_732 = vector.broadcast %eq3A_731 : i32 to vector<16xi32>
      %eq3A_733 = arith.cmpi eq, %and3A_730, %eq3A_732 : vector<16xi32>
      %ge3A_734 = arith.cmpf oge, %select_n3A_715, %gather3A_724 : vector<16xf32>
      %select_n3A_735 = arith.select %ge3A_734, %select_n3A_715, %gather3A_724 : vector<16xi1>, vector<16xf32>
      %select_n3A_736 = arith.select %ge3A_734, %gather3A_724, %select_n3A_715 : vector<16xi1>, vector<16xf32>
      %select_n3A_737 = arith.select %eq3A_733, %select_n3A_735, %select_n3A_736 : vector<16xi1>, vector<16xf32>
      %select_n3A_738 = arith.select %ge3A_734, %select_n3A_718, %gather3A_727 : vector<16xi1>, vector<16xi32>
      %select_n3A_739 = arith.select %ge3A_734, %gather3A_727, %select_n3A_718 : vector<16xi1>, vector<16xi32>
      %select_n3A_740 = arith.select %eq3A_733, %select_n3A_738, %select_n3A_739 : vector<16xi1>, vector<16xi32>
      %xor3A_741 = arith.constant 2 : i32
      %xor3A_742 = vector.broadcast %xor3A_741 : i32 to vector<16xi32>
      %xor3A_743 = arith.xori %iota3A_696, %xor3A_742 : vector<16xi32>
      %broadcast_in_dim3A_744 = vector.shape_cast %xor3A_743 : vector<16xi32> to vector<16x1xi32>
      %gather3A_745 = vector.shape_cast %broadcast_in_dim3A_744 : vector<16x1xi32> to vector<16xi32>
      %gather3A_746 = tpu.dynamic_gather %select_n3A_737[%gather3A_745] in [0] : vector<16xf32>, vector<16xi32> -> vector<16xf32>
      %broadcast_in_dim3A_747 = vector.shape_cast %xor3A_743 : vector<16xi32> to vector<16x1xi32>
      %gather3A_748 = vector.shape_cast %broadcast_in_dim3A_747 : vector<16x1xi32> to vector<16xi32>
      %gather3A_749 = tpu.dynamic_gather %select_n3A_740[%gather3A_748] in [0] : vector<16xi32>, vector<16xi32> -> vector<16xi32>
      %and3A_750 = arith.constant 2 : i32
      %and3A_751 = vector.broadcast %and3A_750 : i32 to vector<16xi32>
      %and3A_752 = arith.andi %iota3A_696, %and3A_751 : vector<16xi32>
      %eq3A_753 = arith.constant 0 : i32
      %eq3A_754 = vector.broadcast %eq3A_753 : i32 to vector<16xi32>
      %eq3A_755 = arith.cmpi eq, %and3A_752, %eq3A_754 : vector<16xi32>
      %ge3A_756 = arith.cmpf oge, %select_n3A_737, %gather3A_746 : vector<16xf32>
      %select_n3A_757 = arith.select %ge3A_756, %select_n3A_737, %gather3A_746 : vector<16xi1>, vector<16xf32>
      %select_n3A_758 = arith.select %ge3A_756, %gather3A_746, %select_n3A_737 : vector<16xi1>, vector<16xf32>
      %select_n3A_759 = arith.select %eq3A_755, %select_n3A_757, %select_n3A_758 : vector<16xi1>, vector<16xf32>
      %select_n3A_760 = arith.select %ge3A_756, %select_n3A_740, %gather3A_749 : vector<16xi1>, vector<16xi32>
      %select_n3A_761 = arith.select %ge3A_756, %gather3A_749, %select_n3A_740 : vector<16xi1>, vector<16xi32>
      %select_n3A_762 = arith.select %eq3A_755, %select_n3A_760, %select_n3A_761 : vector<16xi1>, vector<16xi32>
      %xor3A_763 = arith.constant 1 : i32
      %xor3A_764 = vector.broadcast %xor3A_763 : i32 to vector<16xi32>
      %xor3A_765 = arith.xori %iota3A_696, %xor3A_764 : vector<16xi32>
      %broadcast_in_dim3A_766 = vector.shape_cast %xor3A_765 : vector<16xi32> to vector<16x1xi32>
      %gather3A_767 = vector.shape_cast %broadcast_in_dim3A_766 : vector<16x1xi32> to vector<16xi32>
      %gather3A_768 = tpu.dynamic_gather %select_n3A_759[%gather3A_767] in [0] : vector<16xf32>, vector<16xi32> -> vector<16xf32>
      %broadcast_in_dim3A_769 = vector.shape_cast %xor3A_765 : vector<16xi32> to vector<16x1xi32>
      %gather3A_770 = vector.shape_cast %broadcast_in_dim3A_769 : vector<16x1xi32> to vector<16xi32>
      %gather3A_771 = tpu.dynamic_gather %select_n3A_762[%gather3A_770] in [0] : vector<16xi32>, vector<16xi32> -> vector<16xi32>
      %and3A_772 = arith.constant 1 : i32
      %and3A_773 = vector.broadcast %and3A_772 : i32 to vector<16xi32>
      %and3A_774 = arith.andi %iota3A_696, %and3A_773 : vector<16xi32>
      %eq3A_775 = arith.constant 0 : i32
      %eq3A_776 = vector.broadcast %eq3A_775 : i32 to vector<16xi32>
      %eq3A_777 = arith.cmpi eq, %and3A_774, %eq3A_776 : vector<16xi32>
      %ge3A_778 = arith.cmpf oge, %select_n3A_759, %gather3A_768 : vector<16xf32>
      %select_n3A_779 = arith.select %ge3A_778, %select_n3A_759, %gather3A_768 : vector<16xi1>, vector<16xf32>
      %select_n3A_780 = arith.select %ge3A_778, %gather3A_768, %select_n3A_759 : vector<16xi1>, vector<16xf32>
      %select_n3A_781 = arith.select %eq3A_777, %select_n3A_779, %select_n3A_780 : vector<16xi1>, vector<16xf32>
      %select_n3A_782 = arith.select %ge3A_778, %select_n3A_762, %gather3A_771 : vector<16xi1>, vector<16xi32>
      %select_n3A_783 = arith.select %ge3A_778, %gather3A_771, %select_n3A_762 : vector<16xi1>, vector<16xi32>
      %select_n3A_784 = arith.select %eq3A_777, %select_n3A_782, %select_n3A_783 : vector<16xi1>, vector<16xi32>
      %iota3A_785 = tpu.iota {dimensions = array<i32: 0>} : vector<16xi32>
      %xor3A_786 = arith.constant 8 : i32
      %xor3A_787 = vector.broadcast %xor3A_786 : i32 to vector<16xi32>
      %xor3A_788 = arith.xori %iota3A_785, %xor3A_787 : vector<16xi32>
      %broadcast_in_dim3A_789 = vector.shape_cast %xor3A_788 : vector<16xi32> to vector<16x1xi32>
      %gather3A_790 = vector.shape_cast %broadcast_in_dim3A_789 : vector<16x1xi32> to vector<16xi32>
      %gather3A_791 = tpu.dynamic_gather %select_n3A_694[%gather3A_790] in [0] : vector<16xf32>, vector<16xi32> -> vector<16xf32>
      %broadcast_in_dim3A_792 = vector.shape_cast %xor3A_788 : vector<16xi32> to vector<16x1xi32>
      %gather3A_793 = vector.shape_cast %broadcast_in_dim3A_792 : vector<16x1xi32> to vector<16xi32>
      %gather3A_794 = tpu.dynamic_gather %select_n3A_695[%gather3A_793] in [0] : vector<16xi32>, vector<16xi32> -> vector<16xi32>
      %and3A_795 = arith.constant 8 : i32
      %and3A_796 = vector.broadcast %and3A_795 : i32 to vector<16xi32>
      %and3A_797 = arith.andi %iota3A_785, %and3A_796 : vector<16xi32>
      %eq3A_798 = arith.constant 0 : i32
      %eq3A_799 = vector.broadcast %eq3A_798 : i32 to vector<16xi32>
      %eq3A_800 = arith.cmpi eq, %and3A_797, %eq3A_799 : vector<16xi32>
      %ge3A_801 = arith.cmpf oge, %select_n3A_694, %gather3A_791 : vector<16xf32>
      %select_n3A_802 = arith.select %ge3A_801, %select_n3A_694, %gather3A_791 : vector<16xi1>, vector<16xf32>
      %select_n3A_803 = arith.select %ge3A_801, %gather3A_791, %select_n3A_694 : vector<16xi1>, vector<16xf32>
      %select_n3A_804 = arith.select %eq3A_800, %select_n3A_802, %select_n3A_803 : vector<16xi1>, vector<16xf32>
      %select_n3A_805 = arith.select %ge3A_801, %select_n3A_695, %gather3A_794 : vector<16xi1>, vector<16xi32>
      %select_n3A_806 = arith.select %ge3A_801, %gather3A_794, %select_n3A_695 : vector<16xi1>, vector<16xi32>
      %select_n3A_807 = arith.select %eq3A_800, %select_n3A_805, %select_n3A_806 : vector<16xi1>, vector<16xi32>
      %xor3A_808 = arith.constant 4 : i32
      %xor3A_809 = vector.broadcast %xor3A_808 : i32 to vector<16xi32>
      %xor3A_810 = arith.xori %iota3A_785, %xor3A_809 : vector<16xi32>
      %broadcast_in_dim3A_811 = vector.shape_cast %xor3A_810 : vector<16xi32> to vector<16x1xi32>
      %gather3A_812 = vector.shape_cast %broadcast_in_dim3A_811 : vector<16x1xi32> to vector<16xi32>
      %gather3A_813 = tpu.dynamic_gather %select_n3A_804[%gather3A_812] in [0] : vector<16xf32>, vector<16xi32> -> vector<16xf32>
      %broadcast_in_dim3A_814 = vector.shape_cast %xor3A_810 : vector<16xi32> to vector<16x1xi32>
      %gather3A_815 = vector.shape_cast %broadcast_in_dim3A_814 : vector<16x1xi32> to vector<16xi32>
      %gather3A_816 = tpu.dynamic_gather %select_n3A_807[%gather3A_815] in [0] : vector<16xi32>, vector<16xi32> -> vector<16xi32>
      %and3A_817 = arith.constant 4 : i32
      %and3A_818 = vector.broadcast %and3A_817 : i32 to vector<16xi32>
      %and3A_819 = arith.andi %iota3A_785, %and3A_818 : vector<16xi32>
      %eq3A_820 = arith.constant 0 : i32
      %eq3A_821 = vector.broadcast %eq3A_820 : i32 to vector<16xi32>
      %eq3A_822 = arith.cmpi eq, %and3A_819, %eq3A_821 : vector<16xi32>
      %ge3A_823 = arith.cmpf oge, %select_n3A_804, %gather3A_813 : vector<16xf32>
      %select_n3A_824 = arith.select %ge3A_823, %select_n3A_804, %gather3A_813 : vector<16xi1>, vector<16xf32>
      %select_n3A_825 = arith.select %ge3A_823, %gather3A_813, %select_n3A_804 : vector<16xi1>, vector<16xf32>
      %select_n3A_826 = arith.select %eq3A_822, %select_n3A_824, %select_n3A_825 : vector<16xi1>, vector<16xf32>
      %select_n3A_827 = arith.select %ge3A_823, %select_n3A_807, %gather3A_816 : vector<16xi1>, vector<16xi32>
      %select_n3A_828 = arith.select %ge3A_823, %gather3A_816, %select_n3A_807 : vector<16xi1>, vector<16xi32>
      %select_n3A_829 = arith.select %eq3A_822, %select_n3A_827, %select_n3A_828 : vector<16xi1>, vector<16xi32>
      %xor3A_830 = arith.constant 2 : i32
      %xor3A_831 = vector.broadcast %xor3A_830 : i32 to vector<16xi32>
      %xor3A_832 = arith.xori %iota3A_785, %xor3A_831 : vector<16xi32>
      %broadcast_in_dim3A_833 = vector.shape_cast %xor3A_832 : vector<16xi32> to vector<16x1xi32>
      %gather3A_834 = vector.shape_cast %broadcast_in_dim3A_833 : vector<16x1xi32> to vector<16xi32>
      %gather3A_835 = tpu.dynamic_gather %select_n3A_826[%gather3A_834] in [0] : vector<16xf32>, vector<16xi32> -> vector<16xf32>
      %broadcast_in_dim3A_836 = vector.shape_cast %xor3A_832 : vector<16xi32> to vector<16x1xi32>
      %gather3A_837 = vector.shape_cast %broadcast_in_dim3A_836 : vector<16x1xi32> to vector<16xi32>
      %gather3A_838 = tpu.dynamic_gather %select_n3A_829[%gather3A_837] in [0] : vector<16xi32>, vector<16xi32> -> vector<16xi32>
      %and3A_839 = arith.constant 2 : i32
      %and3A_840 = vector.broadcast %and3A_839 : i32 to vector<16xi32>
      %and3A_841 = arith.andi %iota3A_785, %and3A_840 : vector<16xi32>
      %eq3A_842 = arith.constant 0 : i32
      %eq3A_843 = vector.broadcast %eq3A_842 : i32 to vector<16xi32>
      %eq3A_844 = arith.cmpi eq, %and3A_841, %eq3A_843 : vector<16xi32>
      %ge3A_845 = arith.cmpf oge, %select_n3A_826, %gather3A_835 : vector<16xf32>
      %select_n3A_846 = arith.select %ge3A_845, %select_n3A_826, %gather3A_835 : vector<16xi1>, vector<16xf32>
      %select_n3A_847 = arith.select %ge3A_845, %gather3A_835, %select_n3A_826 : vector<16xi1>, vector<16xf32>
      %select_n3A_848 = arith.select %eq3A_844, %select_n3A_846, %select_n3A_847 : vector<16xi1>, vector<16xf32>
      %select_n3A_849 = arith.select %ge3A_845, %select_n3A_829, %gather3A_838 : vector<16xi1>, vector<16xi32>
      %select_n3A_850 = arith.select %ge3A_845, %gather3A_838, %select_n3A_829 : vector<16xi1>, vector<16xi32>
      %select_n3A_851 = arith.select %eq3A_844, %select_n3A_849, %select_n3A_850 : vector<16xi1>, vector<16xi32>
      %xor3A_852 = arith.constant 1 : i32
      %xor3A_853 = vector.broadcast %xor3A_852 : i32 to vector<16xi32>
      %xor3A_854 = arith.xori %iota3A_785, %xor3A_853 : vector<16xi32>
      %broadcast_in_dim3A_855 = vector.shape_cast %xor3A_854 : vector<16xi32> to vector<16x1xi32>
      %gather3A_856 = vector.shape_cast %broadcast_in_dim3A_855 : vector<16x1xi32> to vector<16xi32>
      %gather3A_857 = tpu.dynamic_gather %select_n3A_848[%gather3A_856] in [0] : vector<16xf32>, vector<16xi32> -> vector<16xf32>
      %broadcast_in_dim3A_858 = vector.shape_cast %xor3A_854 : vector<16xi32> to vector<16x1xi32>
      %gather3A_859 = vector.shape_cast %broadcast_in_dim3A_858 : vector<16x1xi32> to vector<16xi32>
      %gather3A_860 = tpu.dynamic_gather %select_n3A_851[%gather3A_859] in [0] : vector<16xi32>, vector<16xi32> -> vector<16xi32>
      %and3A_861 = arith.constant 1 : i32
      %and3A_862 = vector.broadcast %and3A_861 : i32 to vector<16xi32>
      %and3A_863 = arith.andi %iota3A_785, %and3A_862 : vector<16xi32>
      %eq3A_864 = arith.constant 0 : i32
      %eq3A_865 = vector.broadcast %eq3A_864 : i32 to vector<16xi32>
      %eq3A_866 = arith.cmpi eq, %and3A_863, %eq3A_865 : vector<16xi32>
      %ge3A_867 = arith.cmpf oge, %select_n3A_848, %gather3A_857 : vector<16xf32>
      %select_n3A_868 = arith.select %ge3A_867, %select_n3A_848, %gather3A_857 : vector<16xi1>, vector<16xf32>
      %select_n3A_869 = arith.select %ge3A_867, %gather3A_857, %select_n3A_848 : vector<16xi1>, vector<16xf32>
      %select_n3A_870 = arith.select %eq3A_866, %select_n3A_868, %select_n3A_869 : vector<16xi1>, vector<16xf32>
      %select_n3A_871 = arith.select %ge3A_867, %select_n3A_851, %gather3A_860 : vector<16xi1>, vector<16xi32>
      %select_n3A_872 = arith.select %ge3A_867, %gather3A_860, %select_n3A_851 : vector<16xi1>, vector<16xi32>
      %select_n3A_873 = arith.select %eq3A_866, %select_n3A_871, %select_n3A_872 : vector<16xi1>, vector<16xi32>
      %rev3A_874 = arith.constant 15 : i32
      %rev3A_875 = vector.broadcast %rev3A_874 : i32 to vector<16xi32>
      %rev3A_876 = tpu.iota {dimensions = array<i32: 0>} : vector<16xi32>
      %rev3A_877 = arith.subi %rev3A_875, %rev3A_876 : vector<16xi32>
      %rev3A_878 = tpu.dynamic_gather %select_n3A_870[%rev3A_877] in [0] : vector<16xf32>, vector<16xi32> -> vector<16xf32>
      %rev3A_879 = arith.constant 15 : i32
      %rev3A_880 = vector.broadcast %rev3A_879 : i32 to vector<16xi32>
      %rev3A_881 = tpu.iota {dimensions = array<i32: 0>} : vector<16xi32>
      %rev3A_882 = arith.subi %rev3A_880, %rev3A_881 : vector<16xi32>
      %rev3A_883 = tpu.dynamic_gather %select_n3A_873[%rev3A_882] in [0] : vector<16xi32>, vector<16xi32> -> vector<16xi32>
      %rev3A_884 = arith.constant 15 : i32
      %rev3A_885 = vector.broadcast %rev3A_884 : i32 to vector<16xi32>
      %rev3A_886 = tpu.iota {dimensions = array<i32: 0>} : vector<16xi32>
      %rev3A_887 = arith.subi %rev3A_885, %rev3A_886 : vector<16xi32>
      %rev3A_888 = tpu.dynamic_gather %select_n3A_781[%rev3A_887] in [0] : vector<16xf32>, vector<16xi32> -> vector<16xf32>
      %rev3A_889 = arith.constant 15 : i32
      %rev3A_890 = vector.broadcast %rev3A_889 : i32 to vector<16xi32>
      %rev3A_891 = tpu.iota {dimensions = array<i32: 0>} : vector<16xi32>
      %rev3A_892 = arith.subi %rev3A_890, %rev3A_891 : vector<16xi32>
      %rev3A_893 = tpu.dynamic_gather %select_n3A_784[%rev3A_892] in [0] : vector<16xi32>, vector<16xi32> -> vector<16xi32>
      %ge3A_894 = arith.cmpf oge, %select_n3A_568, %rev3A_878 : vector<16xf32>
      %select_n3A_895 = arith.select %ge3A_894, %select_n3A_568, %rev3A_878 : vector<16xi1>, vector<16xf32>
      %select_n3A_896 = arith.select %ge3A_894, %select_n3A_784, %rev3A_883 : vector<16xi1>, vector<16xi32>
      %ge3A_897 = arith.cmpf oge, %select_n3A_657, %rev3A_888 : vector<16xf32>
      %select_n3A_898 = arith.select %ge3A_897, %select_n3A_657, %rev3A_888 : vector<16xi1>, vector<16xf32>
      %select_n3A_899 = arith.select %ge3A_897, %select_n3A_873, %rev3A_893 : vector<16xi1>, vector<16xi32>
      %ge3A_900 = arith.cmpf oge, %select_n3A_895, %select_n3A_898 : vector<16xf32>
      %select_n3A_901 = arith.select %ge3A_900, %select_n3A_895, %select_n3A_898 : vector<16xi1>, vector<16xf32>
      %select_n3A_902 = arith.select %ge3A_900, %select_n3A_896, %select_n3A_899 : vector<16xi1>, vector<16xi32>
      %select_n3A_903 = arith.select %ge3A_900, %select_n3A_898, %select_n3A_895 : vector<16xi1>, vector<16xf32>
      %select_n3A_904 = arith.select %ge3A_900, %select_n3A_899, %select_n3A_896 : vector<16xi1>, vector<16xi32>
      %iota3A_905 = tpu.iota {dimensions = array<i32: 0>} : vector<16xi32>
      %xor3A_906 = arith.constant 8 : i32
      %xor3A_907 = vector.broadcast %xor3A_906 : i32 to vector<16xi32>
      %xor3A_908 = arith.xori %iota3A_905, %xor3A_907 : vector<16xi32>
      %broadcast_in_dim3A_909 = vector.shape_cast %xor3A_908 : vector<16xi32> to vector<16x1xi32>
      %gather3A_910 = vector.shape_cast %broadcast_in_dim3A_909 : vector<16x1xi32> to vector<16xi32>
      %gather3A_911 = tpu.dynamic_gather %select_n3A_901[%gather3A_910] in [0] : vector<16xf32>, vector<16xi32> -> vector<16xf32>
      %broadcast_in_dim3A_912 = vector.shape_cast %xor3A_908 : vector<16xi32> to vector<16x1xi32>
      %gather3A_913 = vector.shape_cast %broadcast_in_dim3A_912 : vector<16x1xi32> to vector<16xi32>
      %gather3A_914 = tpu.dynamic_gather %select_n3A_902[%gather3A_913] in [0] : vector<16xi32>, vector<16xi32> -> vector<16xi32>
      %and3A_915 = arith.constant 8 : i32
      %and3A_916 = vector.broadcast %and3A_915 : i32 to vector<16xi32>
      %and3A_917 = arith.andi %iota3A_905, %and3A_916 : vector<16xi32>
      %eq3A_918 = arith.constant 0 : i32
      %eq3A_919 = vector.broadcast %eq3A_918 : i32 to vector<16xi32>
      %eq3A_920 = arith.cmpi eq, %and3A_917, %eq3A_919 : vector<16xi32>
      %ge3A_921 = arith.cmpf oge, %select_n3A_901, %gather3A_911 : vector<16xf32>
      %select_n3A_922 = arith.select %ge3A_921, %select_n3A_901, %gather3A_911 : vector<16xi1>, vector<16xf32>
      %select_n3A_923 = arith.select %ge3A_921, %gather3A_911, %select_n3A_901 : vector<16xi1>, vector<16xf32>
      %select_n3A_924 = arith.select %eq3A_920, %select_n3A_922, %select_n3A_923 : vector<16xi1>, vector<16xf32>
      %select_n3A_925 = arith.select %ge3A_921, %select_n3A_902, %gather3A_914 : vector<16xi1>, vector<16xi32>
      %select_n3A_926 = arith.select %ge3A_921, %gather3A_914, %select_n3A_902 : vector<16xi1>, vector<16xi32>
      %select_n3A_927 = arith.select %eq3A_920, %select_n3A_925, %select_n3A_926 : vector<16xi1>, vector<16xi32>
      %xor3A_928 = arith.constant 4 : i32
      %xor3A_929 = vector.broadcast %xor3A_928 : i32 to vector<16xi32>
      %xor3A_930 = arith.xori %iota3A_905, %xor3A_929 : vector<16xi32>
      %broadcast_in_dim3A_931 = vector.shape_cast %xor3A_930 : vector<16xi32> to vector<16x1xi32>
      %gather3A_932 = vector.shape_cast %broadcast_in_dim3A_931 : vector<16x1xi32> to vector<16xi32>
      %gather3A_933 = tpu.dynamic_gather %select_n3A_924[%gather3A_932] in [0] : vector<16xf32>, vector<16xi32> -> vector<16xf32>
      %broadcast_in_dim3A_934 = vector.shape_cast %xor3A_930 : vector<16xi32> to vector<16x1xi32>
      %gather3A_935 = vector.shape_cast %broadcast_in_dim3A_934 : vector<16x1xi32> to vector<16xi32>
      %gather3A_936 = tpu.dynamic_gather %select_n3A_927[%gather3A_935] in [0] : vector<16xi32>, vector<16xi32> -> vector<16xi32>
      %and3A_937 = arith.constant 4 : i32
      %and3A_938 = vector.broadcast %and3A_937 : i32 to vector<16xi32>
      %and3A_939 = arith.andi %iota3A_905, %and3A_938 : vector<16xi32>
      %eq3A_940 = arith.constant 0 : i32
      %eq3A_941 = vector.broadcast %eq3A_940 : i32 to vector<16xi32>
      %eq3A_942 = arith.cmpi eq, %and3A_939, %eq3A_941 : vector<16xi32>
      %ge3A_943 = arith.cmpf oge, %select_n3A_924, %gather3A_933 : vector<16xf32>
      %select_n3A_944 = arith.select %ge3A_943, %select_n3A_924, %gather3A_933 : vector<16xi1>, vector<16xf32>
      %select_n3A_945 = arith.select %ge3A_943, %gather3A_933, %select_n3A_924 : vector<16xi1>, vector<16xf32>
      %select_n3A_946 = arith.select %eq3A_942, %select_n3A_944, %select_n3A_945 : vector<16xi1>, vector<16xf32>
      %select_n3A_947 = arith.select %ge3A_943, %select_n3A_927, %gather3A_936 : vector<16xi1>, vector<16xi32>
      %select_n3A_948 = arith.select %ge3A_943, %gather3A_936, %select_n3A_927 : vector<16xi1>, vector<16xi32>
      %select_n3A_949 = arith.select %eq3A_942, %select_n3A_947, %select_n3A_948 : vector<16xi1>, vector<16xi32>
      %xor3A_950 = arith.constant 2 : i32
      %xor3A_951 = vector.broadcast %xor3A_950 : i32 to vector<16xi32>
      %xor3A_952 = arith.xori %iota3A_905, %xor3A_951 : vector<16xi32>
      %broadcast_in_dim3A_953 = vector.shape_cast %xor3A_952 : vector<16xi32> to vector<16x1xi32>
      %gather3A_954 = vector.shape_cast %broadcast_in_dim3A_953 : vector<16x1xi32> to vector<16xi32>
      %gather3A_955 = tpu.dynamic_gather %select_n3A_946[%gather3A_954] in [0] : vector<16xf32>, vector<16xi32> -> vector<16xf32>
      %broadcast_in_dim3A_956 = vector.shape_cast %xor3A_952 : vector<16xi32> to vector<16x1xi32>
      %gather3A_957 = vector.shape_cast %broadcast_in_dim3A_956 : vector<16x1xi32> to vector<16xi32>
      %gather3A_958 = tpu.dynamic_gather %select_n3A_949[%gather3A_957] in [0] : vector<16xi32>, vector<16xi32> -> vector<16xi32>
      %and3A_959 = arith.constant 2 : i32
      %and3A_960 = vector.broadcast %and3A_959 : i32 to vector<16xi32>
      %and3A_961 = arith.andi %iota3A_905, %and3A_960 : vector<16xi32>
      %eq3A_962 = arith.constant 0 : i32
      %eq3A_963 = vector.broadcast %eq3A_962 : i32 to vector<16xi32>
      %eq3A_964 = arith.cmpi eq, %and3A_961, %eq3A_963 : vector<16xi32>
      %ge3A_965 = arith.cmpf oge, %select_n3A_946, %gather3A_955 : vector<16xf32>
      %select_n3A_966 = arith.select %ge3A_965, %select_n3A_946, %gather3A_955 : vector<16xi1>, vector<16xf32>
      %select_n3A_967 = arith.select %ge3A_965, %gather3A_955, %select_n3A_946 : vector<16xi1>, vector<16xf32>
      %select_n3A_968 = arith.select %eq3A_964, %select_n3A_966, %select_n3A_967 : vector<16xi1>, vector<16xf32>
      %select_n3A_969 = arith.select %ge3A_965, %select_n3A_949, %gather3A_958 : vector<16xi1>, vector<16xi32>
      %select_n3A_970 = arith.select %ge3A_965, %gather3A_958, %select_n3A_949 : vector<16xi1>, vector<16xi32>
      %select_n3A_971 = arith.select %eq3A_964, %select_n3A_969, %select_n3A_970 : vector<16xi1>, vector<16xi32>
      %xor3A_972 = arith.constant 1 : i32
      %xor3A_973 = vector.broadcast %xor3A_972 : i32 to vector<16xi32>
      %xor3A_974 = arith.xori %iota3A_905, %xor3A_973 : vector<16xi32>
      %broadcast_in_dim3A_975 = vector.shape_cast %xor3A_974 : vector<16xi32> to vector<16x1xi32>
      %gather3A_976 = vector.shape_cast %broadcast_in_dim3A_975 : vector<16x1xi32> to vector<16xi32>
      %gather3A_977 = tpu.dynamic_gather %select_n3A_968[%gather3A_976] in [0] : vector<16xf32>, vector<16xi32> -> vector<16xf32>
      %broadcast_in_dim3A_978 = vector.shape_cast %xor3A_974 : vector<16xi32> to vector<16x1xi32>
      %gather3A_979 = vector.shape_cast %broadcast_in_dim3A_978 : vector<16x1xi32> to vector<16xi32>
      %gather3A_980 = tpu.dynamic_gather %select_n3A_971[%gather3A_979] in [0] : vector<16xi32>, vector<16xi32> -> vector<16xi32>
      %and3A_981 = arith.constant 1 : i32
      %and3A_982 = vector.broadcast %and3A_981 : i32 to vector<16xi32>
      %and3A_983 = arith.andi %iota3A_905, %and3A_982 : vector<16xi32>
      %eq3A_984 = arith.constant 0 : i32
      %eq3A_985 = vector.broadcast %eq3A_984 : i32 to vector<16xi32>
      %eq3A_986 = arith.cmpi eq, %and3A_983, %eq3A_985 : vector<16xi32>
      %ge3A_987 = arith.cmpf oge, %select_n3A_968, %gather3A_977 : vector<16xf32>
      %select_n3A_988 = arith.select %ge3A_987, %select_n3A_968, %gather3A_977 : vector<16xi1>, vector<16xf32>
      %select_n3A_989 = arith.select %ge3A_987, %gather3A_977, %select_n3A_968 : vector<16xi1>, vector<16xf32>
      %select_n3A_990 = arith.select %eq3A_986, %select_n3A_988, %select_n3A_989 : vector<16xi1>, vector<16xf32>
      %select_n3A_991 = arith.select %ge3A_987, %select_n3A_971, %gather3A_980 : vector<16xi1>, vector<16xi32>
      %select_n3A_992 = arith.select %ge3A_987, %gather3A_980, %select_n3A_971 : vector<16xi1>, vector<16xi32>
      %select_n3A_993 = arith.select %eq3A_986, %select_n3A_991, %select_n3A_992 : vector<16xi1>, vector<16xi32>
      %iota3A_994 = tpu.iota {dimensions = array<i32: 0>} : vector<16xi32>
      %xor3A_995 = arith.constant 8 : i32
      %xor3A_996 = vector.broadcast %xor3A_995 : i32 to vector<16xi32>
      %xor3A_997 = arith.xori %iota3A_994, %xor3A_996 : vector<16xi32>
      %broadcast_in_dim3A_998 = vector.shape_cast %xor3A_997 : vector<16xi32> to vector<16x1xi32>
      %gather3A_999 = vector.shape_cast %broadcast_in_dim3A_998 : vector<16x1xi32> to vector<16xi32>
      %gather3A_1000 = tpu.dynamic_gather %select_n3A_903[%gather3A_999] in [0] : vector<16xf32>, vector<16xi32> -> vector<16xf32>
      %broadcast_in_dim3A_1001 = vector.shape_cast %xor3A_997 : vector<16xi32> to vector<16x1xi32>
      %gather3A_1002 = vector.shape_cast %broadcast_in_dim3A_1001 : vector<16x1xi32> to vector<16xi32>
      %gather3A_1003 = tpu.dynamic_gather %select_n3A_904[%gather3A_1002] in [0] : vector<16xi32>, vector<16xi32> -> vector<16xi32>
      %and3A_1004 = arith.constant 8 : i32
      %and3A_1005 = vector.broadcast %and3A_1004 : i32 to vector<16xi32>
      %and3A_1006 = arith.andi %iota3A_994, %and3A_1005 : vector<16xi32>
      %eq3A_1007 = arith.constant 0 : i32
      %eq3A_1008 = vector.broadcast %eq3A_1007 : i32 to vector<16xi32>
      %eq3A_1009 = arith.cmpi eq, %and3A_1006, %eq3A_1008 : vector<16xi32>
      %ge3A_1010 = arith.cmpf oge, %select_n3A_903, %gather3A_1000 : vector<16xf32>
      %select_n3A_1011 = arith.select %ge3A_1010, %select_n3A_903, %gather3A_1000 : vector<16xi1>, vector<16xf32>
      %select_n3A_1012 = arith.select %ge3A_1010, %gather3A_1000, %select_n3A_903 : vector<16xi1>, vector<16xf32>
      %select_n3A_1013 = arith.select %eq3A_1009, %select_n3A_1011, %select_n3A_1012 : vector<16xi1>, vector<16xf32>
      %select_n3A_1014 = arith.select %ge3A_1010, %select_n3A_904, %gather3A_1003 : vector<16xi1>, vector<16xi32>
      %select_n3A_1015 = arith.select %ge3A_1010, %gather3A_1003, %select_n3A_904 : vector<16xi1>, vector<16xi32>
      %select_n3A_1016 = arith.select %eq3A_1009, %select_n3A_1014, %select_n3A_1015 : vector<16xi1>, vector<16xi32>
      %xor3A_1017 = arith.constant 4 : i32
      %xor3A_1018 = vector.broadcast %xor3A_1017 : i32 to vector<16xi32>
      %xor3A_1019 = arith.xori %iota3A_994, %xor3A_1018 : vector<16xi32>
      %broadcast_in_dim3A_1020 = vector.shape_cast %xor3A_1019 : vector<16xi32> to vector<16x1xi32>
      %gather3A_1021 = vector.shape_cast %broadcast_in_dim3A_1020 : vector<16x1xi32> to vector<16xi32>
      %gather3A_1022 = tpu.dynamic_gather %select_n3A_1013[%gather3A_1021] in [0] : vector<16xf32>, vector<16xi32> -> vector<16xf32>
      %broadcast_in_dim3A_1023 = vector.shape_cast %xor3A_1019 : vector<16xi32> to vector<16x1xi32>
      %gather3A_1024 = vector.shape_cast %broadcast_in_dim3A_1023 : vector<16x1xi32> to vector<16xi32>
      %gather3A_1025 = tpu.dynamic_gather %select_n3A_1016[%gather3A_1024] in [0] : vector<16xi32>, vector<16xi32> -> vector<16xi32>
      %and3A_1026 = arith.constant 4 : i32
      %and3A_1027 = vector.broadcast %and3A_1026 : i32 to vector<16xi32>
      %and3A_1028 = arith.andi %iota3A_994, %and3A_1027 : vector<16xi32>
      %eq3A_1029 = arith.constant 0 : i32
      %eq3A_1030 = vector.broadcast %eq3A_1029 : i32 to vector<16xi32>
      %eq3A_1031 = arith.cmpi eq, %and3A_1028, %eq3A_1030 : vector<16xi32>
      %ge3A_1032 = arith.cmpf oge, %select_n3A_1013, %gather3A_1022 : vector<16xf32>
      %select_n3A_1033 = arith.select %ge3A_1032, %select_n3A_1013, %gather3A_1022 : vector<16xi1>, vector<16xf32>
      %select_n3A_1034 = arith.select %ge3A_1032, %gather3A_1022, %select_n3A_1013 : vector<16xi1>, vector<16xf32>
      %select_n3A_1035 = arith.select %eq3A_1031, %select_n3A_1033, %select_n3A_1034 : vector<16xi1>, vector<16xf32>
      %select_n3A_1036 = arith.select %ge3A_1032, %select_n3A_1016, %gather3A_1025 : vector<16xi1>, vector<16xi32>
      %select_n3A_1037 = arith.select %ge3A_1032, %gather3A_1025, %select_n3A_1016 : vector<16xi1>, vector<16xi32>
      %select_n3A_1038 = arith.select %eq3A_1031, %select_n3A_1036, %select_n3A_1037 : vector<16xi1>, vector<16xi32>
      %xor3A_1039 = arith.constant 2 : i32
      %xor3A_1040 = vector.broadcast %xor3A_1039 : i32 to vector<16xi32>
      %xor3A_1041 = arith.xori %iota3A_994, %xor3A_1040 : vector<16xi32>
      %broadcast_in_dim3A_1042 = vector.shape_cast %xor3A_1041 : vector<16xi32> to vector<16x1xi32>
      %gather3A_1043 = vector.shape_cast %broadcast_in_dim3A_1042 : vector<16x1xi32> to vector<16xi32>
      %gather3A_1044 = tpu.dynamic_gather %select_n3A_1035[%gather3A_1043] in [0] : vector<16xf32>, vector<16xi32> -> vector<16xf32>
      %broadcast_in_dim3A_1045 = vector.shape_cast %xor3A_1041 : vector<16xi32> to vector<16x1xi32>
      %gather3A_1046 = vector.shape_cast %broadcast_in_dim3A_1045 : vector<16x1xi32> to vector<16xi32>
      %gather3A_1047 = tpu.dynamic_gather %select_n3A_1038[%gather3A_1046] in [0] : vector<16xi32>, vector<16xi32> -> vector<16xi32>
      %and3A_1048 = arith.constant 2 : i32
      %and3A_1049 = vector.broadcast %and3A_1048 : i32 to vector<16xi32>
      %and3A_1050 = arith.andi %iota3A_994, %and3A_1049 : vector<16xi32>
      %eq3A_1051 = arith.constant 0 : i32
      %eq3A_1052 = vector.broadcast %eq3A_1051 : i32 to vector<16xi32>
      %eq3A_1053 = arith.cmpi eq, %and3A_1050, %eq3A_1052 : vector<16xi32>
      %ge3A_1054 = arith.cmpf oge, %select_n3A_1035, %gather3A_1044 : vector<16xf32>
      %select_n3A_1055 = arith.select %ge3A_1054, %select_n3A_1035, %gather3A_1044 : vector<16xi1>, vector<16xf32>
      %select_n3A_1056 = arith.select %ge3A_1054, %gather3A_1044, %select_n3A_1035 : vector<16xi1>, vector<16xf32>
      %select_n3A_1057 = arith.select %eq3A_1053, %select_n3A_1055, %select_n3A_1056 : vector<16xi1>, vector<16xf32>
      %select_n3A_1058 = arith.select %ge3A_1054, %select_n3A_1038, %gather3A_1047 : vector<16xi1>, vector<16xi32>
      %select_n3A_1059 = arith.select %ge3A_1054, %gather3A_1047, %select_n3A_1038 : vector<16xi1>, vector<16xi32>
      %select_n3A_1060 = arith.select %eq3A_1053, %select_n3A_1058, %select_n3A_1059 : vector<16xi1>, vector<16xi32>
      %xor3A_1061 = arith.constant 1 : i32
      %xor3A_1062 = vector.broadcast %xor3A_1061 : i32 to vector<16xi32>
      %xor3A_1063 = arith.xori %iota3A_994, %xor3A_1062 : vector<16xi32>
      %broadcast_in_dim3A_1064 = vector.shape_cast %xor3A_1063 : vector<16xi32> to vector<16x1xi32>
      %gather3A_1065 = vector.shape_cast %broadcast_in_dim3A_1064 : vector<16x1xi32> to vector<16xi32>
      %gather3A_1066 = tpu.dynamic_gather %select_n3A_1057[%gather3A_1065] in [0] : vector<16xf32>, vector<16xi32> -> vector<16xf32>
      %broadcast_in_dim3A_1067 = vector.shape_cast %xor3A_1063 : vector<16xi32> to vector<16x1xi32>
      %gather3A_1068 = vector.shape_cast %broadcast_in_dim3A_1067 : vector<16x1xi32> to vector<16xi32>
      %gather3A_1069 = tpu.dynamic_gather %select_n3A_1060[%gather3A_1068] in [0] : vector<16xi32>, vector<16xi32> -> vector<16xi32>
      %and3A_1070 = arith.constant 1 : i32
      %and3A_1071 = vector.broadcast %and3A_1070 : i32 to vector<16xi32>
      %and3A_1072 = arith.andi %iota3A_994, %and3A_1071 : vector<16xi32>
      %eq3A_1073 = arith.constant 0 : i32
      %eq3A_1074 = vector.broadcast %eq3A_1073 : i32 to vector<16xi32>
      %eq3A_1075 = arith.cmpi eq, %and3A_1072, %eq3A_1074 : vector<16xi32>
      %ge3A_1076 = arith.cmpf oge, %select_n3A_1057, %gather3A_1066 : vector<16xf32>
      %select_n3A_1077 = arith.select %ge3A_1076, %select_n3A_1057, %gather3A_1066 : vector<16xi1>, vector<16xf32>
      %select_n3A_1078 = arith.select %ge3A_1076, %gather3A_1066, %select_n3A_1057 : vector<16xi1>, vector<16xf32>
      %select_n3A_1079 = arith.select %eq3A_1075, %select_n3A_1077, %select_n3A_1078 : vector<16xi1>, vector<16xf32>
      %select_n3A_1080 = arith.select %ge3A_1076, %select_n3A_1060, %gather3A_1069 : vector<16xi1>, vector<16xi32>
      %select_n3A_1081 = arith.select %ge3A_1076, %gather3A_1069, %select_n3A_1060 : vector<16xi1>, vector<16xi32>
      %select_n3A_1082 = arith.select %eq3A_1075, %select_n3A_1080, %select_n3A_1081 : vector<16xi1>, vector<16xi32>
      %neg3A_1083 = arith.constant 0.000000e+00 : f32
      %neg3A_1084 = vector.broadcast %neg3A_1083 : f32 to vector<16xf32>
      %neg3A_1085 = arith.subf %neg3A_1084, %get3A_32 : vector<16xf32>
      %sort3A_1086 = arith.constant dense<true> : vector<16xi1>
      %sort3A_1087, %sort3A_1088, %sort3A_1089 = tpu.sort %neg3A_1085, %iota3A masked %sort3A_1086 : (vector<16xf32>, vector<16xi32>, vector<16xi1>) -> (vector<16xi1>, vector<16xf32>, vector<16xi32>)
      %neg3A_1090 = arith.constant 0.000000e+00 : f32
      %neg3A_1091 = vector.broadcast %neg3A_1090 : f32 to vector<16xf32>
      %neg3A_1092 = arith.subf %neg3A_1091, %get3A_34 : vector<16xf32>
      %sort3A_1093 = arith.constant dense<true> : vector<16xi1>
      %sort3A_1094, %sort3A_1095, %sort3A_1096 = tpu.sort %neg3A_1092, %iota3A masked %sort3A_1093 : (vector<16xf32>, vector<16xi32>, vector<16xi1>) -> (vector<16xi1>, vector<16xf32>, vector<16xi32>)
      %neg3A_1097 = arith.constant 0.000000e+00 : f32
      %neg3A_1098 = vector.broadcast %neg3A_1097 : f32 to vector<16xf32>
      %neg3A_1099 = arith.subf %neg3A_1098, %sort3A_1088 : vector<16xf32>
      %neg3A_1100 = arith.constant 0.000000e+00 : f32
      %neg3A_1101 = vector.broadcast %neg3A_1100 : f32 to vector<16xf32>
      %neg3A_1102 = arith.subf %neg3A_1101, %sort3A_1095 : vector<16xf32>
      %rev3A_1103 = arith.constant 15 : i32
      %rev3A_1104 = vector.broadcast %rev3A_1103 : i32 to vector<16xi32>
      %rev3A_1105 = tpu.iota {dimensions = array<i32: 0>} : vector<16xi32>
      %rev3A_1106 = arith.subi %rev3A_1104, %rev3A_1105 : vector<16xi32>
      %rev3A_1107 = tpu.dynamic_gather %neg3A_1102[%rev3A_1106] in [0] : vector<16xf32>, vector<16xi32> -> vector<16xf32>
      %rev3A_1108 = arith.constant 15 : i32
      %rev3A_1109 = vector.broadcast %rev3A_1108 : i32 to vector<16xi32>
      %rev3A_1110 = tpu.iota {dimensions = array<i32: 0>} : vector<16xi32>
      %rev3A_1111 = arith.subi %rev3A_1109, %rev3A_1110 : vector<16xi32>
      %rev3A_1112 = tpu.dynamic_gather %sort3A_1096[%rev3A_1111] in [0] : vector<16xi32>, vector<16xi32> -> vector<16xi32>
      %ge3A_1113 = arith.cmpf oge, %neg3A_1099, %rev3A_1107 : vector<16xf32>
      %select_n3A_1114 = arith.select %ge3A_1113, %neg3A_1099, %rev3A_1107 : vector<16xi1>, vector<16xf32>
      %select_n3A_1115 = arith.select %ge3A_1113, %sort3A_1089, %rev3A_1112 : vector<16xi1>, vector<16xi32>
      %select_n3A_1116 = arith.select %ge3A_1113, %rev3A_1107, %neg3A_1099 : vector<16xi1>, vector<16xf32>
      %select_n3A_1117 = arith.select %ge3A_1113, %rev3A_1112, %sort3A_1089 : vector<16xi1>, vector<16xi32>
      %iota3A_1118 = tpu.iota {dimensions = array<i32: 0>} : vector<16xi32>
      %xor3A_1119 = arith.constant 8 : i32
      %xor3A_1120 = vector.broadcast %xor3A_1119 : i32 to vector<16xi32>
      %xor3A_1121 = arith.xori %iota3A_1118, %xor3A_1120 : vector<16xi32>
      %broadcast_in_dim3A_1122 = vector.shape_cast %xor3A_1121 : vector<16xi32> to vector<16x1xi32>
      %gather3A_1123 = vector.shape_cast %broadcast_in_dim3A_1122 : vector<16x1xi32> to vector<16xi32>
      %gather3A_1124 = tpu.dynamic_gather %select_n3A_1114[%gather3A_1123] in [0] : vector<16xf32>, vector<16xi32> -> vector<16xf32>
      %broadcast_in_dim3A_1125 = vector.shape_cast %xor3A_1121 : vector<16xi32> to vector<16x1xi32>
      %gather3A_1126 = vector.shape_cast %broadcast_in_dim3A_1125 : vector<16x1xi32> to vector<16xi32>
      %gather3A_1127 = tpu.dynamic_gather %select_n3A_1115[%gather3A_1126] in [0] : vector<16xi32>, vector<16xi32> -> vector<16xi32>
      %and3A_1128 = arith.constant 8 : i32
      %and3A_1129 = vector.broadcast %and3A_1128 : i32 to vector<16xi32>
      %and3A_1130 = arith.andi %iota3A_1118, %and3A_1129 : vector<16xi32>
      %eq3A_1131 = arith.constant 0 : i32
      %eq3A_1132 = vector.broadcast %eq3A_1131 : i32 to vector<16xi32>
      %eq3A_1133 = arith.cmpi eq, %and3A_1130, %eq3A_1132 : vector<16xi32>
      %ge3A_1134 = arith.cmpf oge, %select_n3A_1114, %gather3A_1124 : vector<16xf32>
      %select_n3A_1135 = arith.select %ge3A_1134, %select_n3A_1114, %gather3A_1124 : vector<16xi1>, vector<16xf32>
      %select_n3A_1136 = arith.select %ge3A_1134, %gather3A_1124, %select_n3A_1114 : vector<16xi1>, vector<16xf32>
      %select_n3A_1137 = arith.select %eq3A_1133, %select_n3A_1135, %select_n3A_1136 : vector<16xi1>, vector<16xf32>
      %select_n3A_1138 = arith.select %ge3A_1134, %select_n3A_1115, %gather3A_1127 : vector<16xi1>, vector<16xi32>
      %select_n3A_1139 = arith.select %ge3A_1134, %gather3A_1127, %select_n3A_1115 : vector<16xi1>, vector<16xi32>
      %select_n3A_1140 = arith.select %eq3A_1133, %select_n3A_1138, %select_n3A_1139 : vector<16xi1>, vector<16xi32>
      %xor3A_1141 = arith.constant 4 : i32
      %xor3A_1142 = vector.broadcast %xor3A_1141 : i32 to vector<16xi32>
      %xor3A_1143 = arith.xori %iota3A_1118, %xor3A_1142 : vector<16xi32>
      %broadcast_in_dim3A_1144 = vector.shape_cast %xor3A_1143 : vector<16xi32> to vector<16x1xi32>
      %gather3A_1145 = vector.shape_cast %broadcast_in_dim3A_1144 : vector<16x1xi32> to vector<16xi32>
      %gather3A_1146 = tpu.dynamic_gather %select_n3A_1137[%gather3A_1145] in [0] : vector<16xf32>, vector<16xi32> -> vector<16xf32>
      %broadcast_in_dim3A_1147 = vector.shape_cast %xor3A_1143 : vector<16xi32> to vector<16x1xi32>
      %gather3A_1148 = vector.shape_cast %broadcast_in_dim3A_1147 : vector<16x1xi32> to vector<16xi32>
      %gather3A_1149 = tpu.dynamic_gather %select_n3A_1140[%gather3A_1148] in [0] : vector<16xi32>, vector<16xi32> -> vector<16xi32>
      %and3A_1150 = arith.constant 4 : i32
      %and3A_1151 = vector.broadcast %and3A_1150 : i32 to vector<16xi32>
      %and3A_1152 = arith.andi %iota3A_1118, %and3A_1151 : vector<16xi32>
      %eq3A_1153 = arith.constant 0 : i32
      %eq3A_1154 = vector.broadcast %eq3A_1153 : i32 to vector<16xi32>
      %eq3A_1155 = arith.cmpi eq, %and3A_1152, %eq3A_1154 : vector<16xi32>
      %ge3A_1156 = arith.cmpf oge, %select_n3A_1137, %gather3A_1146 : vector<16xf32>
      %select_n3A_1157 = arith.select %ge3A_1156, %select_n3A_1137, %gather3A_1146 : vector<16xi1>, vector<16xf32>
      %select_n3A_1158 = arith.select %ge3A_1156, %gather3A_1146, %select_n3A_1137 : vector<16xi1>, vector<16xf32>
      %select_n3A_1159 = arith.select %eq3A_1155, %select_n3A_1157, %select_n3A_1158 : vector<16xi1>, vector<16xf32>
      %select_n3A_1160 = arith.select %ge3A_1156, %select_n3A_1140, %gather3A_1149 : vector<16xi1>, vector<16xi32>
      %select_n3A_1161 = arith.select %ge3A_1156, %gather3A_1149, %select_n3A_1140 : vector<16xi1>, vector<16xi32>
      %select_n3A_1162 = arith.select %eq3A_1155, %select_n3A_1160, %select_n3A_1161 : vector<16xi1>, vector<16xi32>
      %xor3A_1163 = arith.constant 2 : i32
      %xor3A_1164 = vector.broadcast %xor3A_1163 : i32 to vector<16xi32>
      %xor3A_1165 = arith.xori %iota3A_1118, %xor3A_1164 : vector<16xi32>
      %broadcast_in_dim3A_1166 = vector.shape_cast %xor3A_1165 : vector<16xi32> to vector<16x1xi32>
      %gather3A_1167 = vector.shape_cast %broadcast_in_dim3A_1166 : vector<16x1xi32> to vector<16xi32>
      %gather3A_1168 = tpu.dynamic_gather %select_n3A_1159[%gather3A_1167] in [0] : vector<16xf32>, vector<16xi32> -> vector<16xf32>
      %broadcast_in_dim3A_1169 = vector.shape_cast %xor3A_1165 : vector<16xi32> to vector<16x1xi32>
      %gather3A_1170 = vector.shape_cast %broadcast_in_dim3A_1169 : vector<16x1xi32> to vector<16xi32>
      %gather3A_1171 = tpu.dynamic_gather %select_n3A_1162[%gather3A_1170] in [0] : vector<16xi32>, vector<16xi32> -> vector<16xi32>
      %and3A_1172 = arith.constant 2 : i32
      %and3A_1173 = vector.broadcast %and3A_1172 : i32 to vector<16xi32>
      %and3A_1174 = arith.andi %iota3A_1118, %and3A_1173 : vector<16xi32>
      %eq3A_1175 = arith.constant 0 : i32
      %eq3A_1176 = vector.broadcast %eq3A_1175 : i32 to vector<16xi32>
      %eq3A_1177 = arith.cmpi eq, %and3A_1174, %eq3A_1176 : vector<16xi32>
      %ge3A_1178 = arith.cmpf oge, %select_n3A_1159, %gather3A_1168 : vector<16xf32>
      %select_n3A_1179 = arith.select %ge3A_1178, %select_n3A_1159, %gather3A_1168 : vector<16xi1>, vector<16xf32>
      %select_n3A_1180 = arith.select %ge3A_1178, %gather3A_1168, %select_n3A_1159 : vector<16xi1>, vector<16xf32>
      %select_n3A_1181 = arith.select %eq3A_1177, %select_n3A_1179, %select_n3A_1180 : vector<16xi1>, vector<16xf32>
      %select_n3A_1182 = arith.select %ge3A_1178, %select_n3A_1162, %gather3A_1171 : vector<16xi1>, vector<16xi32>
      %select_n3A_1183 = arith.select %ge3A_1178, %gather3A_1171, %select_n3A_1162 : vector<16xi1>, vector<16xi32>
      %select_n3A_1184 = arith.select %eq3A_1177, %select_n3A_1182, %select_n3A_1183 : vector<16xi1>, vector<16xi32>
      %xor3A_1185 = arith.constant 1 : i32
      %xor3A_1186 = vector.broadcast %xor3A_1185 : i32 to vector<16xi32>
      %xor3A_1187 = arith.xori %iota3A_1118, %xor3A_1186 : vector<16xi32>
      %broadcast_in_dim3A_1188 = vector.shape_cast %xor3A_1187 : vector<16xi32> to vector<16x1xi32>
      %gather3A_1189 = vector.shape_cast %broadcast_in_dim3A_1188 : vector<16x1xi32> to vector<16xi32>
      %gather3A_1190 = tpu.dynamic_gather %select_n3A_1181[%gather3A_1189] in [0] : vector<16xf32>, vector<16xi32> -> vector<16xf32>
      %broadcast_in_dim3A_1191 = vector.shape_cast %xor3A_1187 : vector<16xi32> to vector<16x1xi32>
      %gather3A_1192 = vector.shape_cast %broadcast_in_dim3A_1191 : vector<16x1xi32> to vector<16xi32>
      %gather3A_1193 = tpu.dynamic_gather %select_n3A_1184[%gather3A_1192] in [0] : vector<16xi32>, vector<16xi32> -> vector<16xi32>
      %and3A_1194 = arith.constant 1 : i32
      %and3A_1195 = vector.broadcast %and3A_1194 : i32 to vector<16xi32>
      %and3A_1196 = arith.andi %iota3A_1118, %and3A_1195 : vector<16xi32>
      %eq3A_1197 = arith.constant 0 : i32
      %eq3A_1198 = vector.broadcast %eq3A_1197 : i32 to vector<16xi32>
      %eq3A_1199 = arith.cmpi eq, %and3A_1196, %eq3A_1198 : vector<16xi32>
      %ge3A_1200 = arith.cmpf oge, %select_n3A_1181, %gather3A_1190 : vector<16xf32>
      %select_n3A_1201 = arith.select %ge3A_1200, %select_n3A_1181, %gather3A_1190 : vector<16xi1>, vector<16xf32>
      %select_n3A_1202 = arith.select %ge3A_1200, %gather3A_1190, %select_n3A_1181 : vector<16xi1>, vector<16xf32>
      %select_n3A_1203 = arith.select %eq3A_1199, %select_n3A_1201, %select_n3A_1202 : vector<16xi1>, vector<16xf32>
      %select_n3A_1204 = arith.select %ge3A_1200, %select_n3A_1184, %gather3A_1193 : vector<16xi1>, vector<16xi32>
      %select_n3A_1205 = arith.select %ge3A_1200, %gather3A_1193, %select_n3A_1184 : vector<16xi1>, vector<16xi32>
      %select_n3A_1206 = arith.select %eq3A_1199, %select_n3A_1204, %select_n3A_1205 : vector<16xi1>, vector<16xi32>
      %iota3A_1207 = tpu.iota {dimensions = array<i32: 0>} : vector<16xi32>
      %xor3A_1208 = arith.constant 8 : i32
      %xor3A_1209 = vector.broadcast %xor3A_1208 : i32 to vector<16xi32>
      %xor3A_1210 = arith.xori %iota3A_1207, %xor3A_1209 : vector<16xi32>
      %broadcast_in_dim3A_1211 = vector.shape_cast %xor3A_1210 : vector<16xi32> to vector<16x1xi32>
      %gather3A_1212 = vector.shape_cast %broadcast_in_dim3A_1211 : vector<16x1xi32> to vector<16xi32>
      %gather3A_1213 = tpu.dynamic_gather %select_n3A_1116[%gather3A_1212] in [0] : vector<16xf32>, vector<16xi32> -> vector<16xf32>
      %broadcast_in_dim3A_1214 = vector.shape_cast %xor3A_1210 : vector<16xi32> to vector<16x1xi32>
      %gather3A_1215 = vector.shape_cast %broadcast_in_dim3A_1214 : vector<16x1xi32> to vector<16xi32>
      %gather3A_1216 = tpu.dynamic_gather %select_n3A_1117[%gather3A_1215] in [0] : vector<16xi32>, vector<16xi32> -> vector<16xi32>
      %and3A_1217 = arith.constant 8 : i32
      %and3A_1218 = vector.broadcast %and3A_1217 : i32 to vector<16xi32>
      %and3A_1219 = arith.andi %iota3A_1207, %and3A_1218 : vector<16xi32>
      %eq3A_1220 = arith.constant 0 : i32
      %eq3A_1221 = vector.broadcast %eq3A_1220 : i32 to vector<16xi32>
      %eq3A_1222 = arith.cmpi eq, %and3A_1219, %eq3A_1221 : vector<16xi32>
      %ge3A_1223 = arith.cmpf oge, %select_n3A_1116, %gather3A_1213 : vector<16xf32>
      %select_n3A_1224 = arith.select %ge3A_1223, %select_n3A_1116, %gather3A_1213 : vector<16xi1>, vector<16xf32>
      %select_n3A_1225 = arith.select %ge3A_1223, %gather3A_1213, %select_n3A_1116 : vector<16xi1>, vector<16xf32>
      %select_n3A_1226 = arith.select %eq3A_1222, %select_n3A_1224, %select_n3A_1225 : vector<16xi1>, vector<16xf32>
      %select_n3A_1227 = arith.select %ge3A_1223, %select_n3A_1117, %gather3A_1216 : vector<16xi1>, vector<16xi32>
      %select_n3A_1228 = arith.select %ge3A_1223, %gather3A_1216, %select_n3A_1117 : vector<16xi1>, vector<16xi32>
      %select_n3A_1229 = arith.select %eq3A_1222, %select_n3A_1227, %select_n3A_1228 : vector<16xi1>, vector<16xi32>
      %xor3A_1230 = arith.constant 4 : i32
      %xor3A_1231 = vector.broadcast %xor3A_1230 : i32 to vector<16xi32>
      %xor3A_1232 = arith.xori %iota3A_1207, %xor3A_1231 : vector<16xi32>
      %broadcast_in_dim3A_1233 = vector.shape_cast %xor3A_1232 : vector<16xi32> to vector<16x1xi32>
      %gather3A_1234 = vector.shape_cast %broadcast_in_dim3A_1233 : vector<16x1xi32> to vector<16xi32>
      %gather3A_1235 = tpu.dynamic_gather %select_n3A_1226[%gather3A_1234] in [0] : vector<16xf32>, vector<16xi32> -> vector<16xf32>
      %broadcast_in_dim3A_1236 = vector.shape_cast %xor3A_1232 : vector<16xi32> to vector<16x1xi32>
      %gather3A_1237 = vector.shape_cast %broadcast_in_dim3A_1236 : vector<16x1xi32> to vector<16xi32>
      %gather3A_1238 = tpu.dynamic_gather %select_n3A_1229[%gather3A_1237] in [0] : vector<16xi32>, vector<16xi32> -> vector<16xi32>
      %and3A_1239 = arith.constant 4 : i32
      %and3A_1240 = vector.broadcast %and3A_1239 : i32 to vector<16xi32>
      %and3A_1241 = arith.andi %iota3A_1207, %and3A_1240 : vector<16xi32>
      %eq3A_1242 = arith.constant 0 : i32
      %eq3A_1243 = vector.broadcast %eq3A_1242 : i32 to vector<16xi32>
      %eq3A_1244 = arith.cmpi eq, %and3A_1241, %eq3A_1243 : vector<16xi32>
      %ge3A_1245 = arith.cmpf oge, %select_n3A_1226, %gather3A_1235 : vector<16xf32>
      %select_n3A_1246 = arith.select %ge3A_1245, %select_n3A_1226, %gather3A_1235 : vector<16xi1>, vector<16xf32>
      %select_n3A_1247 = arith.select %ge3A_1245, %gather3A_1235, %select_n3A_1226 : vector<16xi1>, vector<16xf32>
      %select_n3A_1248 = arith.select %eq3A_1244, %select_n3A_1246, %select_n3A_1247 : vector<16xi1>, vector<16xf32>
      %select_n3A_1249 = arith.select %ge3A_1245, %select_n3A_1229, %gather3A_1238 : vector<16xi1>, vector<16xi32>
      %select_n3A_1250 = arith.select %ge3A_1245, %gather3A_1238, %select_n3A_1229 : vector<16xi1>, vector<16xi32>
      %select_n3A_1251 = arith.select %eq3A_1244, %select_n3A_1249, %select_n3A_1250 : vector<16xi1>, vector<16xi32>
      %xor3A_1252 = arith.constant 2 : i32
      %xor3A_1253 = vector.broadcast %xor3A_1252 : i32 to vector<16xi32>
      %xor3A_1254 = arith.xori %iota3A_1207, %xor3A_1253 : vector<16xi32>
      %broadcast_in_dim3A_1255 = vector.shape_cast %xor3A_1254 : vector<16xi32> to vector<16x1xi32>
      %gather3A_1256 = vector.shape_cast %broadcast_in_dim3A_1255 : vector<16x1xi32> to vector<16xi32>
      %gather3A_1257 = tpu.dynamic_gather %select_n3A_1248[%gather3A_1256] in [0] : vector<16xf32>, vector<16xi32> -> vector<16xf32>
      %broadcast_in_dim3A_1258 = vector.shape_cast %xor3A_1254 : vector<16xi32> to vector<16x1xi32>
      %gather3A_1259 = vector.shape_cast %broadcast_in_dim3A_1258 : vector<16x1xi32> to vector<16xi32>
      %gather3A_1260 = tpu.dynamic_gather %select_n3A_1251[%gather3A_1259] in [0] : vector<16xi32>, vector<16xi32> -> vector<16xi32>
      %and3A_1261 = arith.constant 2 : i32
      %and3A_1262 = vector.broadcast %and3A_1261 : i32 to vector<16xi32>
      %and3A_1263 = arith.andi %iota3A_1207, %and3A_1262 : vector<16xi32>
      %eq3A_1264 = arith.constant 0 : i32
      %eq3A_1265 = vector.broadcast %eq3A_1264 : i32 to vector<16xi32>
      %eq3A_1266 = arith.cmpi eq, %and3A_1263, %eq3A_1265 : vector<16xi32>
      %ge3A_1267 = arith.cmpf oge, %select_n3A_1248, %gather3A_1257 : vector<16xf32>
      %select_n3A_1268 = arith.select %ge3A_1267, %select_n3A_1248, %gather3A_1257 : vector<16xi1>, vector<16xf32>
      %select_n3A_1269 = arith.select %ge3A_1267, %gather3A_1257, %select_n3A_1248 : vector<16xi1>, vector<16xf32>
      %select_n3A_1270 = arith.select %eq3A_1266, %select_n3A_1268, %select_n3A_1269 : vector<16xi1>, vector<16xf32>
      %select_n3A_1271 = arith.select %ge3A_1267, %select_n3A_1251, %gather3A_1260 : vector<16xi1>, vector<16xi32>
      %select_n3A_1272 = arith.select %ge3A_1267, %gather3A_1260, %select_n3A_1251 : vector<16xi1>, vector<16xi32>
      %select_n3A_1273 = arith.select %eq3A_1266, %select_n3A_1271, %select_n3A_1272 : vector<16xi1>, vector<16xi32>
      %xor3A_1274 = arith.constant 1 : i32
      %xor3A_1275 = vector.broadcast %xor3A_1274 : i32 to vector<16xi32>
      %xor3A_1276 = arith.xori %iota3A_1207, %xor3A_1275 : vector<16xi32>
      %broadcast_in_dim3A_1277 = vector.shape_cast %xor3A_1276 : vector<16xi32> to vector<16x1xi32>
      %gather3A_1278 = vector.shape_cast %broadcast_in_dim3A_1277 : vector<16x1xi32> to vector<16xi32>
      %gather3A_1279 = tpu.dynamic_gather %select_n3A_1270[%gather3A_1278] in [0] : vector<16xf32>, vector<16xi32> -> vector<16xf32>
      %broadcast_in_dim3A_1280 = vector.shape_cast %xor3A_1276 : vector<16xi32> to vector<16x1xi32>
      %gather3A_1281 = vector.shape_cast %broadcast_in_dim3A_1280 : vector<16x1xi32> to vector<16xi32>
      %gather3A_1282 = tpu.dynamic_gather %select_n3A_1273[%gather3A_1281] in [0] : vector<16xi32>, vector<16xi32> -> vector<16xi32>
      %and3A_1283 = arith.constant 1 : i32
      %and3A_1284 = vector.broadcast %and3A_1283 : i32 to vector<16xi32>
      %and3A_1285 = arith.andi %iota3A_1207, %and3A_1284 : vector<16xi32>
      %eq3A_1286 = arith.constant 0 : i32
      %eq3A_1287 = vector.broadcast %eq3A_1286 : i32 to vector<16xi32>
      %eq3A_1288 = arith.cmpi eq, %and3A_1285, %eq3A_1287 : vector<16xi32>
      %ge3A_1289 = arith.cmpf oge, %select_n3A_1270, %gather3A_1279 : vector<16xf32>
      %select_n3A_1290 = arith.select %ge3A_1289, %select_n3A_1270, %gather3A_1279 : vector<16xi1>, vector<16xf32>
      %select_n3A_1291 = arith.select %ge3A_1289, %gather3A_1279, %select_n3A_1270 : vector<16xi1>, vector<16xf32>
      %select_n3A_1292 = arith.select %eq3A_1288, %select_n3A_1290, %select_n3A_1291 : vector<16xi1>, vector<16xf32>
      %select_n3A_1293 = arith.select %ge3A_1289, %select_n3A_1273, %gather3A_1282 : vector<16xi1>, vector<16xi32>
      %select_n3A_1294 = arith.select %ge3A_1289, %gather3A_1282, %select_n3A_1273 : vector<16xi1>, vector<16xi32>
      %select_n3A_1295 = arith.select %eq3A_1288, %select_n3A_1293, %select_n3A_1294 : vector<16xi1>, vector<16xi32>
      %rev3A_1296 = arith.constant 15 : i32
      %rev3A_1297 = vector.broadcast %rev3A_1296 : i32 to vector<16xi32>
      %rev3A_1298 = tpu.iota {dimensions = array<i32: 0>} : vector<16xi32>
      %rev3A_1299 = arith.subi %rev3A_1297, %rev3A_1298 : vector<16xi32>
      %rev3A_1300 = tpu.dynamic_gather %select_n3A_1292[%rev3A_1299] in [0] : vector<16xf32>, vector<16xi32> -> vector<16xf32>
      %rev3A_1301 = arith.constant 15 : i32
      %rev3A_1302 = vector.broadcast %rev3A_1301 : i32 to vector<16xi32>
      %rev3A_1303 = tpu.iota {dimensions = array<i32: 0>} : vector<16xi32>
      %rev3A_1304 = arith.subi %rev3A_1302, %rev3A_1303 : vector<16xi32>
      %rev3A_1305 = tpu.dynamic_gather %select_n3A_1295[%rev3A_1304] in [0] : vector<16xi32>, vector<16xi32> -> vector<16xi32>
      %rev3A_1306 = arith.constant 15 : i32
      %rev3A_1307 = vector.broadcast %rev3A_1306 : i32 to vector<16xi32>
      %rev3A_1308 = tpu.iota {dimensions = array<i32: 0>} : vector<16xi32>
      %rev3A_1309 = arith.subi %rev3A_1307, %rev3A_1308 : vector<16xi32>
      %rev3A_1310 = tpu.dynamic_gather %select_n3A_1203[%rev3A_1309] in [0] : vector<16xf32>, vector<16xi32> -> vector<16xf32>
      %rev3A_1311 = arith.constant 15 : i32
      %rev3A_1312 = vector.broadcast %rev3A_1311 : i32 to vector<16xi32>
      %rev3A_1313 = tpu.iota {dimensions = array<i32: 0>} : vector<16xi32>
      %rev3A_1314 = arith.subi %rev3A_1312, %rev3A_1313 : vector<16xi32>
      %rev3A_1315 = tpu.dynamic_gather %select_n3A_1206[%rev3A_1314] in [0] : vector<16xi32>, vector<16xi32> -> vector<16xi32>
      %ge3A_1316 = arith.cmpf oge, %select_n3A_990, %rev3A_1300 : vector<16xf32>
      %select_n3A_1317 = arith.select %ge3A_1316, %select_n3A_990, %rev3A_1300 : vector<16xi1>, vector<16xf32>
      %select_n3A_1318 = arith.select %ge3A_1316, %select_n3A_1206, %rev3A_1305 : vector<16xi1>, vector<16xi32>
      %ge3A_1319 = arith.cmpf oge, %select_n3A_1079, %rev3A_1310 : vector<16xf32>
      %select_n3A_1320 = arith.select %ge3A_1319, %select_n3A_1079, %rev3A_1310 : vector<16xi1>, vector<16xf32>
      %select_n3A_1321 = arith.select %ge3A_1319, %select_n3A_1295, %rev3A_1315 : vector<16xi1>, vector<16xi32>
      %ge3A_1322 = arith.cmpf oge, %select_n3A_1317, %select_n3A_1320 : vector<16xf32>
      %select_n3A_1323 = arith.select %ge3A_1322, %select_n3A_1317, %select_n3A_1320 : vector<16xi1>, vector<16xf32>
      %select_n3A_1324 = arith.select %ge3A_1322, %select_n3A_1318, %select_n3A_1321 : vector<16xi1>, vector<16xi32>
      %select_n3A_1325 = arith.select %ge3A_1322, %select_n3A_1320, %select_n3A_1317 : vector<16xi1>, vector<16xf32>
      %select_n3A_1326 = arith.select %ge3A_1322, %select_n3A_1321, %select_n3A_1318 : vector<16xi1>, vector<16xi32>
      %iota3A_1327 = tpu.iota {dimensions = array<i32: 0>} : vector<16xi32>
      %xor3A_1328 = arith.constant 8 : i32
      %xor3A_1329 = vector.broadcast %xor3A_1328 : i32 to vector<16xi32>
      %xor3A_1330 = arith.xori %iota3A_1327, %xor3A_1329 : vector<16xi32>
      %broadcast_in_dim3A_1331 = vector.shape_cast %xor3A_1330 : vector<16xi32> to vector<16x1xi32>
      %gather3A_1332 = vector.shape_cast %broadcast_in_dim3A_1331 : vector<16x1xi32> to vector<16xi32>
      %gather3A_1333 = tpu.dynamic_gather %select_n3A_1323[%gather3A_1332] in [0] : vector<16xf32>, vector<16xi32> -> vector<16xf32>
      %broadcast_in_dim3A_1334 = vector.shape_cast %xor3A_1330 : vector<16xi32> to vector<16x1xi32>
      %gather3A_1335 = vector.shape_cast %broadcast_in_dim3A_1334 : vector<16x1xi32> to vector<16xi32>
      %gather3A_1336 = tpu.dynamic_gather %select_n3A_1324[%gather3A_1335] in [0] : vector<16xi32>, vector<16xi32> -> vector<16xi32>
      %and3A_1337 = arith.constant 8 : i32
      %and3A_1338 = vector.broadcast %and3A_1337 : i32 to vector<16xi32>
      %and3A_1339 = arith.andi %iota3A_1327, %and3A_1338 : vector<16xi32>
      %eq3A_1340 = arith.constant 0 : i32
      %eq3A_1341 = vector.broadcast %eq3A_1340 : i32 to vector<16xi32>
      %eq3A_1342 = arith.cmpi eq, %and3A_1339, %eq3A_1341 : vector<16xi32>
      %ge3A_1343 = arith.cmpf oge, %select_n3A_1323, %gather3A_1333 : vector<16xf32>
      %select_n3A_1344 = arith.select %ge3A_1343, %select_n3A_1323, %gather3A_1333 : vector<16xi1>, vector<16xf32>
      %select_n3A_1345 = arith.select %ge3A_1343, %gather3A_1333, %select_n3A_1323 : vector<16xi1>, vector<16xf32>
      %select_n3A_1346 = arith.select %eq3A_1342, %select_n3A_1344, %select_n3A_1345 : vector<16xi1>, vector<16xf32>
      %select_n3A_1347 = arith.select %ge3A_1343, %select_n3A_1324, %gather3A_1336 : vector<16xi1>, vector<16xi32>
      %select_n3A_1348 = arith.select %ge3A_1343, %gather3A_1336, %select_n3A_1324 : vector<16xi1>, vector<16xi32>
      %select_n3A_1349 = arith.select %eq3A_1342, %select_n3A_1347, %select_n3A_1348 : vector<16xi1>, vector<16xi32>
      %xor3A_1350 = arith.constant 4 : i32
      %xor3A_1351 = vector.broadcast %xor3A_1350 : i32 to vector<16xi32>
      %xor3A_1352 = arith.xori %iota3A_1327, %xor3A_1351 : vector<16xi32>
      %broadcast_in_dim3A_1353 = vector.shape_cast %xor3A_1352 : vector<16xi32> to vector<16x1xi32>
      %gather3A_1354 = vector.shape_cast %broadcast_in_dim3A_1353 : vector<16x1xi32> to vector<16xi32>
      %gather3A_1355 = tpu.dynamic_gather %select_n3A_1346[%gather3A_1354] in [0] : vector<16xf32>, vector<16xi32> -> vector<16xf32>
      %broadcast_in_dim3A_1356 = vector.shape_cast %xor3A_1352 : vector<16xi32> to vector<16x1xi32>
      %gather3A_1357 = vector.shape_cast %broadcast_in_dim3A_1356 : vector<16x1xi32> to vector<16xi32>
      %gather3A_1358 = tpu.dynamic_gather %select_n3A_1349[%gather3A_1357] in [0] : vector<16xi32>, vector<16xi32> -> vector<16xi32>
      %and3A_1359 = arith.constant 4 : i32
      %and3A_1360 = vector.broadcast %and3A_1359 : i32 to vector<16xi32>
      %and3A_1361 = arith.andi %iota3A_1327, %and3A_1360 : vector<16xi32>
      %eq3A_1362 = arith.constant 0 : i32
      %eq3A_1363 = vector.broadcast %eq3A_1362 : i32 to vector<16xi32>
      %eq3A_1364 = arith.cmpi eq, %and3A_1361, %eq3A_1363 : vector<16xi32>
      %ge3A_1365 = arith.cmpf oge, %select_n3A_1346, %gather3A_1355 : vector<16xf32>
      %select_n3A_1366 = arith.select %ge3A_1365, %select_n3A_1346, %gather3A_1355 : vector<16xi1>, vector<16xf32>
      %select_n3A_1367 = arith.select %ge3A_1365, %gather3A_1355, %select_n3A_1346 : vector<16xi1>, vector<16xf32>
      %select_n3A_1368 = arith.select %eq3A_1364, %select_n3A_1366, %select_n3A_1367 : vector<16xi1>, vector<16xf32>
      %select_n3A_1369 = arith.select %ge3A_1365, %select_n3A_1349, %gather3A_1358 : vector<16xi1>, vector<16xi32>
      %select_n3A_1370 = arith.select %ge3A_1365, %gather3A_1358, %select_n3A_1349 : vector<16xi1>, vector<16xi32>
      %select_n3A_1371 = arith.select %eq3A_1364, %select_n3A_1369, %select_n3A_1370 : vector<16xi1>, vector<16xi32>
      %xor3A_1372 = arith.constant 2 : i32
      %xor3A_1373 = vector.broadcast %xor3A_1372 : i32 to vector<16xi32>
      %xor3A_1374 = arith.xori %iota3A_1327, %xor3A_1373 : vector<16xi32>
      %broadcast_in_dim3A_1375 = vector.shape_cast %xor3A_1374 : vector<16xi32> to vector<16x1xi32>
      %gather3A_1376 = vector.shape_cast %broadcast_in_dim3A_1375 : vector<16x1xi32> to vector<16xi32>
      %gather3A_1377 = tpu.dynamic_gather %select_n3A_1368[%gather3A_1376] in [0] : vector<16xf32>, vector<16xi32> -> vector<16xf32>
      %broadcast_in_dim3A_1378 = vector.shape_cast %xor3A_1374 : vector<16xi32> to vector<16x1xi32>
      %gather3A_1379 = vector.shape_cast %broadcast_in_dim3A_1378 : vector<16x1xi32> to vector<16xi32>
      %gather3A_1380 = tpu.dynamic_gather %select_n3A_1371[%gather3A_1379] in [0] : vector<16xi32>, vector<16xi32> -> vector<16xi32>
      %and3A_1381 = arith.constant 2 : i32
      %and3A_1382 = vector.broadcast %and3A_1381 : i32 to vector<16xi32>
      %and3A_1383 = arith.andi %iota3A_1327, %and3A_1382 : vector<16xi32>
      %eq3A_1384 = arith.constant 0 : i32
      %eq3A_1385 = vector.broadcast %eq3A_1384 : i32 to vector<16xi32>
      %eq3A_1386 = arith.cmpi eq, %and3A_1383, %eq3A_1385 : vector<16xi32>
      %ge3A_1387 = arith.cmpf oge, %select_n3A_1368, %gather3A_1377 : vector<16xf32>
      %select_n3A_1388 = arith.select %ge3A_1387, %select_n3A_1368, %gather3A_1377 : vector<16xi1>, vector<16xf32>
      %select_n3A_1389 = arith.select %ge3A_1387, %gather3A_1377, %select_n3A_1368 : vector<16xi1>, vector<16xf32>
      %select_n3A_1390 = arith.select %eq3A_1386, %select_n3A_1388, %select_n3A_1389 : vector<16xi1>, vector<16xf32>
      %select_n3A_1391 = arith.select %ge3A_1387, %select_n3A_1371, %gather3A_1380 : vector<16xi1>, vector<16xi32>
      %select_n3A_1392 = arith.select %ge3A_1387, %gather3A_1380, %select_n3A_1371 : vector<16xi1>, vector<16xi32>
      %select_n3A_1393 = arith.select %eq3A_1386, %select_n3A_1391, %select_n3A_1392 : vector<16xi1>, vector<16xi32>
      %xor3A_1394 = arith.constant 1 : i32
      %xor3A_1395 = vector.broadcast %xor3A_1394 : i32 to vector<16xi32>
      %xor3A_1396 = arith.xori %iota3A_1327, %xor3A_1395 : vector<16xi32>
      %broadcast_in_dim3A_1397 = vector.shape_cast %xor3A_1396 : vector<16xi32> to vector<16x1xi32>
      %gather3A_1398 = vector.shape_cast %broadcast_in_dim3A_1397 : vector<16x1xi32> to vector<16xi32>
      %gather3A_1399 = tpu.dynamic_gather %select_n3A_1390[%gather3A_1398] in [0] : vector<16xf32>, vector<16xi32> -> vector<16xf32>
      %broadcast_in_dim3A_1400 = vector.shape_cast %xor3A_1396 : vector<16xi32> to vector<16x1xi32>
      %gather3A_1401 = vector.shape_cast %broadcast_in_dim3A_1400 : vector<16x1xi32> to vector<16xi32>
      %gather3A_1402 = tpu.dynamic_gather %select_n3A_1393[%gather3A_1401] in [0] : vector<16xi32>, vector<16xi32> -> vector<16xi32>
      %and3A_1403 = arith.constant 1 : i32
      %and3A_1404 = vector.broadcast %and3A_1403 : i32 to vector<16xi32>
      %and3A_1405 = arith.andi %iota3A_1327, %and3A_1404 : vector<16xi32>
      %eq3A_1406 = arith.constant 0 : i32
      %eq3A_1407 = vector.broadcast %eq3A_1406 : i32 to vector<16xi32>
      %eq3A_1408 = arith.cmpi eq, %and3A_1405, %eq3A_1407 : vector<16xi32>
      %ge3A_1409 = arith.cmpf oge, %select_n3A_1390, %gather3A_1399 : vector<16xf32>
      %select_n3A_1410 = arith.select %ge3A_1409, %select_n3A_1390, %gather3A_1399 : vector<16xi1>, vector<16xf32>
      %select_n3A_1411 = arith.select %ge3A_1409, %gather3A_1399, %select_n3A_1390 : vector<16xi1>, vector<16xf32>
      %select_n3A_1412 = arith.select %eq3A_1408, %select_n3A_1410, %select_n3A_1411 : vector<16xi1>, vector<16xf32>
      %select_n3A_1413 = arith.select %ge3A_1409, %select_n3A_1393, %gather3A_1402 : vector<16xi1>, vector<16xi32>
      %select_n3A_1414 = arith.select %ge3A_1409, %gather3A_1402, %select_n3A_1393 : vector<16xi1>, vector<16xi32>
      %select_n3A_1415 = arith.select %eq3A_1408, %select_n3A_1413, %select_n3A_1414 : vector<16xi1>, vector<16xi32>
      %iota3A_1416 = tpu.iota {dimensions = array<i32: 0>} : vector<16xi32>
      %xor3A_1417 = arith.constant 8 : i32
      %xor3A_1418 = vector.broadcast %xor3A_1417 : i32 to vector<16xi32>
      %xor3A_1419 = arith.xori %iota3A_1416, %xor3A_1418 : vector<16xi32>
      %broadcast_in_dim3A_1420 = vector.shape_cast %xor3A_1419 : vector<16xi32> to vector<16x1xi32>
      %gather3A_1421 = vector.shape_cast %broadcast_in_dim3A_1420 : vector<16x1xi32> to vector<16xi32>
      %gather3A_1422 = tpu.dynamic_gather %select_n3A_1325[%gather3A_1421] in [0] : vector<16xf32>, vector<16xi32> -> vector<16xf32>
      %broadcast_in_dim3A_1423 = vector.shape_cast %xor3A_1419 : vector<16xi32> to vector<16x1xi32>
      %gather3A_1424 = vector.shape_cast %broadcast_in_dim3A_1423 : vector<16x1xi32> to vector<16xi32>
      %gather3A_1425 = tpu.dynamic_gather %select_n3A_1326[%gather3A_1424] in [0] : vector<16xi32>, vector<16xi32> -> vector<16xi32>
      %and3A_1426 = arith.constant 8 : i32
      %and3A_1427 = vector.broadcast %and3A_1426 : i32 to vector<16xi32>
      %and3A_1428 = arith.andi %iota3A_1416, %and3A_1427 : vector<16xi32>
      %eq3A_1429 = arith.constant 0 : i32
      %eq3A_1430 = vector.broadcast %eq3A_1429 : i32 to vector<16xi32>
      %eq3A_1431 = arith.cmpi eq, %and3A_1428, %eq3A_1430 : vector<16xi32>
      %ge3A_1432 = arith.cmpf oge, %select_n3A_1325, %gather3A_1422 : vector<16xf32>
      %select_n3A_1433 = arith.select %ge3A_1432, %select_n3A_1325, %gather3A_1422 : vector<16xi1>, vector<16xf32>
      %select_n3A_1434 = arith.select %ge3A_1432, %gather3A_1422, %select_n3A_1325 : vector<16xi1>, vector<16xf32>
      %select_n3A_1435 = arith.select %eq3A_1431, %select_n3A_1433, %select_n3A_1434 : vector<16xi1>, vector<16xf32>
      %select_n3A_1436 = arith.select %ge3A_1432, %select_n3A_1326, %gather3A_1425 : vector<16xi1>, vector<16xi32>
      %select_n3A_1437 = arith.select %ge3A_1432, %gather3A_1425, %select_n3A_1326 : vector<16xi1>, vector<16xi32>
      %select_n3A_1438 = arith.select %eq3A_1431, %select_n3A_1436, %select_n3A_1437 : vector<16xi1>, vector<16xi32>
      %xor3A_1439 = arith.constant 4 : i32
      %xor3A_1440 = vector.broadcast %xor3A_1439 : i32 to vector<16xi32>
      %xor3A_1441 = arith.xori %iota3A_1416, %xor3A_1440 : vector<16xi32>
      %broadcast_in_dim3A_1442 = vector.shape_cast %xor3A_1441 : vector<16xi32> to vector<16x1xi32>
      %gather3A_1443 = vector.shape_cast %broadcast_in_dim3A_1442 : vector<16x1xi32> to vector<16xi32>
      %gather3A_1444 = tpu.dynamic_gather %select_n3A_1435[%gather3A_1443] in [0] : vector<16xf32>, vector<16xi32> -> vector<16xf32>
      %broadcast_in_dim3A_1445 = vector.shape_cast %xor3A_1441 : vector<16xi32> to vector<16x1xi32>
      %gather3A_1446 = vector.shape_cast %broadcast_in_dim3A_1445 : vector<16x1xi32> to vector<16xi32>
      %gather3A_1447 = tpu.dynamic_gather %select_n3A_1438[%gather3A_1446] in [0] : vector<16xi32>, vector<16xi32> -> vector<16xi32>
      %and3A_1448 = arith.constant 4 : i32
      %and3A_1449 = vector.broadcast %and3A_1448 : i32 to vector<16xi32>
      %and3A_1450 = arith.andi %iota3A_1416, %and3A_1449 : vector<16xi32>
      %eq3A_1451 = arith.constant 0 : i32
      %eq3A_1452 = vector.broadcast %eq3A_1451 : i32 to vector<16xi32>
      %eq3A_1453 = arith.cmpi eq, %and3A_1450, %eq3A_1452 : vector<16xi32>
      %ge3A_1454 = arith.cmpf oge, %select_n3A_1435, %gather3A_1444 : vector<16xf32>
      %select_n3A_1455 = arith.select %ge3A_1454, %select_n3A_1435, %gather3A_1444 : vector<16xi1>, vector<16xf32>
      %select_n3A_1456 = arith.select %ge3A_1454, %gather3A_1444, %select_n3A_1435 : vector<16xi1>, vector<16xf32>
      %select_n3A_1457 = arith.select %eq3A_1453, %select_n3A_1455, %select_n3A_1456 : vector<16xi1>, vector<16xf32>
      %select_n3A_1458 = arith.select %ge3A_1454, %select_n3A_1438, %gather3A_1447 : vector<16xi1>, vector<16xi32>
      %select_n3A_1459 = arith.select %ge3A_1454, %gather3A_1447, %select_n3A_1438 : vector<16xi1>, vector<16xi32>
      %select_n3A_1460 = arith.select %eq3A_1453, %select_n3A_1458, %select_n3A_1459 : vector<16xi1>, vector<16xi32>
      %xor3A_1461 = arith.constant 2 : i32
      %xor3A_1462 = vector.broadcast %xor3A_1461 : i32 to vector<16xi32>
      %xor3A_1463 = arith.xori %iota3A_1416, %xor3A_1462 : vector<16xi32>
      %broadcast_in_dim3A_1464 = vector.shape_cast %xor3A_1463 : vector<16xi32> to vector<16x1xi32>
      %gather3A_1465 = vector.shape_cast %broadcast_in_dim3A_1464 : vector<16x1xi32> to vector<16xi32>
      %gather3A_1466 = tpu.dynamic_gather %select_n3A_1457[%gather3A_1465] in [0] : vector<16xf32>, vector<16xi32> -> vector<16xf32>
      %broadcast_in_dim3A_1467 = vector.shape_cast %xor3A_1463 : vector<16xi32> to vector<16x1xi32>
      %gather3A_1468 = vector.shape_cast %broadcast_in_dim3A_1467 : vector<16x1xi32> to vector<16xi32>
      %gather3A_1469 = tpu.dynamic_gather %select_n3A_1460[%gather3A_1468] in [0] : vector<16xi32>, vector<16xi32> -> vector<16xi32>
      %and3A_1470 = arith.constant 2 : i32
      %and3A_1471 = vector.broadcast %and3A_1470 : i32 to vector<16xi32>
      %and3A_1472 = arith.andi %iota3A_1416, %and3A_1471 : vector<16xi32>
      %eq3A_1473 = arith.constant 0 : i32
      %eq3A_1474 = vector.broadcast %eq3A_1473 : i32 to vector<16xi32>
      %eq3A_1475 = arith.cmpi eq, %and3A_1472, %eq3A_1474 : vector<16xi32>
      %ge3A_1476 = arith.cmpf oge, %select_n3A_1457, %gather3A_1466 : vector<16xf32>
      %select_n3A_1477 = arith.select %ge3A_1476, %select_n3A_1457, %gather3A_1466 : vector<16xi1>, vector<16xf32>
      %select_n3A_1478 = arith.select %ge3A_1476, %gather3A_1466, %select_n3A_1457 : vector<16xi1>, vector<16xf32>
      %select_n3A_1479 = arith.select %eq3A_1475, %select_n3A_1477, %select_n3A_1478 : vector<16xi1>, vector<16xf32>
      %select_n3A_1480 = arith.select %ge3A_1476, %select_n3A_1460, %gather3A_1469 : vector<16xi1>, vector<16xi32>
      %select_n3A_1481 = arith.select %ge3A_1476, %gather3A_1469, %select_n3A_1460 : vector<16xi1>, vector<16xi32>
      %select_n3A_1482 = arith.select %eq3A_1475, %select_n3A_1480, %select_n3A_1481 : vector<16xi1>, vector<16xi32>
      %xor3A_1483 = arith.constant 1 : i32
      %xor3A_1484 = vector.broadcast %xor3A_1483 : i32 to vector<16xi32>
      %xor3A_1485 = arith.xori %iota3A_1416, %xor3A_1484 : vector<16xi32>
      %broadcast_in_dim3A_1486 = vector.shape_cast %xor3A_1485 : vector<16xi32> to vector<16x1xi32>
      %gather3A_1487 = vector.shape_cast %broadcast_in_dim3A_1486 : vector<16x1xi32> to vector<16xi32>
      %gather3A_1488 = tpu.dynamic_gather %select_n3A_1479[%gather3A_1487] in [0] : vector<16xf32>, vector<16xi32> -> vector<16xf32>
      %broadcast_in_dim3A_1489 = vector.shape_cast %xor3A_1485 : vector<16xi32> to vector<16x1xi32>
      %gather3A_1490 = vector.shape_cast %broadcast_in_dim3A_1489 : vector<16x1xi32> to vector<16xi32>
      %gather3A_1491 = tpu.dynamic_gather %select_n3A_1482[%gather3A_1490] in [0] : vector<16xi32>, vector<16xi32> -> vector<16xi32>
      %and3A_1492 = arith.constant 1 : i32
      %and3A_1493 = vector.broadcast %and3A_1492 : i32 to vector<16xi32>
      %and3A_1494 = arith.andi %iota3A_1416, %and3A_1493 : vector<16xi32>
      %eq3A_1495 = arith.constant 0 : i32
      %eq3A_1496 = vector.broadcast %eq3A_1495 : i32 to vector<16xi32>
      %eq3A_1497 = arith.cmpi eq, %and3A_1494, %eq3A_1496 : vector<16xi32>
      %ge3A_1498 = arith.cmpf oge, %select_n3A_1479, %gather3A_1488 : vector<16xf32>
      %select_n3A_1499 = arith.select %ge3A_1498, %select_n3A_1479, %gather3A_1488 : vector<16xi1>, vector<16xf32>
      %select_n3A_1500 = arith.select %ge3A_1498, %gather3A_1488, %select_n3A_1479 : vector<16xi1>, vector<16xf32>
      %select_n3A_1501 = arith.select %eq3A_1497, %select_n3A_1499, %select_n3A_1500 : vector<16xi1>, vector<16xf32>
      %select_n3A_1502 = arith.select %ge3A_1498, %select_n3A_1482, %gather3A_1491 : vector<16xi1>, vector<16xi32>
      %select_n3A_1503 = arith.select %ge3A_1498, %gather3A_1491, %select_n3A_1482 : vector<16xi1>, vector<16xi32>
      %select_n3A_1504 = arith.select %eq3A_1497, %select_n3A_1502, %select_n3A_1503 : vector<16xi1>, vector<16xi32>
      %reduce_min3A = arith.constant true
      %reduce_min3A_1505 = vector.broadcast %reduce_min3A : i1 to vector<16xi1>
      %reduce_min3A_1506 = tpu.scan <min>, %select_n3A_1412 masked %reduce_min3A_1505 : vector<16xf32>, vector<16xi1> -> vector<16xf32>
      %reduce_min3A_1507 = vector.extract %reduce_min3A_1506[15] : f32 from vector<16xf32>
      %reduce_min3A_1508 = arith.constant true
      %reduce_min3A_1509 = vector.broadcast %reduce_min3A_1508 : i1 to vector<16xi1>
      %reduce_min3A_1510 = tpu.scan <min>, %select_n3A_1501 masked %reduce_min3A_1509 : vector<16xf32>, vector<16xi1> -> vector<16xf32>
      %reduce_min3A_1511 = vector.extract %reduce_min3A_1510[15] : f32 from vector<16xf32>
      %min3A = arith.minimumf %reduce_min3A_1507, %reduce_min3A_1511 : f32
      %broadcast_in_dim3A_1512 = vector.broadcast %min3A : f32 to vector<16xf32>
      %ge3A_1513 = arith.cmpf oge, %get3A_20, %broadcast_in_dim3A_1512 : vector<16xf32>
      %add3A_1514 = arith.constant 0 : i32
      %add3A_1515 = vector.broadcast %add3A_1514 : i32 to vector<16xi32>
      %add3A_1516 = arith.addi %iota3A, %add3A_1515 : vector<16xi32>
      %swap3A_1517 = arith.constant 0 : i32
      %swap3A_1518 = arith.index_cast %swap3A_1517 : i32 to index
      %swap3A_1519 = tpu.vector_load %arg9[%swap3A_1518] masked %ge3A_1513 {strides = array<i32>} : memref<64xi32, #tpu.memory_space<vmem>>, vector<16xi32>, vector<16xi1>
      tpu.vector_store %arg9[%swap3A_1518], %add3A_1516 masked %ge3A_1513 {strides = array<i32>} : memref<64xi32, #tpu.memory_space<vmem>>, vector<16xi32>, vector<16xi1>
      %all_reduce_population_count3A = tpu.all_reduce %ge3A_1513 {dim = 0 : i64, kind = #tpu.reduction_kind<sum>} : vector<16xi1> -> vector<16xi32>
      %reduce_max3A = arith.constant true
      %reduce_max3A_1520 = vector.broadcast %reduce_max3A : i1 to vector<16xi1>
      %reduce_max3A_1521 = arith.constant -2147483648 : i32
      %reduce_max3A_1522 = vector.broadcast %reduce_max3A_1521 : i32 to vector<16xi32>
      %reduce_max3A_1523 = arith.xori %all_reduce_population_count3A, %reduce_max3A_1522 : vector<16xi32>
      %reduce_max3A_1524 = tpu.scan <max>, %reduce_max3A_1523 masked %reduce_max3A_1520 : vector<16xi32>, vector<16xi1> -> vector<16xi32>
      %reduce_max3A_1525 = arith.xori %reduce_max3A_1524, %reduce_max3A_1522 : vector<16xi32>
      %reduce_max3A_1526 = vector.extract %reduce_max3A_1525[15] : i32 from vector<16xi32>
      %add3A_1527 = arith.constant 0 : i32
      %add3A_1528 = arith.addi %add3A_1527, %reduce_max3A_1526 : i32
      %min3A_1529 = arith.constant 48 : i32
      %min3A_1530 = arith.minsi %add3A_1528, %min3A_1529 : i32
      %ge3A_1531 = arith.cmpf oge, %get3A_22, %broadcast_in_dim3A_1512 : vector<16xf32>
      %add3A_1532 = arith.constant 16 : i32
      %add3A_1533 = vector.broadcast %add3A_1532 : i32 to vector<16xi32>
      %add3A_1534 = arith.addi %iota3A, %add3A_1533 : vector<16xi32>
      %swap3A_1535 = arith.index_cast %min3A_1530 : i32 to index
      %swap3A_1536 = tpu.vector_load %arg9[%swap3A_1535] masked %ge3A_1531 {strides = array<i32>} : memref<64xi32, #tpu.memory_space<vmem>>, vector<16xi32>, vector<16xi1>
      tpu.vector_store %arg9[%swap3A_1535], %add3A_1534 masked %ge3A_1531 {strides = array<i32>} : memref<64xi32, #tpu.memory_space<vmem>>, vector<16xi32>, vector<16xi1>
      %all_reduce_population_count3A_1537 = tpu.all_reduce %ge3A_1531 {dim = 0 : i64, kind = #tpu.reduction_kind<sum>} : vector<16xi1> -> vector<16xi32>
      %reduce_max3A_1538 = arith.constant true
      %reduce_max3A_1539 = vector.broadcast %reduce_max3A_1538 : i1 to vector<16xi1>
      %reduce_max3A_1540 = arith.constant -2147483648 : i32
      %reduce_max3A_1541 = vector.broadcast %reduce_max3A_1540 : i32 to vector<16xi32>
      %reduce_max3A_1542 = arith.xori %all_reduce_population_count3A_1537, %reduce_max3A_1541 : vector<16xi32>
      %reduce_max3A_1543 = tpu.scan <max>, %reduce_max3A_1542 masked %reduce_max3A_1539 : vector<16xi32>, vector<16xi1> -> vector<16xi32>
      %reduce_max3A_1544 = arith.xori %reduce_max3A_1543, %reduce_max3A_1541 : vector<16xi32>
      %reduce_max3A_1545 = vector.extract %reduce_max3A_1544[15] : i32 from vector<16xi32>
      %add3A_1546 = arith.addi %min3A_1530, %reduce_max3A_1545 : i32
      %min3A_1547 = arith.constant 48 : i32
      %min3A_1548 = arith.minsi %add3A_1546, %min3A_1547 : i32
      %ge3A_1549 = arith.cmpf oge, %get3A_24, %broadcast_in_dim3A_1512 : vector<16xf32>
      %add3A_1550 = arith.constant 32 : i32
      %add3A_1551 = vector.broadcast %add3A_1550 : i32 to vector<16xi32>
      %add3A_1552 = arith.addi %iota3A, %add3A_1551 : vector<16xi32>
      %swap3A_1553 = arith.index_cast %min3A_1548 : i32 to index
      %swap3A_1554 = tpu.vector_load %arg9[%swap3A_1553] masked %ge3A_1549 {strides = array<i32>} : memref<64xi32, #tpu.memory_space<vmem>>, vector<16xi32>, vector<16xi1>
      tpu.vector_store %arg9[%swap3A_1553], %add3A_1552 masked %ge3A_1549 {strides = array<i32>} : memref<64xi32, #tpu.memory_space<vmem>>, vector<16xi32>, vector<16xi1>
      %all_reduce_population_count3A_1555 = tpu.all_reduce %ge3A_1549 {dim = 0 : i64, kind = #tpu.reduction_kind<sum>} : vector<16xi1> -> vector<16xi32>
      %reduce_max3A_1556 = arith.constant true
      %reduce_max3A_1557 = vector.broadcast %reduce_max3A_1556 : i1 to vector<16xi1>
      %reduce_max3A_1558 = arith.constant -2147483648 : i32
      %reduce_max3A_1559 = vector.broadcast %reduce_max3A_1558 : i32 to vector<16xi32>
      %reduce_max3A_1560 = arith.xori %all_reduce_population_count3A_1555, %reduce_max3A_1559 : vector<16xi32>
      %reduce_max3A_1561 = tpu.scan <max>, %reduce_max3A_1560 masked %reduce_max3A_1557 : vector<16xi32>, vector<16xi1> -> vector<16xi32>
      %reduce_max3A_1562 = arith.xori %reduce_max3A_1561, %reduce_max3A_1559 : vector<16xi32>
      %reduce_max3A_1563 = vector.extract %reduce_max3A_1562[15] : i32 from vector<16xi32>
      %add3A_1564 = arith.addi %min3A_1548, %reduce_max3A_1563 : i32
      %min3A_1565 = arith.constant 48 : i32
      %min3A_1566 = arith.minsi %add3A_1564, %min3A_1565 : i32
      %ge3A_1567 = arith.cmpf oge, %get3A_26, %broadcast_in_dim3A_1512 : vector<16xf32>
      %add3A_1568 = arith.constant 48 : i32
      %add3A_1569 = vector.broadcast %add3A_1568 : i32 to vector<16xi32>
      %add3A_1570 = arith.addi %iota3A, %add3A_1569 : vector<16xi32>
      %swap3A_1571 = arith.index_cast %min3A_1566 : i32 to index
      %swap3A_1572 = tpu.vector_load %arg9[%swap3A_1571] masked %ge3A_1567 {strides = array<i32>} : memref<64xi32, #tpu.memory_space<vmem>>, vector<16xi32>, vector<16xi1>
      tpu.vector_store %arg9[%swap3A_1571], %add3A_1570 masked %ge3A_1567 {strides = array<i32>} : memref<64xi32, #tpu.memory_space<vmem>>, vector<16xi32>, vector<16xi1>
      %all_reduce_population_count3A_1573 = tpu.all_reduce %ge3A_1567 {dim = 0 : i64, kind = #tpu.reduction_kind<sum>} : vector<16xi1> -> vector<16xi32>
      %reduce_max3A_1574 = arith.constant true
      %reduce_max3A_1575 = vector.broadcast %reduce_max3A_1574 : i1 to vector<16xi1>
      %reduce_max3A_1576 = arith.constant -2147483648 : i32
      %reduce_max3A_1577 = vector.broadcast %reduce_max3A_1576 : i32 to vector<16xi32>
      %reduce_max3A_1578 = arith.xori %all_reduce_population_count3A_1573, %reduce_max3A_1577 : vector<16xi32>
      %reduce_max3A_1579 = tpu.scan <max>, %reduce_max3A_1578 masked %reduce_max3A_1575 : vector<16xi32>, vector<16xi1> -> vector<16xi32>
      %reduce_max3A_1580 = arith.xori %reduce_max3A_1579, %reduce_max3A_1577 : vector<16xi32>
      %reduce_max3A_1581 = vector.extract %reduce_max3A_1580[15] : i32 from vector<16xi32>
      %add3A_1582 = arith.addi %min3A_1566, %reduce_max3A_1581 : i32
      %min3A_1583 = arith.constant 48 : i32
      %min3A_1584 = arith.minsi %add3A_1582, %min3A_1583 : i32
      %ge3A_1585 = arith.cmpf oge, %get3A_28, %broadcast_in_dim3A_1512 : vector<16xf32>
      %add3A_1586 = arith.constant 64 : i32
      %add3A_1587 = vector.broadcast %add3A_1586 : i32 to vector<16xi32>
      %add3A_1588 = arith.addi %iota3A, %add3A_1587 : vector<16xi32>
      %swap3A_1589 = arith.index_cast %min3A_1584 : i32 to index
      %swap3A_1590 = tpu.vector_load %arg9[%swap3A_1589] masked %ge3A_1585 {strides = array<i32>} : memref<64xi32, #tpu.memory_space<vmem>>, vector<16xi32>, vector<16xi1>
      tpu.vector_store %arg9[%swap3A_1589], %add3A_1588 masked %ge3A_1585 {strides = array<i32>} : memref<64xi32, #tpu.memory_space<vmem>>, vector<16xi32>, vector<16xi1>
      %all_reduce_population_count3A_1591 = tpu.all_reduce %ge3A_1585 {dim = 0 : i64, kind = #tpu.reduction_kind<sum>} : vector<16xi1> -> vector<16xi32>
      %reduce_max3A_1592 = arith.constant true
      %reduce_max3A_1593 = vector.broadcast %reduce_max3A_1592 : i1 to vector<16xi1>
      %reduce_max3A_1594 = arith.constant -2147483648 : i32
      %reduce_max3A_1595 = vector.broadcast %reduce_max3A_1594 : i32 to vector<16xi32>
      %reduce_max3A_1596 = arith.xori %all_reduce_population_count3A_1591, %reduce_max3A_1595 : vector<16xi32>
      %reduce_max3A_1597 = tpu.scan <max>, %reduce_max3A_1596 masked %reduce_max3A_1593 : vector<16xi32>, vector<16xi1> -> vector<16xi32>
      %reduce_max3A_1598 = arith.xori %reduce_max3A_1597, %reduce_max3A_1595 : vector<16xi32>
      %reduce_max3A_1599 = vector.extract %reduce_max3A_1598[15] : i32 from vector<16xi32>
      %add3A_1600 = arith.addi %min3A_1584, %reduce_max3A_1599 : i32
      %min3A_1601 = arith.constant 48 : i32
      %min3A_1602 = arith.minsi %add3A_1600, %min3A_1601 : i32
      %ge3A_1603 = arith.cmpf oge, %get3A_30, %broadcast_in_dim3A_1512 : vector<16xf32>
      %add3A_1604 = arith.constant 80 : i32
      %add3A_1605 = vector.broadcast %add3A_1604 : i32 to vector<16xi32>
      %add3A_1606 = arith.addi %iota3A, %add3A_1605 : vector<16xi32>
      %swap3A_1607 = arith.index_cast %min3A_1602 : i32 to index
      %swap3A_1608 = tpu.vector_load %arg9[%swap3A_1607] masked %ge3A_1603 {strides = array<i32>} : memref<64xi32, #tpu.memory_space<vmem>>, vector<16xi32>, vector<16xi1>
      tpu.vector_store %arg9[%swap3A_1607], %add3A_1606 masked %ge3A_1603 {strides = array<i32>} : memref<64xi32, #tpu.memory_space<vmem>>, vector<16xi32>, vector<16xi1>
      %all_reduce_population_count3A_1609 = tpu.all_reduce %ge3A_1603 {dim = 0 : i64, kind = #tpu.reduction_kind<sum>} : vector<16xi1> -> vector<16xi32>
      %reduce_max3A_1610 = arith.constant true
      %reduce_max3A_1611 = vector.broadcast %reduce_max3A_1610 : i1 to vector<16xi1>
      %reduce_max3A_1612 = arith.constant -2147483648 : i32
      %reduce_max3A_1613 = vector.broadcast %reduce_max3A_1612 : i32 to vector<16xi32>
      %reduce_max3A_1614 = arith.xori %all_reduce_population_count3A_1609, %reduce_max3A_1613 : vector<16xi32>
      %reduce_max3A_1615 = tpu.scan <max>, %reduce_max3A_1614 masked %reduce_max3A_1611 : vector<16xi32>, vector<16xi1> -> vector<16xi32>
      %reduce_max3A_1616 = arith.xori %reduce_max3A_1615, %reduce_max3A_1613 : vector<16xi32>
      %reduce_max3A_1617 = vector.extract %reduce_max3A_1616[15] : i32 from vector<16xi32>
      %add3A_1618 = arith.addi %min3A_1602, %reduce_max3A_1617 : i32
      %min3A_1619 = arith.constant 48 : i32
      %min3A_1620 = arith.minsi %add3A_1618, %min3A_1619 : i32
      %ge3A_1621 = arith.cmpf oge, %get3A_32, %broadcast_in_dim3A_1512 : vector<16xf32>
      %add3A_1622 = arith.constant 96 : i32
      %add3A_1623 = vector.broadcast %add3A_1622 : i32 to vector<16xi32>
      %add3A_1624 = arith.addi %iota3A, %add3A_1623 : vector<16xi32>
      %swap3A_1625 = arith.index_cast %min3A_1620 : i32 to index
      %swap3A_1626 = tpu.vector_load %arg9[%swap3A_1625] masked %ge3A_1621 {strides = array<i32>} : memref<64xi32, #tpu.memory_space<vmem>>, vector<16xi32>, vector<16xi1>
      tpu.vector_store %arg9[%swap3A_1625], %add3A_1624 masked %ge3A_1621 {strides = array<i32>} : memref<64xi32, #tpu.memory_space<vmem>>, vector<16xi32>, vector<16xi1>
      %all_reduce_population_count3A_1627 = tpu.all_reduce %ge3A_1621 {dim = 0 : i64, kind = #tpu.reduction_kind<sum>} : vector<16xi1> -> vector<16xi32>
      %reduce_max3A_1628 = arith.constant true
      %reduce_max3A_1629 = vector.broadcast %reduce_max3A_1628 : i1 to vector<16xi1>
      %reduce_max3A_1630 = arith.constant -2147483648 : i32
      %reduce_max3A_1631 = vector.broadcast %reduce_max3A_1630 : i32 to vector<16xi32>
      %reduce_max3A_1632 = arith.xori %all_reduce_population_count3A_1627, %reduce_max3A_1631 : vector<16xi32>
      %reduce_max3A_1633 = tpu.scan <max>, %reduce_max3A_1632 masked %reduce_max3A_1629 : vector<16xi32>, vector<16xi1> -> vector<16xi32>
      %reduce_max3A_1634 = arith.xori %reduce_max3A_1633, %reduce_max3A_1631 : vector<16xi32>
      %reduce_max3A_1635 = vector.extract %reduce_max3A_1634[15] : i32 from vector<16xi32>
      %add3A_1636 = arith.addi %min3A_1620, %reduce_max3A_1635 : i32
      %min3A_1637 = arith.constant 48 : i32
      %min3A_1638 = arith.minsi %add3A_1636, %min3A_1637 : i32
      %ge3A_1639 = arith.cmpf oge, %get3A_34, %broadcast_in_dim3A_1512 : vector<16xf32>
      %add3A_1640 = arith.constant 112 : i32
      %add3A_1641 = vector.broadcast %add3A_1640 : i32 to vector<16xi32>
      %add3A_1642 = arith.addi %iota3A, %add3A_1641 : vector<16xi32>
      %swap3A_1643 = arith.index_cast %min3A_1638 : i32 to index
      %swap3A_1644 = tpu.vector_load %arg9[%swap3A_1643] masked %ge3A_1639 {strides = array<i32>} : memref<64xi32, #tpu.memory_space<vmem>>, vector<16xi32>, vector<16xi1>
      tpu.vector_store %arg9[%swap3A_1643], %add3A_1642 masked %ge3A_1639 {strides = array<i32>} : memref<64xi32, #tpu.memory_space<vmem>>, vector<16xi32>, vector<16xi1>
      %all_reduce_population_count3A_1645 = tpu.all_reduce %ge3A_1639 {dim = 0 : i64, kind = #tpu.reduction_kind<sum>} : vector<16xi1> -> vector<16xi32>
      %reduce_max3A_1646 = arith.constant true
      %reduce_max3A_1647 = vector.broadcast %reduce_max3A_1646 : i1 to vector<16xi1>
      %reduce_max3A_1648 = arith.constant -2147483648 : i32
      %reduce_max3A_1649 = vector.broadcast %reduce_max3A_1648 : i32 to vector<16xi32>
      %reduce_max3A_1650 = arith.xori %all_reduce_population_count3A_1645, %reduce_max3A_1649 : vector<16xi32>
      %reduce_max3A_1651 = tpu.scan <max>, %reduce_max3A_1650 masked %reduce_max3A_1647 : vector<16xi32>, vector<16xi1> -> vector<16xi32>
      %reduce_max3A_1652 = arith.xori %reduce_max3A_1651, %reduce_max3A_1649 : vector<16xi32>
      %reduce_max3A_1653 = vector.extract %reduce_max3A_1652[15] : i32 from vector<16xi32>
      %add3A_1654 = arith.addi %min3A_1638, %reduce_max3A_1653 : i32
      %min3A_1655 = arith.constant 48 : i32
      %min3A_1656 = arith.minsi %add3A_1654, %min3A_1655 : i32
      %mul3A_1657 = arith.constant 128 : i32
      %mul3A_1658 = arith.muli %add3A_19, %mul3A_1657 : i32
      %broadcast_in_dim3A_1659 = vector.broadcast %mul3A_1658 : i32 to vector<16xi32>
      %get3A_1660 = arith.constant 0 : index
      %get3A_1661 = tpu.vector_load %arg9[%get3A_1660] {strides = array<i32>} : memref<64xi32, #tpu.memory_space<vmem>>, vector<16xi32>,
      %add3A_1662 = arith.addi %get3A_1661, %broadcast_in_dim3A_1659 : vector<16xi32>
      %swap3A_1663 = arith.constant 0 : index
      %swap3A_1664 = tpu.vector_load %arg10[%swap3A_1663] {strides = array<i32>} : memref<48xi32, #tpu.memory_space<vmem>>, vector<16xi32>,
      tpu.vector_store %arg10[%swap3A_1663], %add3A_1662 {strides = array<i32>} : memref<48xi32, #tpu.memory_space<vmem>>, vector<16xi32>,
      %get3A_1665 = arith.constant 16 : index
      %get3A_1666 = tpu.vector_load %arg9[%get3A_1665] {strides = array<i32>} : memref<64xi32, #tpu.memory_space<vmem>>, vector<16xi32>,
      %add3A_1667 = arith.addi %get3A_1666, %broadcast_in_dim3A_1659 : vector<16xi32>
      %swap3A_1668 = arith.constant 16 : index
      %swap3A_1669 = tpu.vector_load %arg10[%swap3A_1668] {strides = array<i32>} : memref<48xi32, #tpu.memory_space<vmem>>, vector<16xi32>,
      tpu.vector_store %arg10[%swap3A_1668], %add3A_1667 {strides = array<i32>} : memref<48xi32, #tpu.memory_space<vmem>>, vector<16xi32>,
      %get3A_1670 = arith.constant 32 : index
      %get3A_1671 = tpu.vector_load %arg9[%get3A_1670] {strides = array<i32>} : memref<64xi32, #tpu.memory_space<vmem>>, vector<16xi32>,
      %add3A_1672 = arith.addi %get3A_1671, %broadcast_in_dim3A_1659 : vector<16xi32>
      %swap3A_1673 = arith.constant 32 : index
      %swap3A_1674 = tpu.vector_load %arg10[%swap3A_1673] {strides = array<i32>} : memref<48xi32, #tpu.memory_space<vmem>>, vector<16xi32>,
      tpu.vector_store %arg10[%swap3A_1673], %add3A_1672 {strides = array<i32>} : memref<48xi32, #tpu.memory_space<vmem>>, vector<16xi32>,
      %dma_start3A = arith.constant 0 : i32
      %dma_start3A_1675 = arith.constant 0 : i32
      %dma_start3A_1676 = tpu.memref_slice %arg2[%dma_start3A, %dma_start3A_1675] : memref<262144x128xf32, #tpu.memory_space<hbm>> -> memref<262144x128xf32, #tpu.memory_space<hbm>>
      tpu.enqueue_indirect_dma source(%dma_start3A_1676 : memref<262144x128xf32, #tpu.memory_space<hbm>>) target(%arg11 : memref<48x128xf32, #tpu.memory_space<vmem>>) offsets(%arg10 : memref<48xi32, #tpu.memory_space<vmem>>) semaphore(%arg17 : memref<!tpu.dma_semaphore, #tpu.memory_space<semaphore_mem>>)
      %dma_start3A_1677 = arith.constant 0 : i32
      %dma_start3A_1678 = arith.constant 0 : i32
      %dma_start3A_1679 = tpu.memref_slice %arg4[%dma_start3A_1677, %dma_start3A_1678] : memref<262144x128xf32, #tpu.memory_space<hbm>> -> memref<262144x128xf32, #tpu.memory_space<hbm>>
      tpu.enqueue_indirect_dma source(%dma_start3A_1679 : memref<262144x128xf32, #tpu.memory_space<hbm>>) target(%arg12 : memref<48x128xf32, #tpu.memory_space<vmem>>) offsets(%arg10 : memref<48xi32, #tpu.memory_space<vmem>>) semaphore(%arg18 : memref<!tpu.dma_semaphore, #tpu.memory_space<semaphore_mem>>)
      %dma_wait3A = arith.constant 0 : i32
      %dma_wait3A_1680 = arith.constant 0 : i32
      %dma_wait3A_1681 = tpu.memref_slice %arg2[%dma_wait3A, %dma_wait3A_1680] : memref<262144x128xf32, #tpu.memory_space<hbm>> -> memref<262144x128xf32, #tpu.memory_space<hbm>>
      tpu.wait_indirect_dma semaphore(%arg17 : memref<!tpu.dma_semaphore, #tpu.memory_space<semaphore_mem>>) src(%dma_wait3A_1681 : memref<262144x128xf32, #tpu.memory_space<hbm>>) dst(%arg11 : memref<48x128xf32, #tpu.memory_space<vmem>>)
      %mul3A_1682 = arith.constant 8 : i32
      %mul3A_1683 = arith.muli %min3A_1656, %mul3A_1682 : i32
      %while3A = arith.constant 0 : i32
      %while3A_1684 = arith.constant 0 : i32
      %while3A_1685 = arith.subi %mul3A_1683, %while3A : i32
      %while3A_1686 = arith.addi %while3A, %while3A_1685 : i32
      %while3A_1687 = arith.constant 1 : i32
      %while3A_1688 = arith.divsi %while3A_1685, %while3A_1687 : i32
      %while3A_1689 = arith.muli %while3A_1688, %while3A_1687 : i32
      %while3A_1690 = arith.addi %while3A, %while3A_1689 : i32
      %while3A_1691 = arith.constant 1 : i32
      %while3A_1692 = scf.for %while3A_1759 = %while3A to %while3A_1690 step %while3A_1691 iter_args(%while3A_1760 = %while3A_1684) -> (i32)  : i32 {
        %shift_right_arithmetic3A_1761 = arith.constant 3 : i32
        %shift_right_arithmetic3A_1762 = arith.shrsi %while3A_1759, %shift_right_arithmetic3A_1761 : i32
        %broadcast_in_dim3A_1763 = vector.broadcast %shift_right_arithmetic3A_1762 : i32 to vector<16xi32>
        %gather3A_1764 = tpu.vector_load_idx %arg9[%broadcast_in_dim3A_1763] : memref<64xi32, #tpu.memory_space<vmem>>[vector<16xi32>], vector<16xi32>,
        %and3A_1765 = arith.constant 7 : i32
        %and3A_1766 = arith.andi %while3A_1759, %and3A_1765 : i32
        %mul3A_1767 = arith.constant 16 : i32
        %mul3A_1768 = arith.muli %and3A_1766, %mul3A_1767 : i32
        %get3A_1769 = arith.index_cast %shift_right_arithmetic3A_1762 : i32 to index
        %get3A_1770 = arith.index_cast %mul3A_1768 : i32 to index
        %get3A_1771 = tpu.vector_load %arg11[%get3A_1769, %get3A_1770] {strides = array<i32>} : memref<48x128xf32, #tpu.memory_space<vmem>>, vector<16xf32>,
        %mul3A_1772 = arith.constant 128 : i32
        %mul3A_1773 = vector.broadcast %mul3A_1772 : i32 to vector<16xi32>
        %mul3A_1774 = arith.muli %gather3A_1764, %mul3A_1773 : vector<16xi32>
        %and3A_1775 = arith.constant 7 : i32
        %and3A_1776 = arith.andi %while3A_1759, %and3A_1775 : i32
        %mul3A_1777 = arith.constant 16 : i32
        %mul3A_1778 = arith.muli %and3A_1776, %mul3A_1777 : i32
        %add3A_1779 = vector.broadcast %mul3A_1778 : i32 to vector<16xi32>
        %add3A_1780 = arith.addi %mul3A_1774, %add3A_1779 : vector<16xi32>
        %add3A_1781 = arith.addi %add3A_1780, %iota3A : vector<16xi32>
        %mul3A_1782 = arith.constant 16 : i32
        %mul3A_1783 = arith.muli %while3A_1759, %mul3A_1782 : i32
        %broadcast_in_dim3A_1784 = vector.broadcast %mul3A_1783 : i32 to vector<16xi32>
        %add3A_1785 = arith.addi %broadcast_in_dim3A_1784, %iota3A : vector<16xi32>
        %shift_left3A = arith.constant 14 : i32
        %shift_left3A_1786 = vector.broadcast %shift_left3A : i32 to vector<16xi32>
        %shift_left3A_1787 = arith.shli %add3A_1785, %shift_left3A_1786 : vector<16xi32>
        %add3A_1788 = arith.addi %add3A_1781, %shift_left3A_1787 : vector<16xi32>
        %ge3A_1789 = arith.cmpf oge, %get3A_1771, %broadcast_in_dim3A_1512 : vector<16xf32>
        %swap3A_1790 = arith.index_cast %while3A_1760 : i32 to index
        %swap3A_1791 = tpu.vector_load %arg13[%swap3A_1790] masked %ge3A_1789 {strides = array<i32>} : memref<4160xf32, #tpu.memory_space<vmem>>, vector<16xf32>, vector<16xi1>
        tpu.vector_store %arg13[%swap3A_1790], %get3A_1771 masked %ge3A_1789 {strides = array<i32>} : memref<4160xf32, #tpu.memory_space<vmem>>, vector<16xf32>, vector<16xi1>
        %swap3A_1792 = arith.index_cast %while3A_1760 : i32 to index
        %swap3A_1793 = tpu.vector_load %arg14[%swap3A_1792] masked %ge3A_1789 {strides = array<i32>} : memref<4160xi32, #tpu.memory_space<vmem>>, vector<16xi32>, vector<16xi1>
        tpu.vector_store %arg14[%swap3A_1792], %add3A_1788 masked %ge3A_1789 {strides = array<i32>} : memref<4160xi32, #tpu.memory_space<vmem>>, vector<16xi32>, vector<16xi1>
        %all_reduce_population_count3A_1794 = tpu.all_reduce %ge3A_1789 {dim = 0 : i64, kind = #tpu.reduction_kind<sum>} : vector<16xi1> -> vector<16xi32>
        %reduce_max3A_1795 = arith.constant true
        %reduce_max3A_1796 = vector.broadcast %reduce_max3A_1795 : i1 to vector<16xi1>
        %reduce_max3A_1797 = arith.constant -2147483648 : i32
        %reduce_max3A_1798 = vector.broadcast %reduce_max3A_1797 : i32 to vector<16xi32>
        %reduce_max3A_1799 = arith.xori %all_reduce_population_count3A_1794, %reduce_max3A_1798 : vector<16xi32>
        %reduce_max3A_1800 = tpu.scan <max>, %reduce_max3A_1799 masked %reduce_max3A_1796 : vector<16xi32>, vector<16xi1> -> vector<16xi32>
        %reduce_max3A_1801 = arith.xori %reduce_max3A_1800, %reduce_max3A_1798 : vector<16xi32>
        %reduce_max3A_1802 = vector.extract %reduce_max3A_1801[15] : i32 from vector<16xi32>
        %add3A_1803 = arith.addi %while3A_1760, %reduce_max3A_1802 : i32
        %min3A_1804 = arith.constant 4096 : i32
        %min3A_1805 = arith.minsi %add3A_1803, %min3A_1804 : i32
        scf.yield %min3A_1805 : i32
      }
      %while3A_1693 = arith.constant 1 : i32
      %while3A_1694 = scf.for %while3A_1759 = %while3A_1690 to %while3A_1686 step %while3A_1693 iter_args(%while3A_1760 = %while3A_1692) -> (i32)  : i32 {
        %shift_right_arithmetic3A_1761 = arith.constant 3 : i32
        %shift_right_arithmetic3A_1762 = arith.shrsi %while3A_1759, %shift_right_arithmetic3A_1761 : i32
        %broadcast_in_dim3A_1763 = vector.broadcast %shift_right_arithmetic3A_1762 : i32 to vector<16xi32>
        %gather3A_1764 = tpu.vector_load_idx %arg9[%broadcast_in_dim3A_1763] : memref<64xi32, #tpu.memory_space<vmem>>[vector<16xi32>], vector<16xi32>,
        %and3A_1765 = arith.constant 7 : i32
        %and3A_1766 = arith.andi %while3A_1759, %and3A_1765 : i32
        %mul3A_1767 = arith.constant 16 : i32
        %mul3A_1768 = arith.muli %and3A_1766, %mul3A_1767 : i32
        %get3A_1769 = arith.index_cast %shift_right_arithmetic3A_1762 : i32 to index
        %get3A_1770 = arith.index_cast %mul3A_1768 : i32 to index
        %get3A_1771 = tpu.vector_load %arg11[%get3A_1769, %get3A_1770] {strides = array<i32>} : memref<48x128xf32, #tpu.memory_space<vmem>>, vector<16xf32>,
        %mul3A_1772 = arith.constant 128 : i32
        %mul3A_1773 = vector.broadcast %mul3A_1772 : i32 to vector<16xi32>
        %mul3A_1774 = arith.muli %gather3A_1764, %mul3A_1773 : vector<16xi32>
        %and3A_1775 = arith.constant 7 : i32
        %and3A_1776 = arith.andi %while3A_1759, %and3A_1775 : i32
        %mul3A_1777 = arith.constant 16 : i32
        %mul3A_1778 = arith.muli %and3A_1776, %mul3A_1777 : i32
        %add3A_1779 = vector.broadcast %mul3A_1778 : i32 to vector<16xi32>
        %add3A_1780 = arith.addi %mul3A_1774, %add3A_1779 : vector<16xi32>
        %add3A_1781 = arith.addi %add3A_1780, %iota3A : vector<16xi32>
        %mul3A_1782 = arith.constant 16 : i32
        %mul3A_1783 = arith.muli %while3A_1759, %mul3A_1782 : i32
        %broadcast_in_dim3A_1784 = vector.broadcast %mul3A_1783 : i32 to vector<16xi32>
        %add3A_1785 = arith.addi %broadcast_in_dim3A_1784, %iota3A : vector<16xi32>
        %shift_left3A = arith.constant 14 : i32
        %shift_left3A_1786 = vector.broadcast %shift_left3A : i32 to vector<16xi32>
        %shift_left3A_1787 = arith.shli %add3A_1785, %shift_left3A_1786 : vector<16xi32>
        %add3A_1788 = arith.addi %add3A_1781, %shift_left3A_1787 : vector<16xi32>
        %ge3A_1789 = arith.cmpf oge, %get3A_1771, %broadcast_in_dim3A_1512 : vector<16xf32>
        %swap3A_1790 = arith.index_cast %while3A_1760 : i32 to index
        %swap3A_1791 = tpu.vector_load %arg13[%swap3A_1790] masked %ge3A_1789 {strides = array<i32>} : memref<4160xf32, #tpu.memory_space<vmem>>, vector<16xf32>, vector<16xi1>
        tpu.vector_store %arg13[%swap3A_1790], %get3A_1771 masked %ge3A_1789 {strides = array<i32>} : memref<4160xf32, #tpu.memory_space<vmem>>, vector<16xf32>, vector<16xi1>
        %swap3A_1792 = arith.index_cast %while3A_1760 : i32 to index
        %swap3A_1793 = tpu.vector_load %arg14[%swap3A_1792] masked %ge3A_1789 {strides = array<i32>} : memref<4160xi32, #tpu.memory_space<vmem>>, vector<16xi32>, vector<16xi1>
        tpu.vector_store %arg14[%swap3A_1792], %add3A_1788 masked %ge3A_1789 {strides = array<i32>} : memref<4160xi32, #tpu.memory_space<vmem>>, vector<16xi32>, vector<16xi1>
        %all_reduce_population_count3A_1794 = tpu.all_reduce %ge3A_1789 {dim = 0 : i64, kind = #tpu.reduction_kind<sum>} : vector<16xi1> -> vector<16xi32>
        %reduce_max3A_1795 = arith.constant true
        %reduce_max3A_1796 = vector.broadcast %reduce_max3A_1795 : i1 to vector<16xi1>
        %reduce_max3A_1797 = arith.constant -2147483648 : i32
        %reduce_max3A_1798 = vector.broadcast %reduce_max3A_1797 : i32 to vector<16xi32>
        %reduce_max3A_1799 = arith.xori %all_reduce_population_count3A_1794, %reduce_max3A_1798 : vector<16xi32>
        %reduce_max3A_1800 = tpu.scan <max>, %reduce_max3A_1799 masked %reduce_max3A_1796 : vector<16xi32>, vector<16xi1> -> vector<16xi32>
        %reduce_max3A_1801 = arith.xori %reduce_max3A_1800, %reduce_max3A_1798 : vector<16xi32>
        %reduce_max3A_1802 = vector.extract %reduce_max3A_1801[15] : i32 from vector<16xi32>
        %add3A_1803 = arith.addi %while3A_1760, %reduce_max3A_1802 : i32
        %min3A_1804 = arith.constant 4096 : i32
        %min3A_1805 = arith.minsi %add3A_1803, %min3A_1804 : i32
        scf.yield %min3A_1805 : i32
      }
      %broadcast_in_dim3A_1695 = arith.constant -3.000000e+38 : f32
      %broadcast_in_dim3A_1696 = vector.broadcast %broadcast_in_dim3A_1695 : f32 to vector<16xf32>
      %swap3A_1697 = arith.index_cast %while3A_1694 : i32 to index
      %swap3A_1698 = tpu.vector_load %arg13[%swap3A_1697] {strides = array<i32>} : memref<4160xf32, #tpu.memory_space<vmem>>, vector<16xf32>,
      tpu.vector_store %arg13[%swap3A_1697], %broadcast_in_dim3A_1696 {strides = array<i32>} : memref<4160xf32, #tpu.memory_space<vmem>>, vector<16xf32>,
      %add3A_1699 = arith.constant 16 : i32
      %add3A_1700 = arith.addi %while3A_1694, %add3A_1699 : i32
      %swap3A_1701 = arith.index_cast %add3A_1700 : i32 to index
      %swap3A_1702 = tpu.vector_load %arg13[%swap3A_1701] {strides = array<i32>} : memref<4160xf32, #tpu.memory_space<vmem>>, vector<16xf32>,
      tpu.vector_store %arg13[%swap3A_1701], %broadcast_in_dim3A_1696 {strides = array<i32>} : memref<4160xf32, #tpu.memory_space<vmem>>, vector<16xf32>,
      %broadcast_in_dim3A_1703 = arith.constant 0 : i32
      %broadcast_in_dim3A_1704 = vector.broadcast %broadcast_in_dim3A_1703 : i32 to vector<16xi32>
      %add3A_1705 = arith.constant 31 : i32
      %add3A_1706 = arith.addi %while3A_1694, %add3A_1705 : i32
      %shift_right_arithmetic3A = arith.constant 5 : i32
      %shift_right_arithmetic3A_1707 = arith.shrsi %add3A_1706, %shift_right_arithmetic3A : i32
      %while3A_1708 = arith.constant 0 : i32
      %while3A_1709 = arith.subi %shift_right_arithmetic3A_1707, %while3A_1708 : i32
      %while3A_1710 = arith.addi %while3A_1708, %while3A_1709 : i32
      %while3A_1711 = arith.constant 1 : i32
      %while3A_1712 = arith.divsi %while3A_1709, %while3A_1711 : i32
      %while3A_1713 = arith.muli %while3A_1712, %while3A_1711 : i32
      %while3A_1714 = arith.addi %while3A_1708, %while3A_1713 : i32
      %while3A_1715 = arith.constant 1 : i32
      %while3A_1716:4 = scf.for %while3A_1759 = %while3A_1708 to %while3A_1714 step %while3A_1715 iter_args(%while3A_1760 = %broadcast_in_dim3A_1696, %while3A_1761 = %broadcast_in_dim3A_1696, %while3A_1762 = %broadcast_in_dim3A_1704, %while3A_1763 = %broadcast_in_dim3A_1704) -> (vector<16xf32>, vector<16xf32>, vector<16xi32>, vector<16xi32>)  : i32 {
        %mul3A_1764 = arith.constant 32 : i32
        %mul3A_1765 = arith.muli %mul3A_1764, %while3A_1759 : i32
        %get3A_1766 = arith.index_cast %mul3A_1765 : i32 to index
        %get3A_1767 = tpu.vector_load %arg13[%get3A_1766] {strides = array<i32>} : memref<4160xf32, #tpu.memory_space<vmem>>, vector<16xf32>,
        %mul3A_1768 = arith.constant 32 : i32
        %mul3A_1769 = arith.muli %mul3A_1768, %while3A_1759 : i32
        %add3A_1770 = arith.constant 16 : i32
        %add3A_1771 = arith.addi %mul3A_1769, %add3A_1770 : i32
        %get3A_1772 = arith.index_cast %add3A_1771 : i32 to index
        %get3A_1773 = tpu.vector_load %arg13[%get3A_1772] {strides = array<i32>} : memref<4160xf32, #tpu.memory_space<vmem>>, vector<16xf32>,
        %mul3A_1774 = arith.constant 32 : i32
        %mul3A_1775 = arith.muli %mul3A_1774, %while3A_1759 : i32
        %get3A_1776 = arith.index_cast %mul3A_1775 : i32 to index
        %get3A_1777 = tpu.vector_load %arg14[%get3A_1776] {strides = array<i32>} : memref<4160xi32, #tpu.memory_space<vmem>>, vector<16xi32>,
        %mul3A_1778 = arith.constant 32 : i32
        %mul3A_1779 = arith.muli %mul3A_1778, %while3A_1759 : i32
        %add3A_1780 = arith.constant 16 : i32
        %add3A_1781 = arith.addi %mul3A_1779, %add3A_1780 : i32
        %get3A_1782 = arith.index_cast %add3A_1781 : i32 to index
        %get3A_1783 = tpu.vector_load %arg14[%get3A_1782] {strides = array<i32>} : memref<4160xi32, #tpu.memory_space<vmem>>, vector<16xi32>,
        %neg3A_1784 = arith.constant 0.000000e+00 : f32
        %neg3A_1785 = vector.broadcast %neg3A_1784 : f32 to vector<16xf32>
        %neg3A_1786 = arith.subf %neg3A_1785, %get3A_1767 : vector<16xf32>
        %sort3A_1787 = arith.constant dense<true> : vector<16xi1>
        %sort3A_1788, %sort3A_1789, %sort3A_1790 = tpu.sort %neg3A_1786, %get3A_1777 masked %sort3A_1787 : (vector<16xf32>, vector<16xi32>, vector<16xi1>) -> (vector<16xi1>, vector<16xf32>, vector<16xi32>)
        %neg3A_1791 = arith.constant 0.000000e+00 : f32
        %neg3A_1792 = vector.broadcast %neg3A_1791 : f32 to vector<16xf32>
        %neg3A_1793 = arith.subf %neg3A_1792, %get3A_1773 : vector<16xf32>
        %sort3A_1794 = arith.constant dense<true> : vector<16xi1>
        %sort3A_1795, %sort3A_1796, %sort3A_1797 = tpu.sort %neg3A_1793, %get3A_1783 masked %sort3A_1794 : (vector<16xf32>, vector<16xi32>, vector<16xi1>) -> (vector<16xi1>, vector<16xf32>, vector<16xi32>)
        %neg3A_1798 = arith.constant 0.000000e+00 : f32
        %neg3A_1799 = vector.broadcast %neg3A_1798 : f32 to vector<16xf32>
        %neg3A_1800 = arith.subf %neg3A_1799, %sort3A_1789 : vector<16xf32>
        %neg3A_1801 = arith.constant 0.000000e+00 : f32
        %neg3A_1802 = vector.broadcast %neg3A_1801 : f32 to vector<16xf32>
        %neg3A_1803 = arith.subf %neg3A_1802, %sort3A_1796 : vector<16xf32>
        %rev3A_1804 = arith.constant 15 : i32
        %rev3A_1805 = vector.broadcast %rev3A_1804 : i32 to vector<16xi32>
        %rev3A_1806 = tpu.iota {dimensions = array<i32: 0>} : vector<16xi32>
        %rev3A_1807 = arith.subi %rev3A_1805, %rev3A_1806 : vector<16xi32>
        %rev3A_1808 = tpu.dynamic_gather %neg3A_1803[%rev3A_1807] in [0] : vector<16xf32>, vector<16xi32> -> vector<16xf32>
        %rev3A_1809 = arith.constant 15 : i32
        %rev3A_1810 = vector.broadcast %rev3A_1809 : i32 to vector<16xi32>
        %rev3A_1811 = tpu.iota {dimensions = array<i32: 0>} : vector<16xi32>
        %rev3A_1812 = arith.subi %rev3A_1810, %rev3A_1811 : vector<16xi32>
        %rev3A_1813 = tpu.dynamic_gather %sort3A_1797[%rev3A_1812] in [0] : vector<16xi32>, vector<16xi32> -> vector<16xi32>
        %ge3A_1814 = arith.cmpf oge, %neg3A_1800, %rev3A_1808 : vector<16xf32>
        %select_n3A_1815 = arith.select %ge3A_1814, %neg3A_1800, %rev3A_1808 : vector<16xi1>, vector<16xf32>
        %select_n3A_1816 = arith.select %ge3A_1814, %sort3A_1790, %rev3A_1813 : vector<16xi1>, vector<16xi32>
        %select_n3A_1817 = arith.select %ge3A_1814, %rev3A_1808, %neg3A_1800 : vector<16xi1>, vector<16xf32>
        %select_n3A_1818 = arith.select %ge3A_1814, %rev3A_1813, %sort3A_1790 : vector<16xi1>, vector<16xi32>
        %iota3A_1819 = tpu.iota {dimensions = array<i32: 0>} : vector<16xi32>
        %xor3A_1820 = arith.constant 8 : i32
        %xor3A_1821 = vector.broadcast %xor3A_1820 : i32 to vector<16xi32>
        %xor3A_1822 = arith.xori %iota3A_1819, %xor3A_1821 : vector<16xi32>
        %broadcast_in_dim3A_1823 = vector.shape_cast %xor3A_1822 : vector<16xi32> to vector<16x1xi32>
        %gather3A_1824 = vector.shape_cast %broadcast_in_dim3A_1823 : vector<16x1xi32> to vector<16xi32>
        %gather3A_1825 = tpu.dynamic_gather %select_n3A_1815[%gather3A_1824] in [0] : vector<16xf32>, vector<16xi32> -> vector<16xf32>
        %broadcast_in_dim3A_1826 = vector.shape_cast %xor3A_1822 : vector<16xi32> to vector<16x1xi32>
        %gather3A_1827 = vector.shape_cast %broadcast_in_dim3A_1826 : vector<16x1xi32> to vector<16xi32>
        %gather3A_1828 = tpu.dynamic_gather %select_n3A_1816[%gather3A_1827] in [0] : vector<16xi32>, vector<16xi32> -> vector<16xi32>
        %and3A_1829 = arith.constant 8 : i32
        %and3A_1830 = vector.broadcast %and3A_1829 : i32 to vector<16xi32>
        %and3A_1831 = arith.andi %iota3A_1819, %and3A_1830 : vector<16xi32>
        %eq3A_1832 = arith.constant 0 : i32
        %eq3A_1833 = vector.broadcast %eq3A_1832 : i32 to vector<16xi32>
        %eq3A_1834 = arith.cmpi eq, %and3A_1831, %eq3A_1833 : vector<16xi32>
        %ge3A_1835 = arith.cmpf oge, %select_n3A_1815, %gather3A_1825 : vector<16xf32>
        %select_n3A_1836 = arith.select %ge3A_1835, %select_n3A_1815, %gather3A_1825 : vector<16xi1>, vector<16xf32>
        %select_n3A_1837 = arith.select %ge3A_1835, %gather3A_1825, %select_n3A_1815 : vector<16xi1>, vector<16xf32>
        %select_n3A_1838 = arith.select %eq3A_1834, %select_n3A_1836, %select_n3A_1837 : vector<16xi1>, vector<16xf32>
        %select_n3A_1839 = arith.select %ge3A_1835, %select_n3A_1816, %gather3A_1828 : vector<16xi1>, vector<16xi32>
        %select_n3A_1840 = arith.select %ge3A_1835, %gather3A_1828, %select_n3A_1816 : vector<16xi1>, vector<16xi32>
        %select_n3A_1841 = arith.select %eq3A_1834, %select_n3A_1839, %select_n3A_1840 : vector<16xi1>, vector<16xi32>
        %xor3A_1842 = arith.constant 4 : i32
        %xor3A_1843 = vector.broadcast %xor3A_1842 : i32 to vector<16xi32>
        %xor3A_1844 = arith.xori %iota3A_1819, %xor3A_1843 : vector<16xi32>
        %broadcast_in_dim3A_1845 = vector.shape_cast %xor3A_1844 : vector<16xi32> to vector<16x1xi32>
        %gather3A_1846 = vector.shape_cast %broadcast_in_dim3A_1845 : vector<16x1xi32> to vector<16xi32>
        %gather3A_1847 = tpu.dynamic_gather %select_n3A_1838[%gather3A_1846] in [0] : vector<16xf32>, vector<16xi32> -> vector<16xf32>
        %broadcast_in_dim3A_1848 = vector.shape_cast %xor3A_1844 : vector<16xi32> to vector<16x1xi32>
        %gather3A_1849 = vector.shape_cast %broadcast_in_dim3A_1848 : vector<16x1xi32> to vector<16xi32>
        %gather3A_1850 = tpu.dynamic_gather %select_n3A_1841[%gather3A_1849] in [0] : vector<16xi32>, vector<16xi32> -> vector<16xi32>
        %and3A_1851 = arith.constant 4 : i32
        %and3A_1852 = vector.broadcast %and3A_1851 : i32 to vector<16xi32>
        %and3A_1853 = arith.andi %iota3A_1819, %and3A_1852 : vector<16xi32>
        %eq3A_1854 = arith.constant 0 : i32
        %eq3A_1855 = vector.broadcast %eq3A_1854 : i32 to vector<16xi32>
        %eq3A_1856 = arith.cmpi eq, %and3A_1853, %eq3A_1855 : vector<16xi32>
        %ge3A_1857 = arith.cmpf oge, %select_n3A_1838, %gather3A_1847 : vector<16xf32>
        %select_n3A_1858 = arith.select %ge3A_1857, %select_n3A_1838, %gather3A_1847 : vector<16xi1>, vector<16xf32>
        %select_n3A_1859 = arith.select %ge3A_1857, %gather3A_1847, %select_n3A_1838 : vector<16xi1>, vector<16xf32>
        %select_n3A_1860 = arith.select %eq3A_1856, %select_n3A_1858, %select_n3A_1859 : vector<16xi1>, vector<16xf32>
        %select_n3A_1861 = arith.select %ge3A_1857, %select_n3A_1841, %gather3A_1850 : vector<16xi1>, vector<16xi32>
        %select_n3A_1862 = arith.select %ge3A_1857, %gather3A_1850, %select_n3A_1841 : vector<16xi1>, vector<16xi32>
        %select_n3A_1863 = arith.select %eq3A_1856, %select_n3A_1861, %select_n3A_1862 : vector<16xi1>, vector<16xi32>
        %xor3A_1864 = arith.constant 2 : i32
        %xor3A_1865 = vector.broadcast %xor3A_1864 : i32 to vector<16xi32>
        %xor3A_1866 = arith.xori %iota3A_1819, %xor3A_1865 : vector<16xi32>
        %broadcast_in_dim3A_1867 = vector.shape_cast %xor3A_1866 : vector<16xi32> to vector<16x1xi32>
        %gather3A_1868 = vector.shape_cast %broadcast_in_dim3A_1867 : vector<16x1xi32> to vector<16xi32>
        %gather3A_1869 = tpu.dynamic_gather %select_n3A_1860[%gather3A_1868] in [0] : vector<16xf32>, vector<16xi32> -> vector<16xf32>
        %broadcast_in_dim3A_1870 = vector.shape_cast %xor3A_1866 : vector<16xi32> to vector<16x1xi32>
        %gather3A_1871 = vector.shape_cast %broadcast_in_dim3A_1870 : vector<16x1xi32> to vector<16xi32>
        %gather3A_1872 = tpu.dynamic_gather %select_n3A_1863[%gather3A_1871] in [0] : vector<16xi32>, vector<16xi32> -> vector<16xi32>
        %and3A_1873 = arith.constant 2 : i32
        %and3A_1874 = vector.broadcast %and3A_1873 : i32 to vector<16xi32>
        %and3A_1875 = arith.andi %iota3A_1819, %and3A_1874 : vector<16xi32>
        %eq3A_1876 = arith.constant 0 : i32
        %eq3A_1877 = vector.broadcast %eq3A_1876 : i32 to vector<16xi32>
        %eq3A_1878 = arith.cmpi eq, %and3A_1875, %eq3A_1877 : vector<16xi32>
        %ge3A_1879 = arith.cmpf oge, %select_n3A_1860, %gather3A_1869 : vector<16xf32>
        %select_n3A_1880 = arith.select %ge3A_1879, %select_n3A_1860, %gather3A_1869 : vector<16xi1>, vector<16xf32>
        %select_n3A_1881 = arith.select %ge3A_1879, %gather3A_1869, %select_n3A_1860 : vector<16xi1>, vector<16xf32>
        %select_n3A_1882 = arith.select %eq3A_1878, %select_n3A_1880, %select_n3A_1881 : vector<16xi1>, vector<16xf32>
        %select_n3A_1883 = arith.select %ge3A_1879, %select_n3A_1863, %gather3A_1872 : vector<16xi1>, vector<16xi32>
        %select_n3A_1884 = arith.select %ge3A_1879, %gather3A_1872, %select_n3A_1863 : vector<16xi1>, vector<16xi32>
        %select_n3A_1885 = arith.select %eq3A_1878, %select_n3A_1883, %select_n3A_1884 : vector<16xi1>, vector<16xi32>
        %xor3A_1886 = arith.constant 1 : i32
        %xor3A_1887 = vector.broadcast %xor3A_1886 : i32 to vector<16xi32>
        %xor3A_1888 = arith.xori %iota3A_1819, %xor3A_1887 : vector<16xi32>
        %broadcast_in_dim3A_1889 = vector.shape_cast %xor3A_1888 : vector<16xi32> to vector<16x1xi32>
        %gather3A_1890 = vector.shape_cast %broadcast_in_dim3A_1889 : vector<16x1xi32> to vector<16xi32>
        %gather3A_1891 = tpu.dynamic_gather %select_n3A_1882[%gather3A_1890] in [0] : vector<16xf32>, vector<16xi32> -> vector<16xf32>
        %broadcast_in_dim3A_1892 = vector.shape_cast %xor3A_1888 : vector<16xi32> to vector<16x1xi32>
        %gather3A_1893 = vector.shape_cast %broadcast_in_dim3A_1892 : vector<16x1xi32> to vector<16xi32>
        %gather3A_1894 = tpu.dynamic_gather %select_n3A_1885[%gather3A_1893] in [0] : vector<16xi32>, vector<16xi32> -> vector<16xi32>
        %and3A_1895 = arith.constant 1 : i32
        %and3A_1896 = vector.broadcast %and3A_1895 : i32 to vector<16xi32>
        %and3A_1897 = arith.andi %iota3A_1819, %and3A_1896 : vector<16xi32>
        %eq3A_1898 = arith.constant 0 : i32
        %eq3A_1899 = vector.broadcast %eq3A_1898 : i32 to vector<16xi32>
        %eq3A_1900 = arith.cmpi eq, %and3A_1897, %eq3A_1899 : vector<16xi32>
        %ge3A_1901 = arith.cmpf oge, %select_n3A_1882, %gather3A_1891 : vector<16xf32>
        %select_n3A_1902 = arith.select %ge3A_1901, %select_n3A_1882, %gather3A_1891 : vector<16xi1>, vector<16xf32>
        %select_n3A_1903 = arith.select %ge3A_1901, %gather3A_1891, %select_n3A_1882 : vector<16xi1>, vector<16xf32>
        %select_n3A_1904 = arith.select %eq3A_1900, %select_n3A_1902, %select_n3A_1903 : vector<16xi1>, vector<16xf32>
        %select_n3A_1905 = arith.select %ge3A_1901, %select_n3A_1885, %gather3A_1894 : vector<16xi1>, vector<16xi32>
        %select_n3A_1906 = arith.select %ge3A_1901, %gather3A_1894, %select_n3A_1885 : vector<16xi1>, vector<16xi32>
        %select_n3A_1907 = arith.select %eq3A_1900, %select_n3A_1905, %select_n3A_1906 : vector<16xi1>, vector<16xi32>
        %iota3A_1908 = tpu.iota {dimensions = array<i32: 0>} : vector<16xi32>
        %xor3A_1909 = arith.constant 8 : i32
        %xor3A_1910 = vector.broadcast %xor3A_1909 : i32 to vector<16xi32>
        %xor3A_1911 = arith.xori %iota3A_1908, %xor3A_1910 : vector<16xi32>
        %broadcast_in_dim3A_1912 = vector.shape_cast %xor3A_1911 : vector<16xi32> to vector<16x1xi32>
        %gather3A_1913 = vector.shape_cast %broadcast_in_dim3A_1912 : vector<16x1xi32> to vector<16xi32>
        %gather3A_1914 = tpu.dynamic_gather %select_n3A_1817[%gather3A_1913] in [0] : vector<16xf32>, vector<16xi32> -> vector<16xf32>
        %broadcast_in_dim3A_1915 = vector.shape_cast %xor3A_1911 : vector<16xi32> to vector<16x1xi32>
        %gather3A_1916 = vector.shape_cast %broadcast_in_dim3A_1915 : vector<16x1xi32> to vector<16xi32>
        %gather3A_1917 = tpu.dynamic_gather %select_n3A_1818[%gather3A_1916] in [0] : vector<16xi32>, vector<16xi32> -> vector<16xi32>
        %and3A_1918 = arith.constant 8 : i32
        %and3A_1919 = vector.broadcast %and3A_1918 : i32 to vector<16xi32>
        %and3A_1920 = arith.andi %iota3A_1908, %and3A_1919 : vector<16xi32>
        %eq3A_1921 = arith.constant 0 : i32
        %eq3A_1922 = vector.broadcast %eq3A_1921 : i32 to vector<16xi32>
        %eq3A_1923 = arith.cmpi eq, %and3A_1920, %eq3A_1922 : vector<16xi32>
        %ge3A_1924 = arith.cmpf oge, %select_n3A_1817, %gather3A_1914 : vector<16xf32>
        %select_n3A_1925 = arith.select %ge3A_1924, %select_n3A_1817, %gather3A_1914 : vector<16xi1>, vector<16xf32>
        %select_n3A_1926 = arith.select %ge3A_1924, %gather3A_1914, %select_n3A_1817 : vector<16xi1>, vector<16xf32>
        %select_n3A_1927 = arith.select %eq3A_1923, %select_n3A_1925, %select_n3A_1926 : vector<16xi1>, vector<16xf32>
        %select_n3A_1928 = arith.select %ge3A_1924, %select_n3A_1818, %gather3A_1917 : vector<16xi1>, vector<16xi32>
        %select_n3A_1929 = arith.select %ge3A_1924, %gather3A_1917, %select_n3A_1818 : vector<16xi1>, vector<16xi32>
        %select_n3A_1930 = arith.select %eq3A_1923, %select_n3A_1928, %select_n3A_1929 : vector<16xi1>, vector<16xi32>
        %xor3A_1931 = arith.constant 4 : i32
        %xor3A_1932 = vector.broadcast %xor3A_1931 : i32 to vector<16xi32>
        %xor3A_1933 = arith.xori %iota3A_1908, %xor3A_1932 : vector<16xi32>
        %broadcast_in_dim3A_1934 = vector.shape_cast %xor3A_1933 : vector<16xi32> to vector<16x1xi32>
        %gather3A_1935 = vector.shape_cast %broadcast_in_dim3A_1934 : vector<16x1xi32> to vector<16xi32>
        %gather3A_1936 = tpu.dynamic_gather %select_n3A_1927[%gather3A_1935] in [0] : vector<16xf32>, vector<16xi32> -> vector<16xf32>
        %broadcast_in_dim3A_1937 = vector.shape_cast %xor3A_1933 : vector<16xi32> to vector<16x1xi32>
        %gather3A_1938 = vector.shape_cast %broadcast_in_dim3A_1937 : vector<16x1xi32> to vector<16xi32>
        %gather3A_1939 = tpu.dynamic_gather %select_n3A_1930[%gather3A_1938] in [0] : vector<16xi32>, vector<16xi32> -> vector<16xi32>
        %and3A_1940 = arith.constant 4 : i32
        %and3A_1941 = vector.broadcast %and3A_1940 : i32 to vector<16xi32>
        %and3A_1942 = arith.andi %iota3A_1908, %and3A_1941 : vector<16xi32>
        %eq3A_1943 = arith.constant 0 : i32
        %eq3A_1944 = vector.broadcast %eq3A_1943 : i32 to vector<16xi32>
        %eq3A_1945 = arith.cmpi eq, %and3A_1942, %eq3A_1944 : vector<16xi32>
        %ge3A_1946 = arith.cmpf oge, %select_n3A_1927, %gather3A_1936 : vector<16xf32>
        %select_n3A_1947 = arith.select %ge3A_1946, %select_n3A_1927, %gather3A_1936 : vector<16xi1>, vector<16xf32>
        %select_n3A_1948 = arith.select %ge3A_1946, %gather3A_1936, %select_n3A_1927 : vector<16xi1>, vector<16xf32>
        %select_n3A_1949 = arith.select %eq3A_1945, %select_n3A_1947, %select_n3A_1948 : vector<16xi1>, vector<16xf32>
        %select_n3A_1950 = arith.select %ge3A_1946, %select_n3A_1930, %gather3A_1939 : vector<16xi1>, vector<16xi32>
        %select_n3A_1951 = arith.select %ge3A_1946, %gather3A_1939, %select_n3A_1930 : vector<16xi1>, vector<16xi32>
        %select_n3A_1952 = arith.select %eq3A_1945, %select_n3A_1950, %select_n3A_1951 : vector<16xi1>, vector<16xi32>
        %xor3A_1953 = arith.constant 2 : i32
        %xor3A_1954 = vector.broadcast %xor3A_1953 : i32 to vector<16xi32>
        %xor3A_1955 = arith.xori %iota3A_1908, %xor3A_1954 : vector<16xi32>
        %broadcast_in_dim3A_1956 = vector.shape_cast %xor3A_1955 : vector<16xi32> to vector<16x1xi32>
        %gather3A_1957 = vector.shape_cast %broadcast_in_dim3A_1956 : vector<16x1xi32> to vector<16xi32>
        %gather3A_1958 = tpu.dynamic_gather %select_n3A_1949[%gather3A_1957] in [0] : vector<16xf32>, vector<16xi32> -> vector<16xf32>
        %broadcast_in_dim3A_1959 = vector.shape_cast %xor3A_1955 : vector<16xi32> to vector<16x1xi32>
        %gather3A_1960 = vector.shape_cast %broadcast_in_dim3A_1959 : vector<16x1xi32> to vector<16xi32>
        %gather3A_1961 = tpu.dynamic_gather %select_n3A_1952[%gather3A_1960] in [0] : vector<16xi32>, vector<16xi32> -> vector<16xi32>
        %and3A_1962 = arith.constant 2 : i32
        %and3A_1963 = vector.broadcast %and3A_1962 : i32 to vector<16xi32>
        %and3A_1964 = arith.andi %iota3A_1908, %and3A_1963 : vector<16xi32>
        %eq3A_1965 = arith.constant 0 : i32
        %eq3A_1966 = vector.broadcast %eq3A_1965 : i32 to vector<16xi32>
        %eq3A_1967 = arith.cmpi eq, %and3A_1964, %eq3A_1966 : vector<16xi32>
        %ge3A_1968 = arith.cmpf oge, %select_n3A_1949, %gather3A_1958 : vector<16xf32>
        %select_n3A_1969 = arith.select %ge3A_1968, %select_n3A_1949, %gather3A_1958 : vector<16xi1>, vector<16xf32>
        %select_n3A_1970 = arith.select %ge3A_1968, %gather3A_1958, %select_n3A_1949 : vector<16xi1>, vector<16xf32>
        %select_n3A_1971 = arith.select %eq3A_1967, %select_n3A_1969, %select_n3A_1970 : vector<16xi1>, vector<16xf32>
        %select_n3A_1972 = arith.select %ge3A_1968, %select_n3A_1952, %gather3A_1961 : vector<16xi1>, vector<16xi32>
        %select_n3A_1973 = arith.select %ge3A_1968, %gather3A_1961, %select_n3A_1952 : vector<16xi1>, vector<16xi32>
        %select_n3A_1974 = arith.select %eq3A_1967, %select_n3A_1972, %select_n3A_1973 : vector<16xi1>, vector<16xi32>
        %xor3A_1975 = arith.constant 1 : i32
        %xor3A_1976 = vector.broadcast %xor3A_1975 : i32 to vector<16xi32>
        %xor3A_1977 = arith.xori %iota3A_1908, %xor3A_1976 : vector<16xi32>
        %broadcast_in_dim3A_1978 = vector.shape_cast %xor3A_1977 : vector<16xi32> to vector<16x1xi32>
        %gather3A_1979 = vector.shape_cast %broadcast_in_dim3A_1978 : vector<16x1xi32> to vector<16xi32>
        %gather3A_1980 = tpu.dynamic_gather %select_n3A_1971[%gather3A_1979] in [0] : vector<16xf32>, vector<16xi32> -> vector<16xf32>
        %broadcast_in_dim3A_1981 = vector.shape_cast %xor3A_1977 : vector<16xi32> to vector<16x1xi32>
        %gather3A_1982 = vector.shape_cast %broadcast_in_dim3A_1981 : vector<16x1xi32> to vector<16xi32>
        %gather3A_1983 = tpu.dynamic_gather %select_n3A_1974[%gather3A_1982] in [0] : vector<16xi32>, vector<16xi32> -> vector<16xi32>
        %and3A_1984 = arith.constant 1 : i32
        %and3A_1985 = vector.broadcast %and3A_1984 : i32 to vector<16xi32>
        %and3A_1986 = arith.andi %iota3A_1908, %and3A_1985 : vector<16xi32>
        %eq3A_1987 = arith.constant 0 : i32
        %eq3A_1988 = vector.broadcast %eq3A_1987 : i32 to vector<16xi32>
        %eq3A_1989 = arith.cmpi eq, %and3A_1986, %eq3A_1988 : vector<16xi32>
        %ge3A_1990 = arith.cmpf oge, %select_n3A_1971, %gather3A_1980 : vector<16xf32>
        %select_n3A_1991 = arith.select %ge3A_1990, %select_n3A_1971, %gather3A_1980 : vector<16xi1>, vector<16xf32>
        %select_n3A_1992 = arith.select %ge3A_1990, %gather3A_1980, %select_n3A_1971 : vector<16xi1>, vector<16xf32>
        %select_n3A_1993 = arith.select %eq3A_1989, %select_n3A_1991, %select_n3A_1992 : vector<16xi1>, vector<16xf32>
        %select_n3A_1994 = arith.select %ge3A_1990, %select_n3A_1974, %gather3A_1983 : vector<16xi1>, vector<16xi32>
        %select_n3A_1995 = arith.select %ge3A_1990, %gather3A_1983, %select_n3A_1974 : vector<16xi1>, vector<16xi32>
        %select_n3A_1996 = arith.select %eq3A_1989, %select_n3A_1994, %select_n3A_1995 : vector<16xi1>, vector<16xi32>
        %rev3A_1997 = arith.constant 15 : i32
        %rev3A_1998 = vector.broadcast %rev3A_1997 : i32 to vector<16xi32>
        %rev3A_1999 = tpu.iota {dimensions = array<i32: 0>} : vector<16xi32>
        %rev3A_2000 = arith.subi %rev3A_1998, %rev3A_1999 : vector<16xi32>
        %rev3A_2001 = tpu.dynamic_gather %select_n3A_1993[%rev3A_2000] in [0] : vector<16xf32>, vector<16xi32> -> vector<16xf32>
        %rev3A_2002 = arith.constant 15 : i32
        %rev3A_2003 = vector.broadcast %rev3A_2002 : i32 to vector<16xi32>
        %rev3A_2004 = tpu.iota {dimensions = array<i32: 0>} : vector<16xi32>
        %rev3A_2005 = arith.subi %rev3A_2003, %rev3A_2004 : vector<16xi32>
        %rev3A_2006 = tpu.dynamic_gather %select_n3A_1996[%rev3A_2005] in [0] : vector<16xi32>, vector<16xi32> -> vector<16xi32>
        %rev3A_2007 = arith.constant 15 : i32
        %rev3A_2008 = vector.broadcast %rev3A_2007 : i32 to vector<16xi32>
        %rev3A_2009 = tpu.iota {dimensions = array<i32: 0>} : vector<16xi32>
        %rev3A_2010 = arith.subi %rev3A_2008, %rev3A_2009 : vector<16xi32>
        %rev3A_2011 = tpu.dynamic_gather %select_n3A_1904[%rev3A_2010] in [0] : vector<16xf32>, vector<16xi32> -> vector<16xf32>
        %rev3A_2012 = arith.constant 15 : i32
        %rev3A_2013 = vector.broadcast %rev3A_2012 : i32 to vector<16xi32>
        %rev3A_2014 = tpu.iota {dimensions = array<i32: 0>} : vector<16xi32>
        %rev3A_2015 = arith.subi %rev3A_2013, %rev3A_2014 : vector<16xi32>
        %rev3A_2016 = tpu.dynamic_gather %select_n3A_1907[%rev3A_2015] in [0] : vector<16xi32>, vector<16xi32> -> vector<16xi32>
        %ge3A_2017 = arith.cmpf oge, %while3A_1760, %rev3A_2001 : vector<16xf32>
        %select_n3A_2018 = arith.select %ge3A_2017, %while3A_1760, %rev3A_2001 : vector<16xi1>, vector<16xf32>
        %select_n3A_2019 = arith.select %ge3A_2017, %while3A_1762, %rev3A_2006 : vector<16xi1>, vector<16xi32>
        %ge3A_2020 = arith.cmpf oge, %while3A_1761, %rev3A_2011 : vector<16xf32>
        %select_n3A_2021 = arith.select %ge3A_2020, %while3A_1761, %rev3A_2011 : vector<16xi1>, vector<16xf32>
        %select_n3A_2022 = arith.select %ge3A_2020, %while3A_1763, %rev3A_2016 : vector<16xi1>, vector<16xi32>
        %ge3A_2023 = arith.cmpf oge, %select_n3A_2018, %select_n3A_2021 : vector<16xf32>
        %select_n3A_2024 = arith.select %ge3A_2023, %select_n3A_2018, %select_n3A_2021 : vector<16xi1>, vector<16xf32>
        %select_n3A_2025 = arith.select %ge3A_2023, %select_n3A_2019, %select_n3A_2022 : vector<16xi1>, vector<16xi32>
        %select_n3A_2026 = arith.select %ge3A_2023, %select_n3A_2021, %select_n3A_2018 : vector<16xi1>, vector<16xf32>
        %select_n3A_2027 = arith.select %ge3A_2023, %select_n3A_2022, %select_n3A_2019 : vector<16xi1>, vector<16xi32>
        %iota3A_2028 = tpu.iota {dimensions = array<i32: 0>} : vector<16xi32>
        %xor3A_2029 = arith.constant 8 : i32
        %xor3A_2030 = vector.broadcast %xor3A_2029 : i32 to vector<16xi32>
        %xor3A_2031 = arith.xori %iota3A_2028, %xor3A_2030 : vector<16xi32>
        %broadcast_in_dim3A_2032 = vector.shape_cast %xor3A_2031 : vector<16xi32> to vector<16x1xi32>
        %gather3A_2033 = vector.shape_cast %broadcast_in_dim3A_2032 : vector<16x1xi32> to vector<16xi32>
        %gather3A_2034 = tpu.dynamic_gather %select_n3A_2024[%gather3A_2033] in [0] : vector<16xf32>, vector<16xi32> -> vector<16xf32>
        %broadcast_in_dim3A_2035 = vector.shape_cast %xor3A_2031 : vector<16xi32> to vector<16x1xi32>
        %gather3A_2036 = vector.shape_cast %broadcast_in_dim3A_2035 : vector<16x1xi32> to vector<16xi32>
        %gather3A_2037 = tpu.dynamic_gather %select_n3A_2025[%gather3A_2036] in [0] : vector<16xi32>, vector<16xi32> -> vector<16xi32>
        %and3A_2038 = arith.constant 8 : i32
        %and3A_2039 = vector.broadcast %and3A_2038 : i32 to vector<16xi32>
        %and3A_2040 = arith.andi %iota3A_2028, %and3A_2039 : vector<16xi32>
        %eq3A_2041 = arith.constant 0 : i32
        %eq3A_2042 = vector.broadcast %eq3A_2041 : i32 to vector<16xi32>
        %eq3A_2043 = arith.cmpi eq, %and3A_2040, %eq3A_2042 : vector<16xi32>
        %ge3A_2044 = arith.cmpf oge, %select_n3A_2024, %gather3A_2034 : vector<16xf32>
        %select_n3A_2045 = arith.select %ge3A_2044, %select_n3A_2024, %gather3A_2034 : vector<16xi1>, vector<16xf32>
        %select_n3A_2046 = arith.select %ge3A_2044, %gather3A_2034, %select_n3A_2024 : vector<16xi1>, vector<16xf32>
        %select_n3A_2047 = arith.select %eq3A_2043, %select_n3A_2045, %select_n3A_2046 : vector<16xi1>, vector<16xf32>
        %select_n3A_2048 = arith.select %ge3A_2044, %select_n3A_2025, %gather3A_2037 : vector<16xi1>, vector<16xi32>
        %select_n3A_2049 = arith.select %ge3A_2044, %gather3A_2037, %select_n3A_2025 : vector<16xi1>, vector<16xi32>
        %select_n3A_2050 = arith.select %eq3A_2043, %select_n3A_2048, %select_n3A_2049 : vector<16xi1>, vector<16xi32>
        %xor3A_2051 = arith.constant 4 : i32
        %xor3A_2052 = vector.broadcast %xor3A_2051 : i32 to vector<16xi32>
        %xor3A_2053 = arith.xori %iota3A_2028, %xor3A_2052 : vector<16xi32>
        %broadcast_in_dim3A_2054 = vector.shape_cast %xor3A_2053 : vector<16xi32> to vector<16x1xi32>
        %gather3A_2055 = vector.shape_cast %broadcast_in_dim3A_2054 : vector<16x1xi32> to vector<16xi32>
        %gather3A_2056 = tpu.dynamic_gather %select_n3A_2047[%gather3A_2055] in [0] : vector<16xf32>, vector<16xi32> -> vector<16xf32>
        %broadcast_in_dim3A_2057 = vector.shape_cast %xor3A_2053 : vector<16xi32> to vector<16x1xi32>
        %gather3A_2058 = vector.shape_cast %broadcast_in_dim3A_2057 : vector<16x1xi32> to vector<16xi32>
        %gather3A_2059 = tpu.dynamic_gather %select_n3A_2050[%gather3A_2058] in [0] : vector<16xi32>, vector<16xi32> -> vector<16xi32>
        %and3A_2060 = arith.constant 4 : i32
        %and3A_2061 = vector.broadcast %and3A_2060 : i32 to vector<16xi32>
        %and3A_2062 = arith.andi %iota3A_2028, %and3A_2061 : vector<16xi32>
        %eq3A_2063 = arith.constant 0 : i32
        %eq3A_2064 = vector.broadcast %eq3A_2063 : i32 to vector<16xi32>
        %eq3A_2065 = arith.cmpi eq, %and3A_2062, %eq3A_2064 : vector<16xi32>
        %ge3A_2066 = arith.cmpf oge, %select_n3A_2047, %gather3A_2056 : vector<16xf32>
        %select_n3A_2067 = arith.select %ge3A_2066, %select_n3A_2047, %gather3A_2056 : vector<16xi1>, vector<16xf32>
        %select_n3A_2068 = arith.select %ge3A_2066, %gather3A_2056, %select_n3A_2047 : vector<16xi1>, vector<16xf32>
        %select_n3A_2069 = arith.select %eq3A_2065, %select_n3A_2067, %select_n3A_2068 : vector<16xi1>, vector<16xf32>
        %select_n3A_2070 = arith.select %ge3A_2066, %select_n3A_2050, %gather3A_2059 : vector<16xi1>, vector<16xi32>
        %select_n3A_2071 = arith.select %ge3A_2066, %gather3A_2059, %select_n3A_2050 : vector<16xi1>, vector<16xi32>
        %select_n3A_2072 = arith.select %eq3A_2065, %select_n3A_2070, %select_n3A_2071 : vector<16xi1>, vector<16xi32>
        %xor3A_2073 = arith.constant 2 : i32
        %xor3A_2074 = vector.broadcast %xor3A_2073 : i32 to vector<16xi32>
        %xor3A_2075 = arith.xori %iota3A_2028, %xor3A_2074 : vector<16xi32>
        %broadcast_in_dim3A_2076 = vector.shape_cast %xor3A_2075 : vector<16xi32> to vector<16x1xi32>
        %gather3A_2077 = vector.shape_cast %broadcast_in_dim3A_2076 : vector<16x1xi32> to vector<16xi32>
        %gather3A_2078 = tpu.dynamic_gather %select_n3A_2069[%gather3A_2077] in [0] : vector<16xf32>, vector<16xi32> -> vector<16xf32>
        %broadcast_in_dim3A_2079 = vector.shape_cast %xor3A_2075 : vector<16xi32> to vector<16x1xi32>
        %gather3A_2080 = vector.shape_cast %broadcast_in_dim3A_2079 : vector<16x1xi32> to vector<16xi32>
        %gather3A_2081 = tpu.dynamic_gather %select_n3A_2072[%gather3A_2080] in [0] : vector<16xi32>, vector<16xi32> -> vector<16xi32>
        %and3A_2082 = arith.constant 2 : i32
        %and3A_2083 = vector.broadcast %and3A_2082 : i32 to vector<16xi32>
        %and3A_2084 = arith.andi %iota3A_2028, %and3A_2083 : vector<16xi32>
        %eq3A_2085 = arith.constant 0 : i32
        %eq3A_2086 = vector.broadcast %eq3A_2085 : i32 to vector<16xi32>
        %eq3A_2087 = arith.cmpi eq, %and3A_2084, %eq3A_2086 : vector<16xi32>
        %ge3A_2088 = arith.cmpf oge, %select_n3A_2069, %gather3A_2078 : vector<16xf32>
        %select_n3A_2089 = arith.select %ge3A_2088, %select_n3A_2069, %gather3A_2078 : vector<16xi1>, vector<16xf32>
        %select_n3A_2090 = arith.select %ge3A_2088, %gather3A_2078, %select_n3A_2069 : vector<16xi1>, vector<16xf32>
        %select_n3A_2091 = arith.select %eq3A_2087, %select_n3A_2089, %select_n3A_2090 : vector<16xi1>, vector<16xf32>
        %select_n3A_2092 = arith.select %ge3A_2088, %select_n3A_2072, %gather3A_2081 : vector<16xi1>, vector<16xi32>
        %select_n3A_2093 = arith.select %ge3A_2088, %gather3A_2081, %select_n3A_2072 : vector<16xi1>, vector<16xi32>
        %select_n3A_2094 = arith.select %eq3A_2087, %select_n3A_2092, %select_n3A_2093 : vector<16xi1>, vector<16xi32>
        %xor3A_2095 = arith.constant 1 : i32
        %xor3A_2096 = vector.broadcast %xor3A_2095 : i32 to vector<16xi32>
        %xor3A_2097 = arith.xori %iota3A_2028, %xor3A_2096 : vector<16xi32>
        %broadcast_in_dim3A_2098 = vector.shape_cast %xor3A_2097 : vector<16xi32> to vector<16x1xi32>
        %gather3A_2099 = vector.shape_cast %broadcast_in_dim3A_2098 : vector<16x1xi32> to vector<16xi32>
        %gather3A_2100 = tpu.dynamic_gather %select_n3A_2091[%gather3A_2099] in [0] : vector<16xf32>, vector<16xi32> -> vector<16xf32>
        %broadcast_in_dim3A_2101 = vector.shape_cast %xor3A_2097 : vector<16xi32> to vector<16x1xi32>
        %gather3A_2102 = vector.shape_cast %broadcast_in_dim3A_2101 : vector<16x1xi32> to vector<16xi32>
        %gather3A_2103 = tpu.dynamic_gather %select_n3A_2094[%gather3A_2102] in [0] : vector<16xi32>, vector<16xi32> -> vector<16xi32>
        %and3A_2104 = arith.constant 1 : i32
        %and3A_2105 = vector.broadcast %and3A_2104 : i32 to vector<16xi32>
        %and3A_2106 = arith.andi %iota3A_2028, %and3A_2105 : vector<16xi32>
        %eq3A_2107 = arith.constant 0 : i32
        %eq3A_2108 = vector.broadcast %eq3A_2107 : i32 to vector<16xi32>
        %eq3A_2109 = arith.cmpi eq, %and3A_2106, %eq3A_2108 : vector<16xi32>
        %ge3A_2110 = arith.cmpf oge, %select_n3A_2091, %gather3A_2100 : vector<16xf32>
        %select_n3A_2111 = arith.select %ge3A_2110, %select_n3A_2091, %gather3A_2100 : vector<16xi1>, vector<16xf32>
        %select_n3A_2112 = arith.select %ge3A_2110, %gather3A_2100, %select_n3A_2091 : vector<16xi1>, vector<16xf32>
        %select_n3A_2113 = arith.select %eq3A_2109, %select_n3A_2111, %select_n3A_2112 : vector<16xi1>, vector<16xf32>
        %select_n3A_2114 = arith.select %ge3A_2110, %select_n3A_2094, %gather3A_2103 : vector<16xi1>, vector<16xi32>
        %select_n3A_2115 = arith.select %ge3A_2110, %gather3A_2103, %select_n3A_2094 : vector<16xi1>, vector<16xi32>
        %select_n3A_2116 = arith.select %eq3A_2109, %select_n3A_2114, %select_n3A_2115 : vector<16xi1>, vector<16xi32>
        %iota3A_2117 = tpu.iota {dimensions = array<i32: 0>} : vector<16xi32>
        %xor3A_2118 = arith.constant 8 : i32
        %xor3A_2119 = vector.broadcast %xor3A_2118 : i32 to vector<16xi32>
        %xor3A_2120 = arith.xori %iota3A_2117, %xor3A_2119 : vector<16xi32>
        %broadcast_in_dim3A_2121 = vector.shape_cast %xor3A_2120 : vector<16xi32> to vector<16x1xi32>
        %gather3A_2122 = vector.shape_cast %broadcast_in_dim3A_2121 : vector<16x1xi32> to vector<16xi32>
        %gather3A_2123 = tpu.dynamic_gather %select_n3A_2026[%gather3A_2122] in [0] : vector<16xf32>, vector<16xi32> -> vector<16xf32>
        %broadcast_in_dim3A_2124 = vector.shape_cast %xor3A_2120 : vector<16xi32> to vector<16x1xi32>
        %gather3A_2125 = vector.shape_cast %broadcast_in_dim3A_2124 : vector<16x1xi32> to vector<16xi32>
        %gather3A_2126 = tpu.dynamic_gather %select_n3A_2027[%gather3A_2125] in [0] : vector<16xi32>, vector<16xi32> -> vector<16xi32>
        %and3A_2127 = arith.constant 8 : i32
        %and3A_2128 = vector.broadcast %and3A_2127 : i32 to vector<16xi32>
        %and3A_2129 = arith.andi %iota3A_2117, %and3A_2128 : vector<16xi32>
        %eq3A_2130 = arith.constant 0 : i32
        %eq3A_2131 = vector.broadcast %eq3A_2130 : i32 to vector<16xi32>
        %eq3A_2132 = arith.cmpi eq, %and3A_2129, %eq3A_2131 : vector<16xi32>
        %ge3A_2133 = arith.cmpf oge, %select_n3A_2026, %gather3A_2123 : vector<16xf32>
        %select_n3A_2134 = arith.select %ge3A_2133, %select_n3A_2026, %gather3A_2123 : vector<16xi1>, vector<16xf32>
        %select_n3A_2135 = arith.select %ge3A_2133, %gather3A_2123, %select_n3A_2026 : vector<16xi1>, vector<16xf32>
        %select_n3A_2136 = arith.select %eq3A_2132, %select_n3A_2134, %select_n3A_2135 : vector<16xi1>, vector<16xf32>
        %select_n3A_2137 = arith.select %ge3A_2133, %select_n3A_2027, %gather3A_2126 : vector<16xi1>, vector<16xi32>
        %select_n3A_2138 = arith.select %ge3A_2133, %gather3A_2126, %select_n3A_2027 : vector<16xi1>, vector<16xi32>
        %select_n3A_2139 = arith.select %eq3A_2132, %select_n3A_2137, %select_n3A_2138 : vector<16xi1>, vector<16xi32>
        %xor3A_2140 = arith.constant 4 : i32
        %xor3A_2141 = vector.broadcast %xor3A_2140 : i32 to vector<16xi32>
        %xor3A_2142 = arith.xori %iota3A_2117, %xor3A_2141 : vector<16xi32>
        %broadcast_in_dim3A_2143 = vector.shape_cast %xor3A_2142 : vector<16xi32> to vector<16x1xi32>
        %gather3A_2144 = vector.shape_cast %broadcast_in_dim3A_2143 : vector<16x1xi32> to vector<16xi32>
        %gather3A_2145 = tpu.dynamic_gather %select_n3A_2136[%gather3A_2144] in [0] : vector<16xf32>, vector<16xi32> -> vector<16xf32>
        %broadcast_in_dim3A_2146 = vector.shape_cast %xor3A_2142 : vector<16xi32> to vector<16x1xi32>
        %gather3A_2147 = vector.shape_cast %broadcast_in_dim3A_2146 : vector<16x1xi32> to vector<16xi32>
        %gather3A_2148 = tpu.dynamic_gather %select_n3A_2139[%gather3A_2147] in [0] : vector<16xi32>, vector<16xi32> -> vector<16xi32>
        %and3A_2149 = arith.constant 4 : i32
        %and3A_2150 = vector.broadcast %and3A_2149 : i32 to vector<16xi32>
        %and3A_2151 = arith.andi %iota3A_2117, %and3A_2150 : vector<16xi32>
        %eq3A_2152 = arith.constant 0 : i32
        %eq3A_2153 = vector.broadcast %eq3A_2152 : i32 to vector<16xi32>
        %eq3A_2154 = arith.cmpi eq, %and3A_2151, %eq3A_2153 : vector<16xi32>
        %ge3A_2155 = arith.cmpf oge, %select_n3A_2136, %gather3A_2145 : vector<16xf32>
        %select_n3A_2156 = arith.select %ge3A_2155, %select_n3A_2136, %gather3A_2145 : vector<16xi1>, vector<16xf32>
        %select_n3A_2157 = arith.select %ge3A_2155, %gather3A_2145, %select_n3A_2136 : vector<16xi1>, vector<16xf32>
        %select_n3A_2158 = arith.select %eq3A_2154, %select_n3A_2156, %select_n3A_2157 : vector<16xi1>, vector<16xf32>
        %select_n3A_2159 = arith.select %ge3A_2155, %select_n3A_2139, %gather3A_2148 : vector<16xi1>, vector<16xi32>
        %select_n3A_2160 = arith.select %ge3A_2155, %gather3A_2148, %select_n3A_2139 : vector<16xi1>, vector<16xi32>
        %select_n3A_2161 = arith.select %eq3A_2154, %select_n3A_2159, %select_n3A_2160 : vector<16xi1>, vector<16xi32>
        %xor3A_2162 = arith.constant 2 : i32
        %xor3A_2163 = vector.broadcast %xor3A_2162 : i32 to vector<16xi32>
        %xor3A_2164 = arith.xori %iota3A_2117, %xor3A_2163 : vector<16xi32>
        %broadcast_in_dim3A_2165 = vector.shape_cast %xor3A_2164 : vector<16xi32> to vector<16x1xi32>
        %gather3A_2166 = vector.shape_cast %broadcast_in_dim3A_2165 : vector<16x1xi32> to vector<16xi32>
        %gather3A_2167 = tpu.dynamic_gather %select_n3A_2158[%gather3A_2166] in [0] : vector<16xf32>, vector<16xi32> -> vector<16xf32>
        %broadcast_in_dim3A_2168 = vector.shape_cast %xor3A_2164 : vector<16xi32> to vector<16x1xi32>
        %gather3A_2169 = vector.shape_cast %broadcast_in_dim3A_2168 : vector<16x1xi32> to vector<16xi32>
        %gather3A_2170 = tpu.dynamic_gather %select_n3A_2161[%gather3A_2169] in [0] : vector<16xi32>, vector<16xi32> -> vector<16xi32>
        %and3A_2171 = arith.constant 2 : i32
        %and3A_2172 = vector.broadcast %and3A_2171 : i32 to vector<16xi32>
        %and3A_2173 = arith.andi %iota3A_2117, %and3A_2172 : vector<16xi32>
        %eq3A_2174 = arith.constant 0 : i32
        %eq3A_2175 = vector.broadcast %eq3A_2174 : i32 to vector<16xi32>
        %eq3A_2176 = arith.cmpi eq, %and3A_2173, %eq3A_2175 : vector<16xi32>
        %ge3A_2177 = arith.cmpf oge, %select_n3A_2158, %gather3A_2167 : vector<16xf32>
        %select_n3A_2178 = arith.select %ge3A_2177, %select_n3A_2158, %gather3A_2167 : vector<16xi1>, vector<16xf32>
        %select_n3A_2179 = arith.select %ge3A_2177, %gather3A_2167, %select_n3A_2158 : vector<16xi1>, vector<16xf32>
        %select_n3A_2180 = arith.select %eq3A_2176, %select_n3A_2178, %select_n3A_2179 : vector<16xi1>, vector<16xf32>
        %select_n3A_2181 = arith.select %ge3A_2177, %select_n3A_2161, %gather3A_2170 : vector<16xi1>, vector<16xi32>
        %select_n3A_2182 = arith.select %ge3A_2177, %gather3A_2170, %select_n3A_2161 : vector<16xi1>, vector<16xi32>
        %select_n3A_2183 = arith.select %eq3A_2176, %select_n3A_2181, %select_n3A_2182 : vector<16xi1>, vector<16xi32>
        %xor3A_2184 = arith.constant 1 : i32
        %xor3A_2185 = vector.broadcast %xor3A_2184 : i32 to vector<16xi32>
        %xor3A_2186 = arith.xori %iota3A_2117, %xor3A_2185 : vector<16xi32>
        %broadcast_in_dim3A_2187 = vector.shape_cast %xor3A_2186 : vector<16xi32> to vector<16x1xi32>
        %gather3A_2188 = vector.shape_cast %broadcast_in_dim3A_2187 : vector<16x1xi32> to vector<16xi32>
        %gather3A_2189 = tpu.dynamic_gather %select_n3A_2180[%gather3A_2188] in [0] : vector<16xf32>, vector<16xi32> -> vector<16xf32>
        %broadcast_in_dim3A_2190 = vector.shape_cast %xor3A_2186 : vector<16xi32> to vector<16x1xi32>
        %gather3A_2191 = vector.shape_cast %broadcast_in_dim3A_2190 : vector<16x1xi32> to vector<16xi32>
        %gather3A_2192 = tpu.dynamic_gather %select_n3A_2183[%gather3A_2191] in [0] : vector<16xi32>, vector<16xi32> -> vector<16xi32>
        %and3A_2193 = arith.constant 1 : i32
        %and3A_2194 = vector.broadcast %and3A_2193 : i32 to vector<16xi32>
        %and3A_2195 = arith.andi %iota3A_2117, %and3A_2194 : vector<16xi32>
        %eq3A_2196 = arith.constant 0 : i32
        %eq3A_2197 = vector.broadcast %eq3A_2196 : i32 to vector<16xi32>
        %eq3A_2198 = arith.cmpi eq, %and3A_2195, %eq3A_2197 : vector<16xi32>
        %ge3A_2199 = arith.cmpf oge, %select_n3A_2180, %gather3A_2189 : vector<16xf32>
        %select_n3A_2200 = arith.select %ge3A_2199, %select_n3A_2180, %gather3A_2189 : vector<16xi1>, vector<16xf32>
        %select_n3A_2201 = arith.select %ge3A_2199, %gather3A_2189, %select_n3A_2180 : vector<16xi1>, vector<16xf32>
        %select_n3A_2202 = arith.select %eq3A_2198, %select_n3A_2200, %select_n3A_2201 : vector<16xi1>, vector<16xf32>
        %select_n3A_2203 = arith.select %ge3A_2199, %select_n3A_2183, %gather3A_2192 : vector<16xi1>, vector<16xi32>
        %select_n3A_2204 = arith.select %ge3A_2199, %gather3A_2192, %select_n3A_2183 : vector<16xi1>, vector<16xi32>
        %select_n3A_2205 = arith.select %eq3A_2198, %select_n3A_2203, %select_n3A_2204 : vector<16xi1>, vector<16xi32>
        scf.yield %select_n3A_2113, %select_n3A_2202, %select_n3A_2116, %select_n3A_2205 : vector<16xf32>, vector<16xf32>, vector<16xi32>, vector<16xi32>
      }
      %while3A_1717 = arith.constant 1 : i32
      %while3A_1718:4 = scf.for %while3A_1759 = %while3A_1714 to %while3A_1710 step %while3A_1717 iter_args(%while3A_1760 = %while3A_1716#0, %while3A_1761 = %while3A_1716#1, %while3A_1762 = %while3A_1716#2, %while3A_1763 = %while3A_1716#3) -> (vector<16xf32>, vector<16xf32>, vector<16xi32>, vector<16xi32>)  : i32 {
        %mul3A_1764 = arith.constant 32 : i32
        %mul3A_1765 = arith.muli %mul3A_1764, %while3A_1759 : i32
        %get3A_1766 = arith.index_cast %mul3A_1765 : i32 to index
        %get3A_1767 = tpu.vector_load %arg13[%get3A_1766] {strides = array<i32>} : memref<4160xf32, #tpu.memory_space<vmem>>, vector<16xf32>,
        %mul3A_1768 = arith.constant 32 : i32
        %mul3A_1769 = arith.muli %mul3A_1768, %while3A_1759 : i32
        %add3A_1770 = arith.constant 16 : i32
        %add3A_1771 = arith.addi %mul3A_1769, %add3A_1770 : i32
        %get3A_1772 = arith.index_cast %add3A_1771 : i32 to index
        %get3A_1773 = tpu.vector_load %arg13[%get3A_1772] {strides = array<i32>} : memref<4160xf32, #tpu.memory_space<vmem>>, vector<16xf32>,
        %mul3A_1774 = arith.constant 32 : i32
        %mul3A_1775 = arith.muli %mul3A_1774, %while3A_1759 : i32
        %get3A_1776 = arith.index_cast %mul3A_1775 : i32 to index
        %get3A_1777 = tpu.vector_load %arg14[%get3A_1776] {strides = array<i32>} : memref<4160xi32, #tpu.memory_space<vmem>>, vector<16xi32>,
        %mul3A_1778 = arith.constant 32 : i32
        %mul3A_1779 = arith.muli %mul3A_1778, %while3A_1759 : i32
        %add3A_1780 = arith.constant 16 : i32
        %add3A_1781 = arith.addi %mul3A_1779, %add3A_1780 : i32
        %get3A_1782 = arith.index_cast %add3A_1781 : i32 to index
        %get3A_1783 = tpu.vector_load %arg14[%get3A_1782] {strides = array<i32>} : memref<4160xi32, #tpu.memory_space<vmem>>, vector<16xi32>,
        %neg3A_1784 = arith.constant 0.000000e+00 : f32
        %neg3A_1785 = vector.broadcast %neg3A_1784 : f32 to vector<16xf32>
        %neg3A_1786 = arith.subf %neg3A_1785, %get3A_1767 : vector<16xf32>
        %sort3A_1787 = arith.constant dense<true> : vector<16xi1>
        %sort3A_1788, %sort3A_1789, %sort3A_1790 = tpu.sort %neg3A_1786, %get3A_1777 masked %sort3A_1787 : (vector<16xf32>, vector<16xi32>, vector<16xi1>) -> (vector<16xi1>, vector<16xf32>, vector<16xi32>)
        %neg3A_1791 = arith.constant 0.000000e+00 : f32
        %neg3A_1792 = vector.broadcast %neg3A_1791 : f32 to vector<16xf32>
        %neg3A_1793 = arith.subf %neg3A_1792, %get3A_1773 : vector<16xf32>
        %sort3A_1794 = arith.constant dense<true> : vector<16xi1>
        %sort3A_1795, %sort3A_1796, %sort3A_1797 = tpu.sort %neg3A_1793, %get3A_1783 masked %sort3A_1794 : (vector<16xf32>, vector<16xi32>, vector<16xi1>) -> (vector<16xi1>, vector<16xf32>, vector<16xi32>)
        %neg3A_1798 = arith.constant 0.000000e+00 : f32
        %neg3A_1799 = vector.broadcast %neg3A_1798 : f32 to vector<16xf32>
        %neg3A_1800 = arith.subf %neg3A_1799, %sort3A_1789 : vector<16xf32>
        %neg3A_1801 = arith.constant 0.000000e+00 : f32
        %neg3A_1802 = vector.broadcast %neg3A_1801 : f32 to vector<16xf32>
        %neg3A_1803 = arith.subf %neg3A_1802, %sort3A_1796 : vector<16xf32>
        %rev3A_1804 = arith.constant 15 : i32
        %rev3A_1805 = vector.broadcast %rev3A_1804 : i32 to vector<16xi32>
        %rev3A_1806 = tpu.iota {dimensions = array<i32: 0>} : vector<16xi32>
        %rev3A_1807 = arith.subi %rev3A_1805, %rev3A_1806 : vector<16xi32>
        %rev3A_1808 = tpu.dynamic_gather %neg3A_1803[%rev3A_1807] in [0] : vector<16xf32>, vector<16xi32> -> vector<16xf32>
        %rev3A_1809 = arith.constant 15 : i32
        %rev3A_1810 = vector.broadcast %rev3A_1809 : i32 to vector<16xi32>
        %rev3A_1811 = tpu.iota {dimensions = array<i32: 0>} : vector<16xi32>
        %rev3A_1812 = arith.subi %rev3A_1810, %rev3A_1811 : vector<16xi32>
        %rev3A_1813 = tpu.dynamic_gather %sort3A_1797[%rev3A_1812] in [0] : vector<16xi32>, vector<16xi32> -> vector<16xi32>
        %ge3A_1814 = arith.cmpf oge, %neg3A_1800, %rev3A_1808 : vector<16xf32>
        %select_n3A_1815 = arith.select %ge3A_1814, %neg3A_1800, %rev3A_1808 : vector<16xi1>, vector<16xf32>
        %select_n3A_1816 = arith.select %ge3A_1814, %sort3A_1790, %rev3A_1813 : vector<16xi1>, vector<16xi32>
        %select_n3A_1817 = arith.select %ge3A_1814, %rev3A_1808, %neg3A_1800 : vector<16xi1>, vector<16xf32>
        %select_n3A_1818 = arith.select %ge3A_1814, %rev3A_1813, %sort3A_1790 : vector<16xi1>, vector<16xi32>
        %iota3A_1819 = tpu.iota {dimensions = array<i32: 0>} : vector<16xi32>
        %xor3A_1820 = arith.constant 8 : i32
        %xor3A_1821 = vector.broadcast %xor3A_1820 : i32 to vector<16xi32>
        %xor3A_1822 = arith.xori %iota3A_1819, %xor3A_1821 : vector<16xi32>
        %broadcast_in_dim3A_1823 = vector.shape_cast %xor3A_1822 : vector<16xi32> to vector<16x1xi32>
        %gather3A_1824 = vector.shape_cast %broadcast_in_dim3A_1823 : vector<16x1xi32> to vector<16xi32>
        %gather3A_1825 = tpu.dynamic_gather %select_n3A_1815[%gather3A_1824] in [0] : vector<16xf32>, vector<16xi32> -> vector<16xf32>
        %broadcast_in_dim3A_1826 = vector.shape_cast %xor3A_1822 : vector<16xi32> to vector<16x1xi32>
        %gather3A_1827 = vector.shape_cast %broadcast_in_dim3A_1826 : vector<16x1xi32> to vector<16xi32>
        %gather3A_1828 = tpu.dynamic_gather %select_n3A_1816[%gather3A_1827] in [0] : vector<16xi32>, vector<16xi32> -> vector<16xi32>
        %and3A_1829 = arith.constant 8 : i32
        %and3A_1830 = vector.broadcast %and3A_1829 : i32 to vector<16xi32>
        %and3A_1831 = arith.andi %iota3A_1819, %and3A_1830 : vector<16xi32>
        %eq3A_1832 = arith.constant 0 : i32
        %eq3A_1833 = vector.broadcast %eq3A_1832 : i32 to vector<16xi32>
        %eq3A_1834 = arith.cmpi eq, %and3A_1831, %eq3A_1833 : vector<16xi32>
        %ge3A_1835 = arith.cmpf oge, %select_n3A_1815, %gather3A_1825 : vector<16xf32>
        %select_n3A_1836 = arith.select %ge3A_1835, %select_n3A_1815, %gather3A_1825 : vector<16xi1>, vector<16xf32>
        %select_n3A_1837 = arith.select %ge3A_1835, %gather3A_1825, %select_n3A_1815 : vector<16xi1>, vector<16xf32>
        %select_n3A_1838 = arith.select %eq3A_1834, %select_n3A_1836, %select_n3A_1837 : vector<16xi1>, vector<16xf32>
        %select_n3A_1839 = arith.select %ge3A_1835, %select_n3A_1816, %gather3A_1828 : vector<16xi1>, vector<16xi32>
        %select_n3A_1840 = arith.select %ge3A_1835, %gather3A_1828, %select_n3A_1816 : vector<16xi1>, vector<16xi32>
        %select_n3A_1841 = arith.select %eq3A_1834, %select_n3A_1839, %select_n3A_1840 : vector<16xi1>, vector<16xi32>
        %xor3A_1842 = arith.constant 4 : i32
        %xor3A_1843 = vector.broadcast %xor3A_1842 : i32 to vector<16xi32>
        %xor3A_1844 = arith.xori %iota3A_1819, %xor3A_1843 : vector<16xi32>
        %broadcast_in_dim3A_1845 = vector.shape_cast %xor3A_1844 : vector<16xi32> to vector<16x1xi32>
        %gather3A_1846 = vector.shape_cast %broadcast_in_dim3A_1845 : vector<16x1xi32> to vector<16xi32>
        %gather3A_1847 = tpu.dynamic_gather %select_n3A_1838[%gather3A_1846] in [0] : vector<16xf32>, vector<16xi32> -> vector<16xf32>
        %broadcast_in_dim3A_1848 = vector.shape_cast %xor3A_1844 : vector<16xi32> to vector<16x1xi32>
        %gather3A_1849 = vector.shape_cast %broadcast_in_dim3A_1848 : vector<16x1xi32> to vector<16xi32>
        %gather3A_1850 = tpu.dynamic_gather %select_n3A_1841[%gather3A_1849] in [0] : vector<16xi32>, vector<16xi32> -> vector<16xi32>
        %and3A_1851 = arith.constant 4 : i32
        %and3A_1852 = vector.broadcast %and3A_1851 : i32 to vector<16xi32>
        %and3A_1853 = arith.andi %iota3A_1819, %and3A_1852 : vector<16xi32>
        %eq3A_1854 = arith.constant 0 : i32
        %eq3A_1855 = vector.broadcast %eq3A_1854 : i32 to vector<16xi32>
        %eq3A_1856 = arith.cmpi eq, %and3A_1853, %eq3A_1855 : vector<16xi32>
        %ge3A_1857 = arith.cmpf oge, %select_n3A_1838, %gather3A_1847 : vector<16xf32>
        %select_n3A_1858 = arith.select %ge3A_1857, %select_n3A_1838, %gather3A_1847 : vector<16xi1>, vector<16xf32>
        %select_n3A_1859 = arith.select %ge3A_1857, %gather3A_1847, %select_n3A_1838 : vector<16xi1>, vector<16xf32>
        %select_n3A_1860 = arith.select %eq3A_1856, %select_n3A_1858, %select_n3A_1859 : vector<16xi1>, vector<16xf32>
        %select_n3A_1861 = arith.select %ge3A_1857, %select_n3A_1841, %gather3A_1850 : vector<16xi1>, vector<16xi32>
        %select_n3A_1862 = arith.select %ge3A_1857, %gather3A_1850, %select_n3A_1841 : vector<16xi1>, vector<16xi32>
        %select_n3A_1863 = arith.select %eq3A_1856, %select_n3A_1861, %select_n3A_1862 : vector<16xi1>, vector<16xi32>
        %xor3A_1864 = arith.constant 2 : i32
        %xor3A_1865 = vector.broadcast %xor3A_1864 : i32 to vector<16xi32>
        %xor3A_1866 = arith.xori %iota3A_1819, %xor3A_1865 : vector<16xi32>
        %broadcast_in_dim3A_1867 = vector.shape_cast %xor3A_1866 : vector<16xi32> to vector<16x1xi32>
        %gather3A_1868 = vector.shape_cast %broadcast_in_dim3A_1867 : vector<16x1xi32> to vector<16xi32>
        %gather3A_1869 = tpu.dynamic_gather %select_n3A_1860[%gather3A_1868] in [0] : vector<16xf32>, vector<16xi32> -> vector<16xf32>
        %broadcast_in_dim3A_1870 = vector.shape_cast %xor3A_1866 : vector<16xi32> to vector<16x1xi32>
        %gather3A_1871 = vector.shape_cast %broadcast_in_dim3A_1870 : vector<16x1xi32> to vector<16xi32>
        %gather3A_1872 = tpu.dynamic_gather %select_n3A_1863[%gather3A_1871] in [0] : vector<16xi32>, vector<16xi32> -> vector<16xi32>
        %and3A_1873 = arith.constant 2 : i32
        %and3A_1874 = vector.broadcast %and3A_1873 : i32 to vector<16xi32>
        %and3A_1875 = arith.andi %iota3A_1819, %and3A_1874 : vector<16xi32>
        %eq3A_1876 = arith.constant 0 : i32
        %eq3A_1877 = vector.broadcast %eq3A_1876 : i32 to vector<16xi32>
        %eq3A_1878 = arith.cmpi eq, %and3A_1875, %eq3A_1877 : vector<16xi32>
        %ge3A_1879 = arith.cmpf oge, %select_n3A_1860, %gather3A_1869 : vector<16xf32>
        %select_n3A_1880 = arith.select %ge3A_1879, %select_n3A_1860, %gather3A_1869 : vector<16xi1>, vector<16xf32>
        %select_n3A_1881 = arith.select %ge3A_1879, %gather3A_1869, %select_n3A_1860 : vector<16xi1>, vector<16xf32>
        %select_n3A_1882 = arith.select %eq3A_1878, %select_n3A_1880, %select_n3A_1881 : vector<16xi1>, vector<16xf32>
        %select_n3A_1883 = arith.select %ge3A_1879, %select_n3A_1863, %gather3A_1872 : vector<16xi1>, vector<16xi32>
        %select_n3A_1884 = arith.select %ge3A_1879, %gather3A_1872, %select_n3A_1863 : vector<16xi1>, vector<16xi32>
        %select_n3A_1885 = arith.select %eq3A_1878, %select_n3A_1883, %select_n3A_1884 : vector<16xi1>, vector<16xi32>
        %xor3A_1886 = arith.constant 1 : i32
        %xor3A_1887 = vector.broadcast %xor3A_1886 : i32 to vector<16xi32>
        %xor3A_1888 = arith.xori %iota3A_1819, %xor3A_1887 : vector<16xi32>
        %broadcast_in_dim3A_1889 = vector.shape_cast %xor3A_1888 : vector<16xi32> to vector<16x1xi32>
        %gather3A_1890 = vector.shape_cast %broadcast_in_dim3A_1889 : vector<16x1xi32> to vector<16xi32>
        %gather3A_1891 = tpu.dynamic_gather %select_n3A_1882[%gather3A_1890] in [0] : vector<16xf32>, vector<16xi32> -> vector<16xf32>
        %broadcast_in_dim3A_1892 = vector.shape_cast %xor3A_1888 : vector<16xi32> to vector<16x1xi32>
        %gather3A_1893 = vector.shape_cast %broadcast_in_dim3A_1892 : vector<16x1xi32> to vector<16xi32>
        %gather3A_1894 = tpu.dynamic_gather %select_n3A_1885[%gather3A_1893] in [0] : vector<16xi32>, vector<16xi32> -> vector<16xi32>
        %and3A_1895 = arith.constant 1 : i32
        %and3A_1896 = vector.broadcast %and3A_1895 : i32 to vector<16xi32>
        %and3A_1897 = arith.andi %iota3A_1819, %and3A_1896 : vector<16xi32>
        %eq3A_1898 = arith.constant 0 : i32
        %eq3A_1899 = vector.broadcast %eq3A_1898 : i32 to vector<16xi32>
        %eq3A_1900 = arith.cmpi eq, %and3A_1897, %eq3A_1899 : vector<16xi32>
        %ge3A_1901 = arith.cmpf oge, %select_n3A_1882, %gather3A_1891 : vector<16xf32>
        %select_n3A_1902 = arith.select %ge3A_1901, %select_n3A_1882, %gather3A_1891 : vector<16xi1>, vector<16xf32>
        %select_n3A_1903 = arith.select %ge3A_1901, %gather3A_1891, %select_n3A_1882 : vector<16xi1>, vector<16xf32>
        %select_n3A_1904 = arith.select %eq3A_1900, %select_n3A_1902, %select_n3A_1903 : vector<16xi1>, vector<16xf32>
        %select_n3A_1905 = arith.select %ge3A_1901, %select_n3A_1885, %gather3A_1894 : vector<16xi1>, vector<16xi32>
        %select_n3A_1906 = arith.select %ge3A_1901, %gather3A_1894, %select_n3A_1885 : vector<16xi1>, vector<16xi32>
        %select_n3A_1907 = arith.select %eq3A_1900, %select_n3A_1905, %select_n3A_1906 : vector<16xi1>, vector<16xi32>
        %iota3A_1908 = tpu.iota {dimensions = array<i32: 0>} : vector<16xi32>
        %xor3A_1909 = arith.constant 8 : i32
        %xor3A_1910 = vector.broadcast %xor3A_1909 : i32 to vector<16xi32>
        %xor3A_1911 = arith.xori %iota3A_1908, %xor3A_1910 : vector<16xi32>
        %broadcast_in_dim3A_1912 = vector.shape_cast %xor3A_1911 : vector<16xi32> to vector<16x1xi32>
        %gather3A_1913 = vector.shape_cast %broadcast_in_dim3A_1912 : vector<16x1xi32> to vector<16xi32>
        %gather3A_1914 = tpu.dynamic_gather %select_n3A_1817[%gather3A_1913] in [0] : vector<16xf32>, vector<16xi32> -> vector<16xf32>
        %broadcast_in_dim3A_1915 = vector.shape_cast %xor3A_1911 : vector<16xi32> to vector<16x1xi32>
        %gather3A_1916 = vector.shape_cast %broadcast_in_dim3A_1915 : vector<16x1xi32> to vector<16xi32>
        %gather3A_1917 = tpu.dynamic_gather %select_n3A_1818[%gather3A_1916] in [0] : vector<16xi32>, vector<16xi32> -> vector<16xi32>
        %and3A_1918 = arith.constant 8 : i32
        %and3A_1919 = vector.broadcast %and3A_1918 : i32 to vector<16xi32>
        %and3A_1920 = arith.andi %iota3A_1908, %and3A_1919 : vector<16xi32>
        %eq3A_1921 = arith.constant 0 : i32
        %eq3A_1922 = vector.broadcast %eq3A_1921 : i32 to vector<16xi32>
        %eq3A_1923 = arith.cmpi eq, %and3A_1920, %eq3A_1922 : vector<16xi32>
        %ge3A_1924 = arith.cmpf oge, %select_n3A_1817, %gather3A_1914 : vector<16xf32>
        %select_n3A_1925 = arith.select %ge3A_1924, %select_n3A_1817, %gather3A_1914 : vector<16xi1>, vector<16xf32>
        %select_n3A_1926 = arith.select %ge3A_1924, %gather3A_1914, %select_n3A_1817 : vector<16xi1>, vector<16xf32>
        %select_n3A_1927 = arith.select %eq3A_1923, %select_n3A_1925, %select_n3A_1926 : vector<16xi1>, vector<16xf32>
        %select_n3A_1928 = arith.select %ge3A_1924, %select_n3A_1818, %gather3A_1917 : vector<16xi1>, vector<16xi32>
        %select_n3A_1929 = arith.select %ge3A_1924, %gather3A_1917, %select_n3A_1818 : vector<16xi1>, vector<16xi32>
        %select_n3A_1930 = arith.select %eq3A_1923, %select_n3A_1928, %select_n3A_1929 : vector<16xi1>, vector<16xi32>
        %xor3A_1931 = arith.constant 4 : i32
        %xor3A_1932 = vector.broadcast %xor3A_1931 : i32 to vector<16xi32>
        %xor3A_1933 = arith.xori %iota3A_1908, %xor3A_1932 : vector<16xi32>
        %broadcast_in_dim3A_1934 = vector.shape_cast %xor3A_1933 : vector<16xi32> to vector<16x1xi32>
        %gather3A_1935 = vector.shape_cast %broadcast_in_dim3A_1934 : vector<16x1xi32> to vector<16xi32>
        %gather3A_1936 = tpu.dynamic_gather %select_n3A_1927[%gather3A_1935] in [0] : vector<16xf32>, vector<16xi32> -> vector<16xf32>
        %broadcast_in_dim3A_1937 = vector.shape_cast %xor3A_1933 : vector<16xi32> to vector<16x1xi32>
        %gather3A_1938 = vector.shape_cast %broadcast_in_dim3A_1937 : vector<16x1xi32> to vector<16xi32>
        %gather3A_1939 = tpu.dynamic_gather %select_n3A_1930[%gather3A_1938] in [0] : vector<16xi32>, vector<16xi32> -> vector<16xi32>
        %and3A_1940 = arith.constant 4 : i32
        %and3A_1941 = vector.broadcast %and3A_1940 : i32 to vector<16xi32>
        %and3A_1942 = arith.andi %iota3A_1908, %and3A_1941 : vector<16xi32>
        %eq3A_1943 = arith.constant 0 : i32
        %eq3A_1944 = vector.broadcast %eq3A_1943 : i32 to vector<16xi32>
        %eq3A_1945 = arith.cmpi eq, %and3A_1942, %eq3A_1944 : vector<16xi32>
        %ge3A_1946 = arith.cmpf oge, %select_n3A_1927, %gather3A_1936 : vector<16xf32>
        %select_n3A_1947 = arith.select %ge3A_1946, %select_n3A_1927, %gather3A_1936 : vector<16xi1>, vector<16xf32>
        %select_n3A_1948 = arith.select %ge3A_1946, %gather3A_1936, %select_n3A_1927 : vector<16xi1>, vector<16xf32>
        %select_n3A_1949 = arith.select %eq3A_1945, %select_n3A_1947, %select_n3A_1948 : vector<16xi1>, vector<16xf32>
        %select_n3A_1950 = arith.select %ge3A_1946, %select_n3A_1930, %gather3A_1939 : vector<16xi1>, vector<16xi32>
        %select_n3A_1951 = arith.select %ge3A_1946, %gather3A_1939, %select_n3A_1930 : vector<16xi1>, vector<16xi32>
        %select_n3A_1952 = arith.select %eq3A_1945, %select_n3A_1950, %select_n3A_1951 : vector<16xi1>, vector<16xi32>
        %xor3A_1953 = arith.constant 2 : i32
        %xor3A_1954 = vector.broadcast %xor3A_1953 : i32 to vector<16xi32>
        %xor3A_1955 = arith.xori %iota3A_1908, %xor3A_1954 : vector<16xi32>
        %broadcast_in_dim3A_1956 = vector.shape_cast %xor3A_1955 : vector<16xi32> to vector<16x1xi32>
        %gather3A_1957 = vector.shape_cast %broadcast_in_dim3A_1956 : vector<16x1xi32> to vector<16xi32>
        %gather3A_1958 = tpu.dynamic_gather %select_n3A_1949[%gather3A_1957] in [0] : vector<16xf32>, vector<16xi32> -> vector<16xf32>
        %broadcast_in_dim3A_1959 = vector.shape_cast %xor3A_1955 : vector<16xi32> to vector<16x1xi32>
        %gather3A_1960 = vector.shape_cast %broadcast_in_dim3A_1959 : vector<16x1xi32> to vector<16xi32>
        %gather3A_1961 = tpu.dynamic_gather %select_n3A_1952[%gather3A_1960] in [0] : vector<16xi32>, vector<16xi32> -> vector<16xi32>
        %and3A_1962 = arith.constant 2 : i32
        %and3A_1963 = vector.broadcast %and3A_1962 : i32 to vector<16xi32>
        %and3A_1964 = arith.andi %iota3A_1908, %and3A_1963 : vector<16xi32>
        %eq3A_1965 = arith.constant 0 : i32
        %eq3A_1966 = vector.broadcast %eq3A_1965 : i32 to vector<16xi32>
        %eq3A_1967 = arith.cmpi eq, %and3A_1964, %eq3A_1966 : vector<16xi32>
        %ge3A_1968 = arith.cmpf oge, %select_n3A_1949, %gather3A_1958 : vector<16xf32>
        %select_n3A_1969 = arith.select %ge3A_1968, %select_n3A_1949, %gather3A_1958 : vector<16xi1>, vector<16xf32>
        %select_n3A_1970 = arith.select %ge3A_1968, %gather3A_1958, %select_n3A_1949 : vector<16xi1>, vector<16xf32>
        %select_n3A_1971 = arith.select %eq3A_1967, %select_n3A_1969, %select_n3A_1970 : vector<16xi1>, vector<16xf32>
        %select_n3A_1972 = arith.select %ge3A_1968, %select_n3A_1952, %gather3A_1961 : vector<16xi1>, vector<16xi32>
        %select_n3A_1973 = arith.select %ge3A_1968, %gather3A_1961, %select_n3A_1952 : vector<16xi1>, vector<16xi32>
        %select_n3A_1974 = arith.select %eq3A_1967, %select_n3A_1972, %select_n3A_1973 : vector<16xi1>, vector<16xi32>
        %xor3A_1975 = arith.constant 1 : i32
        %xor3A_1976 = vector.broadcast %xor3A_1975 : i32 to vector<16xi32>
        %xor3A_1977 = arith.xori %iota3A_1908, %xor3A_1976 : vector<16xi32>
        %broadcast_in_dim3A_1978 = vector.shape_cast %xor3A_1977 : vector<16xi32> to vector<16x1xi32>
        %gather3A_1979 = vector.shape_cast %broadcast_in_dim3A_1978 : vector<16x1xi32> to vector<16xi32>
        %gather3A_1980 = tpu.dynamic_gather %select_n3A_1971[%gather3A_1979] in [0] : vector<16xf32>, vector<16xi32> -> vector<16xf32>
        %broadcast_in_dim3A_1981 = vector.shape_cast %xor3A_1977 : vector<16xi32> to vector<16x1xi32>
        %gather3A_1982 = vector.shape_cast %broadcast_in_dim3A_1981 : vector<16x1xi32> to vector<16xi32>
        %gather3A_1983 = tpu.dynamic_gather %select_n3A_1974[%gather3A_1982] in [0] : vector<16xi32>, vector<16xi32> -> vector<16xi32>
        %and3A_1984 = arith.constant 1 : i32
        %and3A_1985 = vector.broadcast %and3A_1984 : i32 to vector<16xi32>
        %and3A_1986 = arith.andi %iota3A_1908, %and3A_1985 : vector<16xi32>
        %eq3A_1987 = arith.constant 0 : i32
        %eq3A_1988 = vector.broadcast %eq3A_1987 : i32 to vector<16xi32>
        %eq3A_1989 = arith.cmpi eq, %and3A_1986, %eq3A_1988 : vector<16xi32>
        %ge3A_1990 = arith.cmpf oge, %select_n3A_1971, %gather3A_1980 : vector<16xf32>
        %select_n3A_1991 = arith.select %ge3A_1990, %select_n3A_1971, %gather3A_1980 : vector<16xi1>, vector<16xf32>
        %select_n3A_1992 = arith.select %ge3A_1990, %gather3A_1980, %select_n3A_1971 : vector<16xi1>, vector<16xf32>
        %select_n3A_1993 = arith.select %eq3A_1989, %select_n3A_1991, %select_n3A_1992 : vector<16xi1>, vector<16xf32>
        %select_n3A_1994 = arith.select %ge3A_1990, %select_n3A_1974, %gather3A_1983 : vector<16xi1>, vector<16xi32>
        %select_n3A_1995 = arith.select %ge3A_1990, %gather3A_1983, %select_n3A_1974 : vector<16xi1>, vector<16xi32>
        %select_n3A_1996 = arith.select %eq3A_1989, %select_n3A_1994, %select_n3A_1995 : vector<16xi1>, vector<16xi32>
        %rev3A_1997 = arith.constant 15 : i32
        %rev3A_1998 = vector.broadcast %rev3A_1997 : i32 to vector<16xi32>
        %rev3A_1999 = tpu.iota {dimensions = array<i32: 0>} : vector<16xi32>
        %rev3A_2000 = arith.subi %rev3A_1998, %rev3A_1999 : vector<16xi32>
        %rev3A_2001 = tpu.dynamic_gather %select_n3A_1993[%rev3A_2000] in [0] : vector<16xf32>, vector<16xi32> -> vector<16xf32>
        %rev3A_2002 = arith.constant 15 : i32
        %rev3A_2003 = vector.broadcast %rev3A_2002 : i32 to vector<16xi32>
        %rev3A_2004 = tpu.iota {dimensions = array<i32: 0>} : vector<16xi32>
        %rev3A_2005 = arith.subi %rev3A_2003, %rev3A_2004 : vector<16xi32>
        %rev3A_2006 = tpu.dynamic_gather %select_n3A_1996[%rev3A_2005] in [0] : vector<16xi32>, vector<16xi32> -> vector<16xi32>
        %rev3A_2007 = arith.constant 15 : i32
        %rev3A_2008 = vector.broadcast %rev3A_2007 : i32 to vector<16xi32>
        %rev3A_2009 = tpu.iota {dimensions = array<i32: 0>} : vector<16xi32>
        %rev3A_2010 = arith.subi %rev3A_2008, %rev3A_2009 : vector<16xi32>
        %rev3A_2011 = tpu.dynamic_gather %select_n3A_1904[%rev3A_2010] in [0] : vector<16xf32>, vector<16xi32> -> vector<16xf32>
        %rev3A_2012 = arith.constant 15 : i32
        %rev3A_2013 = vector.broadcast %rev3A_2012 : i32 to vector<16xi32>
        %rev3A_2014 = tpu.iota {dimensions = array<i32: 0>} : vector<16xi32>
        %rev3A_2015 = arith.subi %rev3A_2013, %rev3A_2014 : vector<16xi32>
        %rev3A_2016 = tpu.dynamic_gather %select_n3A_1907[%rev3A_2015] in [0] : vector<16xi32>, vector<16xi32> -> vector<16xi32>
        %ge3A_2017 = arith.cmpf oge, %while3A_1760, %rev3A_2001 : vector<16xf32>
        %select_n3A_2018 = arith.select %ge3A_2017, %while3A_1760, %rev3A_2001 : vector<16xi1>, vector<16xf32>
        %select_n3A_2019 = arith.select %ge3A_2017, %while3A_1762, %rev3A_2006 : vector<16xi1>, vector<16xi32>
        %ge3A_2020 = arith.cmpf oge, %while3A_1761, %rev3A_2011 : vector<16xf32>
        %select_n3A_2021 = arith.select %ge3A_2020, %while3A_1761, %rev3A_2011 : vector<16xi1>, vector<16xf32>
        %select_n3A_2022 = arith.select %ge3A_2020, %while3A_1763, %rev3A_2016 : vector<16xi1>, vector<16xi32>
        %ge3A_2023 = arith.cmpf oge, %select_n3A_2018, %select_n3A_2021 : vector<16xf32>
        %select_n3A_2024 = arith.select %ge3A_2023, %select_n3A_2018, %select_n3A_2021 : vector<16xi1>, vector<16xf32>
        %select_n3A_2025 = arith.select %ge3A_2023, %select_n3A_2019, %select_n3A_2022 : vector<16xi1>, vector<16xi32>
        %select_n3A_2026 = arith.select %ge3A_2023, %select_n3A_2021, %select_n3A_2018 : vector<16xi1>, vector<16xf32>
        %select_n3A_2027 = arith.select %ge3A_2023, %select_n3A_2022, %select_n3A_2019 : vector<16xi1>, vector<16xi32>
        %iota3A_2028 = tpu.iota {dimensions = array<i32: 0>} : vector<16xi32>
        %xor3A_2029 = arith.constant 8 : i32
        %xor3A_2030 = vector.broadcast %xor3A_2029 : i32 to vector<16xi32>
        %xor3A_2031 = arith.xori %iota3A_2028, %xor3A_2030 : vector<16xi32>
        %broadcast_in_dim3A_2032 = vector.shape_cast %xor3A_2031 : vector<16xi32> to vector<16x1xi32>
        %gather3A_2033 = vector.shape_cast %broadcast_in_dim3A_2032 : vector<16x1xi32> to vector<16xi32>
        %gather3A_2034 = tpu.dynamic_gather %select_n3A_2024[%gather3A_2033] in [0] : vector<16xf32>, vector<16xi32> -> vector<16xf32>
        %broadcast_in_dim3A_2035 = vector.shape_cast %xor3A_2031 : vector<16xi32> to vector<16x1xi32>
        %gather3A_2036 = vector.shape_cast %broadcast_in_dim3A_2035 : vector<16x1xi32> to vector<16xi32>
        %gather3A_2037 = tpu.dynamic_gather %select_n3A_2025[%gather3A_2036] in [0] : vector<16xi32>, vector<16xi32> -> vector<16xi32>
        %and3A_2038 = arith.constant 8 : i32
        %and3A_2039 = vector.broadcast %and3A_2038 : i32 to vector<16xi32>
        %and3A_2040 = arith.andi %iota3A_2028, %and3A_2039 : vector<16xi32>
        %eq3A_2041 = arith.constant 0 : i32
        %eq3A_2042 = vector.broadcast %eq3A_2041 : i32 to vector<16xi32>
        %eq3A_2043 = arith.cmpi eq, %and3A_2040, %eq3A_2042 : vector<16xi32>
        %ge3A_2044 = arith.cmpf oge, %select_n3A_2024, %gather3A_2034 : vector<16xf32>
        %select_n3A_2045 = arith.select %ge3A_2044, %select_n3A_2024, %gather3A_2034 : vector<16xi1>, vector<16xf32>
        %select_n3A_2046 = arith.select %ge3A_2044, %gather3A_2034, %select_n3A_2024 : vector<16xi1>, vector<16xf32>
        %select_n3A_2047 = arith.select %eq3A_2043, %select_n3A_2045, %select_n3A_2046 : vector<16xi1>, vector<16xf32>
        %select_n3A_2048 = arith.select %ge3A_2044, %select_n3A_2025, %gather3A_2037 : vector<16xi1>, vector<16xi32>
        %select_n3A_2049 = arith.select %ge3A_2044, %gather3A_2037, %select_n3A_2025 : vector<16xi1>, vector<16xi32>
        %select_n3A_2050 = arith.select %eq3A_2043, %select_n3A_2048, %select_n3A_2049 : vector<16xi1>, vector<16xi32>
        %xor3A_2051 = arith.constant 4 : i32
        %xor3A_2052 = vector.broadcast %xor3A_2051 : i32 to vector<16xi32>
        %xor3A_2053 = arith.xori %iota3A_2028, %xor3A_2052 : vector<16xi32>
        %broadcast_in_dim3A_2054 = vector.shape_cast %xor3A_2053 : vector<16xi32> to vector<16x1xi32>
        %gather3A_2055 = vector.shape_cast %broadcast_in_dim3A_2054 : vector<16x1xi32> to vector<16xi32>
        %gather3A_2056 = tpu.dynamic_gather %select_n3A_2047[%gather3A_2055] in [0] : vector<16xf32>, vector<16xi32> -> vector<16xf32>
        %broadcast_in_dim3A_2057 = vector.shape_cast %xor3A_2053 : vector<16xi32> to vector<16x1xi32>
        %gather3A_2058 = vector.shape_cast %broadcast_in_dim3A_2057 : vector<16x1xi32> to vector<16xi32>
        %gather3A_2059 = tpu.dynamic_gather %select_n3A_2050[%gather3A_2058] in [0] : vector<16xi32>, vector<16xi32> -> vector<16xi32>
        %and3A_2060 = arith.constant 4 : i32
        %and3A_2061 = vector.broadcast %and3A_2060 : i32 to vector<16xi32>
        %and3A_2062 = arith.andi %iota3A_2028, %and3A_2061 : vector<16xi32>
        %eq3A_2063 = arith.constant 0 : i32
        %eq3A_2064 = vector.broadcast %eq3A_2063 : i32 to vector<16xi32>
        %eq3A_2065 = arith.cmpi eq, %and3A_2062, %eq3A_2064 : vector<16xi32>
        %ge3A_2066 = arith.cmpf oge, %select_n3A_2047, %gather3A_2056 : vector<16xf32>
        %select_n3A_2067 = arith.select %ge3A_2066, %select_n3A_2047, %gather3A_2056 : vector<16xi1>, vector<16xf32>
        %select_n3A_2068 = arith.select %ge3A_2066, %gather3A_2056, %select_n3A_2047 : vector<16xi1>, vector<16xf32>
        %select_n3A_2069 = arith.select %eq3A_2065, %select_n3A_2067, %select_n3A_2068 : vector<16xi1>, vector<16xf32>
        %select_n3A_2070 = arith.select %ge3A_2066, %select_n3A_2050, %gather3A_2059 : vector<16xi1>, vector<16xi32>
        %select_n3A_2071 = arith.select %ge3A_2066, %gather3A_2059, %select_n3A_2050 : vector<16xi1>, vector<16xi32>
        %select_n3A_2072 = arith.select %eq3A_2065, %select_n3A_2070, %select_n3A_2071 : vector<16xi1>, vector<16xi32>
        %xor3A_2073 = arith.constant 2 : i32
        %xor3A_2074 = vector.broadcast %xor3A_2073 : i32 to vector<16xi32>
        %xor3A_2075 = arith.xori %iota3A_2028, %xor3A_2074 : vector<16xi32>
        %broadcast_in_dim3A_2076 = vector.shape_cast %xor3A_2075 : vector<16xi32> to vector<16x1xi32>
        %gather3A_2077 = vector.shape_cast %broadcast_in_dim3A_2076 : vector<16x1xi32> to vector<16xi32>
        %gather3A_2078 = tpu.dynamic_gather %select_n3A_2069[%gather3A_2077] in [0] : vector<16xf32>, vector<16xi32> -> vector<16xf32>
        %broadcast_in_dim3A_2079 = vector.shape_cast %xor3A_2075 : vector<16xi32> to vector<16x1xi32>
        %gather3A_2080 = vector.shape_cast %broadcast_in_dim3A_2079 : vector<16x1xi32> to vector<16xi32>
        %gather3A_2081 = tpu.dynamic_gather %select_n3A_2072[%gather3A_2080] in [0] : vector<16xi32>, vector<16xi32> -> vector<16xi32>
        %and3A_2082 = arith.constant 2 : i32
        %and3A_2083 = vector.broadcast %and3A_2082 : i32 to vector<16xi32>
        %and3A_2084 = arith.andi %iota3A_2028, %and3A_2083 : vector<16xi32>
        %eq3A_2085 = arith.constant 0 : i32
        %eq3A_2086 = vector.broadcast %eq3A_2085 : i32 to vector<16xi32>
        %eq3A_2087 = arith.cmpi eq, %and3A_2084, %eq3A_2086 : vector<16xi32>
        %ge3A_2088 = arith.cmpf oge, %select_n3A_2069, %gather3A_2078 : vector<16xf32>
        %select_n3A_2089 = arith.select %ge3A_2088, %select_n3A_2069, %gather3A_2078 : vector<16xi1>, vector<16xf32>
        %select_n3A_2090 = arith.select %ge3A_2088, %gather3A_2078, %select_n3A_2069 : vector<16xi1>, vector<16xf32>
        %select_n3A_2091 = arith.select %eq3A_2087, %select_n3A_2089, %select_n3A_2090 : vector<16xi1>, vector<16xf32>
        %select_n3A_2092 = arith.select %ge3A_2088, %select_n3A_2072, %gather3A_2081 : vector<16xi1>, vector<16xi32>
        %select_n3A_2093 = arith.select %ge3A_2088, %gather3A_2081, %select_n3A_2072 : vector<16xi1>, vector<16xi32>
        %select_n3A_2094 = arith.select %eq3A_2087, %select_n3A_2092, %select_n3A_2093 : vector<16xi1>, vector<16xi32>
        %xor3A_2095 = arith.constant 1 : i32
        %xor3A_2096 = vector.broadcast %xor3A_2095 : i32 to vector<16xi32>
        %xor3A_2097 = arith.xori %iota3A_2028, %xor3A_2096 : vector<16xi32>
        %broadcast_in_dim3A_2098 = vector.shape_cast %xor3A_2097 : vector<16xi32> to vector<16x1xi32>
        %gather3A_2099 = vector.shape_cast %broadcast_in_dim3A_2098 : vector<16x1xi32> to vector<16xi32>
        %gather3A_2100 = tpu.dynamic_gather %select_n3A_2091[%gather3A_2099] in [0] : vector<16xf32>, vector<16xi32> -> vector<16xf32>
        %broadcast_in_dim3A_2101 = vector.shape_cast %xor3A_2097 : vector<16xi32> to vector<16x1xi32>
        %gather3A_2102 = vector.shape_cast %broadcast_in_dim3A_2101 : vector<16x1xi32> to vector<16xi32>
        %gather3A_2103 = tpu.dynamic_gather %select_n3A_2094[%gather3A_2102] in [0] : vector<16xi32>, vector<16xi32> -> vector<16xi32>
        %and3A_2104 = arith.constant 1 : i32
        %and3A_2105 = vector.broadcast %and3A_2104 : i32 to vector<16xi32>
        %and3A_2106 = arith.andi %iota3A_2028, %and3A_2105 : vector<16xi32>
        %eq3A_2107 = arith.constant 0 : i32
        %eq3A_2108 = vector.broadcast %eq3A_2107 : i32 to vector<16xi32>
        %eq3A_2109 = arith.cmpi eq, %and3A_2106, %eq3A_2108 : vector<16xi32>
        %ge3A_2110 = arith.cmpf oge, %select_n3A_2091, %gather3A_2100 : vector<16xf32>
        %select_n3A_2111 = arith.select %ge3A_2110, %select_n3A_2091, %gather3A_2100 : vector<16xi1>, vector<16xf32>
        %select_n3A_2112 = arith.select %ge3A_2110, %gather3A_2100, %select_n3A_2091 : vector<16xi1>, vector<16xf32>
        %select_n3A_2113 = arith.select %eq3A_2109, %select_n3A_2111, %select_n3A_2112 : vector<16xi1>, vector<16xf32>
        %select_n3A_2114 = arith.select %ge3A_2110, %select_n3A_2094, %gather3A_2103 : vector<16xi1>, vector<16xi32>
        %select_n3A_2115 = arith.select %ge3A_2110, %gather3A_2103, %select_n3A_2094 : vector<16xi1>, vector<16xi32>
        %select_n3A_2116 = arith.select %eq3A_2109, %select_n3A_2114, %select_n3A_2115 : vector<16xi1>, vector<16xi32>
        %iota3A_2117 = tpu.iota {dimensions = array<i32: 0>} : vector<16xi32>
        %xor3A_2118 = arith.constant 8 : i32
        %xor3A_2119 = vector.broadcast %xor3A_2118 : i32 to vector<16xi32>
        %xor3A_2120 = arith.xori %iota3A_2117, %xor3A_2119 : vector<16xi32>
        %broadcast_in_dim3A_2121 = vector.shape_cast %xor3A_2120 : vector<16xi32> to vector<16x1xi32>
        %gather3A_2122 = vector.shape_cast %broadcast_in_dim3A_2121 : vector<16x1xi32> to vector<16xi32>
        %gather3A_2123 = tpu.dynamic_gather %select_n3A_2026[%gather3A_2122] in [0] : vector<16xf32>, vector<16xi32> -> vector<16xf32>
        %broadcast_in_dim3A_2124 = vector.shape_cast %xor3A_2120 : vector<16xi32> to vector<16x1xi32>
        %gather3A_2125 = vector.shape_cast %broadcast_in_dim3A_2124 : vector<16x1xi32> to vector<16xi32>
        %gather3A_2126 = tpu.dynamic_gather %select_n3A_2027[%gather3A_2125] in [0] : vector<16xi32>, vector<16xi32> -> vector<16xi32>
        %and3A_2127 = arith.constant 8 : i32
        %and3A_2128 = vector.broadcast %and3A_2127 : i32 to vector<16xi32>
        %and3A_2129 = arith.andi %iota3A_2117, %and3A_2128 : vector<16xi32>
        %eq3A_2130 = arith.constant 0 : i32
        %eq3A_2131 = vector.broadcast %eq3A_2130 : i32 to vector<16xi32>
        %eq3A_2132 = arith.cmpi eq, %and3A_2129, %eq3A_2131 : vector<16xi32>
        %ge3A_2133 = arith.cmpf oge, %select_n3A_2026, %gather3A_2123 : vector<16xf32>
        %select_n3A_2134 = arith.select %ge3A_2133, %select_n3A_2026, %gather3A_2123 : vector<16xi1>, vector<16xf32>
        %select_n3A_2135 = arith.select %ge3A_2133, %gather3A_2123, %select_n3A_2026 : vector<16xi1>, vector<16xf32>
        %select_n3A_2136 = arith.select %eq3A_2132, %select_n3A_2134, %select_n3A_2135 : vector<16xi1>, vector<16xf32>
        %select_n3A_2137 = arith.select %ge3A_2133, %select_n3A_2027, %gather3A_2126 : vector<16xi1>, vector<16xi32>
        %select_n3A_2138 = arith.select %ge3A_2133, %gather3A_2126, %select_n3A_2027 : vector<16xi1>, vector<16xi32>
        %select_n3A_2139 = arith.select %eq3A_2132, %select_n3A_2137, %select_n3A_2138 : vector<16xi1>, vector<16xi32>
        %xor3A_2140 = arith.constant 4 : i32
        %xor3A_2141 = vector.broadcast %xor3A_2140 : i32 to vector<16xi32>
        %xor3A_2142 = arith.xori %iota3A_2117, %xor3A_2141 : vector<16xi32>
        %broadcast_in_dim3A_2143 = vector.shape_cast %xor3A_2142 : vector<16xi32> to vector<16x1xi32>
        %gather3A_2144 = vector.shape_cast %broadcast_in_dim3A_2143 : vector<16x1xi32> to vector<16xi32>
        %gather3A_2145 = tpu.dynamic_gather %select_n3A_2136[%gather3A_2144] in [0] : vector<16xf32>, vector<16xi32> -> vector<16xf32>
        %broadcast_in_dim3A_2146 = vector.shape_cast %xor3A_2142 : vector<16xi32> to vector<16x1xi32>
        %gather3A_2147 = vector.shape_cast %broadcast_in_dim3A_2146 : vector<16x1xi32> to vector<16xi32>
        %gather3A_2148 = tpu.dynamic_gather %select_n3A_2139[%gather3A_2147] in [0] : vector<16xi32>, vector<16xi32> -> vector<16xi32>
        %and3A_2149 = arith.constant 4 : i32
        %and3A_2150 = vector.broadcast %and3A_2149 : i32 to vector<16xi32>
        %and3A_2151 = arith.andi %iota3A_2117, %and3A_2150 : vector<16xi32>
        %eq3A_2152 = arith.constant 0 : i32
        %eq3A_2153 = vector.broadcast %eq3A_2152 : i32 to vector<16xi32>
        %eq3A_2154 = arith.cmpi eq, %and3A_2151, %eq3A_2153 : vector<16xi32>
        %ge3A_2155 = arith.cmpf oge, %select_n3A_2136, %gather3A_2145 : vector<16xf32>
        %select_n3A_2156 = arith.select %ge3A_2155, %select_n3A_2136, %gather3A_2145 : vector<16xi1>, vector<16xf32>
        %select_n3A_2157 = arith.select %ge3A_2155, %gather3A_2145, %select_n3A_2136 : vector<16xi1>, vector<16xf32>
        %select_n3A_2158 = arith.select %eq3A_2154, %select_n3A_2156, %select_n3A_2157 : vector<16xi1>, vector<16xf32>
        %select_n3A_2159 = arith.select %ge3A_2155, %select_n3A_2139, %gather3A_2148 : vector<16xi1>, vector<16xi32>
        %select_n3A_2160 = arith.select %ge3A_2155, %gather3A_2148, %select_n3A_2139 : vector<16xi1>, vector<16xi32>
        %select_n3A_2161 = arith.select %eq3A_2154, %select_n3A_2159, %select_n3A_2160 : vector<16xi1>, vector<16xi32>
        %xor3A_2162 = arith.constant 2 : i32
        %xor3A_2163 = vector.broadcast %xor3A_2162 : i32 to vector<16xi32>
        %xor3A_2164 = arith.xori %iota3A_2117, %xor3A_2163 : vector<16xi32>
        %broadcast_in_dim3A_2165 = vector.shape_cast %xor3A_2164 : vector<16xi32> to vector<16x1xi32>
        %gather3A_2166 = vector.shape_cast %broadcast_in_dim3A_2165 : vector<16x1xi32> to vector<16xi32>
        %gather3A_2167 = tpu.dynamic_gather %select_n3A_2158[%gather3A_2166] in [0] : vector<16xf32>, vector<16xi32> -> vector<16xf32>
        %broadcast_in_dim3A_2168 = vector.shape_cast %xor3A_2164 : vector<16xi32> to vector<16x1xi32>
        %gather3A_2169 = vector.shape_cast %broadcast_in_dim3A_2168 : vector<16x1xi32> to vector<16xi32>
        %gather3A_2170 = tpu.dynamic_gather %select_n3A_2161[%gather3A_2169] in [0] : vector<16xi32>, vector<16xi32> -> vector<16xi32>
        %and3A_2171 = arith.constant 2 : i32
        %and3A_2172 = vector.broadcast %and3A_2171 : i32 to vector<16xi32>
        %and3A_2173 = arith.andi %iota3A_2117, %and3A_2172 : vector<16xi32>
        %eq3A_2174 = arith.constant 0 : i32
        %eq3A_2175 = vector.broadcast %eq3A_2174 : i32 to vector<16xi32>
        %eq3A_2176 = arith.cmpi eq, %and3A_2173, %eq3A_2175 : vector<16xi32>
        %ge3A_2177 = arith.cmpf oge, %select_n3A_2158, %gather3A_2167 : vector<16xf32>
        %select_n3A_2178 = arith.select %ge3A_2177, %select_n3A_2158, %gather3A_2167 : vector<16xi1>, vector<16xf32>
        %select_n3A_2179 = arith.select %ge3A_2177, %gather3A_2167, %select_n3A_2158 : vector<16xi1>, vector<16xf32>
        %select_n3A_2180 = arith.select %eq3A_2176, %select_n3A_2178, %select_n3A_2179 : vector<16xi1>, vector<16xf32>
        %select_n3A_2181 = arith.select %ge3A_2177, %select_n3A_2161, %gather3A_2170 : vector<16xi1>, vector<16xi32>
        %select_n3A_2182 = arith.select %ge3A_2177, %gather3A_2170, %select_n3A_2161 : vector<16xi1>, vector<16xi32>
        %select_n3A_2183 = arith.select %eq3A_2176, %select_n3A_2181, %select_n3A_2182 : vector<16xi1>, vector<16xi32>
        %xor3A_2184 = arith.constant 1 : i32
        %xor3A_2185 = vector.broadcast %xor3A_2184 : i32 to vector<16xi32>
        %xor3A_2186 = arith.xori %iota3A_2117, %xor3A_2185 : vector<16xi32>
        %broadcast_in_dim3A_2187 = vector.shape_cast %xor3A_2186 : vector<16xi32> to vector<16x1xi32>
        %gather3A_2188 = vector.shape_cast %broadcast_in_dim3A_2187 : vector<16x1xi32> to vector<16xi32>
        %gather3A_2189 = tpu.dynamic_gather %select_n3A_2180[%gather3A_2188] in [0] : vector<16xf32>, vector<16xi32> -> vector<16xf32>
        %broadcast_in_dim3A_2190 = vector.shape_cast %xor3A_2186 : vector<16xi32> to vector<16x1xi32>
        %gather3A_2191 = vector.shape_cast %broadcast_in_dim3A_2190 : vector<16x1xi32> to vector<16xi32>
        %gather3A_2192 = tpu.dynamic_gather %select_n3A_2183[%gather3A_2191] in [0] : vector<16xi32>, vector<16xi32> -> vector<16xi32>
        %and3A_2193 = arith.constant 1 : i32
        %and3A_2194 = vector.broadcast %and3A_2193 : i32 to vector<16xi32>
        %and3A_2195 = arith.andi %iota3A_2117, %and3A_2194 : vector<16xi32>
        %eq3A_2196 = arith.constant 0 : i32
        %eq3A_2197 = vector.broadcast %eq3A_2196 : i32 to vector<16xi32>
        %eq3A_2198 = arith.cmpi eq, %and3A_2195, %eq3A_2197 : vector<16xi32>
        %ge3A_2199 = arith.cmpf oge, %select_n3A_2180, %gather3A_2189 : vector<16xf32>
        %select_n3A_2200 = arith.select %ge3A_2199, %select_n3A_2180, %gather3A_2189 : vector<16xi1>, vector<16xf32>
        %select_n3A_2201 = arith.select %ge3A_2199, %gather3A_2189, %select_n3A_2180 : vector<16xi1>, vector<16xf32>
        %select_n3A_2202 = arith.select %eq3A_2198, %select_n3A_2200, %select_n3A_2201 : vector<16xi1>, vector<16xf32>
        %select_n3A_2203 = arith.select %ge3A_2199, %select_n3A_2183, %gather3A_2192 : vector<16xi1>, vector<16xi32>
        %select_n3A_2204 = arith.select %ge3A_2199, %gather3A_2192, %select_n3A_2183 : vector<16xi1>, vector<16xi32>
        %select_n3A_2205 = arith.select %eq3A_2198, %select_n3A_2203, %select_n3A_2204 : vector<16xi1>, vector<16xi32>
        scf.yield %select_n3A_2113, %select_n3A_2202, %select_n3A_2116, %select_n3A_2205 : vector<16xf32>, vector<16xf32>, vector<16xi32>, vector<16xi32>
      }
      %and3A_1719 = arith.constant 16383 : i32
      %and3A_1720 = vector.broadcast %and3A_1719 : i32 to vector<16xi32>
      %and3A_1721 = arith.andi %while3A_1718#2, %and3A_1720 : vector<16xi32>
      %and3A_1722 = arith.constant 16383 : i32
      %and3A_1723 = vector.broadcast %and3A_1722 : i32 to vector<16xi32>
      %and3A_1724 = arith.andi %while3A_1718#3, %and3A_1723 : vector<16xi32>
      %shift_right_logical3A = arith.constant 14 : i32
      %shift_right_logical3A_1725 = vector.broadcast %shift_right_logical3A : i32 to vector<16xi32>
      %shift_right_logical3A_1726 = arith.shrui %while3A_1718#2, %shift_right_logical3A_1725 : vector<16xi32>
      %shift_right_logical3A_1727 = arith.constant 14 : i32
      %shift_right_logical3A_1728 = vector.broadcast %shift_right_logical3A_1727 : i32 to vector<16xi32>
      %shift_right_logical3A_1729 = arith.shrui %while3A_1718#3, %shift_right_logical3A_1728 : vector<16xi32>
      %dma_wait3A_1730 = arith.constant 0 : i32
      %dma_wait3A_1731 = arith.constant 0 : i32
      %dma_wait3A_1732 = tpu.memref_slice %arg4[%dma_wait3A_1730, %dma_wait3A_1731] : memref<262144x128xf32, #tpu.memory_space<hbm>> -> memref<262144x128xf32, #tpu.memory_space<hbm>>
      tpu.wait_indirect_dma semaphore(%arg18 : memref<!tpu.dma_semaphore, #tpu.memory_space<semaphore_mem>>) src(%dma_wait3A_1732 : memref<262144x128xf32, #tpu.memory_space<hbm>>) dst(%arg12 : memref<48x128xf32, #tpu.memory_space<vmem>>)
      %shift_right_logical3A_1733 = arith.constant 7 : i32
      %shift_right_logical3A_1734 = vector.broadcast %shift_right_logical3A_1733 : i32 to vector<16xi32>
      %shift_right_logical3A_1735 = arith.shrui %shift_right_logical3A_1726, %shift_right_logical3A_1734 : vector<16xi32>
      %and3A_1736 = arith.constant 127 : i32
      %and3A_1737 = vector.broadcast %and3A_1736 : i32 to vector<16xi32>
      %and3A_1738 = arith.andi %shift_right_logical3A_1726, %and3A_1737 : vector<16xi32>
      %gather3A_1739 = tpu.vector_load_idx %arg12[%shift_right_logical3A_1735, %and3A_1738] : memref<48x128xf32, #tpu.memory_space<vmem>>[vector<16xi32>, vector<16xi32>], vector<16xf32>,
      %shift_right_logical3A_1740 = arith.constant 7 : i32
      %shift_right_logical3A_1741 = vector.broadcast %shift_right_logical3A_1740 : i32 to vector<16xi32>
      %shift_right_logical3A_1742 = arith.shrui %shift_right_logical3A_1729, %shift_right_logical3A_1741 : vector<16xi32>
      %and3A_1743 = arith.constant 127 : i32
      %and3A_1744 = vector.broadcast %and3A_1743 : i32 to vector<16xi32>
      %and3A_1745 = arith.andi %shift_right_logical3A_1729, %and3A_1744 : vector<16xi32>
      %gather3A_1746 = tpu.vector_load_idx %arg12[%shift_right_logical3A_1742, %and3A_1745] : memref<48x128xf32, #tpu.memory_space<vmem>>[vector<16xi32>, vector<16xi32>], vector<16xf32>,
      %swap3A_1747 = arith.constant 0 : index
      %swap3A_1748 = tpu.vector_load %arg15[%swap3A_1747] {strides = array<i32>} : memref<32xf32, #tpu.memory_space<vmem>>, vector<16xf32>,
      tpu.vector_store %arg15[%swap3A_1747], %while3A_1718#0 {strides = array<i32>} : memref<32xf32, #tpu.memory_space<vmem>>, vector<16xf32>,
      %swap3A_1749 = arith.constant 16 : index
      %swap3A_1750 = tpu.vector_load %arg15[%swap3A_1749] {strides = array<i32>} : memref<32xf32, #tpu.memory_space<vmem>>, vector<16xf32>,
      tpu.vector_store %arg15[%swap3A_1749], %while3A_1718#1 {strides = array<i32>} : memref<32xf32, #tpu.memory_space<vmem>>, vector<16xf32>,
      %swap3A_1751 = arith.constant 0 : index
      %swap3A_1752 = tpu.vector_load %arg16[%swap3A_1751] {strides = array<i32>} : memref<32xi32, #tpu.memory_space<vmem>>, vector<16xi32>,
      tpu.vector_store %arg16[%swap3A_1751], %and3A_1721 {strides = array<i32>} : memref<32xi32, #tpu.memory_space<vmem>>, vector<16xi32>,
      %swap3A_1753 = arith.constant 16 : index
      %swap3A_1754 = tpu.vector_load %arg16[%swap3A_1753] {strides = array<i32>} : memref<32xi32, #tpu.memory_space<vmem>>, vector<16xi32>,
      tpu.vector_store %arg16[%swap3A_1753], %and3A_1724 {strides = array<i32>} : memref<32xi32, #tpu.memory_space<vmem>>, vector<16xi32>,
      "tpu.region"() ({
        %run_scoped3A = tpu.sem_alloc : memref<!tpu.dma_semaphore, #tpu.memory_space<semaphore_mem>>
        %dma_start3A_1759 = arith.constant 0 : i32
        %dma_start3A_1760 = tpu.memref_slice %arg6[%add3A_19, %dma_start3A_1759] : memref<2048x32xf32, #tpu.memory_space<hbm>> -> memref<1x32xf32, #tpu.memory_space<hbm>>
        %dma_start3A_1761 = tpu.memref_squeeze %dma_start3A_1760 : memref<1x32xf32, #tpu.memory_space<hbm>> -> memref<32xf32, #tpu.memory_space<hbm>>
        %dma_start3A_1762 = arith.constant 0 : i32
        %dma_start3A_1763 = tpu.memref_slice %arg6[%add3A_19, %dma_start3A_1762] : memref<2048x32xf32, #tpu.memory_space<hbm>> -> memref<1x32xf32, #tpu.memory_space<hbm>>
        %dma_start3A_1764 = tpu.memref_squeeze %dma_start3A_1763 : memref<1x32xf32, #tpu.memory_space<hbm>> -> memref<32xf32, #tpu.memory_space<hbm>>
        tpu.enqueue_dma source(%arg15 : memref<32xf32, #tpu.memory_space<vmem>>) target(%dma_start3A_1764 : memref<32xf32, #tpu.memory_space<hbm>>) target_semaphore(%run_scoped3A : memref<!tpu.dma_semaphore, #tpu.memory_space<semaphore_mem>>)
        %dma_wait3A_1765 = arith.constant 0 : i32
        %dma_wait3A_1766 = tpu.memref_slice %arg6[%add3A_19, %dma_wait3A_1765] : memref<2048x32xf32, #tpu.memory_space<hbm>> -> memref<1x32xf32, #tpu.memory_space<hbm>>
        %dma_wait3A_1767 = tpu.memref_squeeze %dma_wait3A_1766 : memref<1x32xf32, #tpu.memory_space<hbm>> -> memref<32xf32, #tpu.memory_space<hbm>>
        %dma_wait3A_1768 = arith.constant 0 : i32
        %dma_wait3A_1769 = tpu.memref_slice %arg6[%add3A_19, %dma_wait3A_1768] : memref<2048x32xf32, #tpu.memory_space<hbm>> -> memref<1x32xf32, #tpu.memory_space<hbm>>
        %dma_wait3A_1770 = tpu.memref_squeeze %dma_wait3A_1769 : memref<1x32xf32, #tpu.memory_space<hbm>> -> memref<32xf32, #tpu.memory_space<hbm>>
        tpu.wait_dma2 semaphore(%run_scoped3A : memref<!tpu.dma_semaphore, #tpu.memory_space<semaphore_mem>>) src(%arg15 : memref<32xf32, #tpu.memory_space<vmem>>) dst(%dma_wait3A_1770 : memref<32xf32, #tpu.memory_space<hbm>>)
        tpu.yield
      }) : () -> ()
      "tpu.region"() ({
        %run_scoped3A = tpu.sem_alloc : memref<!tpu.dma_semaphore, #tpu.memory_space<semaphore_mem>>
        %dma_start3A_1759 = arith.constant 0 : i32
        %dma_start3A_1760 = tpu.memref_slice %arg5[%add3A_19, %dma_start3A_1759] : memref<2048x32xi32, #tpu.memory_space<hbm>> -> memref<1x32xi32, #tpu.memory_space<hbm>>
        %dma_start3A_1761 = tpu.memref_squeeze %dma_start3A_1760 : memref<1x32xi32, #tpu.memory_space<hbm>> -> memref<32xi32, #tpu.memory_space<hbm>>
        %dma_start3A_1762 = arith.constant 0 : i32
        %dma_start3A_1763 = tpu.memref_slice %arg5[%add3A_19, %dma_start3A_1762] : memref<2048x32xi32, #tpu.memory_space<hbm>> -> memref<1x32xi32, #tpu.memory_space<hbm>>
        %dma_start3A_1764 = tpu.memref_squeeze %dma_start3A_1763 : memref<1x32xi32, #tpu.memory_space<hbm>> -> memref<32xi32, #tpu.memory_space<hbm>>
        tpu.enqueue_dma source(%arg16 : memref<32xi32, #tpu.memory_space<vmem>>) target(%dma_start3A_1764 : memref<32xi32, #tpu.memory_space<hbm>>) target_semaphore(%run_scoped3A : memref<!tpu.dma_semaphore, #tpu.memory_space<semaphore_mem>>)
        %dma_wait3A_1765 = arith.constant 0 : i32
        %dma_wait3A_1766 = tpu.memref_slice %arg5[%add3A_19, %dma_wait3A_1765] : memref<2048x32xi32, #tpu.memory_space<hbm>> -> memref<1x32xi32, #tpu.memory_space<hbm>>
        %dma_wait3A_1767 = tpu.memref_squeeze %dma_wait3A_1766 : memref<1x32xi32, #tpu.memory_space<hbm>> -> memref<32xi32, #tpu.memory_space<hbm>>
        %dma_wait3A_1768 = arith.constant 0 : i32
        %dma_wait3A_1769 = tpu.memref_slice %arg5[%add3A_19, %dma_wait3A_1768] : memref<2048x32xi32, #tpu.memory_space<hbm>> -> memref<1x32xi32, #tpu.memory_space<hbm>>
        %dma_wait3A_1770 = tpu.memref_squeeze %dma_wait3A_1769 : memref<1x32xi32, #tpu.memory_space<hbm>> -> memref<32xi32, #tpu.memory_space<hbm>>
        tpu.wait_dma2 semaphore(%run_scoped3A : memref<!tpu.dma_semaphore, #tpu.memory_space<semaphore_mem>>) src(%arg16 : memref<32xi32, #tpu.memory_space<vmem>>) dst(%dma_wait3A_1770 : memref<32xi32, #tpu.memory_space<hbm>>)
        tpu.yield
      }) : () -> ()
      %swap3A_1755 = arith.constant 0 : index
      %swap3A_1756 = tpu.vector_load %arg15[%swap3A_1755] {strides = array<i32>} : memref<32xf32, #tpu.memory_space<vmem>>, vector<16xf32>,
      tpu.vector_store %arg15[%swap3A_1755], %gather3A_1739 {strides = array<i32>} : memref<32xf32, #tpu.memory_space<vmem>>, vector<16xf32>,
      %swap3A_1757 = arith.constant 16 : index
      %swap3A_1758 = tpu.vector_load %arg15[%swap3A_1757] {strides = array<i32>} : memref<32xf32, #tpu.memory_space<vmem>>, vector<16xf32>,
      tpu.vector_store %arg15[%swap3A_1757], %gather3A_1746 {strides = array<i32>} : memref<32xf32, #tpu.memory_space<vmem>>, vector<16xf32>,
      "tpu.region"() ({
        %run_scoped3A = tpu.sem_alloc : memref<!tpu.dma_semaphore, #tpu.memory_space<semaphore_mem>>
        %dma_start3A_1759 = arith.constant 0 : i32
        %dma_start3A_1760 = tpu.memref_slice %arg7[%add3A_19, %dma_start3A_1759] : memref<2048x32xf32, #tpu.memory_space<hbm>> -> memref<1x32xf32, #tpu.memory_space<hbm>>
        %dma_start3A_1761 = tpu.memref_squeeze %dma_start3A_1760 : memref<1x32xf32, #tpu.memory_space<hbm>> -> memref<32xf32, #tpu.memory_space<hbm>>
        %dma_start3A_1762 = arith.constant 0 : i32
        %dma_start3A_1763 = tpu.memref_slice %arg7[%add3A_19, %dma_start3A_1762] : memref<2048x32xf32, #tpu.memory_space<hbm>> -> memref<1x32xf32, #tpu.memory_space<hbm>>
        %dma_start3A_1764 = tpu.memref_squeeze %dma_start3A_1763 : memref<1x32xf32, #tpu.memory_space<hbm>> -> memref<32xf32, #tpu.memory_space<hbm>>
        tpu.enqueue_dma source(%arg15 : memref<32xf32, #tpu.memory_space<vmem>>) target(%dma_start3A_1764 : memref<32xf32, #tpu.memory_space<hbm>>) target_semaphore(%run_scoped3A : memref<!tpu.dma_semaphore, #tpu.memory_space<semaphore_mem>>)
        %dma_wait3A_1765 = arith.constant 0 : i32
        %dma_wait3A_1766 = tpu.memref_slice %arg7[%add3A_19, %dma_wait3A_1765] : memref<2048x32xf32, #tpu.memory_space<hbm>> -> memref<1x32xf32, #tpu.memory_space<hbm>>
        %dma_wait3A_1767 = tpu.memref_squeeze %dma_wait3A_1766 : memref<1x32xf32, #tpu.memory_space<hbm>> -> memref<32xf32, #tpu.memory_space<hbm>>
        %dma_wait3A_1768 = arith.constant 0 : i32
        %dma_wait3A_1769 = tpu.memref_slice %arg7[%add3A_19, %dma_wait3A_1768] : memref<2048x32xf32, #tpu.memory_space<hbm>> -> memref<1x32xf32, #tpu.memory_space<hbm>>
        %dma_wait3A_1770 = tpu.memref_squeeze %dma_wait3A_1769 : memref<1x32xf32, #tpu.memory_space<hbm>> -> memref<32xf32, #tpu.memory_space<hbm>>
        tpu.wait_dma2 semaphore(%run_scoped3A : memref<!tpu.dma_semaphore, #tpu.memory_space<semaphore_mem>>) src(%arg15 : memref<32xf32, #tpu.memory_space<vmem>>) dst(%dma_wait3A_1770 : memref<32xf32, #tpu.memory_space<hbm>>)
        tpu.yield
      }) : () -> ()
    }
    %scan3A_17 = arith.constant 64 : i32
    return
  }
}

module attributes {stable_mosaic.version = 14 : i64} {
  func.func @_encode_body(%arg0: i32, %arg1: memref<2048x768xf32, #tpu.memory_space<vmem>>, %arg2: memref<2048x768xf32, #tpu.memory_space<vmem>>, %arg3: memref<512x768xf32, #tpu.memory_space<vmem>>, %arg4: memref<512x768xf32, #tpu.memory_space<vmem>>, %arg5: memref<1x768xf32, #tpu.memory_space<vmem>>, %arg6: memref<1x768xf32, #tpu.memory_space<vmem>>, %arg7: memref<1x512xf32, #tpu.memory_space<vmem>>, %arg8: memref<1x512xf32, #tpu.memory_space<vmem>>, %arg9: memref<2048x512xf32, #tpu.memory_space<vmem>>, %arg10: memref<2048x512xf32, #tpu.memory_space<vmem>>, %arg11: memref<1x2048x4xf32, #tpu.memory_space<vmem>>) attributes {dimension_semantics = [#tpu.dimension_semantics<arbitrary>], iteration_bounds = array<i64: 32>, scalar_prefetch = 0 : i64, scratch_operands = 0 : i64, tpu.core_type = #tpu.core_type<tc>, window_params = [{pipeline_mode = #tpu.pipeline_mode<synchronous>, transform_indices = @transform_0, window_bounds = array<i64: 2048, 768>}, {pipeline_mode = #tpu.pipeline_mode<synchronous>, transform_indices = @transform_1, window_bounds = array<i64: 2048, 768>}, {transform_indices = @transform_2, window_bounds = array<i64: 512, 768>}, {transform_indices = @transform_3, window_bounds = array<i64: 512, 768>}, {pipeline_mode = #tpu.pipeline_mode<synchronous>, transform_indices = @transform_4, window_bounds = array<i64: 1, 768>}, {pipeline_mode = #tpu.pipeline_mode<synchronous>, transform_indices = @transform_5, window_bounds = array<i64: 1, 768>}, {transform_indices = @transform_6, window_bounds = array<i64: 1, 512>}, {transform_indices = @transform_7, window_bounds = array<i64: 1, 512>}, {transform_indices = @transform_8, window_bounds = array<i64: 2048, 512>}, {transform_indices = @transform_9, window_bounds = array<i64: 2048, 512>}, {transform_indices = @transform_10, window_bounds = array<i64: 1, 2048, 4>}]} {
    %get3A = arith.constant 0 : index
    %get3A_0 = arith.constant 0 : index
    %get3A_1 = vector.load %arg1[%get3A, %get3A_0] : memref<2048x768xf32, #tpu.memory_space<vmem>>, vector<2048x768xf32>
    %get3A_2 = arith.constant 0 : index
    %get3A_3 = arith.constant 0 : index
    %get3A_4 = vector.load %arg5[%get3A_2, %get3A_3] : memref<1x768xf32, #tpu.memory_space<vmem>>, vector<1x768xf32>
    %sub3A = vector.broadcast %get3A_4 : vector<1x768xf32> to vector<2048x768xf32>
    %sub3A_5 = arith.subf %get3A_1, %sub3A : vector<2048x768xf32>
    %get3A_6 = arith.constant 0 : index
    %get3A_7 = arith.constant 0 : index
    %get3A_8 = vector.load %arg2[%get3A_6, %get3A_7] : memref<2048x768xf32, #tpu.memory_space<vmem>>, vector<2048x768xf32>
    %get3A_9 = arith.constant 0 : index
    %get3A_10 = arith.constant 0 : index
    %get3A_11 = vector.load %arg6[%get3A_9, %get3A_10] : memref<1x768xf32, #tpu.memory_space<vmem>>, vector<1x768xf32>
    %sub3A_12 = vector.broadcast %get3A_11 : vector<1x768xf32> to vector<2048x768xf32>
    %sub3A_13 = arith.subf %get3A_8, %sub3A_12 : vector<2048x768xf32>
    %get3A_14 = arith.constant 0 : index
    %get3A_15 = arith.constant 0 : index
    %get3A_16 = vector.load %arg3[%get3A_14, %get3A_15] : memref<512x768xf32, #tpu.memory_space<vmem>>, vector<512x768xf32>
    %dot_general3A = arith.constant dense<0.000000e+00> : vector<2048x512xf32>
    %dot_general3A_17 = tpu.matmul %sub3A_5, %get3A_16, %dot_general3A {dimension_numbers = #tpu.dot_dimension_numbers<[1], [1], [0], [0], [0, 0, 1, 0], [], []>, transpose_lhs_hint = false} : vector<2048x768xf32>, vector<512x768xf32>, vector<2048x512xf32> -> vector<2048x512xf32>
    %get3A_18 = arith.constant 0 : index
    %get3A_19 = arith.constant 0 : index
    %get3A_20 = vector.load %arg7[%get3A_18, %get3A_19] : memref<1x512xf32, #tpu.memory_space<vmem>>, vector<1x512xf32>
    %add3A = vector.broadcast %get3A_20 : vector<1x512xf32> to vector<2048x512xf32>
    %add3A_21 = arith.addf %dot_general3A_17, %add3A : vector<2048x512xf32>
    %get3A_22 = arith.constant 0 : index
    %get3A_23 = arith.constant 0 : index
    %get3A_24 = vector.load %arg4[%get3A_22, %get3A_23] : memref<512x768xf32, #tpu.memory_space<vmem>>, vector<512x768xf32>
    %dot_general3A_25 = arith.constant dense<0.000000e+00> : vector<2048x512xf32>
    %dot_general3A_26 = tpu.matmul %sub3A_13, %get3A_24, %dot_general3A_25 {dimension_numbers = #tpu.dot_dimension_numbers<[1], [1], [0], [0], [0, 0, 1, 0], [], []>, transpose_lhs_hint = false} : vector<2048x768xf32>, vector<512x768xf32>, vector<2048x512xf32> -> vector<2048x512xf32>
    %get3A_27 = arith.constant 0 : index
    %get3A_28 = arith.constant 0 : index
    %get3A_29 = vector.load %arg8[%get3A_27, %get3A_28] : memref<1x512xf32, #tpu.memory_space<vmem>>, vector<1x512xf32>
    %add3A_30 = vector.broadcast %get3A_29 : vector<1x512xf32> to vector<2048x512xf32>
    %add3A_31 = arith.addf %dot_general3A_26, %add3A_30 : vector<2048x512xf32>
    %add3A_32 = arith.addf %add3A_21, %add3A_31 : vector<2048x512xf32>
    %swap3A = arith.constant 0 : index
    %swap3A_33 = arith.constant 0 : index
    %swap3A_34 = vector.load %arg9[%swap3A, %swap3A_33] : memref<2048x512xf32, #tpu.memory_space<vmem>>, vector<2048x512xf32>
    tpu.vector_store %arg9[%swap3A, %swap3A_33], %add3A_21 {strides = array<i32>} : memref<2048x512xf32, #tpu.memory_space<vmem>>, vector<2048x512xf32>,
    %swap3A_35 = arith.constant 0 : index
    %swap3A_36 = arith.constant 0 : index
    %swap3A_37 = vector.load %arg10[%swap3A_35, %swap3A_36] : memref<2048x512xf32, #tpu.memory_space<vmem>>, vector<2048x512xf32>
    tpu.vector_store %arg10[%swap3A_35, %swap3A_36], %add3A_32 {strides = array<i32>} : memref<2048x512xf32, #tpu.memory_space<vmem>>, vector<2048x512xf32>,
    %reshape3A = vector.shape_cast %add3A_32 : vector<2048x512xf32> to vector<2048x4x128xf32>
    %reduce_max3A = arith.constant dense<0xFF800000> : vector<2048x4xf32>
    %reduce_max3A_38 = vector.multi_reduction <maximumf>, %reshape3A, %reduce_max3A [2] : vector<2048x4x128xf32> to vector<2048x4xf32>
    %reshape3A_39 = vector.shape_cast %reduce_max3A_38 : vector<2048x4xf32> to vector<1x2048x4xf32>
    %swap3A_40 = arith.constant 0 : index
    %swap3A_41 = arith.constant 0 : index
    %swap3A_42 = arith.constant 0 : index
    %swap3A_43 = vector.load %arg11[%swap3A_40, %swap3A_41, %swap3A_42] : memref<1x2048x4xf32, #tpu.memory_space<vmem>>, vector<1x2048x4xf32>
    tpu.vector_store %arg11[%swap3A_40, %swap3A_41, %swap3A_42], %reshape3A_39 {strides = array<i32>} : memref<1x2048x4xf32, #tpu.memory_space<vmem>>, vector<1x2048x4xf32>,
    return
  }
  func.func @transform_0(%arg0: i32) -> (i32, i32) {
    %c0_i32 = arith.constant 0 : i32
    %c0_i32_0 = arith.constant 0 : i32
    %c0_i32_1 = arith.constant 0 : i32
    return %c0_i32, %c0_i32_0 : i32, i32
  }
  func.func @transform_1(%arg0: i32) -> (i32, i32) {
    %c0_i32 = arith.constant 0 : i32
    %c0_i32_0 = arith.constant 0 : i32
    %c0_i32_1 = arith.constant 0 : i32
    return %c0_i32, %c0_i32_0 : i32, i32
  }
  func.func @transform_2(%arg0: i32) -> (i32, i32) {
    %c0_i32 = arith.constant 0 : i32
    %c0_i32_0 = arith.constant 0 : i32
    return %arg0, %c0_i32 : i32, i32
  }
  func.func @transform_3(%arg0: i32) -> (i32, i32) {
    %c0_i32 = arith.constant 0 : i32
    %c0_i32_0 = arith.constant 0 : i32
    return %arg0, %c0_i32 : i32, i32
  }
  func.func @transform_4(%arg0: i32) -> (i32, i32) {
    %c0_i32 = arith.constant 0 : i32
    %c0_i32_0 = arith.constant 0 : i32
    %c0_i32_1 = arith.constant 0 : i32
    return %c0_i32, %c0_i32_0 : i32, i32
  }
  func.func @transform_5(%arg0: i32) -> (i32, i32) {
    %c0_i32 = arith.constant 0 : i32
    %c0_i32_0 = arith.constant 0 : i32
    %c0_i32_1 = arith.constant 0 : i32
    return %c0_i32, %c0_i32_0 : i32, i32
  }
  func.func @transform_6(%arg0: i32) -> (i32, i32) {
    %c0_i32 = arith.constant 0 : i32
    %c0_i32_0 = arith.constant 0 : i32
    return %c0_i32, %arg0 : i32, i32
  }
  func.func @transform_7(%arg0: i32) -> (i32, i32) {
    %c0_i32 = arith.constant 0 : i32
    %c0_i32_0 = arith.constant 0 : i32
    return %c0_i32, %arg0 : i32, i32
  }
  func.func @transform_8(%arg0: i32) -> (i32, i32) {
    %c0_i32 = arith.constant 0 : i32
    %c0_i32_0 = arith.constant 0 : i32
    return %c0_i32, %arg0 : i32, i32
  }
  func.func @transform_9(%arg0: i32) -> (i32, i32) {
    %c0_i32 = arith.constant 0 : i32
    %c0_i32_0 = arith.constant 0 : i32
    return %c0_i32, %arg0 : i32, i32
  }
  func.func @transform_10(%arg0: i32) -> (i32, i32, i32) {
    %c0_i32 = arith.constant 0 : i32
    %c0_i32_0 = arith.constant 0 : i32
    %c0_i32_1 = arith.constant 0 : i32
    return %arg0, %c0_i32, %c0_i32_0 : i32, i32, i32
  }
}

</mosaic_0001>

<sc_bundles>
// kernel: kernel.4.cloned.1.call-start
scs
__scs_entry_jumppad:
0x0: {  	(pc) =	sbr.rel $0x88, $3  }
0x1: {  	(tag) =	ssettag $0x0;
	lr =	simm.s32 $0x1  }
0x2: {  	[smem:$0x3F97] =	sst lr;
	_ =	strace $0xD0000000  }
0x3: {  	_ = 	snop  }
0x4: {  	_ = 	snop  }
0x5: {  	_ = 	snop  }
0x6: {  	_ = 	snop  }
0x7: {  	_ = 	snop  }
__scs_overlays_trampoline_lowered:
0x8: {  	[smem:$0x3FA6] =	sst s0  }
0x9: {  	[smem:$0x3FA7] =	sst s1  }
0xa: {  	[smem:$0x3FA8] =	sst s2  }
0xb: {  	[smem:$0x3FA9] =	sst s3  }
0xc: {  	[smem:$0x3FAA] =	sst s4  }
0xd: {  	[smem:$0x3FAB] =	sst s5  }
0xe: {  	[smem:$0x3FAC] =	sst s6  }
0xf: {  	[smem:$0x3FAD] =	sst s7  }
0x10: {  	[smem:$0x3FAE] =	sst s8  }
0x11: {  	[smem:$0x3FAF] =	sst s9;
	s0 =	simm.s32 @!p0 $0x0  }
0x12: {  	s1 =	sld [smem:$0x3F95];
	s0 =	simm.s32 @p0 $0x1  }
0x13: {  	[smem:$0x3FB0] =	sst s0;
	s0 =	simm.s32 @!p1 $0x0  }
0x14: {  	s2 =	sld [smem:$0x3F94];
	s0 =	simm.s32 @p1 $0x1  }
0x15: {  	[smem:$0x3FB1] =	sst s0;
	s0 =	simm.s32 @!p2 $0x0  }
0x16: {  	s3 =	sld [smem:$0x3FDB];
	s0 =	simm.s32 @p2 $0x1  }
0x17: {  	s4 =	simm.s32 $0x1BF5;
	[smem:$0x3FB3] =	sst s0  }
0x18: {  	s0 =	sld [smem:$0x3F96];
	_ =	swait.ge [sflag:s4], $0x0  }
0x19: {  	s7 =	sld [smem:$0x3F97]  }
0x1a: {  	s8 =	sadd.s32 $0xFFFFE003, lr  }
0x1b: {  	s9 =	sadd.s32 $0xFFFFFEF7, lr;
	s5 =	simm.s32 $0xFFFFFFFF;
	p2 =	slt.u32 s8, $0xFFFFF086  }
0x1c: {  	p1 =	slt.u32 s9, $0xF7A;
	s5 =	simm.s32 @!p2 $0x0  }
0x1d: {  	s5 =	simm.s32 @p1 $0x1;
	p0 =	seq.s32 s7, s2  }
0x1e: {  	s7 =	smul.u32 @!p0 $0xF7A, s2;
	p2 =	seq.s32 @!p0 s5, $0x0  }
0x1f: {  	s9 =	smul.u32 $0xF7A, s1;
	s8 =	simm.s32 @!p0 $0x1BF5;
	p2 =	por !p2, p0  }
0x20: {  	[sflag:s8] =	ssyncset.s32 @!p0 $0xFFFFF086;
	s6 =	sadd.s32 @!p0 s3, s7;
	s7 =	simm.s32 @!p0 $0x108  }
0x21: {  	s3 =	sadd.s32 s3, s9;
	s6 =	sadd.s32 @!p0 $0x88, s6;
	s7 =	simm.s32 @p2 $0x1082  }
0x22: {  	[simem:s7], [sflag:s8] =	dma.local @!p0 [hbm:s6], $0xF7A  }
0x23: {  	s9 =	sor.u32 $0xD0000000, s2;
	s6 =	simm.s32 $0x108;
	_ =	swait.ge @!p0 [sflag:s8], $0x0  }
0x24: {  	s3 =	sadd.s32 $0x88, s3;
	s6 =	simm.s32 @!p1 $0x1082;
	[sflag:s4] =	ssyncset.s32 $0xFFFFF086  }
0x25: {  	[simem:s6], [sflag:s4] =	dma.local [hbm:s3], $0xF7A  }
0x26: {  	[smem:$0x3F97] =	sst s1;
	(tag) =	ssettag s2;
	_ =	strace s9  }
0x27: {  	s1 =	sld [smem:$0x3FA7]  }
0x28: {  	s2 =	sld [smem:$0x3FA8]  }
0x29: {  	s4 =	sld [smem:$0x3FAA]  }
0x2a: {  	p0 =	seq.s32 s5, $0x0;
	s5 =	sld [smem:$0x3FAB]  }
0x2b: {  	s6 =	sld [smem:$0x3FAC]  }
0x2c: {  	s7 =	sld [smem:$0x3FAD]  }
0x2d: {  	s3 =	simm.s32 $0x108;
	s8 =	sld [smem:$0x3FAE]  }
0x2e: {  	s3 =	simm.s32 @!p0 $0x1082;
	s9 =	sld [smem:$0x3FAF]  }
0x2f: {  	lr =	sadd.s32 s0, s3;
	s0 =	sld [smem:$0x3FA6]  }
0x30: {  	s3 =	sld [smem:$0x3FA9]  }
0x31: {  	[smem:$0x3FB2] =	sst s10  }
0x32: {  	s10 =	sld [smem:$0x3FB0];
	_ =	sdelay $0x3  }
0x33: {  	p0 =	seq.s32 s10, $0x1;
	s10 =	sld [smem:$0x3FB2];
	_ =	sdelay $0x3  }
0x34: {  	[smem:$0x3FB2] =	sst s10  }
0x35: {  	s10 =	sld [smem:$0x3FB1];
	_ =	sdelay $0x3  }
0x36: {  	p1 =	seq.s32 s10, $0x1;
	s10 =	sld [smem:$0x3FB2];
	_ =	sdelay $0x3  }
0x37: {  	[smem:$0x3FB2] =	sst s10  }
0x38: {  	s10 =	sld [smem:$0x3FB3]  }
0x39: {  	_ = 	snop;
	(pc) =	sbr.ind lr, $3  }
0x3a: {  	_ = 	snop  }
0x3b: {  	_ = 	snop  }
0x3c: {  	p2 =	seq.s32 s10, $0x1;
	s10 =	sld [smem:$0x3FB2]  }
0x3d: {  	_ =	shalt  }
0x3e: {  	_ =	shalt  }
0x3f: {  	_ =	shalt  }
0x40: {  	_ =	shalt  }
0x41: {  	_ =	shalt  }
0x42: {  	_ =	shalt  }
0x43: {  	_ =	shalt  }
0x44: {  	_ =	shalt  }
0x45: {  	_ =	shalt  }
0x46: {  	_ =	shalt  }
0x47: {  	_ =	shalt  }
0x48: {  	_ =	shalt  }
0x49: {  	_ =	shalt  }
0x4a: {  	_ =	shalt  }
0x4b: {  	_ =	shalt  }
0x4c: {  	_ =	shalt  }
0x4d: {  	_ =	shalt  }
0x4e: {  	_ =	shalt  }
0x4f: {  	_ =	shalt  }
0x50: {  	_ =	shalt  }
0x51: {  	_ =	shalt  }
0x52: {  	_ =	shalt  }
0x53: {  	_ =	shalt  }
0x54: {  	_ =	shalt  }
0x55: {  	_ =	shalt  }
0x56: {  	_ =	shalt  }
0x57: {  	_ =	shalt  }
0x58: {  	_ =	shalt  }
0x59: {  	_ =	shalt  }
0x5a: {  	_ =	shalt  }
0x5b: {  	_ =	shalt  }
0x5c: {  	_ =	shalt  }
0x5d: {  	_ =	shalt  }
0x5e: {  	_ =	shalt  }
0x5f: {  	_ =	shalt  }
0x60: {  	_ =	shalt  }
0x61: {  	_ =	shalt  }
0x62: {  	_ =	shalt  }
0x63: {  	_ =	shalt  }
0x64: {  	_ =	shalt  }
0x65: {  	_ =	shalt  }
0x66: {  	_ =	shalt  }
0x67: {  	_ =	shalt  }
0x68: {  	_ =	shalt  }
0x69: {  	_ =	shalt  }
0x6a: {  	_ =	shalt  }
0x6b: {  	_ =	shalt  }
0x6c: {  	_ =	shalt  }
0x6d: {  	_ =	shalt  }
0x6e: {  	_ =	shalt  }
0x6f: {  	_ =	shalt  }
0x70: {  	_ =	shalt  }
0x71: {  	_ =	shalt  }
0x72: {  	_ =	shalt  }
0x73: {  	_ =	shalt  }
0x74: {  	_ =	shalt  }
0x75: {  	_ =	shalt  }
0x76: {  	_ =	shalt  }
0x77: {  	_ =	shalt  }
0x78: {  	_ =	shalt  }
0x79: {  	_ =	shalt  }
0x7a: {  	_ =	shalt  }
0x7b: {  	_ =	shalt  }
0x7c: {  	_ =	shalt  }
0x7d: {  	_ =	shalt  }
0x7e: {  	_ =	shalt  }
0x7f: {  	_ =	shalt  }
0x80: {  	_ =	shalt  }
0x81: {  	_ =	shalt  }
0x82: {  	_ =	shalt  }
0x83: {  	_ =	shalt  }
0x84: {  	_ =	shalt  }
0x85: {  	_ =	shalt  }
0x86: {  	_ =	shalt  }
0x87: {  	_ =	shalt  }
.Lfunc_end0:
.L_simem_size_0:
called_computation_lowered:
.L_overlay_start_0:
0x88: {  	s2 =	sld [smem:$0x3FD9]  }
0x89: {  	s3 =	sld [smem:$0x3FFE];
	_ =	sdelay $0x1  }
0x8a: {  	s1 =	srdreg.scid  }
0x8b: {  	s0 =	sand.u32 $0x1, s1  }
0x8c: {  	s14 =	sshll.u32 s0, $0xA;
	s2 =	sadd.s32 s3, s2  }
0x8d: {  	s2 =	sadd.s32 s2, s14  }
0x8e: {  	[smem:$0x3FBE] =	sst s2  }
0x8f: {  	_ = 	snop  }
0x90: {  	s2 =	sld [smem:$0x3FD0];
	_ =	sdelay $0x2  }
0x91: {  	s15 =	simm.s32 $0xA;
	s4 =	simm.s32 $0x10  }
0x92: {  	[smem:s4], [sflag:s15] =	dma.local [hbm:s2], $0x1  }
0x93: {  	_ =	swait.eq [sflag:s15], $0x1  }
0x94: {  	s16 =	sld [smem:$0x10]  }
0x95: {  	s17 =	sld [smem:$0x11];
	[sflag:s15] =	ssyncset.done $0x0  }
0x96: {  	s5 =	sld [smem:$0x12];
	[sflag:s15] =	ssyncadd.s32 $0xFFFFFFFF  }
0x97: {  	s18 =	sld [smem:$0x13];
	(tm) =	ssettm $0x1  }
0x98: {  	s6 =	sld [smem:$0x3FFB];
	_ =	sdelay $0x3  }
0x99: {  	_ =	strace s6  }
0x9a: {  	s6 =	sld [smem:$0x3FFC];
	_ =	sdelay $0x3  }
0x9b: {  	_ =	strace s6  }
0x9c: {  	s6 =	sld [smem:$0x3FFD];
	_ =	sdelay $0x3  }
0x9d: {  	_ =	strace s6  }
0x9e: {  	_ =	strace $0x8FFFFFFF  }
0x9f: {  	s19 =	sld [smem:$0x3FDB];
	_ =	sdelay $0x1  }
0xa0: {  	s7 =	simm.s32 $_scs_section_size  }
0xa1: {  	s8 =	simm.s32 $_size__tile_overlayer_lowered;
	s9 =	simm.s32 $_tile_overlayer_lowered  }
0xa2: {  	s22 =	simm.s32 $0x1BFF;
	s21 =	sshll.u32 s9, $0x1;
	s6 =	sadd.s32 s7, s19  }
0xa3: {  	s10 =	simm.s32 $0x0;
	s20 =	sshll.u32 s8, $0x1;
	s8 =	sadd.s32 s21, s6  }
0xa4: {  	[timem:s10], [sflag:s22] =	dma.local [hbm:s8], s20  }
0xa5: {  	_ =	swait.ge [sflag:s22], s20  }
0xa6: {  	s7 =	ssub.s32 $0x0, s20;
	[sflag:s22] =	ssyncset.done $0x0  }
0xa7: {  	[sflag:s22] =	ssyncadd.s32 s7;
	_ =	sdelay $0x1  }
0xa8: {  	s23 =	simm.s32 $0x1B8B  }
0xa9: {  	_ =	swait.ge [sflag:s23], $0x1  }
0xaa: {  	[sflag:s23] =	ssyncset.done $0x0  }
0xab: {  	s25 =	simm.s32 $0x1B8E;
	s24 =	sld [smem:$0x3FFE];
	[sflag:s23] =	ssyncadd.s32 $0xFFFFFFFF  }
0xac: {  	s26 =	simm.s32 $execute0_lowered;
	[smem:$0x3FD2] =	sst s25  }
0xad: {  	s8 =	sshll.u32 s26, $0x1;
	_ =	strace $0x80000046;
	[dreg:$0x1] =	wrdreg $0xFFFFFFFF  }
0xae: {  	s28 =	simm.s32 $_size_execute0_lowered;
	s6 =	sadd.s32 s6, s8;
	[dreg:$0x0] =	wrdreg $0x0  }
0xaf: {  	s8 =	sshll.u32 s28, $0x1;
	[dreg:$0x2] =	wrdreg s6  }
0xb0: {  	[dreg:$0x3] =	wrdreg s8  }
0xb1: {  	[dreg:$0x4] =	wrdreg $0xC0  }
0xb2: {  	_ =	task [dreg:s10], $0x5FFFF  }
0xb3: {  	[dreg:$0x1] =	wrdreg $0xFFFFFFFF  }
0xb4: {  	[dreg:$0x0] =	wrdreg $0x60  }
0xb5: {  	[dreg:$0x2] =	wrdreg s24  }
0xb6: {  	[dreg:$0x3] =	wrdreg s16  }
0xb7: {  	[dreg:$0x4] =	wrdreg s5  }
0xb8: {  	[dreg:$0x5] =	wrdreg s17  }
0xb9: {  	[dreg:$0x6] =	wrdreg s18  }
0xba: {  	[dreg:$0x7] =	wrdreg $0x9  }
0xbb: {  	_ =	task.clear_ibuf [dreg:s10], $0x8FFFF;
	_ =	strace $0x90000046  }
0xbc: {  	s29 =	simm.s32 $0x9;
	_ =	strace $0x80000048  }
0xbd: {  	_ =	swait.ge [sflag:s29], $0x1  }
0xbe: {  	[sflag:s29] =	ssyncadd.s32 $0xFFFFFFFF  }
0xbf: {  	_ =	strace $0x90000048  }
0xc0: {  	_ =	sfence  }
0xc1: {  	s30 =	sld [smem:$0x0];
	_ =	sdelay $0x2  }
0xc2: {  	s31 =	sshll.u32 s1, $0xD;
	s1 =	sshrl.u32 s1, $0x2  }
0xc3: {  	s3 =	sand.u32 $0x4000, s31;
	s1 =	sadd.s32 s1, s30  }
0xc4: {  	s0 =	sor.u32 s3, s0;
	s1 =	sshll.u32 s1, $0x11  }
0xc5: {  	s0 =	sor.u32 s1, s0  }
0xc6: {  	s0 =	sadd.s32 $0x8F2B, s0  }
0xc7: {  	[sflag:s0] =	ssyncadd.remote.s32 $0x1  }
0xc8: {  	_ =	sfence.sel $0xFFFF  }
0xc9: {  	[dreg:$0x0] =	wrdreg $0xFFFFFFFF;
	(pc) =	sbr.abs _section_cstart, $3  }
0xca: {  	[dreg:$0x1] =	wrdreg $0xFFFFFFFF  }
0xcb: {  	_ =	task.clear_ibuf [dreg:s10], $0x2FFFF;
	_ =	strace $0x9FFFFFFF  }
0xcc: {  	(tm) =	ssettm $0x7FFFFFFF  }
0xcd: {  	_ =	shalt  }
tec
execute0_lowered:
.L_overlay_start_1:
0x0: {  	(tag) =	ssettag $0x1  }
0x1: {  	v0 =	vlaneseq.u32;
	v1 =	vimm.s32 $0x76543210;
	v2 =	vimm.s32 $0xFEDCBA98  }
0x2: {  	v3 =	vimm.s32 $0xBA98FEDC;
	v4 =	vimm.s32 $0x32107654;
	vm0 =	vmmov $0xff  }
0x3: {  	vm1 =	vcmask $0x2F20;
	vm2 =	vcmask $0xF00;
	vm3 =	vcmask $0x700  }
0x4: {  	vm4 =	vcmask $0x300;
	v2 =	vunpack.c.l.s4.s8 v2;
	v5 =	vunpack.c.l.s4.s8 v1  }
0x5: {  	v3 =	vunpack.c.l.s4.s8 v3;
	v4 =	vunpack.c.l.s4.s8 v4;
	v1 =	vimm.s32 $0x0  }
0x6: {  	v6 =	vmul.u32 $0xFFFFFFFF, v0;
	vm1 =	vmor vm2, vm1;
	vm2 =	vcmask $0x1710  }
0x7: {  	v9 =	vor.u32 $0x30, v0;
	v10 =	vor.u32 $0x40, v0;
	v11 =	vor.u32 $0x50, v0  }
0x8: {  	vm2 =	vmor vm3, vm2;
	vm3 =	vcmask $0x2720;
	v7 =	vunpack.c.0.s8.s32 v2  }
0x9: {  	v5 =	vunpack.c.0.s8.s32 v5;
	v8 =	vunpack.c.0.s8.s32 v3;
	v4 =	vunpack.c.0.s8.s32 v4  }
0xa: {  	v2 =	vadd.s32 $0xF, v6;
	vm2 =	vmor vm2, vm3;
	vm3 =	vcmask $0x3730  }
0xb: {  	s0 =	rddreg [dreg:$0x0];
	v6 =	vimm.s32 $0xDCFE98BA;
	vm2 =	vmor vm2, vm3;
	vm3 =	vcmask $0xB08  }
0xc: {  	s1 =	rddreg [dreg:$0x1];
	v3 =	vand.u32 $0xF, v7;
	v4 =	vcombine.low v4, v8;
	v7 =	vimm.s32 $0xEFCDAB89  }
0xd: {  	s2 =	rddreg [dreg:$0x2];
	v8 =	vimm.s32 $0x67452301;
	vm3 =	vmor vm4, vm3;
	vm4 =	vcmask $0x1310  }
0xe: {  	s3 =	rddreg [dreg:$0x3];
	v3 =	vcombine.low v3, v5;
	v5 =	vunpack.c.l.s4.s8 v6;
	v6 =	vimm.s32 $0x54761032  }
0xf: {  	s5 =	rddreg [dreg:$0x4];
	s6 =	simm.s32 $0x0;
	s7 =	srdreg.scid;
	v7 =	vunpack.c.l.s4.s8 v7;
	vm3 =	vmor vm3, vm4;
	vm4 =	vcmask $0x1B18  }
0x10: {  	s4 =	stileid.u32;
	s13 =	simm.s32 $0x30;
	s14 =	simm.s32 $0x100;
	v8 =	vunpack.c.l.s4.s8 v8;
	v6 =	vunpack.c.l.s4.s8 v6;
	vm3 =	vmor vm3, vm4  }
0x11: {  	s15 =	simm.s32 $0x180;
	s16 =	simm.s32 $0x1980;
	s17 =	simm.s32 $0x1;
	vm4 =	vcmask $0x2320;
	v5 =	vunpack.c.0.s8.s32 v5;
	v7 =	vunpack.c.0.s8.s32 v7  }
0x12: {  	s18 =	simm.s32 $0x2;
	s19 =	simm.s32 $0x5280;
	s20 =	simm.s32 $0x5300;
	v8 =	vunpack.c.0.s8.s32 v8;
	vm3 =	vmor vm3, vm4;
	vm4 =	vcmask $0x2B28  }
.Ltmp0:
0x13: {  	s21 =	simm.s32 $0x0;
	s8 =	sand.u32 $0x1, s7;
	v6 =	vunpack.c.0.s8.s32 v6;
	vm3 =	vmor vm3, vm4;
	vm4 =	vcmask $0x3330;
	(pc) =	sbr.rel .LBB2_1-.Ltmp0, $4  }
0x14: {  	[smem:$0x7FF] =	sst s6;
	s11 =	sshll.u32 s4, $0x7;
	v12 =	vor.u32 $0x60, v0;
	v13 =	vor.u32 $0x70, v0;
	s9 =	ssub.s32 $0x2, s8;
	vm3 =	vmor vm3, vm4  }
0x15: {  	_ =	strace $0x80000047;
	s12 =	sshll.u32 s8, $0x6;
	s10 =	sshrl.u32 s9, $0x1;
	vm4 =	vcmask $0x3B38;
	v5 =	vcombine.low v6, v5;
	v6 =	vcombine.low v8, v7  }
0x16: {  	s8 =	sadd.s32 $0x400000, s0;
	s10 =	ssub.s32 s9, s10;
	s9 =	sor.u32 s12, s11;
	v4 =	vand.u32 $0xF, v4;
	vm3 =	vmor vm3, vm4;
	v7 =	vor.u32 $0x10, v0  }
0x17: {  	s11 =	simm.s32 $0x3;
	s12 =	simm.s32 $0x80;
	s10 =	smax.u32 s10, $0x1;
	v8 =	vor.u32 $0x20, v0;
	v5 =	vand.u32 $0xF, v5;
	v6 =	vand.u32 $0xF, v6  }
.LBB2_15:
0x18: {  	s21 =	sadd.s32 $0x1, s21  }
0x19: {  	p0 =	sne.s32 s21, s10  }
.Ltmp1:
0x1a: {  	_ = 	snop;
	(pc) =	sbr.rel @!p0 .LBB2_16-.Ltmp1, $1  }
0x1b: {  	_ =	sdelay $0x3  }
.LBB2_1:
.Ltmp2:
0x1c: {  	(pc) =	sbr.rel .LBB2_2-.Ltmp2, $4  }
0x1d: {  	_ = 	snop  }
0x1e: {  	[tilespmem:$0x80] =	vst v1  }
0x1f: {  	[tilespmem:$0x90] =	vst v1  }
0x20: {  	[tilespmem:$0xA0] =	vst v1;
	s22 =	simm.s32 $0x0  }
.LBB2_17:
0x21: {  	v15 =	vimm.f32 $-3.000000010e+38  }
0x22: {  	[tilespmem:$0x3180] =	vst v15  }
0x23: {  	v14 =	vimm.s32 $0x0;
	v16 =	vimm.f32 $-3.000000010e+38;
	v17 =	vimm.s32 $0x0;
	[tilespmem:$0x3190] =	vst v15  }
.LBB2_14:
0x24: {  	v18 =	vshrl.u32 v14, $0xE  }
0x25: {  	v19 =	vshrl.u32 v17, $0xE  }
0x26: {  	_ =	swait.ge [sflag:s18], $0x1800  }
0x27: {  	[sflag:s18] =	ssyncset.done $0x0  }
0x28: {  	[sflag:s18] =	ssyncadd.s32 $0xFFFFE800  }
0x29: {  	v18 =	vld.idx.msk [tilespmem:v18+s16+$0x0], $0xffff  }
0x2a: {  	v19 =	vld.idx.msk [tilespmem:v19+s16+$0x0], $0xffff;
	[tilespmem:$0x5280] =	vst v15  }
0x2b: {  	v14 =	vand.u32 $0x3FFF, v14;
	[tilespmem:$0x5290] =	vst v16  }
0x2c: {  	v15 =	vand.u32 $0x3FFF, v17;
	[tilespmem:$0x5300] =	vst v14  }
0x2d: {  	s4 =	sadd.s32 s5, s23;
	[tilespmem:$0x5310] =	vst v15  }
0x2e: {  	[hbm4b:s4+s6] =	stream.linear.scatter [tilespmem:s19], [sflag:$0x3], $0x80, $0x38;
	[tilespmem:$0x5380] =	vst v63  }
0x2f: {  	_ =	swait.ge [sflag:s11], $0x80  }
0x30: {  	[sflag:s11] =	ssyncset.done $0x0  }
0x31: {  	s30 =	sadd.s32 s3, s23;
	[sflag:s11] =	ssyncadd.s32 $0xFFFFFF80  }
0x32: {  	[hbm4b:s30+s6] =	stream.linear.scatter [tilespmem:s20], [sflag:$0x3], $0x80, $0x38;
	[tilespmem:$0x5380] =	vst v63  }
0x33: {  	_ =	swait.ge [sflag:s11], $0x80  }
0x34: {  	[sflag:s11] =	ssyncset.done $0x0  }
0x35: {  	s22 =	sadd.s32 $0x1, s22;
	[sflag:s11] =	ssyncadd.s32 $0xFFFFFF80  }
0x36: {  	p0 =	sne.s32 s22, $0x40;
	[tilespmem:$0x5280] =	vst v18  }
.Ltmp3:
0x37: {  	s31 =	sadd.s32 s8, s23;
	[tilespmem:$0x5290] =	vst v19;
	(pc) =	sbr.rel @!p0 .LBB2_15-.Ltmp3, $4  }
0x38: {  	[hbm4b:s31+s6] =	stream.linear.scatter [tilespmem:s19], [sflag:$0x3], $0x80, $0x38;
	[tilespmem:$0x5380] =	vst v63  }
0x39: {  	_ =	swait.ge [sflag:s11], $0x80  }
0x3a: {  	[sflag:s11] =	ssyncset.done $0x0  }
0x3b: {  	[sflag:s11] =	ssyncadd.s32 $0xFFFFFF80  }
.LBB2_2:
0x3c: {  	s25 =	sadd.s32 s9, s22  }
0x3d: {  	s24 =	sshll.u32 s22, $0x4;
	s23 =	sshll.u32 s25, $0x4  }
0x3e: {  	s24 =	sand.u32 $0x70, s24;
	s23 =	sand.u32 $0x7F80, s23  }
0x3f: {  	s23 =	sor.u32 s24, s23  }
0x40: {  	s24 =	simm.s32 $0x0;
	s26 =	sadd.s32 s1, s23  }
0x41: {  	[tilespmem:s24], [sflag:$0x3] =	stream.linear.gather [hbm4b:s26+s24], $0x80, $0x38;
	[tilespmem:$0x5380] =	vst v63  }
0x42: {  	_ =	swait.ge [sflag:s11], $0x80  }
0x43: {  	[sflag:s11] =	ssyncset.done $0x0  }
0x44: {  	[sflag:s11] =	ssyncadd.s32 $0xFFFFFF80  }
0x45: {  	v17 =	vld [tilespmem:$0x0]  }
0x46: {  	v15 =	vld [tilespmem:$0x10];
	_ =	sdelay $0x3  }
0x47: {  	v14 =	vsub.f32 $0.0e+00, v17  }
0x48: {  	v16 =	vsub.f32 $0.0e+00, v15  }
0x49: {  	(xrf1) =	vsort.ascd.msk.f32 $0xffff, v14, v0  }
0x4a: {  	(xrf1) =	vsort.ascd.msk.f32 $0xffff, v16, v0;
	_ =	sdelay $0x6  }
0x4b: {  	v16 =	vld [tilespmem:$0x20]  }
0x4c: {  	v14 =	vld [tilespmem:$0x30];
	_ =	sdelay $0x3  }
0x4d: {  	v18 =	vsub.f32 $0.0e+00, v16  }
0x4e: {  	v20 =	vsub.f32 $0.0e+00, v14;
	v19, _, _ =	vpop (xrf1)  }
0x4f: {  	(xrf1) =	vsort.ascd.msk.f32 $0xffff, v18, v0;
	v21, _, _ =	vpop (xrf1)  }
0x50: {  	(xrf1) =	vsort.ascd.msk.f32 $0xffff, v20, v0;
	v44 =	vsub.f32 $0.0e+00, v21;
	_ =	sdelay $0x1  }
0x51: {  	v19 =	vsub.f32 $0.0e+00, v19;
	v18 =	vperm.xlane v44, v2;
	_ =	sdelay $0x1  }
0x52: {  	vm4 =	vge.f32 v19, v18  }
0x53: {  	v45 =	vsel vm4, v19, v18  }
0x54: {  	v46 =	vperm.xlane v45, v3;
	_ =	sdelay $0x1  }
0x55: {  	vm5 =	vge.f32 v45, v46  }
0x56: {  	v22 =	vsel vm5, v45, v46;
	v20 =	vsel vm5, v46, v45  }
0x57: {  	v20 =	vsel vm0, v22, v20  }
0x58: {  	v47 =	vperm.xlane v20, v4;
	_ =	sdelay $0x1  }
0x59: {  	v48, _, _ =	vpop (xrf1);
	vm5 =	vge.f32 v20, v47  }
0x5a: {  	v49, _, _ =	vpop (xrf1);
	v23 =	vsel vm5, v20, v47;
	v20 =	vsel vm5, v47, v20  }
0x5b: {  	v21 =	vsub.f32 $0.0e+00, v49;
	v20 =	vsel vm1, v23, v20  }
0x5c: {  	v23 =	vperm.xlane v20, v5  }
0x5d: {  	v18 =	vsel vm4, v18, v19;
	v50 =	vsub.f32 $0.0e+00, v48;
	v21 =	vperm.xlane v21, v2  }
0x5e: {  	v51 =	vperm.xlane v18, v3;
	vm4 =	vge.f32 v20, v23  }
0x5f: {  	vm5 =	vge.f32 v50, v21;
	v24 =	vsel vm4, v20, v23;
	v20 =	vsel vm4, v23, v20  }
0x60: {  	vm4 =	vge.f32 v18, v51;
	v52 =	vsel vm5, v50, v21;
	v19 =	vsel vm5, v21, v50  }
0x61: {  	v25 =	vsel vm4, v18, v51;
	v18 =	vsel vm4, v51, v18;
	v53 =	vperm.xlane v52, v3  }
0x62: {  	v55 =	vperm.xlane v19, v3;
	v18 =	vsel vm0, v25, v18  }
0x63: {  	v54 =	vperm.xlane v18, v4;
	vm4 =	vge.f32 v52, v53  }
0x64: {  	vm5 =	vge.f32 v19, v55;
	v26 =	vsel vm4, v52, v53;
	v22 =	vsel vm4, v53, v52  }
0x65: {  	v58 =	vsel vm5, v19, v55;
	v19 =	vsel vm5, v55, v19;
	v22 =	vsel vm0, v26, v22  }
0x66: {  	v20 =	vsel vm2, v24, v20;
	v19 =	vsel vm0, v58, v19;
	v57 =	vperm.xlane v22, v4  }
0x67: {  	v56 =	vperm.xlane v20, v6;
	vm4 =	vge.f32 v18, v54;
	v60 =	vperm.xlane v19, v4  }
0x68: {  	v59 =	vsel vm4, v18, v54;
	v18 =	vsel vm4, v54, v18;
	vm4 =	vge.f32 v22, v57  }
0x69: {  	v61 =	vsel vm4, v22, v57;
	v22 =	vsel vm4, v57, v22;
	vm4 =	vge.f32 v19, v60  }
0x6a: {  	v24 =	vsel vm1, v59, v18;
	v18 =	vld [tilespmem:$0x50];
	v32 =	vsel vm4, v19, v60;
	v19 =	vsel vm4, v60, v19  }
0x6b: {  	v62 =	vperm.xlane v24, v5;
	v22 =	vsel vm1, v61, v22;
	v27 =	vsel vm1, v32, v19;
	v19 =	vld [tilespmem:$0x40]  }
0x6c: {  	vm5 =	vge.f32 v20, v56;
	v63 =	vperm.xlane v22, v5  }
0x6d: {  	v33 =	vsel vm5, v20, v56;
	vm4 =	vge.f32 v24, v62  }
0x6e: {  	v28 =	vsel vm4, v24, v62;
	v29 =	vperm.xlane v27, v5;
	vm6 =	vge.f32 v22, v63  }
0x6f: {  	v23 =	vsel vm4, v62, v24;
	v30 =	vsub.f32 $0.0e+00, v18;
	v34 =	vsel vm6, v22, v63  }
0x70: {  	v22 =	vsel vm6, v63, v22;
	vm4 =	vge.f32 v27, v29;
	v37 =	vsub.f32 $0.0e+00, v19  }
0x71: {  	v22 =	vsel vm2, v34, v22;
	v35 =	vsel vm4, v27, v29;
	v27 =	vsel vm4, v29, v27  }
0x72: {  	v24 =	vperm.xlane v22, v6;
	v26 =	vsel vm2, v35, v27;
	(xrf1) =	vsort.ascd.msk.f32 $0xffff, v37, v0  }
0x73: {  	v23 =	vsel vm2, v28, v23;
	v27 =	vperm.xlane v26, v6;
	(xrf1) =	vsort.ascd.msk.f32 $0xffff, v30, v0  }
0x74: {  	v20 =	vsel vm5, v56, v20;
	v36 =	vperm.xlane v23, v6;
	vm4 =	vge.f32 v22, v24  }
0x75: {  	v38 =	vsel vm4, v22, v24;
	v22 =	vsel vm4, v24, v22;
	vm4 =	vge.f32 v26, v27  }
0x76: {  	vm5 =	vge.f32 v23, v36;
	v39 =	vsel vm4, v26, v27;
	v26 =	vsel vm4, v27, v26  }
0x77: {  	v40 =	vsel vm5, v23, v36;
	v22 =	vsel vm3, v38, v22;
	v24 =	vsel vm3, v39, v26  }
0x78: {  	v23 =	vsel vm5, v36, v23;
	v22 =	vperm.xlane v22, v2;
	v24 =	vperm.xlane v24, v2  }
0x79: {  	v20 =	vsel vm3, v33, v20;
	v41 =	vsel vm3, v40, v23  }
0x7a: {  	vm5 =	vge.f32 v41, v22;
	vm4 =	vge.f32 v20, v24  }
0x7b: {  	v21 =	vsel vm5, v41, v22;
	v20 =	vsel vm4, v20, v24  }
0x7c: {  	vm4 =	vge.f32 v20, v21  }
0x7d: {  	v22 =	vsel vm4, v20, v21  }
0x7e: {  	v42 =	vperm.xlane v22, v3;
	_ =	sdelay $0x1  }
0x7f: {  	vm5 =	vge.f32 v22, v42;
	v45, _, _ =	vpop (xrf1)  }
0x80: {  	v43 =	vsel vm5, v22, v42;
	v22 =	vsel vm5, v42, v22;
	v46, _, _ =	vpop (xrf1)  }
0x81: {  	v22 =	vsel vm0, v43, v22;
	v25 =	vsub.f32 $0.0e+00, v46  }
0x82: {  	v44 =	vperm.xlane v22, v4  }
0x83: {  	v48 =	vsub.f32 $0.0e+00, v45;
	v49 =	vperm.xlane v25, v2  }
0x84: {  	v20 =	vsel vm4, v21, v20;
	vm5 =	vge.f32 v22, v44  }
0x85: {  	v47 =	vsel vm5, v22, v44;
	v22 =	vsel vm5, v44, v22;
	vm5 =	vge.f32 v48, v49  }
0x86: {  	v52 =	vperm.xlane v20, v3;
	v51 =	vsel vm5, v48, v49  }
0x87: {  	v22 =	vsel vm1, v47, v22;
	v23 =	vsel vm5, v49, v48;
	v53 =	vperm.xlane v51, v3  }
0x88: {  	v50 =	vperm.xlane v22, v5;
	vm5 =	vge.f32 v20, v52;
	v24 =	vperm.xlane v23, v3  }
0x89: {  	v56 =	vsel vm5, v20, v52;
	v20 =	vsel vm5, v52, v20;
	vm13 =	vge.f32 v51, v53  }
0x8a: {  	vm5 =	vge.f32 v23, v24;
	v55 =	vsel vm13, v51, v53;
	v21 =	vsel vm13, v53, v51  }
0x8b: {  	v58 =	vsel vm5, v23, v24;
	v23 =	vsel vm5, v24, v23;
	v21 =	vsel vm0, v55, v21  }
0x8c: {  	vm4 =	vge.f32 v22, v50;
	v23 =	vsel vm0, v58, v23;
	v57 =	vperm.xlane v21, v4  }
0x8d: {  	v54 =	vsel vm4, v22, v50;
	v59 =	vsel vm0, v56, v20;
	v61 =	vperm.xlane v23, v4  }
0x8e: {  	v22 =	vsel vm4, v50, v22;
	v60 =	vperm.xlane v59, v4;
	vm4 =	vge.f32 v21, v57  }
0x8f: {  	v20 =	vld [tilespmem:$0x70];
	v22 =	vsel vm2, v54, v22;
	vm5 =	vge.f32 v23, v61;
	v62 =	vsel vm4, v21, v57  }
0x90: {  	v26 =	vsel vm4, v57, v21;
	vm4 =	vge.f32 v59, v60;
	v29 =	vsel vm5, v23, v61  }
0x91: {  	v21 =	vld [tilespmem:$0x60];
	v23 =	vsel vm5, v61, v23;
	v26 =	vsel vm1, v62, v26;
	v32 =	vsel vm4, v59, v60  }
0x92: {  	v24 =	vsel vm4, v60, v59;
	v23 =	vsel vm1, v29, v23;
	v63 =	vperm.xlane v26, v5  }
0x93: {  	v34 =	vperm.xlane v22, v6;
	v24 =	vsel vm1, v32, v24;
	v33 =	vperm.xlane v23, v5  }
0x94: {  	v38 =	vsub.f32 $0.0e+00, v20;
	v35 =	vperm.xlane v24, v5;
	vm4 =	vge.f32 v26, v63  }
0x95: {  	v36 =	vsel vm4, v26, v63;
	v26 =	vsel vm4, v63, v26;
	vm4 =	vge.f32 v23, v33  }
0x96: {  	v37 =	vsub.f32 $0.0e+00, v21;
	vm5 =	vge.f32 v24, v35;
	v31 =	vsel vm4, v23, v33  }
0x97: {  	v23 =	vsel vm4, v33, v23;
	vm4 =	vge.f32 v22, v34;
	v26 =	vsel vm2, v36, v26  }
0x98: {  	v39 =	vsel vm5, v24, v35;
	v24 =	vsel vm5, v35, v24;
	(xrf1) =	vsort.ascd.msk.f32 $0xffff, v37, v0  }
0x99: {  	v40 =	vperm.xlane v26, v6;
	v23 =	vsel vm2, v31, v23;
	(xrf1) =	vsort.ascd.msk.f32 $0xffff, v38, v0  }
0x9a: {  	v41 =	vsel vm4, v22, v34;
	v24 =	vsel vm2, v39, v24;
	v42 =	vperm.xlane v23, v6  }
0x9b: {  	v22 =	vsel vm4, v34, v22;
	v43 =	vperm.xlane v24, v6;
	vm4 =	vge.f32 v26, v40  }
0x9c: {  	v30 =	vsel vm4, v26, v40;
	v25 =	vsel vm4, v40, v26;
	vm4 =	vge.f32 v23, v42  }
0x9d: {  	vm5 =	vge.f32 v24, v43;
	v44 =	vsel vm4, v23, v42;
	v23 =	vsel vm4, v42, v23  }
0x9e: {  	v45 =	vsel vm5, v24, v43;
	v25 =	vsel vm3, v30, v25;
	v23 =	vsel vm3, v44, v23  }
0x9f: {  	v24 =	vsel vm5, v43, v24;
	v25 =	vperm.xlane v25, v2;
	v23 =	vperm.xlane v23, v2  }
0xa0: {  	v22 =	vsel vm3, v41, v22;
	v24 =	vsel vm3, v45, v24  }
0xa1: {  	vm5 =	vge.f32 v24, v25;
	vm4 =	vge.f32 v22, v23  }
0xa2: {  	v46 =	vsel vm5, v24, v25;
	v22 =	vsel vm4, v22, v23  }
0xa3: {  	vm4 =	vge.f32 v22, v46  }
0xa4: {  	v24 =	vsel vm4, v22, v46  }
0xa5: {  	v48 =	vperm.xlane v24, v3  }
0xa6: {  	v47, _, _ =	vpop (xrf1)  }
0xa7: {  	vm5 =	vge.f32 v24, v48;
	v49, _, _ =	vpop (xrf1)  }
0xa8: {  	v50 =	vsel vm5, v24, v48;
	v24 =	vsel vm5, v48, v24;
	v27 =	vsub.f32 $0.0e+00, v49  }
0xa9: {  	v24 =	vsel vm0, v50, v24  }
0xaa: {  	v25 =	vsub.f32 $0.0e+00, v47;
	v52 =	vperm.xlane v24, v4;
	v51 =	vperm.xlane v27, v2;
	_ =	sdelay $0x1  }
0xab: {  	v22 =	vsel vm4, v46, v22;
	vm14 =	vge.f32 v24, v52;
	vm5 =	vge.f32 v25, v51  }
0xac: {  	v56 =	vperm.xlane v22, v3;
	v54 =	vsel vm14, v24, v52;
	v53 =	vsel vm5, v25, v51  }
0xad: {  	v24 =	vsel vm14, v52, v24;
	v25 =	vsel vm5, v51, v25;
	v55 =	vperm.xlane v53, v3  }
0xae: {  	v23 =	vsel vm1, v54, v24;
	vm5 =	vge.f32 v22, v56;
	v57 =	vperm.xlane v25, v3  }
0xaf: {  	v58 =	vperm.xlane v23, v5;
	v60 =	vsel vm5, v22, v56;
	vm4 =	vge.f32 v53, v55  }
0xb0: {  	v59 =	vsel vm4, v53, v55;
	v28 =	vsel vm4, v55, v53;
	vm4 =	vge.f32 v25, v57  }
0xb1: {  	v28 =	vsel vm0, v59, v28;
	v61 =	vsel vm4, v25, v57;
	v24 =	vsel vm4, v57, v25  }
0xb2: {  	v22 =	vsel vm5, v56, v22;
	v62 =	vperm.xlane v28, v4;
	v24 =	vsel vm0, v61, v24  }
0xb3: {  	v22 =	vsel vm0, v60, v22;
	vm4 =	vge.f32 v23, v58;
	v63 =	vperm.xlane v24, v4  }
0xb4: {  	v34 =	vperm.xlane v22, v4;
	v33 =	vsel vm4, v23, v58;
	vm5 =	vge.f32 v28, v62  }
0xb5: {  	v23 =	vsel vm4, v58, v23;
	v35 =	vsel vm5, v28, v62;
	vm4 =	vge.f32 v24, v63  }
0xb6: {  	v25 =	vsel vm5, v62, v28;
	vm5 =	vge.f32 v22, v34;
	v36 =	vsel vm4, v24, v63  }
0xb7: {  	v24 =	vsel vm4, v63, v24;
	v37 =	vsel vm5, v22, v34;
	v25 =	vsel vm1, v35, v25  }
0xb8: {  	v22 =	vsel vm5, v34, v22;
	v26 =	vperm.xlane v25, v5;
	v24 =	vsel vm1, v36, v24  }
0xb9: {  	v23 =	vsel vm2, v33, v23;
	v22 =	vsel vm1, v37, v22;
	v38 =	vperm.xlane v24, v5  }
0xba: {  	v39 =	vperm.xlane v23, v6;
	v40 =	vperm.xlane v22, v5;
	vm4 =	vge.f32 v25, v26  }
0xbb: {  	v41 =	vsel vm4, v25, v26;
	v25 =	vsel vm4, v26, v25;
	vm4 =	vge.f32 v24, v38  }
0xbc: {  	v42 =	vsel vm4, v24, v38;
	v24 =	vsel vm4, v38, v24;
	vm4 =	vge.f32 v22, v40  }
0xbd: {  	vm5 =	vge.f32 v23, v39;
	v25 =	vsel vm2, v41, v25;
	v43 =	vsel vm4, v22, v40  }
0xbe: {  	v22 =	vsel vm4, v40, v22;
	v44 =	vperm.xlane v25, v6;
	v24 =	vsel vm2, v42, v24  }
0xbf: {  	v45 =	vsel vm5, v23, v39;
	v22 =	vsel vm2, v43, v22;
	v46 =	vperm.xlane v24, v6  }
0xc0: {  	v23 =	vsel vm5, v39, v23;
	v47 =	vperm.xlane v22, v6;
	vm4 =	vge.f32 v25, v44  }
0xc1: {  	v30 =	vsel vm4, v25, v44;
	v25 =	vsel vm4, v44, v25;
	vm4 =	vge.f32 v24, v46  }
0xc2: {  	v48 =	vsel vm4, v24, v46;
	v24 =	vsel vm4, v46, v24;
	vm4 =	vge.f32 v22, v47  }
0xc3: {  	v25 =	vsel vm3, v30, v25;
	v24 =	vsel vm3, v48, v24;
	v49 =	vsel vm4, v22, v47  }
0xc4: {  	v22 =	vsel vm4, v47, v22;
	v25 =	vperm.xlane v25, v2;
	v24 =	vperm.xlane v24, v2  }
0xc5: {  	v23 =	vsel vm3, v45, v23;
	v22 =	vsel vm3, v49, v22  }
0xc6: {  	vm5 =	vge.f32 v22, v25;
	vm4 =	vge.f32 v23, v24  }
0xc7: {  	v22 =	vsel vm5, v22, v25;
	v23 =	vsel vm4, v23, v24  }
0xc8: {  	vm4 =	vge.f32 v23, v22  }
0xc9: {  	v24 =	vsel vm4, v23, v22  }
0xca: {  	v22 =	vsel vm4, v22, v23;
	v50 =	vperm.xlane v24, v3  }
0xcb: {  	v51 =	vperm.xlane v22, v3  }
0xcc: {  	vm4 =	vge.f32 v24, v50  }
0xcd: {  	v52 =	vsel vm4, v24, v50;
	v23 =	vsel vm4, v50, v24;
	vm4 =	vge.f32 v22, v51  }
0xce: {  	v23 =	vsel vm0, v52, v23;
	v53 =	vsel vm4, v22, v51;
	v22 =	vsel vm4, v51, v22  }
0xcf: {  	v54 =	vperm.xlane v23, v4;
	v22 =	vsel vm0, v53, v22  }
0xd0: {  	v24 =	vperm.xlane v22, v4  }
0xd1: {  	vm4 =	vge.f32 v23, v54  }
0xd2: {  	v26 =	vsel vm4, v23, v54;
	v23 =	vsel vm4, v54, v23;
	vm4 =	vge.f32 v22, v24  }
0xd3: {  	v23 =	vsel vm1, v26, v23;
	v55 =	vsel vm4, v22, v24;
	v22 =	vsel vm4, v24, v22  }
0xd4: {  	v56 =	vperm.xlane v23, v5;
	v22 =	vsel vm1, v55, v22  }
0xd5: {  	v25 =	vperm.xlane v22, v5  }
0xd6: {  	vm4 =	vge.f32 v23, v56  }
0xd7: {  	v26 =	vsel vm4, v23, v56;
	v23 =	vsel vm4, v56, v23;
	vm4 =	vge.f32 v22, v25  }
0xd8: {  	v23 =	vsel vm2, v26, v23;
	v57 =	vsel vm4, v22, v25;
	v22 =	vsel vm4, v25, v22  }
0xd9: {  	v58 =	vperm.xlane v23, v6;
	v22 =	vsel vm2, v57, v22  }
0xda: {  	v24 =	vperm.xlane v22, v6  }
0xdb: {  	vm4 =	vge.f32 v23, v58  }
0xdc: {  	v26 =	vsel vm4, v23, v58;
	v23 =	vsel vm4, v58, v23;
	vm4 =	vge.f32 v22, v24  }
0xdd: {  	v23 =	vsel vm3, v26, v23;
	v59 =	vsel vm4, v22, v24;
	v22 =	vsel vm4, v24, v22  }
0xde: {  	v22 =	vsel vm3, v59, v22;
	(xrf0) =	vmin.scan.msk.f32 $0xffff, v23  }
0xdf: {  	(xrf0) =	vmin.scan.msk.f32 $0xffff, v22;
	_ =	sdelay $0x4  }
0xe0: {  	v60, _, _ =	vpop (xrf0)  }
0xe1: {  	(v2sf) =	vpush v60, $0xF;
	v61, _, _ =	vpop (xrf0)  }
0xe2: {  	(v2sf) =	vpush v61, $0xF;
	_ =	sdelay $0xd  }
0xe3: {  	s4 =	spop (v2sf)  }
0xe4: {  	s28 =	spop (v2sf)  }
0xe5: {  	s26 =	smin.f32 s4, s28  }
0xe6: {  	vm4 =	vge.f32 v17, s26  }
0xe7: {  	v17 =	vmpcnt.ones.xlane vm4;
	_ =	sdelay $0x1  }
0xe8: {  	vm5 =	vge.f32 v15, s26;
	v17 =	vxor.u32 $0x80000000, v17  }
0xe9: {  	v15 =	vmpcnt.ones.xlane vm5;
	(xrf0) =	vmax.scan.msk.u32 $0xffff, v17;
	_ =	sdelay $0x1  }
0xea: {  	vm15 =	vge.f32 v16, s26;
	v15 =	vxor.u32 $0x80000000, v15  }
0xeb: {  	(xrf0) =	vmax.scan.msk.u32 $0xffff, v15;
	v15 =	vmpcnt.ones.xlane vm15;
	_ =	sdelay $0x1  }
0xec: {  	v15 =	vxor.u32 $0x80000000, v15  }
0xed: {  	v62, _, _ =	vpop (xrf0);
	(xrf0) =	vmax.scan.msk.u32 $0xffff, v15  }
0xee: {  	vm7 =	vge.f32 v14, s26;
	(v2sf) =	vpush v62, $0xF  }
0xef: {  	v14 =	vmpcnt.ones.xlane vm7  }
0xf0: {  	v15, _, _ =	vpop (xrf0)  }
0xf1: {  	v14 =	vxor.u32 $0x80000000, v14;
	(v2sf) =	vpush v15, $0xF  }
0xf2: {  	vm8 =	vge.f32 v19, s26;
	(xrf0) =	vmax.scan.msk.u32 $0xffff, v14  }
0xf3: {  	v14 =	vmpcnt.ones.xlane vm8;
	v15, _, _ =	vpop (xrf0)  }
0xf4: {  	(v2sf) =	vpush v15, $0xF  }
0xf5: {  	vm9 =	vge.f32 v18, s26;
	v14 =	vxor.u32 $0x80000000, v14  }
0xf6: {  	(xrf0) =	vmax.scan.msk.u32 $0xffff, v14;
	v14 =	vmpcnt.ones.xlane vm9;
	_ =	sdelay $0x1  }
0xf7: {  	vm10 =	vge.f32 v21, s26;
	v15, _, _ =	vpop (xrf0);
	v14 =	vxor.u32 $0x80000000, v14  }
0xf8: {  	(v2sf) =	vpush v15, $0xF;
	(xrf0) =	vmax.scan.msk.u32 $0xffff, v14;
	v14 =	vmpcnt.ones.xlane vm10;
	_ =	sdelay $0x1  }
0xf9: {  	v14 =	vxor.u32 $0x80000000, v14  }
0xfa: {  	v15, _, _ =	vpop (xrf0);
	(xrf0) =	vmax.scan.msk.u32 $0xffff, v14  }
0xfb: {  	s7 =	spop (v2sf);
	(v2sf) =	vpush v15, $0xF  }
0xfc: {  	s28 =	sxor.u32 $0x80000000, s7  }
0xfd: {  	p0 =	slt.s32 s28, $0x30  }
0xfe: {  	v14, _, _ =	vpop (xrf0);
	s29 =	spop (v2sf);
	s28 =	simm.s32 @!p0 $0x30  }
0xff: {  	(v2sf) =	vpush v14, $0xF;
	s29 =	sadd.s32 s29, s28  }
0x100: {  	vm11 =	vge.f32 v20, s26;
	v14, _, _ =	vpop (xrf0);
	s29 =	sadd.s32 $0x80000000, s29  }
0x101: {  	p0 =	slt.s32 s29, $0x30;
	s30 =	spop (v2sf);
	(v2sf) =	vpush v14, $0xF;
	v14 =	vmpcnt.ones.xlane vm11  }
0x102: {  	s29 =	simm.s32 @!p0 $0x30  }
0x103: {  	s30 =	sadd.s32 s30, s29;
	v14 =	vxor.u32 $0x80000000, v14  }
0x104: {  	s30 =	sadd.s32 $0x80000000, s30;
	(xrf0) =	vmax.scan.msk.u32 $0xffff, v14  }
0x105: {  	p0 =	slt.s32 s30, $0x30  }
0x106: {  	s31 =	spop (v2sf);
	s30 =	simm.s32 @!p0 $0x30  }
0x107: {  	s31 =	sadd.s32 s31, s30  }
0x108: {  	s31 =	sadd.s32 $0x80000000, s31  }
0x109: {  	p0 =	slt.s32 s31, $0x30  }
0x10a: {  	s4 =	spop (v2sf);
	s31 =	simm.s32 @!p0 $0x30;
	v14, _, _ =	vpop (xrf0)  }
0x10b: {  	s4 =	sadd.s32 s4, s31;
	(v2sf) =	vpush v14, $0xF  }
0x10c: {  	s4 =	sadd.s32 $0x80000000, s4  }
0x10d: {  	p0 =	slt.s32 s4, $0x30  }
0x10e: {  	s7 =	spop (v2sf);
	s4 =	simm.s32 @!p0 $0x30  }
0x10f: {  	s7 =	sadd.s32 s7, s4  }
0x110: {  	[tilespmem:s12+$0x0] =	vst.msk vm4, v0;
	s7 =	sadd.s32 $0x80000000, s7  }
0x111: {  	[tilespmem:s28+$0x80] =	vst.msk vm5, v7;
	p0 =	slt.s32 s7, $0x30  }
0x112: {  	[tilespmem:s29+$0x80] =	vst.msk vm15, v8;
	s29 =	spop (v2sf);
	s7 =	simm.s32 @!p0 $0x30  }
0x113: {  	[tilespmem:s30+$0x80] =	vst.msk vm7, v9;
	s28 =	sadd.s32 s29, s7  }
0x114: {  	[tilespmem:s31+$0x80] =	vst.msk vm8, v10;
	s28 =	sadd.s32 $0x80000000, s28  }
0x115: {  	[tilespmem:s4+$0x80] =	vst.msk vm9, v11;
	p0 =	slt.s32 s28, $0x30  }
0x116: {  	[tilespmem:s7+$0x80] =	vst.msk vm10, v12;
	s28 =	simm.s32 @!p0 $0x30  }
0x117: {  	[tilespmem:s28+$0x80] =	vst.msk vm11, v13  }
0x118: {  	v14 =	vld [tilespmem:$0x80]  }
0x119: {  	v15 =	vld [tilespmem:$0x90]  }
0x11a: {  	v63 =	vld [tilespmem:$0xA0];
	s31 =	spop (v2sf)  }
0x11b: {  	s7 =	sadd.s32 s31, s28  }
0x11c: {  	s30 =	sshll.u32 s25, $0x7;
	s7 =	sadd.s32 $0x80000000, s7  }
0x11d: {  	v14 =	vadd.s32 s30, v14;
	p0 =	slt.s32 s7, $0x30  }
0x11e: {  	[tilespmem:$0x100] =	vst v14;
	v14 =	vadd.s32 s30, v15;
	s7 =	simm.s32 @!p0 $0x30  }
0x11f: {  	[tilespmem:$0x110] =	vst v14;
	v14 =	vadd.s32 s30, v63;
	s25 =	sshll.u32 s7, $0x3  }
0x120: {  	[tilespmem:$0x120] =	vst v14;
	p0 =	sgt.s32 s25, $0x0  }
0x121: {  	[tilespmem:s15], [sflag:$0x1] =	stream.indirect.gather [hbm4b:s0+s13], $0x80, s14, s13, $0xb8;
	[tilespmem:$0x5380] =	vst v63  }
.Ltmp4:
0x122: {  	_ = 	snop;
	(pc) =	sbr.rel @!p0 .LBB2_17-.Ltmp4, $4  }
0x123: {  	[tilespmem:s16], [sflag:$0x2] =	stream.indirect.gather [hbm4b:s2+s13], $0x80, s14, s13, $0xb8;
	[tilespmem:$0x5380] =	vst v63  }
0x124: {  	_ =	swait.ge [sflag:s17], $0x1800  }
0x125: {  	[sflag:s17] =	ssyncset.done $0x0  }
0x126: {  	[sflag:s17] =	ssyncadd.s32 $0xFFFFE800  }
0x127: {  	v15 =	vmov s26;
	s26 =	sand.u32 $0x70, s24;
	s4 =	simm.s32 $0x0  }
0x128: {  	s4 =	sor.u32 s26, s4  }
0x129: {  	v14 =	vld [tilespmem:s4+$0x180];
	_ =	sdelay $0x2  }
0x12a: {  	s31 =	simm.s32 $0x0  }
0x12b: {  	p1 =	sne.s32 s25, $0x1;
	v17 =	vmov s31  }
.Ltmp5:
0x12c: {  	vm4 =	vge.f32 v14, v15;
	(pc) =	sbr.rel @!p1 .LBB2_4-.Ltmp5, $4  }
0x12d: {  	v18 =	vmpcnt.ones.xlane vm4  }
0x12e: {  	v19 =	vmov s24;
	v16 =	vmul.u32 $0x4000, v0  }
0x12f: {  	v19 =	vshll.u32 v19, $0xE;
	v18 =	vxor.u32 $0x80000000, v18  }
0x130: {  	s28 =	simm.s32 $0x10;
	p0 =	por $0x0, $0x0;
	v17 =	vld.idx.msk [tilespmem:v17+s12+$0x0], $0xffff;
	(xrf0) =	vmax.scan.msk.u32 $0xffff, v18;
	v18 =	vor.u32 v16, v19  }
0x131: {  	_ =	sdelay $0x4  }
0x132: {  	v18 =	vor.u32 s26, v18;
	v17 =	vshll.u32 v17, $0x7;
	v19, _, _ =	vpop (xrf0)  }
0x133: {  	v17 =	vadd.s32 v18, v17;
	(v2sf) =	vpush v19, $0xF  }
0x134: {  	s26 =	sand.u32 $0x70, s28;
	s4 =	simm.s32 $0x0;
	[tilespmem:s24+$0x3180] =	vst.msk vm4, v14;
	v17 =	vor.u32 v0, v17  }
0x135: {  	s4 =	sor.u32 s26, s4;
	[tilespmem:s24+$0x4200] =	vst.msk vm4, v17  }
0x136: {  	v14 =	vld [tilespmem:s4+$0x180];
	_ =	sdelay $0x3  }
0x137: {  	s7 =	simm.s32 $0x0  }
0x138: {  	v17 =	vmov s7;
	vm4 =	vge.f32 v14, v15  }
0x139: {  	v18 =	vmpcnt.ones.xlane vm4;
	_ =	sdelay $0x1  }
0x13a: {  	v18 =	vxor.u32 $0x80000000, v18  }
0x13b: {  	p1 =	sne.s32 s25, $0x2;
	(xrf0) =	vmax.scan.msk.u32 $0xffff, v18  }
.Ltmp6:
0x13c: {  	v17 =	vld.idx.msk [tilespmem:v17+s12+$0x0], $0xffff;
	(pc) =	sbr.rel @!p1 .LBB2_7-.Ltmp6, $4  }
0x13d: {  	_ = 	snop  }
0x13e: {  	v19 =	vmov s28;
	s31 =	spop (v2sf)  }
0x13f: {  	s30 =	simm.s32 $0x20;
	v19 =	vshll.u32 v19, $0xE;
	s4 =	sadd.s32 $0x0, s31  }
0x140: {  	p0 =	por $0x1, $0x1;
	s28 =	simm.s32 $0x2;
	v18 =	vor.u32 v16, v19;
	s29 =	sadd.s32 $0x80000000, s4  }
.LBB2_6:
0x141: {  	s4 =	sshrl.u32 s28, $0x3;
	s28 =	sadd.s32 $0x1, s28;
	v17 =	vshll.u32 v17, $0x7;
	v18 =	vor.u32 s26, v18;
	v19, _, _ =	vpop (xrf0);
	p2 =	slt.s32 s29, $0x1000  }
0x142: {  	s7 =	sshll.u32 s4, $0x9;
	p1 =	sne.s32 s25, s28;
	v17 =	vadd.s32 v18, v17;
	(v2sf) =	vpush v19, $0xF;
	s29 =	simm.s32 @!p2 $0x1000  }
0x143: {  	s26 =	sand.u32 $0x70, s30;
	s7 =	sshra.s32 s7, $0x2;
	v17 =	vor.u32 v0, v17;
	[tilespmem:s29+$0x3180] =	vst.msk vm4, v14  }
0x144: {  	s7 =	sor.u32 s26, s7;
	[tilespmem:s29+$0x4200] =	vst.msk vm4, v17  }
0x145: {  	v14 =	vld [tilespmem:s7+$0x180];
	_ =	sdelay $0x3  }
0x146: {  	v17 =	vmov s4  }
0x147: {  	vm4 =	vge.f32 v14, v15  }
0x148: {  	v18 =	vmpcnt.ones.xlane vm4;
	_ =	sdelay $0x1  }
0x149: {  	v18 =	vxor.u32 $0x80000000, v18  }
0x14a: {  	v17 =	vld.idx.msk [tilespmem:v17+s12+$0x0], $0xffff;
	(xrf0) =	vmax.scan.msk.u32 $0xffff, v18  }
.Ltmp7:
0x14b: {  	(pc) =	sbr.rel @p1 .LBB2_6-.Ltmp7, $4  }
0x14c: {  	_ = 	snop  }
0x14d: {  	v18 =	vmov s30;
	s4 =	spop (v2sf)  }
0x14e: {  	v18 =	vshll.u32 v18, $0xE;
	s4 =	sadd.s32 s4, s29  }
0x14f: {  	s30 =	sadd.s32 $0x10, s30;
	v18 =	vor.u32 v16, v18;
	s29 =	sadd.s32 $0x80000000, s4  }
.LBB2_7:
0x150: {  	v15, _, _ =	vpop (xrf0)  }
0x151: {  	(v2sf) =	vpush v15, $0xF;
	_ =	sdelay $0xb  }
0x152: {  	p1 =	slt.s32 @p0 s29, $0x1000  }
0x153: {  	p1 =	por !p1, !p0  }
0x154: {  	s29 =	simm.s32 @p1 $0x1000  }
0x155: {  	s24 =	smov.u32 @p0 s29;
	s4 =	spop (v2sf)  }
0x156: {  	s4 =	sadd.s32 s4, s24  }
0x157: {  	s4 =	sadd.s32 $0x80000000, s4  }
0x158: {  	v16 =	vor.u32 s26, v18;
	v15 =	vshll.u32 v17, $0x7;
	p0 =	slt.s32 s4, $0x1000  }
0x159: {  	v15 =	vadd.s32 v16, v15;
	s4 =	simm.s32 @!p0 $0x1000  }
0x15a: {  	v15 =	vor.u32 v0, v15;
	[tilespmem:s24+$0x3180] =	vst.msk vm4, v14;
	s7 =	sadd.s32 $0x1F, s4  }
0x15b: {  	[tilespmem:s24+$0x4200] =	vst.msk vm4, v15;
	s24 =	sshra.s32 s7, $0x5  }
0x15c: {  	p0 =	slt.s32 s24, $0x1  }
.Ltmp8:
0x15d: {  	_ = 	snop;
	(pc) =	sbr.rel @p0 .LBB2_8-.Ltmp8, $4  }
0x15e: {  	_ = 	snop  }
0x15f: {  	v15 =	vimm.f32 $-3.000000010e+38  }
0x160: {  	[tilespmem:s4+$0x3180] =	vst v15  }
0x161: {  	v14 =	vimm.s32 $0x0;
	[tilespmem:s4+$0x3190] =	vst v15  }
0x162: {  	s4 =	simm.s32 $0x3190  }
0x163: {  	v16 =	vld [tilespmem:s4+$0x0]  }
0x164: {  	s7 =	simm.s32 $0x4210;
	v17 =	vld [tilespmem:s4+$0xFFFFFFF0]  }
0x165: {  	v18 =	vld [tilespmem:s7+$0x0];
	_ =	sdelay $0x1  }
0x166: {  	v19 =	vld [tilespmem:s7+$0xFFFFFFF0]  }
0x167: {  	v16 =	vsub.f32 $0.0e+00, v16;
	_ =	sdelay $0x1  }
0x168: {  	v17 =	vsub.f32 $0.0e+00, v17;
	(xrf1) =	vsort.ascd.msk.f32 $0xffff, v16, v18;
	_ =	sdelay $0x1  }
0x169: {  	(xrf1) =	vsort.ascd.msk.f32 $0xffff, v17, v19;
	_ =	sdelay $0xb  }
0x16a: {  	v16, v17, _ =	vpop (xrf1)  }
0x16b: {  	v16 =	vsub.f32 $0.0e+00, v16  }
0x16c: {  	v18, v19, _ =	vpop (xrf1)  }
0x16d: {  	v18 =	vsub.f32 $0.0e+00, v18;
	v16 =	vperm.xlane v16, v2;
	_ =	sdelay $0x1  }
0x16e: {  	vm4 =	vge.f32 v18, v16  }
0x16f: {  	v20 =	vsel vm4, v18, v16  }
0x170: {  	v21 =	vperm.xlane v20, v3;
	_ =	sdelay $0x1  }
0x171: {  	vm5 =	vge.f32 v20, v21  }
0x172: {  	v22 =	vsel vm5, v20, v21;
	v20 =	vsel vm5, v21, v20  }
0x173: {  	v17 =	vperm.xlane v17, v2;
	v16 =	vsel vm4, v16, v18;
	v18 =	vsel vm0, v22, v20  }
0x174: {  	v21 =	vperm.xlane v18, v4  }
0x175: {  	v20 =	vperm.xlane v16, v3;
	v22 =	vsel vm4, v19, v17  }
0x176: {  	v17 =	vsel vm4, v17, v19;
	v19 =	vperm.xlane v22, v3;
	vm6 =	vge.f32 v18, v21  }
0x177: {  	vm4 =	vge.f32 v16, v20;
	v24 =	vsel vm6, v18, v21;
	v18 =	vsel vm6, v21, v18  }
0x178: {  	v23 =	vsel vm4, v20, v16;
	v16 =	vsel vm4, v16, v20;
	v18 =	vsel vm1, v24, v18  }
0x179: {  	v21 =	vperm.xlane v17, v3;
	v16 =	vsel vm0, v16, v23;
	v20 =	vperm.xlane v18, v5  }
0x17a: {  	v23 =	vsel vm5, v19, v22;
	v19 =	vsel vm5, v22, v19;
	v25 =	vperm.xlane v16, v4  }
0x17b: {  	v19 =	vsel vm0, v19, v23;
	v24 =	vsel vm4, v21, v17;
	vm5 =	vge.f32 v18, v20  }
0x17c: {  	v17 =	vsel vm4, v17, v21;
	v21 =	vsel vm5, v18, v20;
	v18 =	vsel vm5, v20, v18  }
0x17d: {  	vm7 =	vge.f32 v16, v25;
	v20 =	vperm.xlane v19, v4;
	v21 =	vsel vm2, v21, v18  }
0x17e: {  	p1 =	sne.s32 s24, $0x1;
	v22 =	vsel vm0, v17, v24;
	v17 =	vsel vm7, v16, v25;
	v23 =	vperm.xlane v21, v6  }
.Ltmp9:
0x17f: {  	v18 =	vsel vm7, v25, v16;
	v16 =	vsel vm6, v19, v20;
	v19 =	vsel vm6, v20, v19;
	(pc) =	sbr.rel @!p1 .LBB2_10-.Ltmp9, $4  }
0x180: {  	v20 =	vperm.xlane v22, v4;
	v24 =	vsel vm1, v16, v19;
	vm4 =	vge.f32 v21, v23  }
0x181: {  	v25 =	vperm.xlane v24, v5;
	v16 =	vsel vm4, v21, v23;
	v21 =	vsel vm4, v23, v21  }
0x182: {  	v19 =	vsel vm7, v22, v20;
	v20 =	vsel vm7, v20, v22;
	v16 =	vsel vm3, v16, v21  }
0x183: {  	s25 =	sadd.s32 $0xFFFFFFFF, s24;
	s24 =	simm.s32 $0x31B0;
	p0 =	por $0x0, $0x0;
	v26 =	vsel vm5, v24, v25;
	v27 =	vsel vm5, v25, v24;
	v16 =	vperm.xlane v16, v2  }
0x184: {  	v21 =	vld [tilespmem:s24+$0x0]  }
0x185: {  	v22 =	vld [tilespmem:s24+$0xFFFFFFF0];
	s24 =	simm.s32 $0x4230  }
0x186: {  	v23 =	vld [tilespmem:s24+$0x0]  }
0x187: {  	v24 =	vld [tilespmem:s24+$0xFFFFFFF0];
	_ =	sdelay $0x1  }
0x188: {  	v21 =	vsub.f32 $0.0e+00, v21  }
0x189: {  	v22 =	vsub.f32 $0.0e+00, v22  }
0x18a: {  	(xrf1) =	vsort.ascd.msk.f32 $0xffff, v21, v23  }
0x18b: {  	(xrf1) =	vsort.ascd.msk.f32 $0xffff, v22, v24;
	_ =	sdelay $0x1  }
0x18c: {  	v17 =	vsel vm1, v17, v18  }
0x18d: {  	v18 =	vperm.xlane v17, v5;
	_ =	sdelay $0x1  }
0x18e: {  	vm5 =	vge.f32 v17, v18  }
0x18f: {  	v19 =	vsel vm1, v19, v20;
	v20 =	vsel vm5, v17, v18;
	v17 =	vsel vm5, v18, v17  }
0x190: {  	v17 =	vsel vm2, v20, v17  }
0x191: {  	v18 =	vperm.xlane v19, v5;
	v20 =	vperm.xlane v17, v6;
	_ =	sdelay $0x1  }
0x192: {  	v22 =	vsel vm5, v19, v18;
	v18 =	vsel vm5, v18, v19;
	vm5 =	vge.f32 v17, v20  }
0x193: {  	v25 =	vsel vm5, v17, v20;
	v17 =	vsel vm5, v20, v17  }
0x194: {  	v17 =	vsel vm3, v25, v17  }
0x195: {  	v21 =	vsel vm2, v26, v27;
	v18 =	vsel vm2, v22, v18;
	v17 =	vperm.xlane v17, v2;
	v19, v23, _ =	vpop (xrf1)  }
0x196: {  	v22 =	vperm.xlane v21, v6;
	v24 =	vperm.xlane v18, v6;
	v19 =	vsub.f32 $0.0e+00, v19;
	v26, v27, _ =	vpop (xrf1)  }
0x197: {  	vm8 =	vge.f32 v15, v17;
	v23 =	vperm.xlane v23, v2;
	v20 =	vsub.f32 $0.0e+00, v26  }
0x198: {  	v26 =	vsel vm4, v21, v22;
	v21 =	vsel vm4, v22, v21;
	v19 =	vperm.xlane v19, v2  }
0x199: {  	v22 =	vsel vm5, v18, v24;
	v18 =	vsel vm5, v24, v18;
	vm5 =	vge.f32 v15, v16  }
0x19a: {  	v22 =	vsel vm3, v22, v18;
	v21 =	vsel vm3, v26, v21;
	vm4 =	vge.f32 v20, v19  }
0x19b: {  	v16 =	vsel vm5, v15, v16;
	v21 =	vperm.xlane v21, v2;
	v18 =	vsel vm4, v20, v19  }
0x19c: {  	v22 =	vperm.xlane v22, v2;
	v19 =	vsel vm4, v19, v20;
	v24 =	vperm.xlane v18, v3  }
0x19d: {  	v25 =	vsel vm4, v27, v23;
	v23 =	vsel vm4, v23, v27;
	v20 =	vperm.xlane v19, v3  }
0x19e: {  	v21 =	vsel vm5, v14, v21;
	v22 =	vsel vm8, v14, v22;
	vm6 =	vge.f32 v18, v24  }
0x19f: {  	vm4 =	vge.f32 v19, v20;
	v26 =	vsel vm6, v18, v24;
	v18 =	vsel vm6, v24, v18  }
0x1a0: {  	v24 =	vperm.xlane v25, v3;
	v18 =	vsel vm0, v26, v18;
	v26 =	vsel vm4, v20, v19  }
0x1a1: {  	v19 =	vsel vm4, v19, v20;
	v20 =	vperm.xlane v23, v3;
	v27 =	vperm.xlane v18, v4  }
0x1a2: {  	v28 =	vsel vm6, v24, v25;
	v19 =	vsel vm0, v19, v26;
	v24 =	vsel vm6, v25, v24  }
0x1a3: {  	v26 =	vperm.xlane v19, v4;
	v29 =	vsel vm4, v20, v23;
	v20 =	vsel vm4, v23, v20  }
0x1a4: {  	v23 =	vsel vm8, v15, v17;
	v24 =	vsel vm0, v24, v28;
	vm7 =	vge.f32 v18, v27  }
0x1a5: {  	vm9 =	vge.f32 v23, v16;
	v30 =	vsel vm7, v18, v27;
	v18 =	vsel vm7, v27, v18  }
0x1a6: {  	v20 =	vsel vm0, v20, v29;
	vm4 =	vge.f32 v19, v26;
	v25 =	vsel vm1, v30, v18  }
0x1a7: {  	v28 =	vperm.xlane v20, v4;
	v29 =	vsel vm9, v16, v23;
	v27 =	vperm.xlane v25, v5  }
0x1a8: {  	v17 =	vsel vm4, v19, v26;
	v18 =	vsel vm4, v26, v19;
	v30 =	vperm.xlane v29, v3  }
0x1a9: {  	v26 =	vperm.xlane v24, v4;
	v19 =	vsel vm4, v20, v28;
	vm10 =	vge.f32 v25, v27  }
0x1aa: {  	v20 =	vsel vm4, v28, v20;
	vm6 =	vge.f32 v29, v30;
	v28 =	vsel vm10, v25, v27  }
0x1ab: {  	v25 =	vsel vm10, v27, v25;
	v27 =	vsel vm7, v24, v26;
	v24 =	vsel vm7, v26, v24  }
0x1ac: {  	v25 =	vsel vm2, v28, v25;
	v28 =	vsel vm6, v29, v30;
	v29 =	vsel vm6, v30, v29  }
0x1ad: {  	v24 =	vsel vm1, v27, v24;
	v26 =	vperm.xlane v25, v6;
	v27 =	vsel vm0, v28, v29  }
0x1ae: {  	v23 =	vsel vm9, v23, v16;
	v30 =	vsel vm9, v21, v22;
	v28 =	vperm.xlane v27, v4  }
0x1af: {  	v32 =	vperm.xlane v24, v5;
	v31 =	vperm.xlane v30, v3;
	vm4 =	vge.f32 v25, v26  }
0x1b0: {  	v29 =	vsel vm4, v25, v26;
	v25 =	vsel vm4, v26, v25;
	vm7 =	vge.f32 v27, v28  }
0x1b1: {  	v25 =	vsel vm3, v29, v25;
	v26 =	vsel vm7, v27, v28;
	v27 =	vsel vm7, v28, v27  }
0x1b2: {  	p1 =	sne.s32 s25, $0x1;
	v28 =	vsel vm9, v22, v21;
	v16 =	vperm.xlane v25, v2;
	v25 =	vperm.xlane v23, v3  }
.Ltmp10:
0x1b3: {  	v33 =	vsel vm1, v26, v27;
	v26 =	vsel vm10, v24, v32;
	v29 =	vperm.xlane v28, v3;
	(pc) =	sbr.rel @!p1 .LBB2_13-.Ltmp10, $4  }
0x1b4: {  	v27 =	vsel vm10, v32, v24;
	v34 =	vperm.xlane v33, v5;
	vm8 =	vge.f32 v23, v25  }
0x1b5: {  	v32 =	vsel vm6, v30, v31;
	v21 =	vsel vm8, v23, v25;
	v22 =	vsel vm8, v25, v23  }
0x1b6: {  	vm5 =	vge.f32 v33, v34;
	v24 =	vsel vm0, v21, v22;
	v21 =	vsel vm8, v29, v28  }
0x1b7: {  	s25 =	sadd.s32 $0xFFFFFFFF, s25;
	s26 =	simm.s32 $0x31D0;
	p0 =	por $0x1, $0x1;
	v22 =	vsel vm5, v33, v34;
	v23 =	vsel vm5, v34, v33;
	v25 =	vperm.xlane v24, v4  }
.LBB2_12:
0x1b8: {  	v33 =	vld [tilespmem:s26+$0x0];
	p1 =	sne.s32 s25, $0x1;
	s25 =	sadd.s32 $0xFFFFFFFF, s25;
	v26 =	vsel vm2, v26, v27;
	v27 =	vsel vm8, v28, v29;
	v28 =	vsel vm6, v31, v30  }
0x1b9: {  	s24 =	sadd.s32 $0x20, s24;
	v29 =	vld [tilespmem:s26+$0xFFFFFFF0];
	v30 =	vperm.xlane v26, v6;
	vm6 =	vge.f32 v24, v25;
	v28 =	vsel vm0, v32, v28  }
0x1ba: {  	v17 =	vsel vm1, v17, v18;
	v31 =	vld [tilespmem:s24+$0x0];
	v18 =	vsel vm6, v25, v24;
	v32 =	vperm.xlane v28, v4  }
0x1bb: {  	v19 =	vsel vm1, v19, v20;
	v20 =	vperm.xlane v17, v5;
	v34 =	vsel vm4, v26, v30  }
0x1bc: {  	v36 =	vperm.xlane v19, v5;
	v35 =	vld [tilespmem:s24+$0xFFFFFFF0];
	v37 =	vsel vm7, v28, v32;
	v28 =	vsel vm7, v32, v28  }
0x1bd: {  	vm7 =	vge.f32 v17, v20;
	v32 =	vsub.f32 $0.0e+00, v33;
	v28 =	vsel vm1, v37, v28  }
0x1be: {  	v33 =	vsel vm7, v17, v20;
	v17 =	vsel vm7, v20, v17;
	v20 =	vsel vm7, v19, v36  }
0x1bf: {  	v29 =	vsub.f32 $0.0e+00, v29;
	v17 =	vsel vm2, v33, v17;
	(xrf1) =	vsort.ascd.msk.f32 $0xffff, v32, v31;
	v31 =	vperm.xlane v28, v5  }
0x1c0: {  	v26 =	vsel vm4, v30, v26;
	v19 =	vsel vm7, v36, v19;
	v30 =	vperm.xlane v17, v6  }
0x1c1: {  	v19 =	vsel vm2, v20, v19;
	(xrf1) =	vsort.ascd.msk.f32 $0xffff, v29, v35;
	v20 =	vsel vm5, v28, v31  }
0x1c2: {  	v29 =	vperm.xlane v19, v6;
	vm4 =	vge.f32 v17, v30;
	v28 =	vsel vm5, v31, v28  }
0x1c3: {  	v21 =	vsel vm0, v27, v21;
	v31 =	vsel vm4, v17, v30;
	v17 =	vsel vm4, v30, v17  }
0x1c4: {  	v30 =	vperm.xlane v21, v4;
	v17 =	vsel vm3, v31, v17;
	v27 =	vsel vm4, v19, v29  }
0x1c5: {  	v24 =	vsel vm6, v24, v25;
	v19 =	vsel vm4, v29, v19;
	v17 =	vperm.xlane v17, v2  }
0x1c6: {  	v18 =	vsel vm1, v24, v18;
	v24 =	vsel vm6, v21, v30;
	v25 =	vsel vm6, v30, v21  }
0x1c7: {  	v21 =	vsel vm3, v27, v19;
	v19 =	vsel vm1, v24, v25;
	v24 =	vperm.xlane v18, v5  }
0x1c8: {  	v22 =	vsel vm2, v22, v23;
	v25 =	vsel vm3, v34, v26;
	v26 =	vperm.xlane v19, v5  }
0x1c9: {  	v23 =	vperm.xlane v22, v6;
	v20 =	vsel vm2, v20, v28;
	vm4 =	vge.f32 v18, v24  }
0x1ca: {  	v27 =	vsel vm4, v18, v24;
	v18 =	vsel vm4, v24, v18;
	v24 =	vsel vm4, v19, v26  }
0x1cb: {  	v19 =	vsel vm4, v26, v19;
	vm4 =	vge.f32 v22, v23;
	v18 =	vsel vm2, v27, v18  }
0x1cc: {  	v27 =	vperm.xlane v20, v6;
	v31 =	vsel vm4, v22, v23;
	v26 =	vperm.xlane v18, v6  }
0x1cd: {  	v22 =	vsel vm4, v23, v22;
	v29, v30, _ =	vpop (xrf1)  }
0x1ce: {  	v19 =	vsel vm2, v24, v19;
	v22 =	vsel vm3, v31, v22;
	v23 =	vsub.f32 $0.0e+00, v29  }
0x1cf: {  	v31 =	vsel vm4, v20, v27;
	vm6 =	vge.f32 v18, v26;
	v29 =	vperm.xlane v19, v6;
	v24, v28, _ =	vpop (xrf1)  }
0x1d0: {  	v32 =	vsel vm6, v26, v18;
	v24 =	vsub.f32 $0.0e+00, v24;
	v23 =	vperm.xlane v23, v2  }
0x1d1: {  	vm5 =	vge.f32 v22, v16;
	v18 =	vsel vm6, v18, v26;
	v30 =	vperm.xlane v30, v2  }
0x1d2: {  	v16 =	vsel vm5, v22, v16;
	v22 =	vsel vm6, v29, v19;
	vm7 =	vge.f32 v24, v23  }
0x1d3: {  	v19 =	vsel vm6, v19, v29;
	v26 =	vsel vm7, v24, v23;
	v23 =	vsel vm7, v23, v24  }
0x1d4: {  	v18 =	vsel vm3, v18, v32;
	v24 =	vperm.xlane v26, v3;
	v29 =	vperm.xlane v23, v3  }
0x1d5: {  	v22 =	vsel vm3, v19, v22;
	v32 =	vsel vm7, v28, v30;
	v28 =	vsel vm7, v30, v28  }
0x1d6: {  	v19 =	vsel vm4, v27, v20;
	vm6 =	vge.f32 v26, v24;
	vm7 =	vge.f32 v23, v29  }
0x1d7: {  	v20 =	vsel vm6, v26, v24;
	v24 =	vsel vm6, v24, v26;
	v26 =	vsel vm3, v31, v19  }
0x1d8: {  	v19 =	vperm.xlane v32, v3;
	v20 =	vsel vm0, v20, v24;
	v24 =	vsel vm7, v29, v23  }
0x1d9: {  	v30 =	vperm.xlane v28, v3;
	v23 =	vsel vm7, v23, v29;
	v27 =	vperm.xlane v20, v4  }
0x1da: {  	vm8 =	vge.f32 v18, v17;
	v29 =	vsel vm6, v19, v32;
	v23 =	vsel vm0, v23, v24  }
0x1db: {  	v24 =	vsel vm7, v30, v28;
	v31 =	vperm.xlane v23, v4;
	vm4 =	vge.f32 v20, v27  }
0x1dc: {  	v28 =	vsel vm7, v28, v30;
	v30 =	vsel vm8, v18, v17;
	v33 =	vsel vm4, v20, v27  }
0x1dd: {  	v18 =	vsel vm6, v32, v19;
	vm9 =	vge.f32 v30, v16;
	vm6 =	vge.f32 v23, v31  }
0x1de: {  	v19 =	vsel vm4, v27, v20;
	v20 =	vsel vm0, v28, v24;
	v17 =	vsel vm6, v23, v31  }
0x1df: {  	v24 =	vsel vm0, v18, v29;
	v27 =	vsel vm1, v33, v19;
	v18 =	vsel vm6, v31, v23  }
0x1e0: {  	v29 =	vsel vm9, v16, v30;
	v28 =	vperm.xlane v20, v4;
	v23 =	vperm.xlane v27, v5  }
0x1e1: {  	v31 =	vperm.xlane v24, v4;
	v32 =	vperm.xlane v29, v3  }
0x1e2: {  	v19 =	vsel vm6, v20, v28;
	v20 =	vsel vm6, v28, v20;
	vm10 =	vge.f32 v27, v23  }
0x1e3: {  	vm6 =	vge.f32 v29, v32;
	v28 =	vsel vm10, v27, v23;
	v23 =	vsel vm10, v23, v27  }
0x1e4: {  	v27 =	vsel vm4, v24, v31;
	v23 =	vsel vm2, v28, v23;
	v28 =	vsel vm6, v29, v32  }
0x1e5: {  	v24 =	vsel vm4, v31, v24;
	v29 =	vsel vm6, v32, v29;
	v31 =	vperm.xlane v23, v6  }
0x1e6: {  	v25 =	vperm.xlane v25, v2;
	v24 =	vsel vm1, v27, v24;
	v27 =	vsel vm0, v28, v29  }
0x1e7: {  	v32 =	vperm.xlane v24, v5;
	v28 =	vperm.xlane v27, v4;
	vm4 =	vge.f32 v23, v31  }
0x1e8: {  	v25 =	vsel vm5, v26, v25;
	v29 =	vsel vm4, v23, v31;
	v23 =	vsel vm4, v31, v23  }
0x1e9: {  	v21 =	vperm.xlane v21, v2;
	vm7 =	vge.f32 v27, v28;
	v23 =	vsel vm3, v29, v23  }
0x1ea: {  	v33 =	vsel vm9, v30, v16;
	v26 =	vsel vm7, v27, v28;
	v27 =	vsel vm7, v28, v27  }
0x1eb: {  	v21 =	vsel vm8, v22, v21;
	v16 =	vperm.xlane v23, v2;
	v23 =	vsel vm1, v26, v27  }
0x1ec: {  	v22 =	vperm.xlane v33, v3;
	v28 =	vsel vm9, v21, v25;
	v34 =	vperm.xlane v23, v5  }
.Ltmp11:
0x1ed: {  	v30 =	vsel vm9, v25, v21;
	v26 =	vsel vm10, v24, v32;
	v29 =	vperm.xlane v28, v3;
	(pc) =	sbr.rel @p1 .LBB2_12-.Ltmp11, $4  }
0x1ee: {  	vm8 =	vge.f32 v33, v22;
	v31 =	vperm.xlane v30, v3;
	vm5 =	vge.f32 v23, v34  }
0x1ef: {  	v21 =	vsel vm8, v33, v22;
	v22 =	vsel vm8, v22, v33;
	v27 =	vsel vm10, v32, v24  }
0x1f0: {  	v24 =	vsel vm0, v21, v22;
	v21 =	vsel vm8, v29, v28;
	v22 =	vsel vm5, v23, v34  }
0x1f1: {  	s26 =	sadd.s32 $0x20, s26;
	v32 =	vsel vm6, v30, v31;
	v25 =	vperm.xlane v24, v4;
	v23 =	vsel vm5, v34, v23  }
.LBB2_13:
0x1f2: {  	v26 =	vsel vm2, v26, v27;
	v27 =	vsel @p0 vm6, v31, v30  }
0x1f3: {  	v28 =	vsel @p0 vm8, v28, v29;
	v17 =	vsel vm1, v17, v18;
	v19 =	vsel vm1, v19, v20  }
0x1f4: {  	v22 =	vsel @p0 vm2, v22, v23;
	v61 =	vperm.xlane v26, v6;
	v27 =	vsel @p0 vm0, v32, v27  }
0x1f5: {  	vm6 =	vge.f32 @p0 v24, v25;
	v62 =	vperm.xlane v17, v5;
	v63 =	vperm.xlane v19, v5  }
0x1f6: {  	v21 =	vsel @p0 vm0, v28, v21;
	v18 =	vperm.xlane @p0 v27, v4;
	v30 =	vsel @p0 vm6, v25, v24  }
0x1f7: {  	v24 =	vsel @p0 vm6, v24, v25;
	v36 =	vsel vm4, v26, v61;
	vm11 =	vge.f32 v17, v62  }
0x1f8: {  	v24 =	vsel @p0 vm1, v24, v30;
	v26 =	vsel vm4, v61, v26;
	v32 =	vsel @p0 vm7, v27, v18  }
0x1f9: {  	v18 =	vsel @p0 vm7, v18, v27;
	v37 =	vsel vm11, v17, v62;
	v17 =	vsel vm11, v62, v17  }
0x1fa: {  	v38 =	vsel vm11, v19, v63;
	v19 =	vsel vm11, v63, v19;
	v20 =	vperm.xlane @p0 v24, v5  }
0x1fb: {  	v45 =	vsel vm3, v36, v26;
	v18 =	vsel @p0 vm1, v32, v18;
	v17 =	vsel vm2, v37, v17  }
0x1fc: {  	v19 =	vsel vm2, v38, v19;
	v32 =	vperm.xlane @p0 v18, v5;
	vm8 =	vge.f32 @p0 v24, v20  }
0x1fd: {  	v39 =	vperm.xlane v17, v6;
	v40 =	vperm.xlane v19, v6;
	v23 =	vsel @p0 vm8, v24, v20  }
0x1fe: {  	v20 =	vsel @p0 vm8, v20, v24;
	v24 =	vperm.xlane @p0 v22, v6;
	v29 =	vsel @p0 vm5, v18, v32  }
0x1ff: {  	vm12 =	vge.f32 v17, v39;
	v20 =	vsel @p0 vm2, v23, v20;
	v23 =	vperm.xlane @p0 v21, v4  }
0x200: {  	v18 =	vsel @p0 vm5, v32, v18;
	v41 =	vsel vm12, v17, v39;
	v17 =	vsel vm12, v39, v17  }
0x201: {  	v25 =	vperm.xlane @p0 v20, v6;
	vm9 =	vge.f32 @p0 v22, v24;
	v42 =	vsel vm12, v19, v40  }
0x202: {  	v18 =	vsel @p0 vm2, v29, v18;
	v17 =	vsel vm3, v41, v17;
	v28 =	vsel @p0 vm6, v21, v23  }
0x203: {  	v31 =	vsel @p0 vm9, v22, v24;
	v22 =	vsel @p0 vm9, v24, v22;
	vm4 =	vge.f32 @p0 v20, v25  }
0x204: {  	v21 =	vsel @p0 vm6, v23, v21;
	v24 =	vsel @p0 vm4, v25, v20;
	v20 =	vsel @p0 vm4, v20, v25  }
0x205: {  	v17 =	vperm.xlane v17, v2;
	v22 =	vsel @p0 vm3, v31, v22;
	v20 =	vsel @p0 vm3, v20, v24  }
0x206: {  	v21 =	vsel @p0 vm1, v28, v21;
	v22 =	vpsel p0, v22, v15;
	v15 =	vpsel p0, v20, v15  }
0x207: {  	vm10 =	vge.f32 v22, v16;
	v20 =	vperm.xlane @p0 v21, v5;
	vm5 =	vge.f32 v15, v17  }
0x208: {  	v16 =	vsel vm10, v22, v16;
	v22 =	vperm.xlane @p0 v18, v6;
	v15 =	vsel vm5, v15, v17  }
0x209: {  	v17 =	vsel vm12, v40, v19;
	v19 =	vsel @p0 vm8, v21, v20;
	v20 =	vsel @p0 vm8, v20, v21  }
0x20a: {  	v25 =	vsel @p0 vm9, v18, v22;
	v18 =	vsel @p0 vm9, v22, v18;
	vm13 =	vge.f32 v15, v16  }
0x20b: {  	v19 =	vsel @p0 vm2, v19, v20;
	v17 =	vsel vm3, v42, v17;
	v43 =	vsel vm13, v16, v15  }
0x20c: {  	v18 =	vsel @p0 vm3, v25, v18;
	v24 =	vperm.xlane @p0 v19, v6;
	v44 =	vperm.xlane v43, v3  }
0x20d: {  	v47 =	vperm.xlane v45, v2;
	v18 =	vpsel p0, v18, v14;
	v17 =	vperm.xlane v17, v2  }
0x20e: {  	v22 =	vsel @p0 vm4, v24, v19;
	v19 =	vsel @p0 vm4, v19, v24;
	vm14 =	vge.f32 v43, v44  }
0x20f: {  	v19 =	vsel @p0 vm3, v19, v22;
	v46 =	vsel vm14, v43, v44;
	v20 =	vsel vm14, v44, v43  }
0x210: {  	v15 =	vsel vm13, v15, v16;
	v14 =	vpsel p0, v19, v14;
	v20 =	vsel vm0, v46, v20  }
0x211: {  	v14 =	vsel vm5, v14, v17;
	v17 =	vperm.xlane v15, v3;
	v48 =	vperm.xlane v20, v4;
	_ =	sdelay $0x1  }
0x212: {  	v18 =	vsel vm10, v18, v47;
	vm5 =	vge.f32 v15, v17;
	vm4 =	vge.f32 v20, v48  }
0x213: {  	v52 =	vsel vm5, v15, v17;
	v16 =	vsel vm4, v20, v48;
	v19 =	vsel vm4, v48, v20  }
0x214: {  	v15 =	vsel vm5, v17, v15;
	v16 =	vsel vm1, v16, v19;
	v19 =	vsel vm13, v18, v14  }
0x215: {  	v15 =	vsel vm0, v52, v15;
	v14 =	vsel vm13, v14, v18;
	v49 =	vperm.xlane v19, v3  }
0x216: {  	v55 =	vperm.xlane v15, v4;
	v50 =	vperm.xlane v14, v3  }
0x217: {  	v18 =	vperm.xlane v16, v5;
	v51 =	vsel vm14, v19, v49;
	v19 =	vsel vm14, v49, v19  }
0x218: {  	v17 =	vsel vm0, v51, v19;
	v19 =	vsel vm5, v50, v14;
	v14 =	vsel vm5, v14, v50  }
0x219: {  	vm15 =	vge.f32 v16, v18;
	v53 =	vperm.xlane v17, v4;
	v14 =	vsel vm0, v14, v19  }
0x21a: {  	v54 =	vsel vm15, v16, v18;
	v16 =	vsel vm15, v18, v16;
	v19 =	vperm.xlane v14, v4  }
0x21b: {  	v56 =	vsel vm4, v17, v53;
	v17 =	vsel vm4, v53, v17;
	vm4 =	vge.f32 v15, v55  }
0x21c: {  	v17 =	vsel vm1, v56, v17;
	v57 =	vsel vm4, v55, v15;
	v15 =	vsel vm4, v15, v55  }
0x21d: {  	v16 =	vsel vm2, v54, v16;
	v21 =	vperm.xlane v17, v5;
	v15 =	vsel vm1, v15, v57  }
0x21e: {  	v58 =	vsel vm4, v14, v19;
	v14 =	vsel vm4, v19, v14;
	v18 =	vperm.xlane v15, v5  }
0x21f: {  	v14 =	vsel vm1, v58, v14;
	v19 =	vsel vm15, v17, v21;
	v17 =	vsel vm15, v21, v17  }
0x220: {  	v20 =	vperm.xlane v14, v5;
	vm4 =	vge.f32 v15, v18;
	v17 =	vsel vm2, v19, v17  }
0x221: {  	v19 =	vperm.xlane v16, v6;
	v59 =	vsel vm4, v15, v18;
	v15 =	vsel vm4, v18, v15  }
0x222: {  	v18 =	vsel vm4, v14, v20;
	v14 =	vsel vm4, v20, v14;
	v15 =	vsel vm2, v59, v15  }
0x223: {  	v61 =	vperm.xlane v17, v6;
	vm4 =	vge.f32 v16, v19;
	v60 =	vperm.xlane v15, v6  }
.Ltmp12:
0x224: {  	v14 =	vsel vm2, v18, v14;
	v22 =	vsel vm4, v16, v19;
	v16 =	vsel vm4, v19, v16;
	(pc) =	sbr.rel .LBB2_14-.Ltmp12, $4  }
0x225: {  	v18 =	vperm.xlane v14, v6;
	v19 =	vsel vm4, v17, v61;
	vm5 =	vge.f32 v15, v60  }
0x226: {  	v17 =	vsel vm4, v61, v17;
	v16 =	vsel vm3, v22, v16;
	v62 =	vsel vm5, v60, v15  }
0x227: {  	v15 =	vsel vm5, v15, v60;
	v63 =	vsel vm5, v18, v14;
	v14 =	vsel vm5, v14, v18  }
0x228: {  	v17 =	vsel vm3, v19, v17;
	v15 =	vsel vm3, v15, v62;
	v14 =	vsel vm3, v14, v63  }
.LBB2_8:
.Ltmp13:
0x229: {  	(pc) =	sbr.rel .LBB2_14-.Ltmp13, $2  }
0x22a: {  	_ =	sdelay $0x2  }
0x22b: {  	v16 =	vimm.f32 $-3.000000010e+38;
	v17 =	vimm.s32 $0x0  }
.LBB2_4:
.Ltmp14:
0x22c: {  	(pc) =	sbr.rel .LBB2_7-.Ltmp14, $2  }
0x22d: {  	_ =	sdelay $0x2  }
0x22e: {  	_ = 	snop  }
.LBB2_10:
.Ltmp15:
0x22f: {  	(pc) =	sbr.rel .LBB2_13-.Ltmp15, $2  }
0x230: {  	_ =	sdelay $0x2  }
0x231: {  	_ = 	snop  }
.LBB2_16:
0x232: {  	_ =	sfence.sel $0x180000  }
0x233: {  	[bflag:$0x0] =	sbarrier.arrive $0xFFFF  }
0x234: {  	_ =	strace $0x90000047  }
0x235: {  	s0 =	stileid.u32;
	[bflag:$0x2] =	sbarrier.arrive $0xFFFF  }
0x236: {  	p0 =	sne.s32 s0, $0x0;
	s0 =	rddreg [dreg:$0x5]  }
0x237: {  	s0 =	sadd.s32 @!p0 $0x100000, s0  }
0x238: {  	[sflag:s0] =	ssyncadd.tile.s32 @!p0 $0x1;
	_ =	shalt  }
.Lfunc_end2:
_tile_overlayer_lowered:
.L_overlay_start_2:
0x239: {  	(tag) =	ssettag $0x2  }
0x23a: {  	s0 =	rddreg [dreg:$0x0];
	s2 =	stileid.u32  }
0x23b: {  	s1 =	rddreg [dreg:$0x1];
	p0 =	sne.s32 s2, $0x0  }
0x23c: {  	s3 =	rddreg [dreg:$0x2];
	[bflag:$0x3] =	sbarrier.arrive $0xFFFF;
	s2 =	simm.s32 @!p0 $0x1C03  }
0x23d: {  	[timem:s3], [sflag:s2] =	dma.local @!p0 [hbm:s0], s1  }
0x23e: {  	s0 =	simm.s32 @!p0 $0x3  }
0x23f: {  	_ =	swait.ge @!p0 [sflag:s0], s1  }
0x240: {  	s1 =	ssub.s32 @!p0 $0x0, s1;
	[sflag:s0] =	ssyncset.done @!p0 $0x0  }
0x241: {  	[sflag:s0] =	ssyncadd.s32 @!p0 s1  }
0x242: {  	[bflag:$0x3] =	sbarrier.arrive $0xFFFF  }
0x243: {  	_ =	shalt  }

</sc_bundles>
